<compile_context>
chip_gen: v7x
topology: tpu7x:2x2x1
jax: 0.10.2.dev20260603
libtpu: 0.0.44.dev20260713+nightly
codegen_flags: <defaults>
</compile_context>

<pallas_src>
import functools

import jax
import jax.numpy as jnp
import numpy as np
from jax import lax
from jax.experimental import pallas as pl
from jax.experimental.pallas import tpu as pltpu
from jax.experimental.pallas import tpu_sc as plsc

NUM_FIELDS = 26
N0 = 13
BATCH = 4096
D0 = 64
D1 = 16
NC, NS, L = 2, 16, 16
NW = NC * NS
RPW = BATCH // NW
ROWS_PER_SC = NS * RPW

_FIELD_DIMS = np.full(NUM_FIELDS, 100000, dtype=np.int64)
_OFF0 = np.concatenate([[0], np.cumsum(_FIELD_DIMS[:N0])[:-1]]).astype(np.int64)
_OFF1 = np.concatenate([[0], np.cumsum(_FIELD_DIMS[N0:])[:-1]]).astype(np.int64)
_OFFS = [int(v) for v in np.concatenate([_OFF0, _OFF1])]

_mesh = plsc.VectorSubcoreMesh(core_axis_name="c", subcore_axis_name="s")


@functools.partial(
    pl.kernel,
    mesh=_mesh,
    out_type=(
        jax.ShapeDtypeStruct((BATCH, D0), jnp.float32),
        jax.ShapeDtypeStruct((BATCH, D1), jnp.float32),
    ),
    scratch_types=[
        pltpu.VMEM((NUM_FIELDS, RPW), jnp.int32),
        pltpu.VMEM((RPW,), jnp.int32),
        pltpu.VMEM((2, RPW, D0), jnp.float32),
        pltpu.VMEM((2, RPW, D1), jnp.float32),
        pltpu.VMEM_SHARED((ROWS_PER_SC, D0), jnp.float32),
        pltpu.VMEM_SHARED((ROWS_PER_SC, D1), jnp.float32),
        pltpu.SemaphoreType.DMA((2,)),
    ],
    compiler_params=pltpu.CompilerParams(use_tc_tiling_on_sc=False),
)
def _pool_sc(xt, table0, table1, out0, out1,
             idx_v, rid_v, buf0, buf1, acc0, acc1, gsem):
    cid = lax.axis_index("c")
    sid = lax.axis_index("s")
    wid = cid * NS + sid
    base = wid * RPW
    sbase = sid * RPW

    pltpu.sync_copy(xt.at[:, pl.ds(base, RPW)], idx_v)

    for g in range(RPW // L):
        sl = pl.ds(g * L, L)
        rid_v[sl] = lax.iota(jnp.int32, L) + (sbase + g * L)
        for f in range(NUM_FIELDS):
            if _OFFS[f]:
                idx_v[f, sl] = idx_v[f, sl] + _OFFS[f]

    def start_gather(f):
        slot = f % 2
        if f < N0:
            return pltpu.async_copy(table0.at[idx_v.at[f]], buf0.at[slot],
                                    gsem.at[slot])
        return pltpu.async_copy(table1.at[idx_v.at[f]], buf1.at[slot],
                                gsem.at[slot])

    cpy = start_gather(0)
    for f in range(NUM_FIELDS):
        ncpy = start_gather(f + 1) if f + 1 < NUM_FIELDS else None
        cpy.wait()
        slot = f % 2
        if f < N0:
            if f == 0:
                pltpu.sync_copy(buf0.at[slot], acc0.at[pl.ds(sbase, RPW)])
            else:
                pltpu.sync_copy(buf0.at[slot], acc0.at[rid_v], add=True)
        else:
            if f == N0:
                pltpu.sync_copy(buf1.at[slot], acc1.at[pl.ds(sbase, RPW)])
            else:
                pltpu.sync_copy(buf1.at[slot], acc1.at[rid_v], add=True)
        cpy = ncpy

    pltpu.sync_copy(acc0.at[pl.ds(sbase, RPW)], out0.at[pl.ds(base, RPW)])
    pltpu.sync_copy(acc1.at[pl.ds(sbase, RPW)], out1.at[pl.ds(base, RPW)])


def _proj_body(p0_ref, p1_ref, w_ref, b_ref, o_ref):
    proj = lax.dot_general(p1_ref[...], w_ref[...],
                           (((1,), (1,)), ((), ())),
                           preferred_element_type=jnp.float32)
    o_ref[...] = p0_ref[...] + proj + float(N0) * b_ref[...]


_PROJ_GRID = 8
_PB = BATCH // _PROJ_GRID


def _project_tc(pooled0, pooled1, proj_w, proj_b2d):
    return pl.pallas_call(
        _proj_body,
        grid=(_PROJ_GRID,),
        in_specs=[
            pl.BlockSpec((_PB, D0), lambda i: (i, 0)),
            pl.BlockSpec((_PB, D1), lambda i: (i, 0)),
            pl.BlockSpec((D0, D1), lambda i: (0, 0)),
            pl.BlockSpec((1, D0), lambda i: (0, 0)),
        ],
        out_specs=pl.BlockSpec((_PB, D0), lambda i: (i, 0)),
        out_shape=jax.ShapeDtypeStruct((BATCH, D0), jnp.float32),
    )(pooled0, pooled1, proj_w, proj_b2d)


def kernel(x, table0, table1, proj_w, proj_b):
    xt = x.T.astype(jnp.int32)
    pooled0, pooled1 = _pool_sc(xt, table0, table1)
    return _project_tc(pooled0, pooled1, proj_w, proj_b.reshape(1, D0))

# --- scband reference (transcript-rebuilt; emitter-appended) ---
"""Pipeline reference for scband-mix-dimension-embedding-bag-13194139533840 (READ-ONLY COPY).

The authoritative reference and input builder live on the scoring server;
editing this copy changes nothing except your own understanding.
"""

import jax, jax.numpy as jnp
import numpy as np

NUM_FIELDS = 26
FIELD_DIMS = np.full(NUM_FIELDS, 100000, dtype=np.int64)
BLOCK0 = np.arange(0, 13)
BLOCK1 = np.arange(13, 26)
BASE_DIM = 64
BLOCK_DIMS = (64, 16)
BATCH = 4096


def _block_offsets():
    # offsets within each block's concatenated table, scattered to full field positions
    off0 = np.concatenate([[0], np.cumsum(FIELD_DIMS[BLOCK0])[:-1]]).astype(np.int64)
    off1 = np.concatenate([[0], np.cumsum(FIELD_DIMS[BLOCK1])[:-1]]).astype(np.int64)
    full0 = np.zeros(NUM_FIELDS, dtype=np.int64); full0[BLOCK0] = off0
    full1 = np.zeros(NUM_FIELDS, dtype=np.int64); full1[BLOCK1] = off1
    mask0 = np.zeros(NUM_FIELDS, dtype=bool); mask0[BLOCK0] = True
    mask1 = np.zeros(NUM_FIELDS, dtype=bool); mask1[BLOCK1] = True
    return full0, full1, mask0, mask1


def setup_inputs(seed: int = 0) -> dict:
    key = jax.random.key(seed)
    k1, k2, k3, k4 = jax.random.split(key, 4)
    x = jax.random.randint(k1, (BATCH, NUM_FIELDS), 0, 100000)
    vocab0 = int(FIELD_DIMS[BLOCK0].sum())
    vocab1 = int(FIELD_DIMS[BLOCK1].sum())
    # xavier-uniform-ish init
    lim0 = float(np.sqrt(6.0 / (vocab0 + BLOCK_DIMS[0])))
    lim1 = float(np.sqrt(6.0 / (vocab1 + BLOCK_DIMS[1])))
    table0 = jax.random.uniform(k2, (vocab0, BLOCK_DIMS[0]), minval=-lim0, maxval=lim0)
    table1 = jax.random.uniform(k3, (vocab1, BLOCK_DIMS[1]), minval=-lim1, maxval=lim1)
    limp = float(np.sqrt(6.0 / (BLOCK_DIMS[1] + BASE_DIM)))
    proj_w = jax.random.uniform(k4, (BASE_DIM, BLOCK_DIMS[1]), minval=-limp, maxval=limp)
    proj_b = jnp.zeros((BASE_DIM,), dtype=jnp.float32)
    return {"x": x, "table0": table0, "table1": table1, "proj_w": proj_w, "proj_b": proj_b}


def reference(x, table0, table1, proj_w, proj_b):
    full0, full1, mask0_np, mask1_np = _block_offsets()
    full0 = jnp.asarray(full0); full1 = jnp.asarray(full1)
    mask0 = jnp.asarray(mask0_np); mask1 = jnp.asarray(mask1_np)

    # block 0: fields in block get offset added, others zeroed
    x0 = jnp.where(mask0[None, :], x + full0[None, :], 0)
    e0 = jnp.take(table0, x0, axis=0)                # [B, F, 64] gather
    e0 = e0 * mask0[None, :, None].astype(e0.dtype)  # mask non-block fields
    out = jnp.sum(e0, axis=1)                        # [B, 64]

    # block 1: dim 16 -> project to base dim 64
    x1 = jnp.where(mask1[None, :], x + full1[None, :], 0)
    e1 = jnp.take(table1, x1, axis=0)                # [B, F, 16] gather
    e1 = jnp.einsum('bfd,od->bfo', e1, proj_w) + proj_b[None, None, :]
    e1 = e1 * mask1[None, :, None].astype(e1.dtype)
    out = out + jnp.sum(e1, axis=1)                  # [B, 64]
    return out

if __name__ == "__main__":
    import jax
    _d = setup_inputs()
    print(jax.jit(kernel)(*tuple(_d.values())))

</pallas_src>

<mosaic_0001>
#map = affine_map<(d0, d1) -> (0, 0)>
module attributes {stable_mosaic.version = 14 : i64} {
  func.func @_pool_sc(%arg0: i32, %arg1: i32, %arg2: memref<26x4096xi32, #tpu.memory_space<hbm>>, %arg3: memref<1300000x64xf32, #tpu.memory_space<hbm>>, %arg4: memref<1300000x16xf32, #tpu.memory_space<hbm>>, %arg5: memref<4096x64xf32, #tpu.memory_space<hbm>>, %arg6: memref<4096x16xf32, #tpu.memory_space<hbm>>, %arg7: memref<26x128xi32, #tpu.memory_space<vmem>>, %arg8: memref<128xi32, #tpu.memory_space<vmem>>, %arg9: memref<2x128x64xf32, #tpu.memory_space<vmem>>, %arg10: memref<2x128x16xf32, #tpu.memory_space<vmem>>, %arg11: memref<2048x64xf32, #tpu.memory_space<vmem_shared>>, %arg12: memref<2048x16xf32, #tpu.memory_space<vmem_shared>>, %arg13: memref<2x!tpu.dma_semaphore, #tpu.memory_space<semaphore_mem>>) attributes {dimension_semantics = [#tpu.dimension_semantics<core_parallel>, #tpu.dimension_semantics<subcore_parallel>], iteration_bounds = array<i64: 2, 16>, scalar_prefetch = 0 : i64, scratch_operands = 7 : i64, tpu.core_type = #tpu.core_type<sc_vector_subcore>, window_params = [{transform_indices = #map}, {transform_indices = #map}, {transform_indices = #map}, {transform_indices = #map}, {transform_indices = #map}]} {
    %mul3A = arith.constant 16 : i32
    %mul3A_0 = arith.muli %arg0, %mul3A : i32
    %add3A = arith.addi %mul3A_0, %arg1 : i32
    %mul3A_1 = arith.constant 128 : i32
    %mul3A_2 = arith.muli %add3A, %mul3A_1 : i32
    %mul3A_3 = arith.constant 128 : i32
    %mul3A_4 = arith.muli %arg1, %mul3A_3 : i32
    "tpu.region"() ({
      %run_scoped3A_3565 = tpu.sem_alloc : memref<!tpu.dma_semaphore, #tpu.memory_space<semaphore_mem>>
      %dma_start3A_3566 = arith.constant 0 : i32
      %dma_start3A_3567 = tpu.memref_slice %arg2[%dma_start3A_3566, %mul3A_2] : memref<26x4096xi32, #tpu.memory_space<hbm>> -> memref<26x128xi32, #tpu.memory_space<hbm>>
      %dma_start3A_3568 = arith.constant 0 : i32
      %dma_start3A_3569 = tpu.memref_slice %arg2[%dma_start3A_3568, %mul3A_2] : memref<26x4096xi32, #tpu.memory_space<hbm>> -> memref<26x128xi32, #tpu.memory_space<hbm>>
      tpu.enqueue_dma source(%dma_start3A_3569 : memref<26x128xi32, #tpu.memory_space<hbm>>) target(%arg7 : memref<26x128xi32, #tpu.memory_space<vmem>>) target_semaphore(%run_scoped3A_3565 : memref<!tpu.dma_semaphore, #tpu.memory_space<semaphore_mem>>)
      %dma_wait3A_3570 = arith.constant 0 : i32
      %dma_wait3A_3571 = tpu.memref_slice %arg2[%dma_wait3A_3570, %mul3A_2] : memref<26x4096xi32, #tpu.memory_space<hbm>> -> memref<26x128xi32, #tpu.memory_space<hbm>>
      %dma_wait3A_3572 = arith.constant 0 : i32
      %dma_wait3A_3573 = tpu.memref_slice %arg2[%dma_wait3A_3572, %mul3A_2] : memref<26x4096xi32, #tpu.memory_space<hbm>> -> memref<26x128xi32, #tpu.memory_space<hbm>>
      tpu.wait_dma2 semaphore(%run_scoped3A_3565 : memref<!tpu.dma_semaphore, #tpu.memory_space<semaphore_mem>>) src(%dma_wait3A_3573 : memref<26x128xi32, #tpu.memory_space<hbm>>) dst(%arg7 : memref<26x128xi32, #tpu.memory_space<vmem>>)
      tpu.yield
    }) : () -> ()
    %iota3A = tpu.iota {dimensions = array<i32: 0>} : vector<16xi32>
    %add3A_5 = arith.constant 0 : i32
    %add3A_6 = arith.addi %mul3A_4, %add3A_5 : i32
    %add3A_7 = vector.broadcast %add3A_6 : i32 to vector<16xi32>
    %add3A_8 = arith.addi %iota3A, %add3A_7 : vector<16xi32>
    %swap3A = arith.constant 0 : index
    %swap3A_9 = tpu.vector_load %arg8[%swap3A] {strides = array<i32>} : memref<128xi32, #tpu.memory_space<vmem>>, vector<16xi32>,
    %swap3A_10 = vector.shape_cast %swap3A_9 : vector<16xi32> to vector<16xi32>
    %swap3A_11 = vector.shape_cast %add3A_8 : vector<16xi32> to vector<16xi32>
    tpu.vector_store %arg8[%swap3A], %swap3A_11 {strides = array<i32>} : memref<128xi32, #tpu.memory_space<vmem>>, vector<16xi32>,
    %get3A = arith.constant 1 : i32
    %get3A_12 = arith.index_cast %get3A : i32 to index
    %get3A_13 = arith.constant 0 : index
    %get3A_14 = tpu.vector_load %arg7[%get3A_12, %get3A_13] {strides = array<i32>} : memref<26x128xi32, #tpu.memory_space<vmem>>, vector<1x16xi32>,
    %get3A_15 = vector.shape_cast %get3A_14 : vector<1x16xi32> to vector<16xi32>
    %add3A_16 = arith.constant 100000 : i32
    %add3A_17 = vector.broadcast %add3A_16 : i32 to vector<16xi32>
    %add3A_18 = arith.addi %get3A_15, %add3A_17 : vector<16xi32>
    %swap3A_19 = arith.constant 1 : i32
    %swap3A_20 = arith.index_cast %swap3A_19 : i32 to index
    %swap3A_21 = arith.constant 0 : index
    %swap3A_22 = tpu.vector_load %arg7[%swap3A_20, %swap3A_21] {strides = array<i32>} : memref<26x128xi32, #tpu.memory_space<vmem>>, vector<1x16xi32>,
    %swap3A_23 = vector.shape_cast %swap3A_22 : vector<1x16xi32> to vector<16xi32>
    %swap3A_24 = vector.shape_cast %add3A_18 : vector<16xi32> to vector<1x16xi32>
    tpu.vector_store %arg7[%swap3A_20, %swap3A_21], %swap3A_24 {strides = array<i32>} : memref<26x128xi32, #tpu.memory_space<vmem>>, vector<1x16xi32>,
    %get3A_25 = arith.constant 2 : i32
    %get3A_26 = arith.index_cast %get3A_25 : i32 to index
    %get3A_27 = arith.constant 0 : index
    %get3A_28 = tpu.vector_load %arg7[%get3A_26, %get3A_27] {strides = array<i32>} : memref<26x128xi32, #tpu.memory_space<vmem>>, vector<1x16xi32>,
    %get3A_29 = vector.shape_cast %get3A_28 : vector<1x16xi32> to vector<16xi32>
    %add3A_30 = arith.constant 200000 : i32
    %add3A_31 = vector.broadcast %add3A_30 : i32 to vector<16xi32>
    %add3A_32 = arith.addi %get3A_29, %add3A_31 : vector<16xi32>
    %swap3A_33 = arith.constant 2 : i32
    %swap3A_34 = arith.index_cast %swap3A_33 : i32 to index
    %swap3A_35 = arith.constant 0 : index
    %swap3A_36 = tpu.vector_load %arg7[%swap3A_34, %swap3A_35] {strides = array<i32>} : memref<26x128xi32, #tpu.memory_space<vmem>>, vector<1x16xi32>,
    %swap3A_37 = vector.shape_cast %swap3A_36 : vector<1x16xi32> to vector<16xi32>
    %swap3A_38 = vector.shape_cast %add3A_32 : vector<16xi32> to vector<1x16xi32>
    tpu.vector_store %arg7[%swap3A_34, %swap3A_35], %swap3A_38 {strides = array<i32>} : memref<26x128xi32, #tpu.memory_space<vmem>>, vector<1x16xi32>,
    %get3A_39 = arith.constant 3 : i32
    %get3A_40 = arith.index_cast %get3A_39 : i32 to index
    %get3A_41 = arith.constant 0 : index
    %get3A_42 = tpu.vector_load %arg7[%get3A_40, %get3A_41] {strides = array<i32>} : memref<26x128xi32, #tpu.memory_space<vmem>>, vector<1x16xi32>,
    %get3A_43 = vector.shape_cast %get3A_42 : vector<1x16xi32> to vector<16xi32>
    %add3A_44 = arith.constant 300000 : i32
    %add3A_45 = vector.broadcast %add3A_44 : i32 to vector<16xi32>
    %add3A_46 = arith.addi %get3A_43, %add3A_45 : vector<16xi32>
    %swap3A_47 = arith.constant 3 : i32
    %swap3A_48 = arith.index_cast %swap3A_47 : i32 to index
    %swap3A_49 = arith.constant 0 : index
    %swap3A_50 = tpu.vector_load %arg7[%swap3A_48, %swap3A_49] {strides = array<i32>} : memref<26x128xi32, #tpu.memory_space<vmem>>, vector<1x16xi32>,
    %swap3A_51 = vector.shape_cast %swap3A_50 : vector<1x16xi32> to vector<16xi32>
    %swap3A_52 = vector.shape_cast %add3A_46 : vector<16xi32> to vector<1x16xi32>
    tpu.vector_store %arg7[%swap3A_48, %swap3A_49], %swap3A_52 {strides = array<i32>} : memref<26x128xi32, #tpu.memory_space<vmem>>, vector<1x16xi32>,
    %get3A_53 = arith.constant 4 : i32
    %get3A_54 = arith.index_cast %get3A_53 : i32 to index
    %get3A_55 = arith.constant 0 : index
    %get3A_56 = tpu.vector_load %arg7[%get3A_54, %get3A_55] {strides = array<i32>} : memref<26x128xi32, #tpu.memory_space<vmem>>, vector<1x16xi32>,
    %get3A_57 = vector.shape_cast %get3A_56 : vector<1x16xi32> to vector<16xi32>
    %add3A_58 = arith.constant 400000 : i32
    %add3A_59 = vector.broadcast %add3A_58 : i32 to vector<16xi32>
    %add3A_60 = arith.addi %get3A_57, %add3A_59 : vector<16xi32>
    %swap3A_61 = arith.constant 4 : i32
    %swap3A_62 = arith.index_cast %swap3A_61 : i32 to index
    %swap3A_63 = arith.constant 0 : index
    %swap3A_64 = tpu.vector_load %arg7[%swap3A_62, %swap3A_63] {strides = array<i32>} : memref<26x128xi32, #tpu.memory_space<vmem>>, vector<1x16xi32>,
    %swap3A_65 = vector.shape_cast %swap3A_64 : vector<1x16xi32> to vector<16xi32>
    %swap3A_66 = vector.shape_cast %add3A_60 : vector<16xi32> to vector<1x16xi32>
    tpu.vector_store %arg7[%swap3A_62, %swap3A_63], %swap3A_66 {strides = array<i32>} : memref<26x128xi32, #tpu.memory_space<vmem>>, vector<1x16xi32>,
    %get3A_67 = arith.constant 5 : i32
    %get3A_68 = arith.index_cast %get3A_67 : i32 to index
    %get3A_69 = arith.constant 0 : index
    %get3A_70 = tpu.vector_load %arg7[%get3A_68, %get3A_69] {strides = array<i32>} : memref<26x128xi32, #tpu.memory_space<vmem>>, vector<1x16xi32>,
    %get3A_71 = vector.shape_cast %get3A_70 : vector<1x16xi32> to vector<16xi32>
    %add3A_72 = arith.constant 500000 : i32
    %add3A_73 = vector.broadcast %add3A_72 : i32 to vector<16xi32>
    %add3A_74 = arith.addi %get3A_71, %add3A_73 : vector<16xi32>
    %swap3A_75 = arith.constant 5 : i32
    %swap3A_76 = arith.index_cast %swap3A_75 : i32 to index
    %swap3A_77 = arith.constant 0 : index
    %swap3A_78 = tpu.vector_load %arg7[%swap3A_76, %swap3A_77] {strides = array<i32>} : memref<26x128xi32, #tpu.memory_space<vmem>>, vector<1x16xi32>,
    %swap3A_79 = vector.shape_cast %swap3A_78 : vector<1x16xi32> to vector<16xi32>
    %swap3A_80 = vector.shape_cast %add3A_74 : vector<16xi32> to vector<1x16xi32>
    tpu.vector_store %arg7[%swap3A_76, %swap3A_77], %swap3A_80 {strides = array<i32>} : memref<26x128xi32, #tpu.memory_space<vmem>>, vector<1x16xi32>,
    %get3A_81 = arith.constant 6 : i32
    %get3A_82 = arith.index_cast %get3A_81 : i32 to index
    %get3A_83 = arith.constant 0 : index
    %get3A_84 = tpu.vector_load %arg7[%get3A_82, %get3A_83] {strides = array<i32>} : memref<26x128xi32, #tpu.memory_space<vmem>>, vector<1x16xi32>,
    %get3A_85 = vector.shape_cast %get3A_84 : vector<1x16xi32> to vector<16xi32>
    %add3A_86 = arith.constant 600000 : i32
    %add3A_87 = vector.broadcast %add3A_86 : i32 to vector<16xi32>
    %add3A_88 = arith.addi %get3A_85, %add3A_87 : vector<16xi32>
    %swap3A_89 = arith.constant 6 : i32
    %swap3A_90 = arith.index_cast %swap3A_89 : i32 to index
    %swap3A_91 = arith.constant 0 : index
    %swap3A_92 = tpu.vector_load %arg7[%swap3A_90, %swap3A_91] {strides = array<i32>} : memref<26x128xi32, #tpu.memory_space<vmem>>, vector<1x16xi32>,
    %swap3A_93 = vector.shape_cast %swap3A_92 : vector<1x16xi32> to vector<16xi32>
    %swap3A_94 = vector.shape_cast %add3A_88 : vector<16xi32> to vector<1x16xi32>
    tpu.vector_store %arg7[%swap3A_90, %swap3A_91], %swap3A_94 {strides = array<i32>} : memref<26x128xi32, #tpu.memory_space<vmem>>, vector<1x16xi32>,
    %get3A_95 = arith.constant 7 : i32
    %get3A_96 = arith.index_cast %get3A_95 : i32 to index
    %get3A_97 = arith.constant 0 : index
    %get3A_98 = tpu.vector_load %arg7[%get3A_96, %get3A_97] {strides = array<i32>} : memref<26x128xi32, #tpu.memory_space<vmem>>, vector<1x16xi32>,
    %get3A_99 = vector.shape_cast %get3A_98 : vector<1x16xi32> to vector<16xi32>
    %add3A_100 = arith.constant 700000 : i32
    %add3A_101 = vector.broadcast %add3A_100 : i32 to vector<16xi32>
    %add3A_102 = arith.addi %get3A_99, %add3A_101 : vector<16xi32>
    %swap3A_103 = arith.constant 7 : i32
    %swap3A_104 = arith.index_cast %swap3A_103 : i32 to index
    %swap3A_105 = arith.constant 0 : index
    %swap3A_106 = tpu.vector_load %arg7[%swap3A_104, %swap3A_105] {strides = array<i32>} : memref<26x128xi32, #tpu.memory_space<vmem>>, vector<1x16xi32>,
    %swap3A_107 = vector.shape_cast %swap3A_106 : vector<1x16xi32> to vector<16xi32>
    %swap3A_108 = vector.shape_cast %add3A_102 : vector<16xi32> to vector<1x16xi32>
    tpu.vector_store %arg7[%swap3A_104, %swap3A_105], %swap3A_108 {strides = array<i32>} : memref<26x128xi32, #tpu.memory_space<vmem>>, vector<1x16xi32>,
    %get3A_109 = arith.constant 8 : i32
    %get3A_110 = arith.index_cast %get3A_109 : i32 to index
    %get3A_111 = arith.constant 0 : index
    %get3A_112 = tpu.vector_load %arg7[%get3A_110, %get3A_111] {strides = array<i32>} : memref<26x128xi32, #tpu.memory_space<vmem>>, vector<1x16xi32>,
    %get3A_113 = vector.shape_cast %get3A_112 : vector<1x16xi32> to vector<16xi32>
    %add3A_114 = arith.constant 800000 : i32
    %add3A_115 = vector.broadcast %add3A_114 : i32 to vector<16xi32>
    %add3A_116 = arith.addi %get3A_113, %add3A_115 : vector<16xi32>
    %swap3A_117 = arith.constant 8 : i32
    %swap3A_118 = arith.index_cast %swap3A_117 : i32 to index
    %swap3A_119 = arith.constant 0 : index
    %swap3A_120 = tpu.vector_load %arg7[%swap3A_118, %swap3A_119] {strides = array<i32>} : memref<26x128xi32, #tpu.memory_space<vmem>>, vector<1x16xi32>,
    %swap3A_121 = vector.shape_cast %swap3A_120 : vector<1x16xi32> to vector<16xi32>
    %swap3A_122 = vector.shape_cast %add3A_116 : vector<16xi32> to vector<1x16xi32>
    tpu.vector_store %arg7[%swap3A_118, %swap3A_119], %swap3A_122 {strides = array<i32>} : memref<26x128xi32, #tpu.memory_space<vmem>>, vector<1x16xi32>,
    %get3A_123 = arith.constant 9 : i32
    %get3A_124 = arith.index_cast %get3A_123 : i32 to index
    %get3A_125 = arith.constant 0 : index
    %get3A_126 = tpu.vector_load %arg7[%get3A_124, %get3A_125] {strides = array<i32>} : memref<26x128xi32, #tpu.memory_space<vmem>>, vector<1x16xi32>,
    %get3A_127 = vector.shape_cast %get3A_126 : vector<1x16xi32> to vector<16xi32>
    %add3A_128 = arith.constant 900000 : i32
    %add3A_129 = vector.broadcast %add3A_128 : i32 to vector<16xi32>
    %add3A_130 = arith.addi %get3A_127, %add3A_129 : vector<16xi32>
    %swap3A_131 = arith.constant 9 : i32
    %swap3A_132 = arith.index_cast %swap3A_131 : i32 to index
    %swap3A_133 = arith.constant 0 : index
    %swap3A_134 = tpu.vector_load %arg7[%swap3A_132, %swap3A_133] {strides = array<i32>} : memref<26x128xi32, #tpu.memory_space<vmem>>, vector<1x16xi32>,
    %swap3A_135 = vector.shape_cast %swap3A_134 : vector<1x16xi32> to vector<16xi32>
    %swap3A_136 = vector.shape_cast %add3A_130 : vector<16xi32> to vector<1x16xi32>
    tpu.vector_store %arg7[%swap3A_132, %swap3A_133], %swap3A_136 {strides = array<i32>} : memref<26x128xi32, #tpu.memory_space<vmem>>, vector<1x16xi32>,
    %get3A_137 = arith.constant 10 : i32
    %get3A_138 = arith.index_cast %get3A_137 : i32 to index
    %get3A_139 = arith.constant 0 : index
    %get3A_140 = tpu.vector_load %arg7[%get3A_138, %get3A_139] {strides = array<i32>} : memref<26x128xi32, #tpu.memory_space<vmem>>, vector<1x16xi32>,
    %get3A_141 = vector.shape_cast %get3A_140 : vector<1x16xi32> to vector<16xi32>
    %add3A_142 = arith.constant 1000000 : i32
    %add3A_143 = vector.broadcast %add3A_142 : i32 to vector<16xi32>
    %add3A_144 = arith.addi %get3A_141, %add3A_143 : vector<16xi32>
    %swap3A_145 = arith.constant 10 : i32
    %swap3A_146 = arith.index_cast %swap3A_145 : i32 to index
    %swap3A_147 = arith.constant 0 : index
    %swap3A_148 = tpu.vector_load %arg7[%swap3A_146, %swap3A_147] {strides = array<i32>} : memref<26x128xi32, #tpu.memory_space<vmem>>, vector<1x16xi32>,
    %swap3A_149 = vector.shape_cast %swap3A_148 : vector<1x16xi32> to vector<16xi32>
    %swap3A_150 = vector.shape_cast %add3A_144 : vector<16xi32> to vector<1x16xi32>
    tpu.vector_store %arg7[%swap3A_146, %swap3A_147], %swap3A_150 {strides = array<i32>} : memref<26x128xi32, #tpu.memory_space<vmem>>, vector<1x16xi32>,
    %get3A_151 = arith.constant 11 : i32
    %get3A_152 = arith.index_cast %get3A_151 : i32 to index
    %get3A_153 = arith.constant 0 : index
    %get3A_154 = tpu.vector_load %arg7[%get3A_152, %get3A_153] {strides = array<i32>} : memref<26x128xi32, #tpu.memory_space<vmem>>, vector<1x16xi32>,
    %get3A_155 = vector.shape_cast %get3A_154 : vector<1x16xi32> to vector<16xi32>
    %add3A_156 = arith.constant 1100000 : i32
    %add3A_157 = vector.broadcast %add3A_156 : i32 to vector<16xi32>
    %add3A_158 = arith.addi %get3A_155, %add3A_157 : vector<16xi32>
    %swap3A_159 = arith.constant 11 : i32
    %swap3A_160 = arith.index_cast %swap3A_159 : i32 to index
    %swap3A_161 = arith.constant 0 : index
    %swap3A_162 = tpu.vector_load %arg7[%swap3A_160, %swap3A_161] {strides = array<i32>} : memref<26x128xi32, #tpu.memory_space<vmem>>, vector<1x16xi32>,
    %swap3A_163 = vector.shape_cast %swap3A_162 : vector<1x16xi32> to vector<16xi32>
    %swap3A_164 = vector.shape_cast %add3A_158 : vector<16xi32> to vector<1x16xi32>
    tpu.vector_store %arg7[%swap3A_160, %swap3A_161], %swap3A_164 {strides = array<i32>} : memref<26x128xi32, #tpu.memory_space<vmem>>, vector<1x16xi32>,
    %get3A_165 = arith.constant 12 : i32
    %get3A_166 = arith.index_cast %get3A_165 : i32 to index
    %get3A_167 = arith.constant 0 : index
    %get3A_168 = tpu.vector_load %arg7[%get3A_166, %get3A_167] {strides = array<i32>} : memref<26x128xi32, #tpu.memory_space<vmem>>, vector<1x16xi32>,
    %get3A_169 = vector.shape_cast %get3A_168 : vector<1x16xi32> to vector<16xi32>
    %add3A_170 = arith.constant 1200000 : i32
    %add3A_171 = vector.broadcast %add3A_170 : i32 to vector<16xi32>
    %add3A_172 = arith.addi %get3A_169, %add3A_171 : vector<16xi32>
    %swap3A_173 = arith.constant 12 : i32
    %swap3A_174 = arith.index_cast %swap3A_173 : i32 to index
    %swap3A_175 = arith.constant 0 : index
    %swap3A_176 = tpu.vector_load %arg7[%swap3A_174, %swap3A_175] {strides = array<i32>} : memref<26x128xi32, #tpu.memory_space<vmem>>, vector<1x16xi32>,
    %swap3A_177 = vector.shape_cast %swap3A_176 : vector<1x16xi32> to vector<16xi32>
    %swap3A_178 = vector.shape_cast %add3A_172 : vector<16xi32> to vector<1x16xi32>
    tpu.vector_store %arg7[%swap3A_174, %swap3A_175], %swap3A_178 {strides = array<i32>} : memref<26x128xi32, #tpu.memory_space<vmem>>, vector<1x16xi32>,
    %get3A_179 = arith.constant 14 : i32
    %get3A_180 = arith.index_cast %get3A_179 : i32 to index
    %get3A_181 = arith.constant 0 : index
    %get3A_182 = tpu.vector_load %arg7[%get3A_180, %get3A_181] {strides = array<i32>} : memref<26x128xi32, #tpu.memory_space<vmem>>, vector<1x16xi32>,
    %get3A_183 = vector.shape_cast %get3A_182 : vector<1x16xi32> to vector<16xi32>
    %add3A_184 = arith.constant 100000 : i32
    %add3A_185 = vector.broadcast %add3A_184 : i32 to vector<16xi32>
    %add3A_186 = arith.addi %get3A_183, %add3A_185 : vector<16xi32>
    %swap3A_187 = arith.constant 14 : i32
    %swap3A_188 = arith.index_cast %swap3A_187 : i32 to index
    %swap3A_189 = arith.constant 0 : index
    %swap3A_190 = tpu.vector_load %arg7[%swap3A_188, %swap3A_189] {strides = array<i32>} : memref<26x128xi32, #tpu.memory_space<vmem>>, vector<1x16xi32>,
    %swap3A_191 = vector.shape_cast %swap3A_190 : vector<1x16xi32> to vector<16xi32>
    %swap3A_192 = vector.shape_cast %add3A_186 : vector<16xi32> to vector<1x16xi32>
    tpu.vector_store %arg7[%swap3A_188, %swap3A_189], %swap3A_192 {strides = array<i32>} : memref<26x128xi32, #tpu.memory_space<vmem>>, vector<1x16xi32>,
    %get3A_193 = arith.constant 15 : i32
    %get3A_194 = arith.index_cast %get3A_193 : i32 to index
    %get3A_195 = arith.constant 0 : index
    %get3A_196 = tpu.vector_load %arg7[%get3A_194, %get3A_195] {strides = array<i32>} : memref<26x128xi32, #tpu.memory_space<vmem>>, vector<1x16xi32>,
    %get3A_197 = vector.shape_cast %get3A_196 : vector<1x16xi32> to vector<16xi32>
    %add3A_198 = arith.constant 200000 : i32
    %add3A_199 = vector.broadcast %add3A_198 : i32 to vector<16xi32>
    %add3A_200 = arith.addi %get3A_197, %add3A_199 : vector<16xi32>
    %swap3A_201 = arith.constant 15 : i32
    %swap3A_202 = arith.index_cast %swap3A_201 : i32 to index
    %swap3A_203 = arith.constant 0 : index
    %swap3A_204 = tpu.vector_load %arg7[%swap3A_202, %swap3A_203] {strides = array<i32>} : memref<26x128xi32, #tpu.memory_space<vmem>>, vector<1x16xi32>,
    %swap3A_205 = vector.shape_cast %swap3A_204 : vector<1x16xi32> to vector<16xi32>
    %swap3A_206 = vector.shape_cast %add3A_200 : vector<16xi32> to vector<1x16xi32>
    tpu.vector_store %arg7[%swap3A_202, %swap3A_203], %swap3A_206 {strides = array<i32>} : memref<26x128xi32, #tpu.memory_space<vmem>>, vector<1x16xi32>,
    %get3A_207 = arith.constant 16 : i32
    %get3A_208 = arith.index_cast %get3A_207 : i32 to index
    %get3A_209 = arith.constant 0 : index
    %get3A_210 = tpu.vector_load %arg7[%get3A_208, %get3A_209] {strides = array<i32>} : memref<26x128xi32, #tpu.memory_space<vmem>>, vector<1x16xi32>,
    %get3A_211 = vector.shape_cast %get3A_210 : vector<1x16xi32> to vector<16xi32>
    %add3A_212 = arith.constant 300000 : i32
    %add3A_213 = vector.broadcast %add3A_212 : i32 to vector<16xi32>
    %add3A_214 = arith.addi %get3A_211, %add3A_213 : vector<16xi32>
    %swap3A_215 = arith.constant 16 : i32
    %swap3A_216 = arith.index_cast %swap3A_215 : i32 to index
    %swap3A_217 = arith.constant 0 : index
    %swap3A_218 = tpu.vector_load %arg7[%swap3A_216, %swap3A_217] {strides = array<i32>} : memref<26x128xi32, #tpu.memory_space<vmem>>, vector<1x16xi32>,
    %swap3A_219 = vector.shape_cast %swap3A_218 : vector<1x16xi32> to vector<16xi32>
    %swap3A_220 = vector.shape_cast %add3A_214 : vector<16xi32> to vector<1x16xi32>
    tpu.vector_store %arg7[%swap3A_216, %swap3A_217], %swap3A_220 {strides = array<i32>} : memref<26x128xi32, #tpu.memory_space<vmem>>, vector<1x16xi32>,
    %get3A_221 = arith.constant 17 : i32
    %get3A_222 = arith.index_cast %get3A_221 : i32 to index
    %get3A_223 = arith.constant 0 : index
    %get3A_224 = tpu.vector_load %arg7[%get3A_222, %get3A_223] {strides = array<i32>} : memref<26x128xi32, #tpu.memory_space<vmem>>, vector<1x16xi32>,
    %get3A_225 = vector.shape_cast %get3A_224 : vector<1x16xi32> to vector<16xi32>
    %add3A_226 = arith.constant 400000 : i32
    %add3A_227 = vector.broadcast %add3A_226 : i32 to vector<16xi32>
    %add3A_228 = arith.addi %get3A_225, %add3A_227 : vector<16xi32>
    %swap3A_229 = arith.constant 17 : i32
    %swap3A_230 = arith.index_cast %swap3A_229 : i32 to index
    %swap3A_231 = arith.constant 0 : index
    %swap3A_232 = tpu.vector_load %arg7[%swap3A_230, %swap3A_231] {strides = array<i32>} : memref<26x128xi32, #tpu.memory_space<vmem>>, vector<1x16xi32>,
    %swap3A_233 = vector.shape_cast %swap3A_232 : vector<1x16xi32> to vector<16xi32>
    %swap3A_234 = vector.shape_cast %add3A_228 : vector<16xi32> to vector<1x16xi32>
    tpu.vector_store %arg7[%swap3A_230, %swap3A_231], %swap3A_234 {strides = array<i32>} : memref<26x128xi32, #tpu.memory_space<vmem>>, vector<1x16xi32>,
    %get3A_235 = arith.constant 18 : i32
    %get3A_236 = arith.index_cast %get3A_235 : i32 to index
    %get3A_237 = arith.constant 0 : index
    %get3A_238 = tpu.vector_load %arg7[%get3A_236, %get3A_237] {strides = array<i32>} : memref<26x128xi32, #tpu.memory_space<vmem>>, vector<1x16xi32>,
    %get3A_239 = vector.shape_cast %get3A_238 : vector<1x16xi32> to vector<16xi32>
    %add3A_240 = arith.constant 500000 : i32
    %add3A_241 = vector.broadcast %add3A_240 : i32 to vector<16xi32>
    %add3A_242 = arith.addi %get3A_239, %add3A_241 : vector<16xi32>
    %swap3A_243 = arith.constant 18 : i32
    %swap3A_244 = arith.index_cast %swap3A_243 : i32 to index
    %swap3A_245 = arith.constant 0 : index
    %swap3A_246 = tpu.vector_load %arg7[%swap3A_244, %swap3A_245] {strides = array<i32>} : memref<26x128xi32, #tpu.memory_space<vmem>>, vector<1x16xi32>,
    %swap3A_247 = vector.shape_cast %swap3A_246 : vector<1x16xi32> to vector<16xi32>
    %swap3A_248 = vector.shape_cast %add3A_242 : vector<16xi32> to vector<1x16xi32>
    tpu.vector_store %arg7[%swap3A_244, %swap3A_245], %swap3A_248 {strides = array<i32>} : memref<26x128xi32, #tpu.memory_space<vmem>>, vector<1x16xi32>,
    %get3A_249 = arith.constant 19 : i32
    %get3A_250 = arith.index_cast %get3A_249 : i32 to index
    %get3A_251 = arith.constant 0 : index
    %get3A_252 = tpu.vector_load %arg7[%get3A_250, %get3A_251] {strides = array<i32>} : memref<26x128xi32, #tpu.memory_space<vmem>>, vector<1x16xi32>,
    %get3A_253 = vector.shape_cast %get3A_252 : vector<1x16xi32> to vector<16xi32>
    %add3A_254 = arith.constant 600000 : i32
    %add3A_255 = vector.broadcast %add3A_254 : i32 to vector<16xi32>
    %add3A_256 = arith.addi %get3A_253, %add3A_255 : vector<16xi32>
    %swap3A_257 = arith.constant 19 : i32
    %swap3A_258 = arith.index_cast %swap3A_257 : i32 to index
    %swap3A_259 = arith.constant 0 : index
    %swap3A_260 = tpu.vector_load %arg7[%swap3A_258, %swap3A_259] {strides = array<i32>} : memref<26x128xi32, #tpu.memory_space<vmem>>, vector<1x16xi32>,
    %swap3A_261 = vector.shape_cast %swap3A_260 : vector<1x16xi32> to vector<16xi32>
    %swap3A_262 = vector.shape_cast %add3A_256 : vector<16xi32> to vector<1x16xi32>
    tpu.vector_store %arg7[%swap3A_258, %swap3A_259], %swap3A_262 {strides = array<i32>} : memref<26x128xi32, #tpu.memory_space<vmem>>, vector<1x16xi32>,
    %get3A_263 = arith.constant 20 : i32
    %get3A_264 = arith.index_cast %get3A_263 : i32 to index
    %get3A_265 = arith.constant 0 : index
    %get3A_266 = tpu.vector_load %arg7[%get3A_264, %get3A_265] {strides = array<i32>} : memref<26x128xi32, #tpu.memory_space<vmem>>, vector<1x16xi32>,
    %get3A_267 = vector.shape_cast %get3A_266 : vector<1x16xi32> to vector<16xi32>
    %add3A_268 = arith.constant 700000 : i32
    %add3A_269 = vector.broadcast %add3A_268 : i32 to vector<16xi32>
    %add3A_270 = arith.addi %get3A_267, %add3A_269 : vector<16xi32>
    %swap3A_271 = arith.constant 20 : i32
    %swap3A_272 = arith.index_cast %swap3A_271 : i32 to index
    %swap3A_273 = arith.constant 0 : index
    %swap3A_274 = tpu.vector_load %arg7[%swap3A_272, %swap3A_273] {strides = array<i32>} : memref<26x128xi32, #tpu.memory_space<vmem>>, vector<1x16xi32>,
    %swap3A_275 = vector.shape_cast %swap3A_274 : vector<1x16xi32> to vector<16xi32>
    %swap3A_276 = vector.shape_cast %add3A_270 : vector<16xi32> to vector<1x16xi32>
    tpu.vector_store %arg7[%swap3A_272, %swap3A_273], %swap3A_276 {strides = array<i32>} : memref<26x128xi32, #tpu.memory_space<vmem>>, vector<1x16xi32>,
    %get3A_277 = arith.constant 21 : i32
    %get3A_278 = arith.index_cast %get3A_277 : i32 to index
    %get3A_279 = arith.constant 0 : index
    %get3A_280 = tpu.vector_load %arg7[%get3A_278, %get3A_279] {strides = array<i32>} : memref<26x128xi32, #tpu.memory_space<vmem>>, vector<1x16xi32>,
    %get3A_281 = vector.shape_cast %get3A_280 : vector<1x16xi32> to vector<16xi32>
    %add3A_282 = arith.constant 800000 : i32
    %add3A_283 = vector.broadcast %add3A_282 : i32 to vector<16xi32>
    %add3A_284 = arith.addi %get3A_281, %add3A_283 : vector<16xi32>
    %swap3A_285 = arith.constant 21 : i32
    %swap3A_286 = arith.index_cast %swap3A_285 : i32 to index
    %swap3A_287 = arith.constant 0 : index
    %swap3A_288 = tpu.vector_load %arg7[%swap3A_286, %swap3A_287] {strides = array<i32>} : memref<26x128xi32, #tpu.memory_space<vmem>>, vector<1x16xi32>,
    %swap3A_289 = vector.shape_cast %swap3A_288 : vector<1x16xi32> to vector<16xi32>
    %swap3A_290 = vector.shape_cast %add3A_284 : vector<16xi32> to vector<1x16xi32>
    tpu.vector_store %arg7[%swap3A_286, %swap3A_287], %swap3A_290 {strides = array<i32>} : memref<26x128xi32, #tpu.memory_space<vmem>>, vector<1x16xi32>,
    %get3A_291 = arith.constant 22 : i32
    %get3A_292 = arith.index_cast %get3A_291 : i32 to index
    %get3A_293 = arith.constant 0 : index
    %get3A_294 = tpu.vector_load %arg7[%get3A_292, %get3A_293] {strides = array<i32>} : memref<26x128xi32, #tpu.memory_space<vmem>>, vector<1x16xi32>,
    %get3A_295 = vector.shape_cast %get3A_294 : vector<1x16xi32> to vector<16xi32>
    %add3A_296 = arith.constant 900000 : i32
    %add3A_297 = vector.broadcast %add3A_296 : i32 to vector<16xi32>
    %add3A_298 = arith.addi %get3A_295, %add3A_297 : vector<16xi32>
    %swap3A_299 = arith.constant 22 : i32
    %swap3A_300 = arith.index_cast %swap3A_299 : i32 to index
    %swap3A_301 = arith.constant 0 : index
    %swap3A_302 = tpu.vector_load %arg7[%swap3A_300, %swap3A_301] {strides = array<i32>} : memref<26x128xi32, #tpu.memory_space<vmem>>, vector<1x16xi32>,
    %swap3A_303 = vector.shape_cast %swap3A_302 : vector<1x16xi32> to vector<16xi32>
    %swap3A_304 = vector.shape_cast %add3A_298 : vector<16xi32> to vector<1x16xi32>
    tpu.vector_store %arg7[%swap3A_300, %swap3A_301], %swap3A_304 {strides = array<i32>} : memref<26x128xi32, #tpu.memory_space<vmem>>, vector<1x16xi32>,
    %get3A_305 = arith.constant 23 : i32
    %get3A_306 = arith.index_cast %get3A_305 : i32 to index
    %get3A_307 = arith.constant 0 : index
    %get3A_308 = tpu.vector_load %arg7[%get3A_306, %get3A_307] {strides = array<i32>} : memref<26x128xi32, #tpu.memory_space<vmem>>, vector<1x16xi32>,
    %get3A_309 = vector.shape_cast %get3A_308 : vector<1x16xi32> to vector<16xi32>
    %add3A_310 = arith.constant 1000000 : i32
    %add3A_311 = vector.broadcast %add3A_310 : i32 to vector<16xi32>
    %add3A_312 = arith.addi %get3A_309, %add3A_311 : vector<16xi32>
    %swap3A_313 = arith.constant 23 : i32
    %swap3A_314 = arith.index_cast %swap3A_313 : i32 to index
    %swap3A_315 = arith.constant 0 : index
    %swap3A_316 = tpu.vector_load %arg7[%swap3A_314, %swap3A_315] {strides = array<i32>} : memref<26x128xi32, #tpu.memory_space<vmem>>, vector<1x16xi32>,
    %swap3A_317 = vector.shape_cast %swap3A_316 : vector<1x16xi32> to vector<16xi32>
    %swap3A_318 = vector.shape_cast %add3A_312 : vector<16xi32> to vector<1x16xi32>
    tpu.vector_store %arg7[%swap3A_314, %swap3A_315], %swap3A_318 {strides = array<i32>} : memref<26x128xi32, #tpu.memory_space<vmem>>, vector<1x16xi32>,
    %get3A_319 = arith.constant 24 : i32
    %get3A_320 = arith.index_cast %get3A_319 : i32 to index
    %get3A_321 = arith.constant 0 : index
    %get3A_322 = tpu.vector_load %arg7[%get3A_320, %get3A_321] {strides = array<i32>} : memref<26x128xi32, #tpu.memory_space<vmem>>, vector<1x16xi32>,
    %get3A_323 = vector.shape_cast %get3A_322 : vector<1x16xi32> to vector<16xi32>
    %add3A_324 = arith.constant 1100000 : i32
    %add3A_325 = vector.broadcast %add3A_324 : i32 to vector<16xi32>
    %add3A_326 = arith.addi %get3A_323, %add3A_325 : vector<16xi32>
    %swap3A_327 = arith.constant 24 : i32
    %swap3A_328 = arith.index_cast %swap3A_327 : i32 to index
    %swap3A_329 = arith.constant 0 : index
    %swap3A_330 = tpu.vector_load %arg7[%swap3A_328, %swap3A_329] {strides = array<i32>} : memref<26x128xi32, #tpu.memory_space<vmem>>, vector<1x16xi32>,
    %swap3A_331 = vector.shape_cast %swap3A_330 : vector<1x16xi32> to vector<16xi32>
    %swap3A_332 = vector.shape_cast %add3A_326 : vector<16xi32> to vector<1x16xi32>
    tpu.vector_store %arg7[%swap3A_328, %swap3A_329], %swap3A_332 {strides = array<i32>} : memref<26x128xi32, #tpu.memory_space<vmem>>, vector<1x16xi32>,
    %get3A_333 = arith.constant 25 : i32
    %get3A_334 = arith.index_cast %get3A_333 : i32 to index
    %get3A_335 = arith.constant 0 : index
    %get3A_336 = tpu.vector_load %arg7[%get3A_334, %get3A_335] {strides = array<i32>} : memref<26x128xi32, #tpu.memory_space<vmem>>, vector<1x16xi32>,
    %get3A_337 = vector.shape_cast %get3A_336 : vector<1x16xi32> to vector<16xi32>
    %add3A_338 = arith.constant 1200000 : i32
    %add3A_339 = vector.broadcast %add3A_338 : i32 to vector<16xi32>
    %add3A_340 = arith.addi %get3A_337, %add3A_339 : vector<16xi32>
    %swap3A_341 = arith.constant 25 : i32
    %swap3A_342 = arith.index_cast %swap3A_341 : i32 to index
    %swap3A_343 = arith.constant 0 : index
    %swap3A_344 = tpu.vector_load %arg7[%swap3A_342, %swap3A_343] {strides = array<i32>} : memref<26x128xi32, #tpu.memory_space<vmem>>, vector<1x16xi32>,
    %swap3A_345 = vector.shape_cast %swap3A_344 : vector<1x16xi32> to vector<16xi32>
    %swap3A_346 = vector.shape_cast %add3A_340 : vector<16xi32> to vector<1x16xi32>
    tpu.vector_store %arg7[%swap3A_342, %swap3A_343], %swap3A_346 {strides = array<i32>} : memref<26x128xi32, #tpu.memory_space<vmem>>, vector<1x16xi32>,
    %iota3A_347 = tpu.iota {dimensions = array<i32: 0>} : vector<16xi32>
    %add3A_348 = arith.constant 16 : i32
    %add3A_349 = arith.addi %mul3A_4, %add3A_348 : i32
    %add3A_350 = vector.broadcast %add3A_349 : i32 to vector<16xi32>
    %add3A_351 = arith.addi %iota3A_347, %add3A_350 : vector<16xi32>
    %swap3A_352 = arith.constant 16 : index
    %swap3A_353 = tpu.vector_load %arg8[%swap3A_352] {strides = array<i32>} : memref<128xi32, #tpu.memory_space<vmem>>, vector<16xi32>,
    %swap3A_354 = vector.shape_cast %swap3A_353 : vector<16xi32> to vector<16xi32>
    %swap3A_355 = vector.shape_cast %add3A_351 : vector<16xi32> to vector<16xi32>
    tpu.vector_store %arg8[%swap3A_352], %swap3A_355 {strides = array<i32>} : memref<128xi32, #tpu.memory_space<vmem>>, vector<16xi32>,
    %get3A_356 = arith.constant 1 : i32
    %get3A_357 = arith.index_cast %get3A_356 : i32 to index
    %get3A_358 = arith.constant 16 : index
    %get3A_359 = tpu.vector_load %arg7[%get3A_357, %get3A_358] {strides = array<i32>} : memref<26x128xi32, #tpu.memory_space<vmem>>, vector<1x16xi32>,
    %get3A_360 = vector.shape_cast %get3A_359 : vector<1x16xi32> to vector<16xi32>
    %add3A_361 = arith.constant 100000 : i32
    %add3A_362 = vector.broadcast %add3A_361 : i32 to vector<16xi32>
    %add3A_363 = arith.addi %get3A_360, %add3A_362 : vector<16xi32>
    %swap3A_364 = arith.constant 1 : i32
    %swap3A_365 = arith.index_cast %swap3A_364 : i32 to index
    %swap3A_366 = arith.constant 16 : index
    %swap3A_367 = tpu.vector_load %arg7[%swap3A_365, %swap3A_366] {strides = array<i32>} : memref<26x128xi32, #tpu.memory_space<vmem>>, vector<1x16xi32>,
    %swap3A_368 = vector.shape_cast %swap3A_367 : vector<1x16xi32> to vector<16xi32>
    %swap3A_369 = vector.shape_cast %add3A_363 : vector<16xi32> to vector<1x16xi32>
    tpu.vector_store %arg7[%swap3A_365, %swap3A_366], %swap3A_369 {strides = array<i32>} : memref<26x128xi32, #tpu.memory_space<vmem>>, vector<1x16xi32>,
    %get3A_370 = arith.constant 2 : i32
    %get3A_371 = arith.index_cast %get3A_370 : i32 to index
    %get3A_372 = arith.constant 16 : index
    %get3A_373 = tpu.vector_load %arg7[%get3A_371, %get3A_372] {strides = array<i32>} : memref<26x128xi32, #tpu.memory_space<vmem>>, vector<1x16xi32>,
    %get3A_374 = vector.shape_cast %get3A_373 : vector<1x16xi32> to vector<16xi32>
    %add3A_375 = arith.constant 200000 : i32
    %add3A_376 = vector.broadcast %add3A_375 : i32 to vector<16xi32>
    %add3A_377 = arith.addi %get3A_374, %add3A_376 : vector<16xi32>
    %swap3A_378 = arith.constant 2 : i32
    %swap3A_379 = arith.index_cast %swap3A_378 : i32 to index
    %swap3A_380 = arith.constant 16 : index
    %swap3A_381 = tpu.vector_load %arg7[%swap3A_379, %swap3A_380] {strides = array<i32>} : memref<26x128xi32, #tpu.memory_space<vmem>>, vector<1x16xi32>,
    %swap3A_382 = vector.shape_cast %swap3A_381 : vector<1x16xi32> to vector<16xi32>
    %swap3A_383 = vector.shape_cast %add3A_377 : vector<16xi32> to vector<1x16xi32>
    tpu.vector_store %arg7[%swap3A_379, %swap3A_380], %swap3A_383 {strides = array<i32>} : memref<26x128xi32, #tpu.memory_space<vmem>>, vector<1x16xi32>,
    %get3A_384 = arith.constant 3 : i32
    %get3A_385 = arith.index_cast %get3A_384 : i32 to index
    %get3A_386 = arith.constant 16 : index
    %get3A_387 = tpu.vector_load %arg7[%get3A_385, %get3A_386] {strides = array<i32>} : memref<26x128xi32, #tpu.memory_space<vmem>>, vector<1x16xi32>,
    %get3A_388 = vector.shape_cast %get3A_387 : vector<1x16xi32> to vector<16xi32>
    %add3A_389 = arith.constant 300000 : i32
    %add3A_390 = vector.broadcast %add3A_389 : i32 to vector<16xi32>
    %add3A_391 = arith.addi %get3A_388, %add3A_390 : vector<16xi32>
    %swap3A_392 = arith.constant 3 : i32
    %swap3A_393 = arith.index_cast %swap3A_392 : i32 to index
    %swap3A_394 = arith.constant 16 : index
    %swap3A_395 = tpu.vector_load %arg7[%swap3A_393, %swap3A_394] {strides = array<i32>} : memref<26x128xi32, #tpu.memory_space<vmem>>, vector<1x16xi32>,
    %swap3A_396 = vector.shape_cast %swap3A_395 : vector<1x16xi32> to vector<16xi32>
    %swap3A_397 = vector.shape_cast %add3A_391 : vector<16xi32> to vector<1x16xi32>
    tpu.vector_store %arg7[%swap3A_393, %swap3A_394], %swap3A_397 {strides = array<i32>} : memref<26x128xi32, #tpu.memory_space<vmem>>, vector<1x16xi32>,
    %get3A_398 = arith.constant 4 : i32
    %get3A_399 = arith.index_cast %get3A_398 : i32 to index
    %get3A_400 = arith.constant 16 : index
    %get3A_401 = tpu.vector_load %arg7[%get3A_399, %get3A_400] {strides = array<i32>} : memref<26x128xi32, #tpu.memory_space<vmem>>, vector<1x16xi32>,
    %get3A_402 = vector.shape_cast %get3A_401 : vector<1x16xi32> to vector<16xi32>
    %add3A_403 = arith.constant 400000 : i32
    %add3A_404 = vector.broadcast %add3A_403 : i32 to vector<16xi32>
    %add3A_405 = arith.addi %get3A_402, %add3A_404 : vector<16xi32>
    %swap3A_406 = arith.constant 4 : i32
    %swap3A_407 = arith.index_cast %swap3A_406 : i32 to index
    %swap3A_408 = arith.constant 16 : index
    %swap3A_409 = tpu.vector_load %arg7[%swap3A_407, %swap3A_408] {strides = array<i32>} : memref<26x128xi32, #tpu.memory_space<vmem>>, vector<1x16xi32>,
    %swap3A_410 = vector.shape_cast %swap3A_409 : vector<1x16xi32> to vector<16xi32>
    %swap3A_411 = vector.shape_cast %add3A_405 : vector<16xi32> to vector<1x16xi32>
    tpu.vector_store %arg7[%swap3A_407, %swap3A_408], %swap3A_411 {strides = array<i32>} : memref<26x128xi32, #tpu.memory_space<vmem>>, vector<1x16xi32>,
    %get3A_412 = arith.constant 5 : i32
    %get3A_413 = arith.index_cast %get3A_412 : i32 to index
    %get3A_414 = arith.constant 16 : index
    %get3A_415 = tpu.vector_load %arg7[%get3A_413, %get3A_414] {strides = array<i32>} : memref<26x128xi32, #tpu.memory_space<vmem>>, vector<1x16xi32>,
    %get3A_416 = vector.shape_cast %get3A_415 : vector<1x16xi32> to vector<16xi32>
    %add3A_417 = arith.constant 500000 : i32
    %add3A_418 = vector.broadcast %add3A_417 : i32 to vector<16xi32>
    %add3A_419 = arith.addi %get3A_416, %add3A_418 : vector<16xi32>
    %swap3A_420 = arith.constant 5 : i32
    %swap3A_421 = arith.index_cast %swap3A_420 : i32 to index
    %swap3A_422 = arith.constant 16 : index
    %swap3A_423 = tpu.vector_load %arg7[%swap3A_421, %swap3A_422] {strides = array<i32>} : memref<26x128xi32, #tpu.memory_space<vmem>>, vector<1x16xi32>,
    %swap3A_424 = vector.shape_cast %swap3A_423 : vector<1x16xi32> to vector<16xi32>
    %swap3A_425 = vector.shape_cast %add3A_419 : vector<16xi32> to vector<1x16xi32>
    tpu.vector_store %arg7[%swap3A_421, %swap3A_422], %swap3A_425 {strides = array<i32>} : memref<26x128xi32, #tpu.memory_space<vmem>>, vector<1x16xi32>,
    %get3A_426 = arith.constant 6 : i32
    %get3A_427 = arith.index_cast %get3A_426 : i32 to index
    %get3A_428 = arith.constant 16 : index
    %get3A_429 = tpu.vector_load %arg7[%get3A_427, %get3A_428] {strides = array<i32>} : memref<26x128xi32, #tpu.memory_space<vmem>>, vector<1x16xi32>,
    %get3A_430 = vector.shape_cast %get3A_429 : vector<1x16xi32> to vector<16xi32>
    %add3A_431 = arith.constant 600000 : i32
    %add3A_432 = vector.broadcast %add3A_431 : i32 to vector<16xi32>
    %add3A_433 = arith.addi %get3A_430, %add3A_432 : vector<16xi32>
    %swap3A_434 = arith.constant 6 : i32
    %swap3A_435 = arith.index_cast %swap3A_434 : i32 to index
    %swap3A_436 = arith.constant 16 : index
    %swap3A_437 = tpu.vector_load %arg7[%swap3A_435, %swap3A_436] {strides = array<i32>} : memref<26x128xi32, #tpu.memory_space<vmem>>, vector<1x16xi32>,
    %swap3A_438 = vector.shape_cast %swap3A_437 : vector<1x16xi32> to vector<16xi32>
    %swap3A_439 = vector.shape_cast %add3A_433 : vector<16xi32> to vector<1x16xi32>
    tpu.vector_store %arg7[%swap3A_435, %swap3A_436], %swap3A_439 {strides = array<i32>} : memref<26x128xi32, #tpu.memory_space<vmem>>, vector<1x16xi32>,
    %get3A_440 = arith.constant 7 : i32
    %get3A_441 = arith.index_cast %get3A_440 : i32 to index
    %get3A_442 = arith.constant 16 : index
    %get3A_443 = tpu.vector_load %arg7[%get3A_441, %get3A_442] {strides = array<i32>} : memref<26x128xi32, #tpu.memory_space<vmem>>, vector<1x16xi32>,
    %get3A_444 = vector.shape_cast %get3A_443 : vector<1x16xi32> to vector<16xi32>
    %add3A_445 = arith.constant 700000 : i32
    %add3A_446 = vector.broadcast %add3A_445 : i32 to vector<16xi32>
    %add3A_447 = arith.addi %get3A_444, %add3A_446 : vector<16xi32>
    %swap3A_448 = arith.constant 7 : i32
    %swap3A_449 = arith.index_cast %swap3A_448 : i32 to index
    %swap3A_450 = arith.constant 16 : index
    %swap3A_451 = tpu.vector_load %arg7[%swap3A_449, %swap3A_450] {strides = array<i32>} : memref<26x128xi32, #tpu.memory_space<vmem>>, vector<1x16xi32>,
    %swap3A_452 = vector.shape_cast %swap3A_451 : vector<1x16xi32> to vector<16xi32>
    %swap3A_453 = vector.shape_cast %add3A_447 : vector<16xi32> to vector<1x16xi32>
    tpu.vector_store %arg7[%swap3A_449, %swap3A_450], %swap3A_453 {strides = array<i32>} : memref<26x128xi32, #tpu.memory_space<vmem>>, vector<1x16xi32>,
    %get3A_454 = arith.constant 8 : i32
    %get3A_455 = arith.index_cast %get3A_454 : i32 to index
    %get3A_456 = arith.constant 16 : index
    %get3A_457 = tpu.vector_load %arg7[%get3A_455, %get3A_456] {strides = array<i32>} : memref<26x128xi32, #tpu.memory_space<vmem>>, vector<1x16xi32>,
    %get3A_458 = vector.shape_cast %get3A_457 : vector<1x16xi32> to vector<16xi32>
    %add3A_459 = arith.constant 800000 : i32
    %add3A_460 = vector.broadcast %add3A_459 : i32 to vector<16xi32>
    %add3A_461 = arith.addi %get3A_458, %add3A_460 : vector<16xi32>
    %swap3A_462 = arith.constant 8 : i32
    %swap3A_463 = arith.index_cast %swap3A_462 : i32 to index
    %swap3A_464 = arith.constant 16 : index
    %swap3A_465 = tpu.vector_load %arg7[%swap3A_463, %swap3A_464] {strides = array<i32>} : memref<26x128xi32, #tpu.memory_space<vmem>>, vector<1x16xi32>,
    %swap3A_466 = vector.shape_cast %swap3A_465 : vector<1x16xi32> to vector<16xi32>
    %swap3A_467 = vector.shape_cast %add3A_461 : vector<16xi32> to vector<1x16xi32>
    tpu.vector_store %arg7[%swap3A_463, %swap3A_464], %swap3A_467 {strides = array<i32>} : memref<26x128xi32, #tpu.memory_space<vmem>>, vector<1x16xi32>,
    %get3A_468 = arith.constant 9 : i32
    %get3A_469 = arith.index_cast %get3A_468 : i32 to index
    %get3A_470 = arith.constant 16 : index
    %get3A_471 = tpu.vector_load %arg7[%get3A_469, %get3A_470] {strides = array<i32>} : memref<26x128xi32, #tpu.memory_space<vmem>>, vector<1x16xi32>,
    %get3A_472 = vector.shape_cast %get3A_471 : vector<1x16xi32> to vector<16xi32>
    %add3A_473 = arith.constant 900000 : i32
    %add3A_474 = vector.broadcast %add3A_473 : i32 to vector<16xi32>
    %add3A_475 = arith.addi %get3A_472, %add3A_474 : vector<16xi32>
    %swap3A_476 = arith.constant 9 : i32
    %swap3A_477 = arith.index_cast %swap3A_476 : i32 to index
    %swap3A_478 = arith.constant 16 : index
    %swap3A_479 = tpu.vector_load %arg7[%swap3A_477, %swap3A_478] {strides = array<i32>} : memref<26x128xi32, #tpu.memory_space<vmem>>, vector<1x16xi32>,
    %swap3A_480 = vector.shape_cast %swap3A_479 : vector<1x16xi32> to vector<16xi32>
    %swap3A_481 = vector.shape_cast %add3A_475 : vector<16xi32> to vector<1x16xi32>
    tpu.vector_store %arg7[%swap3A_477, %swap3A_478], %swap3A_481 {strides = array<i32>} : memref<26x128xi32, #tpu.memory_space<vmem>>, vector<1x16xi32>,
    %get3A_482 = arith.constant 10 : i32
    %get3A_483 = arith.index_cast %get3A_482 : i32 to index
    %get3A_484 = arith.constant 16 : index
    %get3A_485 = tpu.vector_load %arg7[%get3A_483, %get3A_484] {strides = array<i32>} : memref<26x128xi32, #tpu.memory_space<vmem>>, vector<1x16xi32>,
    %get3A_486 = vector.shape_cast %get3A_485 : vector<1x16xi32> to vector<16xi32>
    %add3A_487 = arith.constant 1000000 : i32
    %add3A_488 = vector.broadcast %add3A_487 : i32 to vector<16xi32>
    %add3A_489 = arith.addi %get3A_486, %add3A_488 : vector<16xi32>
    %swap3A_490 = arith.constant 10 : i32
    %swap3A_491 = arith.index_cast %swap3A_490 : i32 to index
    %swap3A_492 = arith.constant 16 : index
    %swap3A_493 = tpu.vector_load %arg7[%swap3A_491, %swap3A_492] {strides = array<i32>} : memref<26x128xi32, #tpu.memory_space<vmem>>, vector<1x16xi32>,
    %swap3A_494 = vector.shape_cast %swap3A_493 : vector<1x16xi32> to vector<16xi32>
    %swap3A_495 = vector.shape_cast %add3A_489 : vector<16xi32> to vector<1x16xi32>
    tpu.vector_store %arg7[%swap3A_491, %swap3A_492], %swap3A_495 {strides = array<i32>} : memref<26x128xi32, #tpu.memory_space<vmem>>, vector<1x16xi32>,
    %get3A_496 = arith.constant 11 : i32
    %get3A_497 = arith.index_cast %get3A_496 : i32 to index
    %get3A_498 = arith.constant 16 : index
    %get3A_499 = tpu.vector_load %arg7[%get3A_497, %get3A_498] {strides = array<i32>} : memref<26x128xi32, #tpu.memory_space<vmem>>, vector<1x16xi32>,
    %get3A_500 = vector.shape_cast %get3A_499 : vector<1x16xi32> to vector<16xi32>
    %add3A_501 = arith.constant 1100000 : i32
    %add3A_502 = vector.broadcast %add3A_501 : i32 to vector<16xi32>
    %add3A_503 = arith.addi %get3A_500, %add3A_502 : vector<16xi32>
    %swap3A_504 = arith.constant 11 : i32
    %swap3A_505 = arith.index_cast %swap3A_504 : i32 to index
    %swap3A_506 = arith.constant 16 : index
    %swap3A_507 = tpu.vector_load %arg7[%swap3A_505, %swap3A_506] {strides = array<i32>} : memref<26x128xi32, #tpu.memory_space<vmem>>, vector<1x16xi32>,
    %swap3A_508 = vector.shape_cast %swap3A_507 : vector<1x16xi32> to vector<16xi32>
    %swap3A_509 = vector.shape_cast %add3A_503 : vector<16xi32> to vector<1x16xi32>
    tpu.vector_store %arg7[%swap3A_505, %swap3A_506], %swap3A_509 {strides = array<i32>} : memref<26x128xi32, #tpu.memory_space<vmem>>, vector<1x16xi32>,
    %get3A_510 = arith.constant 12 : i32
    %get3A_511 = arith.index_cast %get3A_510 : i32 to index
    %get3A_512 = arith.constant 16 : index
    %get3A_513 = tpu.vector_load %arg7[%get3A_511, %get3A_512] {strides = array<i32>} : memref<26x128xi32, #tpu.memory_space<vmem>>, vector<1x16xi32>,
    %get3A_514 = vector.shape_cast %get3A_513 : vector<1x16xi32> to vector<16xi32>
    %add3A_515 = arith.constant 1200000 : i32
    %add3A_516 = vector.broadcast %add3A_515 : i32 to vector<16xi32>
    %add3A_517 = arith.addi %get3A_514, %add3A_516 : vector<16xi32>
    %swap3A_518 = arith.constant 12 : i32
    %swap3A_519 = arith.index_cast %swap3A_518 : i32 to index
    %swap3A_520 = arith.constant 16 : index
    %swap3A_521 = tpu.vector_load %arg7[%swap3A_519, %swap3A_520] {strides = array<i32>} : memref<26x128xi32, #tpu.memory_space<vmem>>, vector<1x16xi32>,
    %swap3A_522 = vector.shape_cast %swap3A_521 : vector<1x16xi32> to vector<16xi32>
    %swap3A_523 = vector.shape_cast %add3A_517 : vector<16xi32> to vector<1x16xi32>
    tpu.vector_store %arg7[%swap3A_519, %swap3A_520], %swap3A_523 {strides = array<i32>} : memref<26x128xi32, #tpu.memory_space<vmem>>, vector<1x16xi32>,
    %get3A_524 = arith.constant 14 : i32
    %get3A_525 = arith.index_cast %get3A_524 : i32 to index
    %get3A_526 = arith.constant 16 : index
    %get3A_527 = tpu.vector_load %arg7[%get3A_525, %get3A_526] {strides = array<i32>} : memref<26x128xi32, #tpu.memory_space<vmem>>, vector<1x16xi32>,
    %get3A_528 = vector.shape_cast %get3A_527 : vector<1x16xi32> to vector<16xi32>
    %add3A_529 = arith.constant 100000 : i32
    %add3A_530 = vector.broadcast %add3A_529 : i32 to vector<16xi32>
    %add3A_531 = arith.addi %get3A_528, %add3A_530 : vector<16xi32>
    %swap3A_532 = arith.constant 14 : i32
    %swap3A_533 = arith.index_cast %swap3A_532 : i32 to index
    %swap3A_534 = arith.constant 16 : index
    %swap3A_535 = tpu.vector_load %arg7[%swap3A_533, %swap3A_534] {strides = array<i32>} : memref<26x128xi32, #tpu.memory_space<vmem>>, vector<1x16xi32>,
    %swap3A_536 = vector.shape_cast %swap3A_535 : vector<1x16xi32> to vector<16xi32>
    %swap3A_537 = vector.shape_cast %add3A_531 : vector<16xi32> to vector<1x16xi32>
    tpu.vector_store %arg7[%swap3A_533, %swap3A_534], %swap3A_537 {strides = array<i32>} : memref<26x128xi32, #tpu.memory_space<vmem>>, vector<1x16xi32>,
    %get3A_538 = arith.constant 15 : i32
    %get3A_539 = arith.index_cast %get3A_538 : i32 to index
    %get3A_540 = arith.constant 16 : index
    %get3A_541 = tpu.vector_load %arg7[%get3A_539, %get3A_540] {strides = array<i32>} : memref<26x128xi32, #tpu.memory_space<vmem>>, vector<1x16xi32>,
    %get3A_542 = vector.shape_cast %get3A_541 : vector<1x16xi32> to vector<16xi32>
    %add3A_543 = arith.constant 200000 : i32
    %add3A_544 = vector.broadcast %add3A_543 : i32 to vector<16xi32>
    %add3A_545 = arith.addi %get3A_542, %add3A_544 : vector<16xi32>
    %swap3A_546 = arith.constant 15 : i32
    %swap3A_547 = arith.index_cast %swap3A_546 : i32 to index
    %swap3A_548 = arith.constant 16 : index
    %swap3A_549 = tpu.vector_load %arg7[%swap3A_547, %swap3A_548] {strides = array<i32>} : memref<26x128xi32, #tpu.memory_space<vmem>>, vector<1x16xi32>,
    %swap3A_550 = vector.shape_cast %swap3A_549 : vector<1x16xi32> to vector<16xi32>
    %swap3A_551 = vector.shape_cast %add3A_545 : vector<16xi32> to vector<1x16xi32>
    tpu.vector_store %arg7[%swap3A_547, %swap3A_548], %swap3A_551 {strides = array<i32>} : memref<26x128xi32, #tpu.memory_space<vmem>>, vector<1x16xi32>,
    %get3A_552 = arith.constant 16 : i32
    %get3A_553 = arith.index_cast %get3A_552 : i32 to index
    %get3A_554 = arith.constant 16 : index
    %get3A_555 = tpu.vector_load %arg7[%get3A_553, %get3A_554] {strides = array<i32>} : memref<26x128xi32, #tpu.memory_space<vmem>>, vector<1x16xi32>,
    %get3A_556 = vector.shape_cast %get3A_555 : vector<1x16xi32> to vector<16xi32>
    %add3A_557 = arith.constant 300000 : i32
    %add3A_558 = vector.broadcast %add3A_557 : i32 to vector<16xi32>
    %add3A_559 = arith.addi %get3A_556, %add3A_558 : vector<16xi32>
    %swap3A_560 = arith.constant 16 : i32
    %swap3A_561 = arith.index_cast %swap3A_560 : i32 to index
    %swap3A_562 = arith.constant 16 : index
    %swap3A_563 = tpu.vector_load %arg7[%swap3A_561, %swap3A_562] {strides = array<i32>} : memref<26x128xi32, #tpu.memory_space<vmem>>, vector<1x16xi32>,
    %swap3A_564 = vector.shape_cast %swap3A_563 : vector<1x16xi32> to vector<16xi32>
    %swap3A_565 = vector.shape_cast %add3A_559 : vector<16xi32> to vector<1x16xi32>
    tpu.vector_store %arg7[%swap3A_561, %swap3A_562], %swap3A_565 {strides = array<i32>} : memref<26x128xi32, #tpu.memory_space<vmem>>, vector<1x16xi32>,
    %get3A_566 = arith.constant 17 : i32
    %get3A_567 = arith.index_cast %get3A_566 : i32 to index
    %get3A_568 = arith.constant 16 : index
    %get3A_569 = tpu.vector_load %arg7[%get3A_567, %get3A_568] {strides = array<i32>} : memref<26x128xi32, #tpu.memory_space<vmem>>, vector<1x16xi32>,
    %get3A_570 = vector.shape_cast %get3A_569 : vector<1x16xi32> to vector<16xi32>
    %add3A_571 = arith.constant 400000 : i32
    %add3A_572 = vector.broadcast %add3A_571 : i32 to vector<16xi32>
    %add3A_573 = arith.addi %get3A_570, %add3A_572 : vector<16xi32>
    %swap3A_574 = arith.constant 17 : i32
    %swap3A_575 = arith.index_cast %swap3A_574 : i32 to index
    %swap3A_576 = arith.constant 16 : index
    %swap3A_577 = tpu.vector_load %arg7[%swap3A_575, %swap3A_576] {strides = array<i32>} : memref<26x128xi32, #tpu.memory_space<vmem>>, vector<1x16xi32>,
    %swap3A_578 = vector.shape_cast %swap3A_577 : vector<1x16xi32> to vector<16xi32>
    %swap3A_579 = vector.shape_cast %add3A_573 : vector<16xi32> to vector<1x16xi32>
    tpu.vector_store %arg7[%swap3A_575, %swap3A_576], %swap3A_579 {strides = array<i32>} : memref<26x128xi32, #tpu.memory_space<vmem>>, vector<1x16xi32>,
    %get3A_580 = arith.constant 18 : i32
    %get3A_581 = arith.index_cast %get3A_580 : i32 to index
    %get3A_582 = arith.constant 16 : index
    %get3A_583 = tpu.vector_load %arg7[%get3A_581, %get3A_582] {strides = array<i32>} : memref<26x128xi32, #tpu.memory_space<vmem>>, vector<1x16xi32>,
    %get3A_584 = vector.shape_cast %get3A_583 : vector<1x16xi32> to vector<16xi32>
    %add3A_585 = arith.constant 500000 : i32
    %add3A_586 = vector.broadcast %add3A_585 : i32 to vector<16xi32>
    %add3A_587 = arith.addi %get3A_584, %add3A_586 : vector<16xi32>
    %swap3A_588 = arith.constant 18 : i32
    %swap3A_589 = arith.index_cast %swap3A_588 : i32 to index
    %swap3A_590 = arith.constant 16 : index
    %swap3A_591 = tpu.vector_load %arg7[%swap3A_589, %swap3A_590] {strides = array<i32>} : memref<26x128xi32, #tpu.memory_space<vmem>>, vector<1x16xi32>,
    %swap3A_592 = vector.shape_cast %swap3A_591 : vector<1x16xi32> to vector<16xi32>
    %swap3A_593 = vector.shape_cast %add3A_587 : vector<16xi32> to vector<1x16xi32>
    tpu.vector_store %arg7[%swap3A_589, %swap3A_590], %swap3A_593 {strides = array<i32>} : memref<26x128xi32, #tpu.memory_space<vmem>>, vector<1x16xi32>,
    %get3A_594 = arith.constant 19 : i32
    %get3A_595 = arith.index_cast %get3A_594 : i32 to index
    %get3A_596 = arith.constant 16 : index
    %get3A_597 = tpu.vector_load %arg7[%get3A_595, %get3A_596] {strides = array<i32>} : memref<26x128xi32, #tpu.memory_space<vmem>>, vector<1x16xi32>,
    %get3A_598 = vector.shape_cast %get3A_597 : vector<1x16xi32> to vector<16xi32>
    %add3A_599 = arith.constant 600000 : i32
    %add3A_600 = vector.broadcast %add3A_599 : i32 to vector<16xi32>
    %add3A_601 = arith.addi %get3A_598, %add3A_600 : vector<16xi32>
    %swap3A_602 = arith.constant 19 : i32
    %swap3A_603 = arith.index_cast %swap3A_602 : i32 to index
    %swap3A_604 = arith.constant 16 : index
    %swap3A_605 = tpu.vector_load %arg7[%swap3A_603, %swap3A_604] {strides = array<i32>} : memref<26x128xi32, #tpu.memory_space<vmem>>, vector<1x16xi32>,
    %swap3A_606 = vector.shape_cast %swap3A_605 : vector<1x16xi32> to vector<16xi32>
    %swap3A_607 = vector.shape_cast %add3A_601 : vector<16xi32> to vector<1x16xi32>
    tpu.vector_store %arg7[%swap3A_603, %swap3A_604], %swap3A_607 {strides = array<i32>} : memref<26x128xi32, #tpu.memory_space<vmem>>, vector<1x16xi32>,
    %get3A_608 = arith.constant 20 : i32
    %get3A_609 = arith.index_cast %get3A_608 : i32 to index
    %get3A_610 = arith.constant 16 : index
    %get3A_611 = tpu.vector_load %arg7[%get3A_609, %get3A_610] {strides = array<i32>} : memref<26x128xi32, #tpu.memory_space<vmem>>, vector<1x16xi32>,
    %get3A_612 = vector.shape_cast %get3A_611 : vector<1x16xi32> to vector<16xi32>
    %add3A_613 = arith.constant 700000 : i32
    %add3A_614 = vector.broadcast %add3A_613 : i32 to vector<16xi32>
    %add3A_615 = arith.addi %get3A_612, %add3A_614 : vector<16xi32>
    %swap3A_616 = arith.constant 20 : i32
    %swap3A_617 = arith.index_cast %swap3A_616 : i32 to index
    %swap3A_618 = arith.constant 16 : index
    %swap3A_619 = tpu.vector_load %arg7[%swap3A_617, %swap3A_618] {strides = array<i32>} : memref<26x128xi32, #tpu.memory_space<vmem>>, vector<1x16xi32>,
    %swap3A_620 = vector.shape_cast %swap3A_619 : vector<1x16xi32> to vector<16xi32>
    %swap3A_621 = vector.shape_cast %add3A_615 : vector<16xi32> to vector<1x16xi32>
    tpu.vector_store %arg7[%swap3A_617, %swap3A_618], %swap3A_621 {strides = array<i32>} : memref<26x128xi32, #tpu.memory_space<vmem>>, vector<1x16xi32>,
    %get3A_622 = arith.constant 21 : i32
    %get3A_623 = arith.index_cast %get3A_622 : i32 to index
    %get3A_624 = arith.constant 16 : index
    %get3A_625 = tpu.vector_load %arg7[%get3A_623, %get3A_624] {strides = array<i32>} : memref<26x128xi32, #tpu.memory_space<vmem>>, vector<1x16xi32>,
    %get3A_626 = vector.shape_cast %get3A_625 : vector<1x16xi32> to vector<16xi32>
    %add3A_627 = arith.constant 800000 : i32
    %add3A_628 = vector.broadcast %add3A_627 : i32 to vector<16xi32>
    %add3A_629 = arith.addi %get3A_626, %add3A_628 : vector<16xi32>
    %swap3A_630 = arith.constant 21 : i32
    %swap3A_631 = arith.index_cast %swap3A_630 : i32 to index
    %swap3A_632 = arith.constant 16 : index
    %swap3A_633 = tpu.vector_load %arg7[%swap3A_631, %swap3A_632] {strides = array<i32>} : memref<26x128xi32, #tpu.memory_space<vmem>>, vector<1x16xi32>,
    %swap3A_634 = vector.shape_cast %swap3A_633 : vector<1x16xi32> to vector<16xi32>
    %swap3A_635 = vector.shape_cast %add3A_629 : vector<16xi32> to vector<1x16xi32>
    tpu.vector_store %arg7[%swap3A_631, %swap3A_632], %swap3A_635 {strides = array<i32>} : memref<26x128xi32, #tpu.memory_space<vmem>>, vector<1x16xi32>,
    %get3A_636 = arith.constant 22 : i32
    %get3A_637 = arith.index_cast %get3A_636 : i32 to index
    %get3A_638 = arith.constant 16 : index
    %get3A_639 = tpu.vector_load %arg7[%get3A_637, %get3A_638] {strides = array<i32>} : memref<26x128xi32, #tpu.memory_space<vmem>>, vector<1x16xi32>,
    %get3A_640 = vector.shape_cast %get3A_639 : vector<1x16xi32> to vector<16xi32>
    %add3A_641 = arith.constant 900000 : i32
    %add3A_642 = vector.broadcast %add3A_641 : i32 to vector<16xi32>
    %add3A_643 = arith.addi %get3A_640, %add3A_642 : vector<16xi32>
    %swap3A_644 = arith.constant 22 : i32
    %swap3A_645 = arith.index_cast %swap3A_644 : i32 to index
    %swap3A_646 = arith.constant 16 : index
    %swap3A_647 = tpu.vector_load %arg7[%swap3A_645, %swap3A_646] {strides = array<i32>} : memref<26x128xi32, #tpu.memory_space<vmem>>, vector<1x16xi32>,
    %swap3A_648 = vector.shape_cast %swap3A_647 : vector<1x16xi32> to vector<16xi32>
    %swap3A_649 = vector.shape_cast %add3A_643 : vector<16xi32> to vector<1x16xi32>
    tpu.vector_store %arg7[%swap3A_645, %swap3A_646], %swap3A_649 {strides = array<i32>} : memref<26x128xi32, #tpu.memory_space<vmem>>, vector<1x16xi32>,
    %get3A_650 = arith.constant 23 : i32
    %get3A_651 = arith.index_cast %get3A_650 : i32 to index
    %get3A_652 = arith.constant 16 : index
    %get3A_653 = tpu.vector_load %arg7[%get3A_651, %get3A_652] {strides = array<i32>} : memref<26x128xi32, #tpu.memory_space<vmem>>, vector<1x16xi32>,
    %get3A_654 = vector.shape_cast %get3A_653 : vector<1x16xi32> to vector<16xi32>
    %add3A_655 = arith.constant 1000000 : i32
    %add3A_656 = vector.broadcast %add3A_655 : i32 to vector<16xi32>
    %add3A_657 = arith.addi %get3A_654, %add3A_656 : vector<16xi32>
    %swap3A_658 = arith.constant 23 : i32
    %swap3A_659 = arith.index_cast %swap3A_658 : i32 to index
    %swap3A_660 = arith.constant 16 : index
    %swap3A_661 = tpu.vector_load %arg7[%swap3A_659, %swap3A_660] {strides = array<i32>} : memref<26x128xi32, #tpu.memory_space<vmem>>, vector<1x16xi32>,
    %swap3A_662 = vector.shape_cast %swap3A_661 : vector<1x16xi32> to vector<16xi32>
    %swap3A_663 = vector.shape_cast %add3A_657 : vector<16xi32> to vector<1x16xi32>
    tpu.vector_store %arg7[%swap3A_659, %swap3A_660], %swap3A_663 {strides = array<i32>} : memref<26x128xi32, #tpu.memory_space<vmem>>, vector<1x16xi32>,
    %get3A_664 = arith.constant 24 : i32
    %get3A_665 = arith.index_cast %get3A_664 : i32 to index
    %get3A_666 = arith.constant 16 : index
    %get3A_667 = tpu.vector_load %arg7[%get3A_665, %get3A_666] {strides = array<i32>} : memref<26x128xi32, #tpu.memory_space<vmem>>, vector<1x16xi32>,
    %get3A_668 = vector.shape_cast %get3A_667 : vector<1x16xi32> to vector<16xi32>
    %add3A_669 = arith.constant 1100000 : i32
    %add3A_670 = vector.broadcast %add3A_669 : i32 to vector<16xi32>
    %add3A_671 = arith.addi %get3A_668, %add3A_670 : vector<16xi32>
    %swap3A_672 = arith.constant 24 : i32
    %swap3A_673 = arith.index_cast %swap3A_672 : i32 to index
    %swap3A_674 = arith.constant 16 : index
    %swap3A_675 = tpu.vector_load %arg7[%swap3A_673, %swap3A_674] {strides = array<i32>} : memref<26x128xi32, #tpu.memory_space<vmem>>, vector<1x16xi32>,
    %swap3A_676 = vector.shape_cast %swap3A_675 : vector<1x16xi32> to vector<16xi32>
    %swap3A_677 = vector.shape_cast %add3A_671 : vector<16xi32> to vector<1x16xi32>
    tpu.vector_store %arg7[%swap3A_673, %swap3A_674], %swap3A_677 {strides = array<i32>} : memref<26x128xi32, #tpu.memory_space<vmem>>, vector<1x16xi32>,
    %get3A_678 = arith.constant 25 : i32
    %get3A_679 = arith.index_cast %get3A_678 : i32 to index
    %get3A_680 = arith.constant 16 : index
    %get3A_681 = tpu.vector_load %arg7[%get3A_679, %get3A_680] {strides = array<i32>} : memref<26x128xi32, #tpu.memory_space<vmem>>, vector<1x16xi32>,
    %get3A_682 = vector.shape_cast %get3A_681 : vector<1x16xi32> to vector<16xi32>
    %add3A_683 = arith.constant 1200000 : i32
    %add3A_684 = vector.broadcast %add3A_683 : i32 to vector<16xi32>
    %add3A_685 = arith.addi %get3A_682, %add3A_684 : vector<16xi32>
    %swap3A_686 = arith.constant 25 : i32
    %swap3A_687 = arith.index_cast %swap3A_686 : i32 to index
    %swap3A_688 = arith.constant 16 : index
    %swap3A_689 = tpu.vector_load %arg7[%swap3A_687, %swap3A_688] {strides = array<i32>} : memref<26x128xi32, #tpu.memory_space<vmem>>, vector<1x16xi32>,
    %swap3A_690 = vector.shape_cast %swap3A_689 : vector<1x16xi32> to vector<16xi32>
    %swap3A_691 = vector.shape_cast %add3A_685 : vector<16xi32> to vector<1x16xi32>
    tpu.vector_store %arg7[%swap3A_687, %swap3A_688], %swap3A_691 {strides = array<i32>} : memref<26x128xi32, #tpu.memory_space<vmem>>, vector<1x16xi32>,
    %iota3A_692 = tpu.iota {dimensions = array<i32: 0>} : vector<16xi32>
    %add3A_693 = arith.constant 32 : i32
    %add3A_694 = arith.addi %mul3A_4, %add3A_693 : i32
    %add3A_695 = vector.broadcast %add3A_694 : i32 to vector<16xi32>
    %add3A_696 = arith.addi %iota3A_692, %add3A_695 : vector<16xi32>
    %swap3A_697 = arith.constant 32 : index
    %swap3A_698 = tpu.vector_load %arg8[%swap3A_697] {strides = array<i32>} : memref<128xi32, #tpu.memory_space<vmem>>, vector<16xi32>,
    %swap3A_699 = vector.shape_cast %swap3A_698 : vector<16xi32> to vector<16xi32>
    %swap3A_700 = vector.shape_cast %add3A_696 : vector<16xi32> to vector<16xi32>
    tpu.vector_store %arg8[%swap3A_697], %swap3A_700 {strides = array<i32>} : memref<128xi32, #tpu.memory_space<vmem>>, vector<16xi32>,
    %get3A_701 = arith.constant 1 : i32
    %get3A_702 = arith.index_cast %get3A_701 : i32 to index
    %get3A_703 = arith.constant 32 : index
    %get3A_704 = tpu.vector_load %arg7[%get3A_702, %get3A_703] {strides = array<i32>} : memref<26x128xi32, #tpu.memory_space<vmem>>, vector<1x16xi32>,
    %get3A_705 = vector.shape_cast %get3A_704 : vector<1x16xi32> to vector<16xi32>
    %add3A_706 = arith.constant 100000 : i32
    %add3A_707 = vector.broadcast %add3A_706 : i32 to vector<16xi32>
    %add3A_708 = arith.addi %get3A_705, %add3A_707 : vector<16xi32>
    %swap3A_709 = arith.constant 1 : i32
    %swap3A_710 = arith.index_cast %swap3A_709 : i32 to index
    %swap3A_711 = arith.constant 32 : index
    %swap3A_712 = tpu.vector_load %arg7[%swap3A_710, %swap3A_711] {strides = array<i32>} : memref<26x128xi32, #tpu.memory_space<vmem>>, vector<1x16xi32>,
    %swap3A_713 = vector.shape_cast %swap3A_712 : vector<1x16xi32> to vector<16xi32>
    %swap3A_714 = vector.shape_cast %add3A_708 : vector<16xi32> to vector<1x16xi32>
    tpu.vector_store %arg7[%swap3A_710, %swap3A_711], %swap3A_714 {strides = array<i32>} : memref<26x128xi32, #tpu.memory_space<vmem>>, vector<1x16xi32>,
    %get3A_715 = arith.constant 2 : i32
    %get3A_716 = arith.index_cast %get3A_715 : i32 to index
    %get3A_717 = arith.constant 32 : index
    %get3A_718 = tpu.vector_load %arg7[%get3A_716, %get3A_717] {strides = array<i32>} : memref<26x128xi32, #tpu.memory_space<vmem>>, vector<1x16xi32>,
    %get3A_719 = vector.shape_cast %get3A_718 : vector<1x16xi32> to vector<16xi32>
    %add3A_720 = arith.constant 200000 : i32
    %add3A_721 = vector.broadcast %add3A_720 : i32 to vector<16xi32>
    %add3A_722 = arith.addi %get3A_719, %add3A_721 : vector<16xi32>
    %swap3A_723 = arith.constant 2 : i32
    %swap3A_724 = arith.index_cast %swap3A_723 : i32 to index
    %swap3A_725 = arith.constant 32 : index
    %swap3A_726 = tpu.vector_load %arg7[%swap3A_724, %swap3A_725] {strides = array<i32>} : memref<26x128xi32, #tpu.memory_space<vmem>>, vector<1x16xi32>,
    %swap3A_727 = vector.shape_cast %swap3A_726 : vector<1x16xi32> to vector<16xi32>
    %swap3A_728 = vector.shape_cast %add3A_722 : vector<16xi32> to vector<1x16xi32>
    tpu.vector_store %arg7[%swap3A_724, %swap3A_725], %swap3A_728 {strides = array<i32>} : memref<26x128xi32, #tpu.memory_space<vmem>>, vector<1x16xi32>,
    %get3A_729 = arith.constant 3 : i32
    %get3A_730 = arith.index_cast %get3A_729 : i32 to index
    %get3A_731 = arith.constant 32 : index
    %get3A_732 = tpu.vector_load %arg7[%get3A_730, %get3A_731] {strides = array<i32>} : memref<26x128xi32, #tpu.memory_space<vmem>>, vector<1x16xi32>,
    %get3A_733 = vector.shape_cast %get3A_732 : vector<1x16xi32> to vector<16xi32>
    %add3A_734 = arith.constant 300000 : i32
    %add3A_735 = vector.broadcast %add3A_734 : i32 to vector<16xi32>
    %add3A_736 = arith.addi %get3A_733, %add3A_735 : vector<16xi32>
    %swap3A_737 = arith.constant 3 : i32
    %swap3A_738 = arith.index_cast %swap3A_737 : i32 to index
    %swap3A_739 = arith.constant 32 : index
    %swap3A_740 = tpu.vector_load %arg7[%swap3A_738, %swap3A_739] {strides = array<i32>} : memref<26x128xi32, #tpu.memory_space<vmem>>, vector<1x16xi32>,
    %swap3A_741 = vector.shape_cast %swap3A_740 : vector<1x16xi32> to vector<16xi32>
    %swap3A_742 = vector.shape_cast %add3A_736 : vector<16xi32> to vector<1x16xi32>
    tpu.vector_store %arg7[%swap3A_738, %swap3A_739], %swap3A_742 {strides = array<i32>} : memref<26x128xi32, #tpu.memory_space<vmem>>, vector<1x16xi32>,
    %get3A_743 = arith.constant 4 : i32
    %get3A_744 = arith.index_cast %get3A_743 : i32 to index
    %get3A_745 = arith.constant 32 : index
    %get3A_746 = tpu.vector_load %arg7[%get3A_744, %get3A_745] {strides = array<i32>} : memref<26x128xi32, #tpu.memory_space<vmem>>, vector<1x16xi32>,
    %get3A_747 = vector.shape_cast %get3A_746 : vector<1x16xi32> to vector<16xi32>
    %add3A_748 = arith.constant 400000 : i32
    %add3A_749 = vector.broadcast %add3A_748 : i32 to vector<16xi32>
    %add3A_750 = arith.addi %get3A_747, %add3A_749 : vector<16xi32>
    %swap3A_751 = arith.constant 4 : i32
    %swap3A_752 = arith.index_cast %swap3A_751 : i32 to index
    %swap3A_753 = arith.constant 32 : index
    %swap3A_754 = tpu.vector_load %arg7[%swap3A_752, %swap3A_753] {strides = array<i32>} : memref<26x128xi32, #tpu.memory_space<vmem>>, vector<1x16xi32>,
    %swap3A_755 = vector.shape_cast %swap3A_754 : vector<1x16xi32> to vector<16xi32>
    %swap3A_756 = vector.shape_cast %add3A_750 : vector<16xi32> to vector<1x16xi32>
    tpu.vector_store %arg7[%swap3A_752, %swap3A_753], %swap3A_756 {strides = array<i32>} : memref<26x128xi32, #tpu.memory_space<vmem>>, vector<1x16xi32>,
    %get3A_757 = arith.constant 5 : i32
    %get3A_758 = arith.index_cast %get3A_757 : i32 to index
    %get3A_759 = arith.constant 32 : index
    %get3A_760 = tpu.vector_load %arg7[%get3A_758, %get3A_759] {strides = array<i32>} : memref<26x128xi32, #tpu.memory_space<vmem>>, vector<1x16xi32>,
    %get3A_761 = vector.shape_cast %get3A_760 : vector<1x16xi32> to vector<16xi32>
    %add3A_762 = arith.constant 500000 : i32
    %add3A_763 = vector.broadcast %add3A_762 : i32 to vector<16xi32>
    %add3A_764 = arith.addi %get3A_761, %add3A_763 : vector<16xi32>
    %swap3A_765 = arith.constant 5 : i32
    %swap3A_766 = arith.index_cast %swap3A_765 : i32 to index
    %swap3A_767 = arith.constant 32 : index
    %swap3A_768 = tpu.vector_load %arg7[%swap3A_766, %swap3A_767] {strides = array<i32>} : memref<26x128xi32, #tpu.memory_space<vmem>>, vector<1x16xi32>,
    %swap3A_769 = vector.shape_cast %swap3A_768 : vector<1x16xi32> to vector<16xi32>
    %swap3A_770 = vector.shape_cast %add3A_764 : vector<16xi32> to vector<1x16xi32>
    tpu.vector_store %arg7[%swap3A_766, %swap3A_767], %swap3A_770 {strides = array<i32>} : memref<26x128xi32, #tpu.memory_space<vmem>>, vector<1x16xi32>,
    %get3A_771 = arith.constant 6 : i32
    %get3A_772 = arith.index_cast %get3A_771 : i32 to index
    %get3A_773 = arith.constant 32 : index
    %get3A_774 = tpu.vector_load %arg7[%get3A_772, %get3A_773] {strides = array<i32>} : memref<26x128xi32, #tpu.memory_space<vmem>>, vector<1x16xi32>,
    %get3A_775 = vector.shape_cast %get3A_774 : vector<1x16xi32> to vector<16xi32>
    %add3A_776 = arith.constant 600000 : i32
    %add3A_777 = vector.broadcast %add3A_776 : i32 to vector<16xi32>
    %add3A_778 = arith.addi %get3A_775, %add3A_777 : vector<16xi32>
    %swap3A_779 = arith.constant 6 : i32
    %swap3A_780 = arith.index_cast %swap3A_779 : i32 to index
    %swap3A_781 = arith.constant 32 : index
    %swap3A_782 = tpu.vector_load %arg7[%swap3A_780, %swap3A_781] {strides = array<i32>} : memref<26x128xi32, #tpu.memory_space<vmem>>, vector<1x16xi32>,
    %swap3A_783 = vector.shape_cast %swap3A_782 : vector<1x16xi32> to vector<16xi32>
    %swap3A_784 = vector.shape_cast %add3A_778 : vector<16xi32> to vector<1x16xi32>
    tpu.vector_store %arg7[%swap3A_780, %swap3A_781], %swap3A_784 {strides = array<i32>} : memref<26x128xi32, #tpu.memory_space<vmem>>, vector<1x16xi32>,
    %get3A_785 = arith.constant 7 : i32
    %get3A_786 = arith.index_cast %get3A_785 : i32 to index
    %get3A_787 = arith.constant 32 : index
    %get3A_788 = tpu.vector_load %arg7[%get3A_786, %get3A_787] {strides = array<i32>} : memref<26x128xi32, #tpu.memory_space<vmem>>, vector<1x16xi32>,
    %get3A_789 = vector.shape_cast %get3A_788 : vector<1x16xi32> to vector<16xi32>
    %add3A_790 = arith.constant 700000 : i32
    %add3A_791 = vector.broadcast %add3A_790 : i32 to vector<16xi32>
    %add3A_792 = arith.addi %get3A_789, %add3A_791 : vector<16xi32>
    %swap3A_793 = arith.constant 7 : i32
    %swap3A_794 = arith.index_cast %swap3A_793 : i32 to index
    %swap3A_795 = arith.constant 32 : index
    %swap3A_796 = tpu.vector_load %arg7[%swap3A_794, %swap3A_795] {strides = array<i32>} : memref<26x128xi32, #tpu.memory_space<vmem>>, vector<1x16xi32>,
    %swap3A_797 = vector.shape_cast %swap3A_796 : vector<1x16xi32> to vector<16xi32>
    %swap3A_798 = vector.shape_cast %add3A_792 : vector<16xi32> to vector<1x16xi32>
    tpu.vector_store %arg7[%swap3A_794, %swap3A_795], %swap3A_798 {strides = array<i32>} : memref<26x128xi32, #tpu.memory_space<vmem>>, vector<1x16xi32>,
    %get3A_799 = arith.constant 8 : i32
    %get3A_800 = arith.index_cast %get3A_799 : i32 to index
    %get3A_801 = arith.constant 32 : index
    %get3A_802 = tpu.vector_load %arg7[%get3A_800, %get3A_801] {strides = array<i32>} : memref<26x128xi32, #tpu.memory_space<vmem>>, vector<1x16xi32>,
    %get3A_803 = vector.shape_cast %get3A_802 : vector<1x16xi32> to vector<16xi32>
    %add3A_804 = arith.constant 800000 : i32
    %add3A_805 = vector.broadcast %add3A_804 : i32 to vector<16xi32>
    %add3A_806 = arith.addi %get3A_803, %add3A_805 : vector<16xi32>
    %swap3A_807 = arith.constant 8 : i32
    %swap3A_808 = arith.index_cast %swap3A_807 : i32 to index
    %swap3A_809 = arith.constant 32 : index
    %swap3A_810 = tpu.vector_load %arg7[%swap3A_808, %swap3A_809] {strides = array<i32>} : memref<26x128xi32, #tpu.memory_space<vmem>>, vector<1x16xi32>,
    %swap3A_811 = vector.shape_cast %swap3A_810 : vector<1x16xi32> to vector<16xi32>
    %swap3A_812 = vector.shape_cast %add3A_806 : vector<16xi32> to vector<1x16xi32>
    tpu.vector_store %arg7[%swap3A_808, %swap3A_809], %swap3A_812 {strides = array<i32>} : memref<26x128xi32, #tpu.memory_space<vmem>>, vector<1x16xi32>,
    %get3A_813 = arith.constant 9 : i32
    %get3A_814 = arith.index_cast %get3A_813 : i32 to index
    %get3A_815 = arith.constant 32 : index
    %get3A_816 = tpu.vector_load %arg7[%get3A_814, %get3A_815] {strides = array<i32>} : memref<26x128xi32, #tpu.memory_space<vmem>>, vector<1x16xi32>,
    %get3A_817 = vector.shape_cast %get3A_816 : vector<1x16xi32> to vector<16xi32>
    %add3A_818 = arith.constant 900000 : i32
    %add3A_819 = vector.broadcast %add3A_818 : i32 to vector<16xi32>
    %add3A_820 = arith.addi %get3A_817, %add3A_819 : vector<16xi32>
    %swap3A_821 = arith.constant 9 : i32
    %swap3A_822 = arith.index_cast %swap3A_821 : i32 to index
    %swap3A_823 = arith.constant 32 : index
    %swap3A_824 = tpu.vector_load %arg7[%swap3A_822, %swap3A_823] {strides = array<i32>} : memref<26x128xi32, #tpu.memory_space<vmem>>, vector<1x16xi32>,
    %swap3A_825 = vector.shape_cast %swap3A_824 : vector<1x16xi32> to vector<16xi32>
    %swap3A_826 = vector.shape_cast %add3A_820 : vector<16xi32> to vector<1x16xi32>
    tpu.vector_store %arg7[%swap3A_822, %swap3A_823], %swap3A_826 {strides = array<i32>} : memref<26x128xi32, #tpu.memory_space<vmem>>, vector<1x16xi32>,
    %get3A_827 = arith.constant 10 : i32
    %get3A_828 = arith.index_cast %get3A_827 : i32 to index
    %get3A_829 = arith.constant 32 : index
    %get3A_830 = tpu.vector_load %arg7[%get3A_828, %get3A_829] {strides = array<i32>} : memref<26x128xi32, #tpu.memory_space<vmem>>, vector<1x16xi32>,
    %get3A_831 = vector.shape_cast %get3A_830 : vector<1x16xi32> to vector<16xi32>
    %add3A_832 = arith.constant 1000000 : i32
    %add3A_833 = vector.broadcast %add3A_832 : i32 to vector<16xi32>
    %add3A_834 = arith.addi %get3A_831, %add3A_833 : vector<16xi32>
    %swap3A_835 = arith.constant 10 : i32
    %swap3A_836 = arith.index_cast %swap3A_835 : i32 to index
    %swap3A_837 = arith.constant 32 : index
    %swap3A_838 = tpu.vector_load %arg7[%swap3A_836, %swap3A_837] {strides = array<i32>} : memref<26x128xi32, #tpu.memory_space<vmem>>, vector<1x16xi32>,
    %swap3A_839 = vector.shape_cast %swap3A_838 : vector<1x16xi32> to vector<16xi32>
    %swap3A_840 = vector.shape_cast %add3A_834 : vector<16xi32> to vector<1x16xi32>
    tpu.vector_store %arg7[%swap3A_836, %swap3A_837], %swap3A_840 {strides = array<i32>} : memref<26x128xi32, #tpu.memory_space<vmem>>, vector<1x16xi32>,
    %get3A_841 = arith.constant 11 : i32
    %get3A_842 = arith.index_cast %get3A_841 : i32 to index
    %get3A_843 = arith.constant 32 : index
    %get3A_844 = tpu.vector_load %arg7[%get3A_842, %get3A_843] {strides = array<i32>} : memref<26x128xi32, #tpu.memory_space<vmem>>, vector<1x16xi32>,
    %get3A_845 = vector.shape_cast %get3A_844 : vector<1x16xi32> to vector<16xi32>
    %add3A_846 = arith.constant 1100000 : i32
    %add3A_847 = vector.broadcast %add3A_846 : i32 to vector<16xi32>
    %add3A_848 = arith.addi %get3A_845, %add3A_847 : vector<16xi32>
    %swap3A_849 = arith.constant 11 : i32
    %swap3A_850 = arith.index_cast %swap3A_849 : i32 to index
    %swap3A_851 = arith.constant 32 : index
    %swap3A_852 = tpu.vector_load %arg7[%swap3A_850, %swap3A_851] {strides = array<i32>} : memref<26x128xi32, #tpu.memory_space<vmem>>, vector<1x16xi32>,
    %swap3A_853 = vector.shape_cast %swap3A_852 : vector<1x16xi32> to vector<16xi32>
    %swap3A_854 = vector.shape_cast %add3A_848 : vector<16xi32> to vector<1x16xi32>
    tpu.vector_store %arg7[%swap3A_850, %swap3A_851], %swap3A_854 {strides = array<i32>} : memref<26x128xi32, #tpu.memory_space<vmem>>, vector<1x16xi32>,
    %get3A_855 = arith.constant 12 : i32
    %get3A_856 = arith.index_cast %get3A_855 : i32 to index
    %get3A_857 = arith.constant 32 : index
    %get3A_858 = tpu.vector_load %arg7[%get3A_856, %get3A_857] {strides = array<i32>} : memref<26x128xi32, #tpu.memory_space<vmem>>, vector<1x16xi32>,
    %get3A_859 = vector.shape_cast %get3A_858 : vector<1x16xi32> to vector<16xi32>
    %add3A_860 = arith.constant 1200000 : i32
    %add3A_861 = vector.broadcast %add3A_860 : i32 to vector<16xi32>
    %add3A_862 = arith.addi %get3A_859, %add3A_861 : vector<16xi32>
    %swap3A_863 = arith.constant 12 : i32
    %swap3A_864 = arith.index_cast %swap3A_863 : i32 to index
    %swap3A_865 = arith.constant 32 : index
    %swap3A_866 = tpu.vector_load %arg7[%swap3A_864, %swap3A_865] {strides = array<i32>} : memref<26x128xi32, #tpu.memory_space<vmem>>, vector<1x16xi32>,
    %swap3A_867 = vector.shape_cast %swap3A_866 : vector<1x16xi32> to vector<16xi32>
    %swap3A_868 = vector.shape_cast %add3A_862 : vector<16xi32> to vector<1x16xi32>
    tpu.vector_store %arg7[%swap3A_864, %swap3A_865], %swap3A_868 {strides = array<i32>} : memref<26x128xi32, #tpu.memory_space<vmem>>, vector<1x16xi32>,
    %get3A_869 = arith.constant 14 : i32
    %get3A_870 = arith.index_cast %get3A_869 : i32 to index
    %get3A_871 = arith.constant 32 : index
    %get3A_872 = tpu.vector_load %arg7[%get3A_870, %get3A_871] {strides = array<i32>} : memref<26x128xi32, #tpu.memory_space<vmem>>, vector<1x16xi32>,
    %get3A_873 = vector.shape_cast %get3A_872 : vector<1x16xi32> to vector<16xi32>
    %add3A_874 = arith.constant 100000 : i32
    %add3A_875 = vector.broadcast %add3A_874 : i32 to vector<16xi32>
    %add3A_876 = arith.addi %get3A_873, %add3A_875 : vector<16xi32>
    %swap3A_877 = arith.constant 14 : i32
    %swap3A_878 = arith.index_cast %swap3A_877 : i32 to index
    %swap3A_879 = arith.constant 32 : index
    %swap3A_880 = tpu.vector_load %arg7[%swap3A_878, %swap3A_879] {strides = array<i32>} : memref<26x128xi32, #tpu.memory_space<vmem>>, vector<1x16xi32>,
    %swap3A_881 = vector.shape_cast %swap3A_880 : vector<1x16xi32> to vector<16xi32>
    %swap3A_882 = vector.shape_cast %add3A_876 : vector<16xi32> to vector<1x16xi32>
    tpu.vector_store %arg7[%swap3A_878, %swap3A_879], %swap3A_882 {strides = array<i32>} : memref<26x128xi32, #tpu.memory_space<vmem>>, vector<1x16xi32>,
    %get3A_883 = arith.constant 15 : i32
    %get3A_884 = arith.index_cast %get3A_883 : i32 to index
    %get3A_885 = arith.constant 32 : index
    %get3A_886 = tpu.vector_load %arg7[%get3A_884, %get3A_885] {strides = array<i32>} : memref<26x128xi32, #tpu.memory_space<vmem>>, vector<1x16xi32>,
    %get3A_887 = vector.shape_cast %get3A_886 : vector<1x16xi32> to vector<16xi32>
    %add3A_888 = arith.constant 200000 : i32
    %add3A_889 = vector.broadcast %add3A_888 : i32 to vector<16xi32>
    %add3A_890 = arith.addi %get3A_887, %add3A_889 : vector<16xi32>
    %swap3A_891 = arith.constant 15 : i32
    %swap3A_892 = arith.index_cast %swap3A_891 : i32 to index
    %swap3A_893 = arith.constant 32 : index
    %swap3A_894 = tpu.vector_load %arg7[%swap3A_892, %swap3A_893] {strides = array<i32>} : memref<26x128xi32, #tpu.memory_space<vmem>>, vector<1x16xi32>,
    %swap3A_895 = vector.shape_cast %swap3A_894 : vector<1x16xi32> to vector<16xi32>
    %swap3A_896 = vector.shape_cast %add3A_890 : vector<16xi32> to vector<1x16xi32>
    tpu.vector_store %arg7[%swap3A_892, %swap3A_893], %swap3A_896 {strides = array<i32>} : memref<26x128xi32, #tpu.memory_space<vmem>>, vector<1x16xi32>,
    %get3A_897 = arith.constant 16 : i32
    %get3A_898 = arith.index_cast %get3A_897 : i32 to index
    %get3A_899 = arith.constant 32 : index
    %get3A_900 = tpu.vector_load %arg7[%get3A_898, %get3A_899] {strides = array<i32>} : memref<26x128xi32, #tpu.memory_space<vmem>>, vector<1x16xi32>,
    %get3A_901 = vector.shape_cast %get3A_900 : vector<1x16xi32> to vector<16xi32>
    %add3A_902 = arith.constant 300000 : i32
    %add3A_903 = vector.broadcast %add3A_902 : i32 to vector<16xi32>
    %add3A_904 = arith.addi %get3A_901, %add3A_903 : vector<16xi32>
    %swap3A_905 = arith.constant 16 : i32
    %swap3A_906 = arith.index_cast %swap3A_905 : i32 to index
    %swap3A_907 = arith.constant 32 : index
    %swap3A_908 = tpu.vector_load %arg7[%swap3A_906, %swap3A_907] {strides = array<i32>} : memref<26x128xi32, #tpu.memory_space<vmem>>, vector<1x16xi32>,
    %swap3A_909 = vector.shape_cast %swap3A_908 : vector<1x16xi32> to vector<16xi32>
    %swap3A_910 = vector.shape_cast %add3A_904 : vector<16xi32> to vector<1x16xi32>
    tpu.vector_store %arg7[%swap3A_906, %swap3A_907], %swap3A_910 {strides = array<i32>} : memref<26x128xi32, #tpu.memory_space<vmem>>, vector<1x16xi32>,
    %get3A_911 = arith.constant 17 : i32
    %get3A_912 = arith.index_cast %get3A_911 : i32 to index
    %get3A_913 = arith.constant 32 : index
    %get3A_914 = tpu.vector_load %arg7[%get3A_912, %get3A_913] {strides = array<i32>} : memref<26x128xi32, #tpu.memory_space<vmem>>, vector<1x16xi32>,
    %get3A_915 = vector.shape_cast %get3A_914 : vector<1x16xi32> to vector<16xi32>
    %add3A_916 = arith.constant 400000 : i32
    %add3A_917 = vector.broadcast %add3A_916 : i32 to vector<16xi32>
    %add3A_918 = arith.addi %get3A_915, %add3A_917 : vector<16xi32>
    %swap3A_919 = arith.constant 17 : i32
    %swap3A_920 = arith.index_cast %swap3A_919 : i32 to index
    %swap3A_921 = arith.constant 32 : index
    %swap3A_922 = tpu.vector_load %arg7[%swap3A_920, %swap3A_921] {strides = array<i32>} : memref<26x128xi32, #tpu.memory_space<vmem>>, vector<1x16xi32>,
    %swap3A_923 = vector.shape_cast %swap3A_922 : vector<1x16xi32> to vector<16xi32>
    %swap3A_924 = vector.shape_cast %add3A_918 : vector<16xi32> to vector<1x16xi32>
    tpu.vector_store %arg7[%swap3A_920, %swap3A_921], %swap3A_924 {strides = array<i32>} : memref<26x128xi32, #tpu.memory_space<vmem>>, vector<1x16xi32>,
    %get3A_925 = arith.constant 18 : i32
    %get3A_926 = arith.index_cast %get3A_925 : i32 to index
    %get3A_927 = arith.constant 32 : index
    %get3A_928 = tpu.vector_load %arg7[%get3A_926, %get3A_927] {strides = array<i32>} : memref<26x128xi32, #tpu.memory_space<vmem>>, vector<1x16xi32>,
    %get3A_929 = vector.shape_cast %get3A_928 : vector<1x16xi32> to vector<16xi32>
    %add3A_930 = arith.constant 500000 : i32
    %add3A_931 = vector.broadcast %add3A_930 : i32 to vector<16xi32>
    %add3A_932 = arith.addi %get3A_929, %add3A_931 : vector<16xi32>
    %swap3A_933 = arith.constant 18 : i32
    %swap3A_934 = arith.index_cast %swap3A_933 : i32 to index
    %swap3A_935 = arith.constant 32 : index
    %swap3A_936 = tpu.vector_load %arg7[%swap3A_934, %swap3A_935] {strides = array<i32>} : memref<26x128xi32, #tpu.memory_space<vmem>>, vector<1x16xi32>,
    %swap3A_937 = vector.shape_cast %swap3A_936 : vector<1x16xi32> to vector<16xi32>
    %swap3A_938 = vector.shape_cast %add3A_932 : vector<16xi32> to vector<1x16xi32>
    tpu.vector_store %arg7[%swap3A_934, %swap3A_935], %swap3A_938 {strides = array<i32>} : memref<26x128xi32, #tpu.memory_space<vmem>>, vector<1x16xi32>,
    %get3A_939 = arith.constant 19 : i32
    %get3A_940 = arith.index_cast %get3A_939 : i32 to index
    %get3A_941 = arith.constant 32 : index
    %get3A_942 = tpu.vector_load %arg7[%get3A_940, %get3A_941] {strides = array<i32>} : memref<26x128xi32, #tpu.memory_space<vmem>>, vector<1x16xi32>,
    %get3A_943 = vector.shape_cast %get3A_942 : vector<1x16xi32> to vector<16xi32>
    %add3A_944 = arith.constant 600000 : i32
    %add3A_945 = vector.broadcast %add3A_944 : i32 to vector<16xi32>
    %add3A_946 = arith.addi %get3A_943, %add3A_945 : vector<16xi32>
    %swap3A_947 = arith.constant 19 : i32
    %swap3A_948 = arith.index_cast %swap3A_947 : i32 to index
    %swap3A_949 = arith.constant 32 : index
    %swap3A_950 = tpu.vector_load %arg7[%swap3A_948, %swap3A_949] {strides = array<i32>} : memref<26x128xi32, #tpu.memory_space<vmem>>, vector<1x16xi32>,
    %swap3A_951 = vector.shape_cast %swap3A_950 : vector<1x16xi32> to vector<16xi32>
    %swap3A_952 = vector.shape_cast %add3A_946 : vector<16xi32> to vector<1x16xi32>
    tpu.vector_store %arg7[%swap3A_948, %swap3A_949], %swap3A_952 {strides = array<i32>} : memref<26x128xi32, #tpu.memory_space<vmem>>, vector<1x16xi32>,
    %get3A_953 = arith.constant 20 : i32
    %get3A_954 = arith.index_cast %get3A_953 : i32 to index
    %get3A_955 = arith.constant 32 : index
    %get3A_956 = tpu.vector_load %arg7[%get3A_954, %get3A_955] {strides = array<i32>} : memref<26x128xi32, #tpu.memory_space<vmem>>, vector<1x16xi32>,
    %get3A_957 = vector.shape_cast %get3A_956 : vector<1x16xi32> to vector<16xi32>
    %add3A_958 = arith.constant 700000 : i32
    %add3A_959 = vector.broadcast %add3A_958 : i32 to vector<16xi32>
    %add3A_960 = arith.addi %get3A_957, %add3A_959 : vector<16xi32>
    %swap3A_961 = arith.constant 20 : i32
    %swap3A_962 = arith.index_cast %swap3A_961 : i32 to index
    %swap3A_963 = arith.constant 32 : index
    %swap3A_964 = tpu.vector_load %arg7[%swap3A_962, %swap3A_963] {strides = array<i32>} : memref<26x128xi32, #tpu.memory_space<vmem>>, vector<1x16xi32>,
    %swap3A_965 = vector.shape_cast %swap3A_964 : vector<1x16xi32> to vector<16xi32>
    %swap3A_966 = vector.shape_cast %add3A_960 : vector<16xi32> to vector<1x16xi32>
    tpu.vector_store %arg7[%swap3A_962, %swap3A_963], %swap3A_966 {strides = array<i32>} : memref<26x128xi32, #tpu.memory_space<vmem>>, vector<1x16xi32>,
    %get3A_967 = arith.constant 21 : i32
    %get3A_968 = arith.index_cast %get3A_967 : i32 to index
    %get3A_969 = arith.constant 32 : index
    %get3A_970 = tpu.vector_load %arg7[%get3A_968, %get3A_969] {strides = array<i32>} : memref<26x128xi32, #tpu.memory_space<vmem>>, vector<1x16xi32>,
    %get3A_971 = vector.shape_cast %get3A_970 : vector<1x16xi32> to vector<16xi32>
    %add3A_972 = arith.constant 800000 : i32
    %add3A_973 = vector.broadcast %add3A_972 : i32 to vector<16xi32>
    %add3A_974 = arith.addi %get3A_971, %add3A_973 : vector<16xi32>
    %swap3A_975 = arith.constant 21 : i32
    %swap3A_976 = arith.index_cast %swap3A_975 : i32 to index
    %swap3A_977 = arith.constant 32 : index
    %swap3A_978 = tpu.vector_load %arg7[%swap3A_976, %swap3A_977] {strides = array<i32>} : memref<26x128xi32, #tpu.memory_space<vmem>>, vector<1x16xi32>,
    %swap3A_979 = vector.shape_cast %swap3A_978 : vector<1x16xi32> to vector<16xi32>
    %swap3A_980 = vector.shape_cast %add3A_974 : vector<16xi32> to vector<1x16xi32>
    tpu.vector_store %arg7[%swap3A_976, %swap3A_977], %swap3A_980 {strides = array<i32>} : memref<26x128xi32, #tpu.memory_space<vmem>>, vector<1x16xi32>,
    %get3A_981 = arith.constant 22 : i32
    %get3A_982 = arith.index_cast %get3A_981 : i32 to index
    %get3A_983 = arith.constant 32 : index
    %get3A_984 = tpu.vector_load %arg7[%get3A_982, %get3A_983] {strides = array<i32>} : memref<26x128xi32, #tpu.memory_space<vmem>>, vector<1x16xi32>,
    %get3A_985 = vector.shape_cast %get3A_984 : vector<1x16xi32> to vector<16xi32>
    %add3A_986 = arith.constant 900000 : i32
    %add3A_987 = vector.broadcast %add3A_986 : i32 to vector<16xi32>
    %add3A_988 = arith.addi %get3A_985, %add3A_987 : vector<16xi32>
    %swap3A_989 = arith.constant 22 : i32
    %swap3A_990 = arith.index_cast %swap3A_989 : i32 to index
    %swap3A_991 = arith.constant 32 : index
    %swap3A_992 = tpu.vector_load %arg7[%swap3A_990, %swap3A_991] {strides = array<i32>} : memref<26x128xi32, #tpu.memory_space<vmem>>, vector<1x16xi32>,
    %swap3A_993 = vector.shape_cast %swap3A_992 : vector<1x16xi32> to vector<16xi32>
    %swap3A_994 = vector.shape_cast %add3A_988 : vector<16xi32> to vector<1x16xi32>
    tpu.vector_store %arg7[%swap3A_990, %swap3A_991], %swap3A_994 {strides = array<i32>} : memref<26x128xi32, #tpu.memory_space<vmem>>, vector<1x16xi32>,
    %get3A_995 = arith.constant 23 : i32
    %get3A_996 = arith.index_cast %get3A_995 : i32 to index
    %get3A_997 = arith.constant 32 : index
    %get3A_998 = tpu.vector_load %arg7[%get3A_996, %get3A_997] {strides = array<i32>} : memref<26x128xi32, #tpu.memory_space<vmem>>, vector<1x16xi32>,
    %get3A_999 = vector.shape_cast %get3A_998 : vector<1x16xi32> to vector<16xi32>
    %add3A_1000 = arith.constant 1000000 : i32
    %add3A_1001 = vector.broadcast %add3A_1000 : i32 to vector<16xi32>
    %add3A_1002 = arith.addi %get3A_999, %add3A_1001 : vector<16xi32>
    %swap3A_1003 = arith.constant 23 : i32
    %swap3A_1004 = arith.index_cast %swap3A_1003 : i32 to index
    %swap3A_1005 = arith.constant 32 : index
    %swap3A_1006 = tpu.vector_load %arg7[%swap3A_1004, %swap3A_1005] {strides = array<i32>} : memref<26x128xi32, #tpu.memory_space<vmem>>, vector<1x16xi32>,
    %swap3A_1007 = vector.shape_cast %swap3A_1006 : vector<1x16xi32> to vector<16xi32>
    %swap3A_1008 = vector.shape_cast %add3A_1002 : vector<16xi32> to vector<1x16xi32>
    tpu.vector_store %arg7[%swap3A_1004, %swap3A_1005], %swap3A_1008 {strides = array<i32>} : memref<26x128xi32, #tpu.memory_space<vmem>>, vector<1x16xi32>,
    %get3A_1009 = arith.constant 24 : i32
    %get3A_1010 = arith.index_cast %get3A_1009 : i32 to index
    %get3A_1011 = arith.constant 32 : index
    %get3A_1012 = tpu.vector_load %arg7[%get3A_1010, %get3A_1011] {strides = array<i32>} : memref<26x128xi32, #tpu.memory_space<vmem>>, vector<1x16xi32>,
    %get3A_1013 = vector.shape_cast %get3A_1012 : vector<1x16xi32> to vector<16xi32>
    %add3A_1014 = arith.constant 1100000 : i32
    %add3A_1015 = vector.broadcast %add3A_1014 : i32 to vector<16xi32>
    %add3A_1016 = arith.addi %get3A_1013, %add3A_1015 : vector<16xi32>
    %swap3A_1017 = arith.constant 24 : i32
    %swap3A_1018 = arith.index_cast %swap3A_1017 : i32 to index
    %swap3A_1019 = arith.constant 32 : index
    %swap3A_1020 = tpu.vector_load %arg7[%swap3A_1018, %swap3A_1019] {strides = array<i32>} : memref<26x128xi32, #tpu.memory_space<vmem>>, vector<1x16xi32>,
    %swap3A_1021 = vector.shape_cast %swap3A_1020 : vector<1x16xi32> to vector<16xi32>
    %swap3A_1022 = vector.shape_cast %add3A_1016 : vector<16xi32> to vector<1x16xi32>
    tpu.vector_store %arg7[%swap3A_1018, %swap3A_1019], %swap3A_1022 {strides = array<i32>} : memref<26x128xi32, #tpu.memory_space<vmem>>, vector<1x16xi32>,
    %get3A_1023 = arith.constant 25 : i32
    %get3A_1024 = arith.index_cast %get3A_1023 : i32 to index
    %get3A_1025 = arith.constant 32 : index
    %get3A_1026 = tpu.vector_load %arg7[%get3A_1024, %get3A_1025] {strides = array<i32>} : memref<26x128xi32, #tpu.memory_space<vmem>>, vector<1x16xi32>,
    %get3A_1027 = vector.shape_cast %get3A_1026 : vector<1x16xi32> to vector<16xi32>
    %add3A_1028 = arith.constant 1200000 : i32
    %add3A_1029 = vector.broadcast %add3A_1028 : i32 to vector<16xi32>
    %add3A_1030 = arith.addi %get3A_1027, %add3A_1029 : vector<16xi32>
    %swap3A_1031 = arith.constant 25 : i32
    %swap3A_1032 = arith.index_cast %swap3A_1031 : i32 to index
    %swap3A_1033 = arith.constant 32 : index
    %swap3A_1034 = tpu.vector_load %arg7[%swap3A_1032, %swap3A_1033] {strides = array<i32>} : memref<26x128xi32, #tpu.memory_space<vmem>>, vector<1x16xi32>,
    %swap3A_1035 = vector.shape_cast %swap3A_1034 : vector<1x16xi32> to vector<16xi32>
    %swap3A_1036 = vector.shape_cast %add3A_1030 : vector<16xi32> to vector<1x16xi32>
    tpu.vector_store %arg7[%swap3A_1032, %swap3A_1033], %swap3A_1036 {strides = array<i32>} : memref<26x128xi32, #tpu.memory_space<vmem>>, vector<1x16xi32>,
    %iota3A_1037 = tpu.iota {dimensions = array<i32: 0>} : vector<16xi32>
    %add3A_1038 = arith.constant 48 : i32
    %add3A_1039 = arith.addi %mul3A_4, %add3A_1038 : i32
    %add3A_1040 = vector.broadcast %add3A_1039 : i32 to vector<16xi32>
    %add3A_1041 = arith.addi %iota3A_1037, %add3A_1040 : vector<16xi32>
    %swap3A_1042 = arith.constant 48 : index
    %swap3A_1043 = tpu.vector_load %arg8[%swap3A_1042] {strides = array<i32>} : memref<128xi32, #tpu.memory_space<vmem>>, vector<16xi32>,
    %swap3A_1044 = vector.shape_cast %swap3A_1043 : vector<16xi32> to vector<16xi32>
    %swap3A_1045 = vector.shape_cast %add3A_1041 : vector<16xi32> to vector<16xi32>
    tpu.vector_store %arg8[%swap3A_1042], %swap3A_1045 {strides = array<i32>} : memref<128xi32, #tpu.memory_space<vmem>>, vector<16xi32>,
    %get3A_1046 = arith.constant 1 : i32
    %get3A_1047 = arith.index_cast %get3A_1046 : i32 to index
    %get3A_1048 = arith.constant 48 : index
    %get3A_1049 = tpu.vector_load %arg7[%get3A_1047, %get3A_1048] {strides = array<i32>} : memref<26x128xi32, #tpu.memory_space<vmem>>, vector<1x16xi32>,
    %get3A_1050 = vector.shape_cast %get3A_1049 : vector<1x16xi32> to vector<16xi32>
    %add3A_1051 = arith.constant 100000 : i32
    %add3A_1052 = vector.broadcast %add3A_1051 : i32 to vector<16xi32>
    %add3A_1053 = arith.addi %get3A_1050, %add3A_1052 : vector<16xi32>
    %swap3A_1054 = arith.constant 1 : i32
    %swap3A_1055 = arith.index_cast %swap3A_1054 : i32 to index
    %swap3A_1056 = arith.constant 48 : index
    %swap3A_1057 = tpu.vector_load %arg7[%swap3A_1055, %swap3A_1056] {strides = array<i32>} : memref<26x128xi32, #tpu.memory_space<vmem>>, vector<1x16xi32>,
    %swap3A_1058 = vector.shape_cast %swap3A_1057 : vector<1x16xi32> to vector<16xi32>
    %swap3A_1059 = vector.shape_cast %add3A_1053 : vector<16xi32> to vector<1x16xi32>
    tpu.vector_store %arg7[%swap3A_1055, %swap3A_1056], %swap3A_1059 {strides = array<i32>} : memref<26x128xi32, #tpu.memory_space<vmem>>, vector<1x16xi32>,
    %get3A_1060 = arith.constant 2 : i32
    %get3A_1061 = arith.index_cast %get3A_1060 : i32 to index
    %get3A_1062 = arith.constant 48 : index
    %get3A_1063 = tpu.vector_load %arg7[%get3A_1061, %get3A_1062] {strides = array<i32>} : memref<26x128xi32, #tpu.memory_space<vmem>>, vector<1x16xi32>,
    %get3A_1064 = vector.shape_cast %get3A_1063 : vector<1x16xi32> to vector<16xi32>
    %add3A_1065 = arith.constant 200000 : i32
    %add3A_1066 = vector.broadcast %add3A_1065 : i32 to vector<16xi32>
    %add3A_1067 = arith.addi %get3A_1064, %add3A_1066 : vector<16xi32>
    %swap3A_1068 = arith.constant 2 : i32
    %swap3A_1069 = arith.index_cast %swap3A_1068 : i32 to index
    %swap3A_1070 = arith.constant 48 : index
    %swap3A_1071 = tpu.vector_load %arg7[%swap3A_1069, %swap3A_1070] {strides = array<i32>} : memref<26x128xi32, #tpu.memory_space<vmem>>, vector<1x16xi32>,
    %swap3A_1072 = vector.shape_cast %swap3A_1071 : vector<1x16xi32> to vector<16xi32>
    %swap3A_1073 = vector.shape_cast %add3A_1067 : vector<16xi32> to vector<1x16xi32>
    tpu.vector_store %arg7[%swap3A_1069, %swap3A_1070], %swap3A_1073 {strides = array<i32>} : memref<26x128xi32, #tpu.memory_space<vmem>>, vector<1x16xi32>,
    %get3A_1074 = arith.constant 3 : i32
    %get3A_1075 = arith.index_cast %get3A_1074 : i32 to index
    %get3A_1076 = arith.constant 48 : index
    %get3A_1077 = tpu.vector_load %arg7[%get3A_1075, %get3A_1076] {strides = array<i32>} : memref<26x128xi32, #tpu.memory_space<vmem>>, vector<1x16xi32>,
    %get3A_1078 = vector.shape_cast %get3A_1077 : vector<1x16xi32> to vector<16xi32>
    %add3A_1079 = arith.constant 300000 : i32
    %add3A_1080 = vector.broadcast %add3A_1079 : i32 to vector<16xi32>
    %add3A_1081 = arith.addi %get3A_1078, %add3A_1080 : vector<16xi32>
    %swap3A_1082 = arith.constant 3 : i32
    %swap3A_1083 = arith.index_cast %swap3A_1082 : i32 to index
    %swap3A_1084 = arith.constant 48 : index
    %swap3A_1085 = tpu.vector_load %arg7[%swap3A_1083, %swap3A_1084] {strides = array<i32>} : memref<26x128xi32, #tpu.memory_space<vmem>>, vector<1x16xi32>,
    %swap3A_1086 = vector.shape_cast %swap3A_1085 : vector<1x16xi32> to vector<16xi32>
    %swap3A_1087 = vector.shape_cast %add3A_1081 : vector<16xi32> to vector<1x16xi32>
    tpu.vector_store %arg7[%swap3A_1083, %swap3A_1084], %swap3A_1087 {strides = array<i32>} : memref<26x128xi32, #tpu.memory_space<vmem>>, vector<1x16xi32>,
    %get3A_1088 = arith.constant 4 : i32
    %get3A_1089 = arith.index_cast %get3A_1088 : i32 to index
    %get3A_1090 = arith.constant 48 : index
    %get3A_1091 = tpu.vector_load %arg7[%get3A_1089, %get3A_1090] {strides = array<i32>} : memref<26x128xi32, #tpu.memory_space<vmem>>, vector<1x16xi32>,
    %get3A_1092 = vector.shape_cast %get3A_1091 : vector<1x16xi32> to vector<16xi32>
    %add3A_1093 = arith.constant 400000 : i32
    %add3A_1094 = vector.broadcast %add3A_1093 : i32 to vector<16xi32>
    %add3A_1095 = arith.addi %get3A_1092, %add3A_1094 : vector<16xi32>
    %swap3A_1096 = arith.constant 4 : i32
    %swap3A_1097 = arith.index_cast %swap3A_1096 : i32 to index
    %swap3A_1098 = arith.constant 48 : index
    %swap3A_1099 = tpu.vector_load %arg7[%swap3A_1097, %swap3A_1098] {strides = array<i32>} : memref<26x128xi32, #tpu.memory_space<vmem>>, vector<1x16xi32>,
    %swap3A_1100 = vector.shape_cast %swap3A_1099 : vector<1x16xi32> to vector<16xi32>
    %swap3A_1101 = vector.shape_cast %add3A_1095 : vector<16xi32> to vector<1x16xi32>
    tpu.vector_store %arg7[%swap3A_1097, %swap3A_1098], %swap3A_1101 {strides = array<i32>} : memref<26x128xi32, #tpu.memory_space<vmem>>, vector<1x16xi32>,
    %get3A_1102 = arith.constant 5 : i32
    %get3A_1103 = arith.index_cast %get3A_1102 : i32 to index
    %get3A_1104 = arith.constant 48 : index
    %get3A_1105 = tpu.vector_load %arg7[%get3A_1103, %get3A_1104] {strides = array<i32>} : memref<26x128xi32, #tpu.memory_space<vmem>>, vector<1x16xi32>,
    %get3A_1106 = vector.shape_cast %get3A_1105 : vector<1x16xi32> to vector<16xi32>
    %add3A_1107 = arith.constant 500000 : i32
    %add3A_1108 = vector.broadcast %add3A_1107 : i32 to vector<16xi32>
    %add3A_1109 = arith.addi %get3A_1106, %add3A_1108 : vector<16xi32>
    %swap3A_1110 = arith.constant 5 : i32
    %swap3A_1111 = arith.index_cast %swap3A_1110 : i32 to index
    %swap3A_1112 = arith.constant 48 : index
    %swap3A_1113 = tpu.vector_load %arg7[%swap3A_1111, %swap3A_1112] {strides = array<i32>} : memref<26x128xi32, #tpu.memory_space<vmem>>, vector<1x16xi32>,
    %swap3A_1114 = vector.shape_cast %swap3A_1113 : vector<1x16xi32> to vector<16xi32>
    %swap3A_1115 = vector.shape_cast %add3A_1109 : vector<16xi32> to vector<1x16xi32>
    tpu.vector_store %arg7[%swap3A_1111, %swap3A_1112], %swap3A_1115 {strides = array<i32>} : memref<26x128xi32, #tpu.memory_space<vmem>>, vector<1x16xi32>,
    %get3A_1116 = arith.constant 6 : i32
    %get3A_1117 = arith.index_cast %get3A_1116 : i32 to index
    %get3A_1118 = arith.constant 48 : index
    %get3A_1119 = tpu.vector_load %arg7[%get3A_1117, %get3A_1118] {strides = array<i32>} : memref<26x128xi32, #tpu.memory_space<vmem>>, vector<1x16xi32>,
    %get3A_1120 = vector.shape_cast %get3A_1119 : vector<1x16xi32> to vector<16xi32>
    %add3A_1121 = arith.constant 600000 : i32
    %add3A_1122 = vector.broadcast %add3A_1121 : i32 to vector<16xi32>
    %add3A_1123 = arith.addi %get3A_1120, %add3A_1122 : vector<16xi32>
    %swap3A_1124 = arith.constant 6 : i32
    %swap3A_1125 = arith.index_cast %swap3A_1124 : i32 to index
    %swap3A_1126 = arith.constant 48 : index
    %swap3A_1127 = tpu.vector_load %arg7[%swap3A_1125, %swap3A_1126] {strides = array<i32>} : memref<26x128xi32, #tpu.memory_space<vmem>>, vector<1x16xi32>,
    %swap3A_1128 = vector.shape_cast %swap3A_1127 : vector<1x16xi32> to vector<16xi32>
    %swap3A_1129 = vector.shape_cast %add3A_1123 : vector<16xi32> to vector<1x16xi32>
    tpu.vector_store %arg7[%swap3A_1125, %swap3A_1126], %swap3A_1129 {strides = array<i32>} : memref<26x128xi32, #tpu.memory_space<vmem>>, vector<1x16xi32>,
    %get3A_1130 = arith.constant 7 : i32
    %get3A_1131 = arith.index_cast %get3A_1130 : i32 to index
    %get3A_1132 = arith.constant 48 : index
    %get3A_1133 = tpu.vector_load %arg7[%get3A_1131, %get3A_1132] {strides = array<i32>} : memref<26x128xi32, #tpu.memory_space<vmem>>, vector<1x16xi32>,
    %get3A_1134 = vector.shape_cast %get3A_1133 : vector<1x16xi32> to vector<16xi32>
    %add3A_1135 = arith.constant 700000 : i32
    %add3A_1136 = vector.broadcast %add3A_1135 : i32 to vector<16xi32>
    %add3A_1137 = arith.addi %get3A_1134, %add3A_1136 : vector<16xi32>
    %swap3A_1138 = arith.constant 7 : i32
    %swap3A_1139 = arith.index_cast %swap3A_1138 : i32 to index
    %swap3A_1140 = arith.constant 48 : index
    %swap3A_1141 = tpu.vector_load %arg7[%swap3A_1139, %swap3A_1140] {strides = array<i32>} : memref<26x128xi32, #tpu.memory_space<vmem>>, vector<1x16xi32>,
    %swap3A_1142 = vector.shape_cast %swap3A_1141 : vector<1x16xi32> to vector<16xi32>
    %swap3A_1143 = vector.shape_cast %add3A_1137 : vector<16xi32> to vector<1x16xi32>
    tpu.vector_store %arg7[%swap3A_1139, %swap3A_1140], %swap3A_1143 {strides = array<i32>} : memref<26x128xi32, #tpu.memory_space<vmem>>, vector<1x16xi32>,
    %get3A_1144 = arith.constant 8 : i32
    %get3A_1145 = arith.index_cast %get3A_1144 : i32 to index
    %get3A_1146 = arith.constant 48 : index
    %get3A_1147 = tpu.vector_load %arg7[%get3A_1145, %get3A_1146] {strides = array<i32>} : memref<26x128xi32, #tpu.memory_space<vmem>>, vector<1x16xi32>,
    %get3A_1148 = vector.shape_cast %get3A_1147 : vector<1x16xi32> to vector<16xi32>
    %add3A_1149 = arith.constant 800000 : i32
    %add3A_1150 = vector.broadcast %add3A_1149 : i32 to vector<16xi32>
    %add3A_1151 = arith.addi %get3A_1148, %add3A_1150 : vector<16xi32>
    %swap3A_1152 = arith.constant 8 : i32
    %swap3A_1153 = arith.index_cast %swap3A_1152 : i32 to index
    %swap3A_1154 = arith.constant 48 : index
    %swap3A_1155 = tpu.vector_load %arg7[%swap3A_1153, %swap3A_1154] {strides = array<i32>} : memref<26x128xi32, #tpu.memory_space<vmem>>, vector<1x16xi32>,
    %swap3A_1156 = vector.shape_cast %swap3A_1155 : vector<1x16xi32> to vector<16xi32>
    %swap3A_1157 = vector.shape_cast %add3A_1151 : vector<16xi32> to vector<1x16xi32>
    tpu.vector_store %arg7[%swap3A_1153, %swap3A_1154], %swap3A_1157 {strides = array<i32>} : memref<26x128xi32, #tpu.memory_space<vmem>>, vector<1x16xi32>,
    %get3A_1158 = arith.constant 9 : i32
    %get3A_1159 = arith.index_cast %get3A_1158 : i32 to index
    %get3A_1160 = arith.constant 48 : index
    %get3A_1161 = tpu.vector_load %arg7[%get3A_1159, %get3A_1160] {strides = array<i32>} : memref<26x128xi32, #tpu.memory_space<vmem>>, vector<1x16xi32>,
    %get3A_1162 = vector.shape_cast %get3A_1161 : vector<1x16xi32> to vector<16xi32>
    %add3A_1163 = arith.constant 900000 : i32
    %add3A_1164 = vector.broadcast %add3A_1163 : i32 to vector<16xi32>
    %add3A_1165 = arith.addi %get3A_1162, %add3A_1164 : vector<16xi32>
    %swap3A_1166 = arith.constant 9 : i32
    %swap3A_1167 = arith.index_cast %swap3A_1166 : i32 to index
    %swap3A_1168 = arith.constant 48 : index
    %swap3A_1169 = tpu.vector_load %arg7[%swap3A_1167, %swap3A_1168] {strides = array<i32>} : memref<26x128xi32, #tpu.memory_space<vmem>>, vector<1x16xi32>,
    %swap3A_1170 = vector.shape_cast %swap3A_1169 : vector<1x16xi32> to vector<16xi32>
    %swap3A_1171 = vector.shape_cast %add3A_1165 : vector<16xi32> to vector<1x16xi32>
    tpu.vector_store %arg7[%swap3A_1167, %swap3A_1168], %swap3A_1171 {strides = array<i32>} : memref<26x128xi32, #tpu.memory_space<vmem>>, vector<1x16xi32>,
    %get3A_1172 = arith.constant 10 : i32
    %get3A_1173 = arith.index_cast %get3A_1172 : i32 to index
    %get3A_1174 = arith.constant 48 : index
    %get3A_1175 = tpu.vector_load %arg7[%get3A_1173, %get3A_1174] {strides = array<i32>} : memref<26x128xi32, #tpu.memory_space<vmem>>, vector<1x16xi32>,
    %get3A_1176 = vector.shape_cast %get3A_1175 : vector<1x16xi32> to vector<16xi32>
    %add3A_1177 = arith.constant 1000000 : i32
    %add3A_1178 = vector.broadcast %add3A_1177 : i32 to vector<16xi32>
    %add3A_1179 = arith.addi %get3A_1176, %add3A_1178 : vector<16xi32>
    %swap3A_1180 = arith.constant 10 : i32
    %swap3A_1181 = arith.index_cast %swap3A_1180 : i32 to index
    %swap3A_1182 = arith.constant 48 : index
    %swap3A_1183 = tpu.vector_load %arg7[%swap3A_1181, %swap3A_1182] {strides = array<i32>} : memref<26x128xi32, #tpu.memory_space<vmem>>, vector<1x16xi32>,
    %swap3A_1184 = vector.shape_cast %swap3A_1183 : vector<1x16xi32> to vector<16xi32>
    %swap3A_1185 = vector.shape_cast %add3A_1179 : vector<16xi32> to vector<1x16xi32>
    tpu.vector_store %arg7[%swap3A_1181, %swap3A_1182], %swap3A_1185 {strides = array<i32>} : memref<26x128xi32, #tpu.memory_space<vmem>>, vector<1x16xi32>,
    %get3A_1186 = arith.constant 11 : i32
    %get3A_1187 = arith.index_cast %get3A_1186 : i32 to index
    %get3A_1188 = arith.constant 48 : index
    %get3A_1189 = tpu.vector_load %arg7[%get3A_1187, %get3A_1188] {strides = array<i32>} : memref<26x128xi32, #tpu.memory_space<vmem>>, vector<1x16xi32>,
    %get3A_1190 = vector.shape_cast %get3A_1189 : vector<1x16xi32> to vector<16xi32>
    %add3A_1191 = arith.constant 1100000 : i32
    %add3A_1192 = vector.broadcast %add3A_1191 : i32 to vector<16xi32>
    %add3A_1193 = arith.addi %get3A_1190, %add3A_1192 : vector<16xi32>
    %swap3A_1194 = arith.constant 11 : i32
    %swap3A_1195 = arith.index_cast %swap3A_1194 : i32 to index
    %swap3A_1196 = arith.constant 48 : index
    %swap3A_1197 = tpu.vector_load %arg7[%swap3A_1195, %swap3A_1196] {strides = array<i32>} : memref<26x128xi32, #tpu.memory_space<vmem>>, vector<1x16xi32>,
    %swap3A_1198 = vector.shape_cast %swap3A_1197 : vector<1x16xi32> to vector<16xi32>
    %swap3A_1199 = vector.shape_cast %add3A_1193 : vector<16xi32> to vector<1x16xi32>
    tpu.vector_store %arg7[%swap3A_1195, %swap3A_1196], %swap3A_1199 {strides = array<i32>} : memref<26x128xi32, #tpu.memory_space<vmem>>, vector<1x16xi32>,
    %get3A_1200 = arith.constant 12 : i32
    %get3A_1201 = arith.index_cast %get3A_1200 : i32 to index
    %get3A_1202 = arith.constant 48 : index
    %get3A_1203 = tpu.vector_load %arg7[%get3A_1201, %get3A_1202] {strides = array<i32>} : memref<26x128xi32, #tpu.memory_space<vmem>>, vector<1x16xi32>,
    %get3A_1204 = vector.shape_cast %get3A_1203 : vector<1x16xi32> to vector<16xi32>
    %add3A_1205 = arith.constant 1200000 : i32
    %add3A_1206 = vector.broadcast %add3A_1205 : i32 to vector<16xi32>
    %add3A_1207 = arith.addi %get3A_1204, %add3A_1206 : vector<16xi32>
    %swap3A_1208 = arith.constant 12 : i32
    %swap3A_1209 = arith.index_cast %swap3A_1208 : i32 to index
    %swap3A_1210 = arith.constant 48 : index
    %swap3A_1211 = tpu.vector_load %arg7[%swap3A_1209, %swap3A_1210] {strides = array<i32>} : memref<26x128xi32, #tpu.memory_space<vmem>>, vector<1x16xi32>,
    %swap3A_1212 = vector.shape_cast %swap3A_1211 : vector<1x16xi32> to vector<16xi32>
    %swap3A_1213 = vector.shape_cast %add3A_1207 : vector<16xi32> to vector<1x16xi32>
    tpu.vector_store %arg7[%swap3A_1209, %swap3A_1210], %swap3A_1213 {strides = array<i32>} : memref<26x128xi32, #tpu.memory_space<vmem>>, vector<1x16xi32>,
    %get3A_1214 = arith.constant 14 : i32
    %get3A_1215 = arith.index_cast %get3A_1214 : i32 to index
    %get3A_1216 = arith.constant 48 : index
    %get3A_1217 = tpu.vector_load %arg7[%get3A_1215, %get3A_1216] {strides = array<i32>} : memref<26x128xi32, #tpu.memory_space<vmem>>, vector<1x16xi32>,
    %get3A_1218 = vector.shape_cast %get3A_1217 : vector<1x16xi32> to vector<16xi32>
    %add3A_1219 = arith.constant 100000 : i32
    %add3A_1220 = vector.broadcast %add3A_1219 : i32 to vector<16xi32>
    %add3A_1221 = arith.addi %get3A_1218, %add3A_1220 : vector<16xi32>
    %swap3A_1222 = arith.constant 14 : i32
    %swap3A_1223 = arith.index_cast %swap3A_1222 : i32 to index
    %swap3A_1224 = arith.constant 48 : index
    %swap3A_1225 = tpu.vector_load %arg7[%swap3A_1223, %swap3A_1224] {strides = array<i32>} : memref<26x128xi32, #tpu.memory_space<vmem>>, vector<1x16xi32>,
    %swap3A_1226 = vector.shape_cast %swap3A_1225 : vector<1x16xi32> to vector<16xi32>
    %swap3A_1227 = vector.shape_cast %add3A_1221 : vector<16xi32> to vector<1x16xi32>
    tpu.vector_store %arg7[%swap3A_1223, %swap3A_1224], %swap3A_1227 {strides = array<i32>} : memref<26x128xi32, #tpu.memory_space<vmem>>, vector<1x16xi32>,
    %get3A_1228 = arith.constant 15 : i32
    %get3A_1229 = arith.index_cast %get3A_1228 : i32 to index
    %get3A_1230 = arith.constant 48 : index
    %get3A_1231 = tpu.vector_load %arg7[%get3A_1229, %get3A_1230] {strides = array<i32>} : memref<26x128xi32, #tpu.memory_space<vmem>>, vector<1x16xi32>,
    %get3A_1232 = vector.shape_cast %get3A_1231 : vector<1x16xi32> to vector<16xi32>
    %add3A_1233 = arith.constant 200000 : i32
    %add3A_1234 = vector.broadcast %add3A_1233 : i32 to vector<16xi32>
    %add3A_1235 = arith.addi %get3A_1232, %add3A_1234 : vector<16xi32>
    %swap3A_1236 = arith.constant 15 : i32
    %swap3A_1237 = arith.index_cast %swap3A_1236 : i32 to index
    %swap3A_1238 = arith.constant 48 : index
    %swap3A_1239 = tpu.vector_load %arg7[%swap3A_1237, %swap3A_1238] {strides = array<i32>} : memref<26x128xi32, #tpu.memory_space<vmem>>, vector<1x16xi32>,
    %swap3A_1240 = vector.shape_cast %swap3A_1239 : vector<1x16xi32> to vector<16xi32>
    %swap3A_1241 = vector.shape_cast %add3A_1235 : vector<16xi32> to vector<1x16xi32>
    tpu.vector_store %arg7[%swap3A_1237, %swap3A_1238], %swap3A_1241 {strides = array<i32>} : memref<26x128xi32, #tpu.memory_space<vmem>>, vector<1x16xi32>,
    %get3A_1242 = arith.constant 16 : i32
    %get3A_1243 = arith.index_cast %get3A_1242 : i32 to index
    %get3A_1244 = arith.constant 48 : index
    %get3A_1245 = tpu.vector_load %arg7[%get3A_1243, %get3A_1244] {strides = array<i32>} : memref<26x128xi32, #tpu.memory_space<vmem>>, vector<1x16xi32>,
    %get3A_1246 = vector.shape_cast %get3A_1245 : vector<1x16xi32> to vector<16xi32>
    %add3A_1247 = arith.constant 300000 : i32
    %add3A_1248 = vector.broadcast %add3A_1247 : i32 to vector<16xi32>
    %add3A_1249 = arith.addi %get3A_1246, %add3A_1248 : vector<16xi32>
    %swap3A_1250 = arith.constant 16 : i32
    %swap3A_1251 = arith.index_cast %swap3A_1250 : i32 to index
    %swap3A_1252 = arith.constant 48 : index
    %swap3A_1253 = tpu.vector_load %arg7[%swap3A_1251, %swap3A_1252] {strides = array<i32>} : memref<26x128xi32, #tpu.memory_space<vmem>>, vector<1x16xi32>,
    %swap3A_1254 = vector.shape_cast %swap3A_1253 : vector<1x16xi32> to vector<16xi32>
    %swap3A_1255 = vector.shape_cast %add3A_1249 : vector<16xi32> to vector<1x16xi32>
    tpu.vector_store %arg7[%swap3A_1251, %swap3A_1252], %swap3A_1255 {strides = array<i32>} : memref<26x128xi32, #tpu.memory_space<vmem>>, vector<1x16xi32>,
    %get3A_1256 = arith.constant 17 : i32
    %get3A_1257 = arith.index_cast %get3A_1256 : i32 to index
    %get3A_1258 = arith.constant 48 : index
    %get3A_1259 = tpu.vector_load %arg7[%get3A_1257, %get3A_1258] {strides = array<i32>} : memref<26x128xi32, #tpu.memory_space<vmem>>, vector<1x16xi32>,
    %get3A_1260 = vector.shape_cast %get3A_1259 : vector<1x16xi32> to vector<16xi32>
    %add3A_1261 = arith.constant 400000 : i32
    %add3A_1262 = vector.broadcast %add3A_1261 : i32 to vector<16xi32>
    %add3A_1263 = arith.addi %get3A_1260, %add3A_1262 : vector<16xi32>
    %swap3A_1264 = arith.constant 17 : i32
    %swap3A_1265 = arith.index_cast %swap3A_1264 : i32 to index
    %swap3A_1266 = arith.constant 48 : index
    %swap3A_1267 = tpu.vector_load %arg7[%swap3A_1265, %swap3A_1266] {strides = array<i32>} : memref<26x128xi32, #tpu.memory_space<vmem>>, vector<1x16xi32>,
    %swap3A_1268 = vector.shape_cast %swap3A_1267 : vector<1x16xi32> to vector<16xi32>
    %swap3A_1269 = vector.shape_cast %add3A_1263 : vector<16xi32> to vector<1x16xi32>
    tpu.vector_store %arg7[%swap3A_1265, %swap3A_1266], %swap3A_1269 {strides = array<i32>} : memref<26x128xi32, #tpu.memory_space<vmem>>, vector<1x16xi32>,
    %get3A_1270 = arith.constant 18 : i32
    %get3A_1271 = arith.index_cast %get3A_1270 : i32 to index
    %get3A_1272 = arith.constant 48 : index
    %get3A_1273 = tpu.vector_load %arg7[%get3A_1271, %get3A_1272] {strides = array<i32>} : memref<26x128xi32, #tpu.memory_space<vmem>>, vector<1x16xi32>,
    %get3A_1274 = vector.shape_cast %get3A_1273 : vector<1x16xi32> to vector<16xi32>
    %add3A_1275 = arith.constant 500000 : i32
    %add3A_1276 = vector.broadcast %add3A_1275 : i32 to vector<16xi32>
    %add3A_1277 = arith.addi %get3A_1274, %add3A_1276 : vector<16xi32>
    %swap3A_1278 = arith.constant 18 : i32
    %swap3A_1279 = arith.index_cast %swap3A_1278 : i32 to index
    %swap3A_1280 = arith.constant 48 : index
    %swap3A_1281 = tpu.vector_load %arg7[%swap3A_1279, %swap3A_1280] {strides = array<i32>} : memref<26x128xi32, #tpu.memory_space<vmem>>, vector<1x16xi32>,
    %swap3A_1282 = vector.shape_cast %swap3A_1281 : vector<1x16xi32> to vector<16xi32>
    %swap3A_1283 = vector.shape_cast %add3A_1277 : vector<16xi32> to vector<1x16xi32>
    tpu.vector_store %arg7[%swap3A_1279, %swap3A_1280], %swap3A_1283 {strides = array<i32>} : memref<26x128xi32, #tpu.memory_space<vmem>>, vector<1x16xi32>,
    %get3A_1284 = arith.constant 19 : i32
    %get3A_1285 = arith.index_cast %get3A_1284 : i32 to index
    %get3A_1286 = arith.constant 48 : index
    %get3A_1287 = tpu.vector_load %arg7[%get3A_1285, %get3A_1286] {strides = array<i32>} : memref<26x128xi32, #tpu.memory_space<vmem>>, vector<1x16xi32>,
    %get3A_1288 = vector.shape_cast %get3A_1287 : vector<1x16xi32> to vector<16xi32>
    %add3A_1289 = arith.constant 600000 : i32
    %add3A_1290 = vector.broadcast %add3A_1289 : i32 to vector<16xi32>
    %add3A_1291 = arith.addi %get3A_1288, %add3A_1290 : vector<16xi32>
    %swap3A_1292 = arith.constant 19 : i32
    %swap3A_1293 = arith.index_cast %swap3A_1292 : i32 to index
    %swap3A_1294 = arith.constant 48 : index
    %swap3A_1295 = tpu.vector_load %arg7[%swap3A_1293, %swap3A_1294] {strides = array<i32>} : memref<26x128xi32, #tpu.memory_space<vmem>>, vector<1x16xi32>,
    %swap3A_1296 = vector.shape_cast %swap3A_1295 : vector<1x16xi32> to vector<16xi32>
    %swap3A_1297 = vector.shape_cast %add3A_1291 : vector<16xi32> to vector<1x16xi32>
    tpu.vector_store %arg7[%swap3A_1293, %swap3A_1294], %swap3A_1297 {strides = array<i32>} : memref<26x128xi32, #tpu.memory_space<vmem>>, vector<1x16xi32>,
    %get3A_1298 = arith.constant 20 : i32
    %get3A_1299 = arith.index_cast %get3A_1298 : i32 to index
    %get3A_1300 = arith.constant 48 : index
    %get3A_1301 = tpu.vector_load %arg7[%get3A_1299, %get3A_1300] {strides = array<i32>} : memref<26x128xi32, #tpu.memory_space<vmem>>, vector<1x16xi32>,
    %get3A_1302 = vector.shape_cast %get3A_1301 : vector<1x16xi32> to vector<16xi32>
    %add3A_1303 = arith.constant 700000 : i32
    %add3A_1304 = vector.broadcast %add3A_1303 : i32 to vector<16xi32>
    %add3A_1305 = arith.addi %get3A_1302, %add3A_1304 : vector<16xi32>
    %swap3A_1306 = arith.constant 20 : i32
    %swap3A_1307 = arith.index_cast %swap3A_1306 : i32 to index
    %swap3A_1308 = arith.constant 48 : index
    %swap3A_1309 = tpu.vector_load %arg7[%swap3A_1307, %swap3A_1308] {strides = array<i32>} : memref<26x128xi32, #tpu.memory_space<vmem>>, vector<1x16xi32>,
    %swap3A_1310 = vector.shape_cast %swap3A_1309 : vector<1x16xi32> to vector<16xi32>
    %swap3A_1311 = vector.shape_cast %add3A_1305 : vector<16xi32> to vector<1x16xi32>
    tpu.vector_store %arg7[%swap3A_1307, %swap3A_1308], %swap3A_1311 {strides = array<i32>} : memref<26x128xi32, #tpu.memory_space<vmem>>, vector<1x16xi32>,
    %get3A_1312 = arith.constant 21 : i32
    %get3A_1313 = arith.index_cast %get3A_1312 : i32 to index
    %get3A_1314 = arith.constant 48 : index
    %get3A_1315 = tpu.vector_load %arg7[%get3A_1313, %get3A_1314] {strides = array<i32>} : memref<26x128xi32, #tpu.memory_space<vmem>>, vector<1x16xi32>,
    %get3A_1316 = vector.shape_cast %get3A_1315 : vector<1x16xi32> to vector<16xi32>
    %add3A_1317 = arith.constant 800000 : i32
    %add3A_1318 = vector.broadcast %add3A_1317 : i32 to vector<16xi32>
    %add3A_1319 = arith.addi %get3A_1316, %add3A_1318 : vector<16xi32>
    %swap3A_1320 = arith.constant 21 : i32
    %swap3A_1321 = arith.index_cast %swap3A_1320 : i32 to index
    %swap3A_1322 = arith.constant 48 : index
    %swap3A_1323 = tpu.vector_load %arg7[%swap3A_1321, %swap3A_1322] {strides = array<i32>} : memref<26x128xi32, #tpu.memory_space<vmem>>, vector<1x16xi32>,
    %swap3A_1324 = vector.shape_cast %swap3A_1323 : vector<1x16xi32> to vector<16xi32>
    %swap3A_1325 = vector.shape_cast %add3A_1319 : vector<16xi32> to vector<1x16xi32>
    tpu.vector_store %arg7[%swap3A_1321, %swap3A_1322], %swap3A_1325 {strides = array<i32>} : memref<26x128xi32, #tpu.memory_space<vmem>>, vector<1x16xi32>,
    %get3A_1326 = arith.constant 22 : i32
    %get3A_1327 = arith.index_cast %get3A_1326 : i32 to index
    %get3A_1328 = arith.constant 48 : index
    %get3A_1329 = tpu.vector_load %arg7[%get3A_1327, %get3A_1328] {strides = array<i32>} : memref<26x128xi32, #tpu.memory_space<vmem>>, vector<1x16xi32>,
    %get3A_1330 = vector.shape_cast %get3A_1329 : vector<1x16xi32> to vector<16xi32>
    %add3A_1331 = arith.constant 900000 : i32
    %add3A_1332 = vector.broadcast %add3A_1331 : i32 to vector<16xi32>
    %add3A_1333 = arith.addi %get3A_1330, %add3A_1332 : vector<16xi32>
    %swap3A_1334 = arith.constant 22 : i32
    %swap3A_1335 = arith.index_cast %swap3A_1334 : i32 to index
    %swap3A_1336 = arith.constant 48 : index
    %swap3A_1337 = tpu.vector_load %arg7[%swap3A_1335, %swap3A_1336] {strides = array<i32>} : memref<26x128xi32, #tpu.memory_space<vmem>>, vector<1x16xi32>,
    %swap3A_1338 = vector.shape_cast %swap3A_1337 : vector<1x16xi32> to vector<16xi32>
    %swap3A_1339 = vector.shape_cast %add3A_1333 : vector<16xi32> to vector<1x16xi32>
    tpu.vector_store %arg7[%swap3A_1335, %swap3A_1336], %swap3A_1339 {strides = array<i32>} : memref<26x128xi32, #tpu.memory_space<vmem>>, vector<1x16xi32>,
    %get3A_1340 = arith.constant 23 : i32
    %get3A_1341 = arith.index_cast %get3A_1340 : i32 to index
    %get3A_1342 = arith.constant 48 : index
    %get3A_1343 = tpu.vector_load %arg7[%get3A_1341, %get3A_1342] {strides = array<i32>} : memref<26x128xi32, #tpu.memory_space<vmem>>, vector<1x16xi32>,
    %get3A_1344 = vector.shape_cast %get3A_1343 : vector<1x16xi32> to vector<16xi32>
    %add3A_1345 = arith.constant 1000000 : i32
    %add3A_1346 = vector.broadcast %add3A_1345 : i32 to vector<16xi32>
    %add3A_1347 = arith.addi %get3A_1344, %add3A_1346 : vector<16xi32>
    %swap3A_1348 = arith.constant 23 : i32
    %swap3A_1349 = arith.index_cast %swap3A_1348 : i32 to index
    %swap3A_1350 = arith.constant 48 : index
    %swap3A_1351 = tpu.vector_load %arg7[%swap3A_1349, %swap3A_1350] {strides = array<i32>} : memref<26x128xi32, #tpu.memory_space<vmem>>, vector<1x16xi32>,
    %swap3A_1352 = vector.shape_cast %swap3A_1351 : vector<1x16xi32> to vector<16xi32>
    %swap3A_1353 = vector.shape_cast %add3A_1347 : vector<16xi32> to vector<1x16xi32>
    tpu.vector_store %arg7[%swap3A_1349, %swap3A_1350], %swap3A_1353 {strides = array<i32>} : memref<26x128xi32, #tpu.memory_space<vmem>>, vector<1x16xi32>,
    %get3A_1354 = arith.constant 24 : i32
    %get3A_1355 = arith.index_cast %get3A_1354 : i32 to index
    %get3A_1356 = arith.constant 48 : index
    %get3A_1357 = tpu.vector_load %arg7[%get3A_1355, %get3A_1356] {strides = array<i32>} : memref<26x128xi32, #tpu.memory_space<vmem>>, vector<1x16xi32>,
    %get3A_1358 = vector.shape_cast %get3A_1357 : vector<1x16xi32> to vector<16xi32>
    %add3A_1359 = arith.constant 1100000 : i32
    %add3A_1360 = vector.broadcast %add3A_1359 : i32 to vector<16xi32>
    %add3A_1361 = arith.addi %get3A_1358, %add3A_1360 : vector<16xi32>
    %swap3A_1362 = arith.constant 24 : i32
    %swap3A_1363 = arith.index_cast %swap3A_1362 : i32 to index
    %swap3A_1364 = arith.constant 48 : index
    %swap3A_1365 = tpu.vector_load %arg7[%swap3A_1363, %swap3A_1364] {strides = array<i32>} : memref<26x128xi32, #tpu.memory_space<vmem>>, vector<1x16xi32>,
    %swap3A_1366 = vector.shape_cast %swap3A_1365 : vector<1x16xi32> to vector<16xi32>
    %swap3A_1367 = vector.shape_cast %add3A_1361 : vector<16xi32> to vector<1x16xi32>
    tpu.vector_store %arg7[%swap3A_1363, %swap3A_1364], %swap3A_1367 {strides = array<i32>} : memref<26x128xi32, #tpu.memory_space<vmem>>, vector<1x16xi32>,
    %get3A_1368 = arith.constant 25 : i32
    %get3A_1369 = arith.index_cast %get3A_1368 : i32 to index
    %get3A_1370 = arith.constant 48 : index
    %get3A_1371 = tpu.vector_load %arg7[%get3A_1369, %get3A_1370] {strides = array<i32>} : memref<26x128xi32, #tpu.memory_space<vmem>>, vector<1x16xi32>,
    %get3A_1372 = vector.shape_cast %get3A_1371 : vector<1x16xi32> to vector<16xi32>
    %add3A_1373 = arith.constant 1200000 : i32
    %add3A_1374 = vector.broadcast %add3A_1373 : i32 to vector<16xi32>
    %add3A_1375 = arith.addi %get3A_1372, %add3A_1374 : vector<16xi32>
    %swap3A_1376 = arith.constant 25 : i32
    %swap3A_1377 = arith.index_cast %swap3A_1376 : i32 to index
    %swap3A_1378 = arith.constant 48 : index
    %swap3A_1379 = tpu.vector_load %arg7[%swap3A_1377, %swap3A_1378] {strides = array<i32>} : memref<26x128xi32, #tpu.memory_space<vmem>>, vector<1x16xi32>,
    %swap3A_1380 = vector.shape_cast %swap3A_1379 : vector<1x16xi32> to vector<16xi32>
    %swap3A_1381 = vector.shape_cast %add3A_1375 : vector<16xi32> to vector<1x16xi32>
    tpu.vector_store %arg7[%swap3A_1377, %swap3A_1378], %swap3A_1381 {strides = array<i32>} : memref<26x128xi32, #tpu.memory_space<vmem>>, vector<1x16xi32>,
    %iota3A_1382 = tpu.iota {dimensions = array<i32: 0>} : vector<16xi32>
    %add3A_1383 = arith.constant 64 : i32
    %add3A_1384 = arith.addi %mul3A_4, %add3A_1383 : i32
    %add3A_1385 = vector.broadcast %add3A_1384 : i32 to vector<16xi32>
    %add3A_1386 = arith.addi %iota3A_1382, %add3A_1385 : vector<16xi32>
    %swap3A_1387 = arith.constant 64 : index
    %swap3A_1388 = tpu.vector_load %arg8[%swap3A_1387] {strides = array<i32>} : memref<128xi32, #tpu.memory_space<vmem>>, vector<16xi32>,
    %swap3A_1389 = vector.shape_cast %swap3A_1388 : vector<16xi32> to vector<16xi32>
    %swap3A_1390 = vector.shape_cast %add3A_1386 : vector<16xi32> to vector<16xi32>
    tpu.vector_store %arg8[%swap3A_1387], %swap3A_1390 {strides = array<i32>} : memref<128xi32, #tpu.memory_space<vmem>>, vector<16xi32>,
    %get3A_1391 = arith.constant 1 : i32
    %get3A_1392 = arith.index_cast %get3A_1391 : i32 to index
    %get3A_1393 = arith.constant 64 : index
    %get3A_1394 = tpu.vector_load %arg7[%get3A_1392, %get3A_1393] {strides = array<i32>} : memref<26x128xi32, #tpu.memory_space<vmem>>, vector<1x16xi32>,
    %get3A_1395 = vector.shape_cast %get3A_1394 : vector<1x16xi32> to vector<16xi32>
    %add3A_1396 = arith.constant 100000 : i32
    %add3A_1397 = vector.broadcast %add3A_1396 : i32 to vector<16xi32>
    %add3A_1398 = arith.addi %get3A_1395, %add3A_1397 : vector<16xi32>
    %swap3A_1399 = arith.constant 1 : i32
    %swap3A_1400 = arith.index_cast %swap3A_1399 : i32 to index
    %swap3A_1401 = arith.constant 64 : index
    %swap3A_1402 = tpu.vector_load %arg7[%swap3A_1400, %swap3A_1401] {strides = array<i32>} : memref<26x128xi32, #tpu.memory_space<vmem>>, vector<1x16xi32>,
    %swap3A_1403 = vector.shape_cast %swap3A_1402 : vector<1x16xi32> to vector<16xi32>
    %swap3A_1404 = vector.shape_cast %add3A_1398 : vector<16xi32> to vector<1x16xi32>
    tpu.vector_store %arg7[%swap3A_1400, %swap3A_1401], %swap3A_1404 {strides = array<i32>} : memref<26x128xi32, #tpu.memory_space<vmem>>, vector<1x16xi32>,
    %get3A_1405 = arith.constant 2 : i32
    %get3A_1406 = arith.index_cast %get3A_1405 : i32 to index
    %get3A_1407 = arith.constant 64 : index
    %get3A_1408 = tpu.vector_load %arg7[%get3A_1406, %get3A_1407] {strides = array<i32>} : memref<26x128xi32, #tpu.memory_space<vmem>>, vector<1x16xi32>,
    %get3A_1409 = vector.shape_cast %get3A_1408 : vector<1x16xi32> to vector<16xi32>
    %add3A_1410 = arith.constant 200000 : i32
    %add3A_1411 = vector.broadcast %add3A_1410 : i32 to vector<16xi32>
    %add3A_1412 = arith.addi %get3A_1409, %add3A_1411 : vector<16xi32>
    %swap3A_1413 = arith.constant 2 : i32
    %swap3A_1414 = arith.index_cast %swap3A_1413 : i32 to index
    %swap3A_1415 = arith.constant 64 : index
    %swap3A_1416 = tpu.vector_load %arg7[%swap3A_1414, %swap3A_1415] {strides = array<i32>} : memref<26x128xi32, #tpu.memory_space<vmem>>, vector<1x16xi32>,
    %swap3A_1417 = vector.shape_cast %swap3A_1416 : vector<1x16xi32> to vector<16xi32>
    %swap3A_1418 = vector.shape_cast %add3A_1412 : vector<16xi32> to vector<1x16xi32>
    tpu.vector_store %arg7[%swap3A_1414, %swap3A_1415], %swap3A_1418 {strides = array<i32>} : memref<26x128xi32, #tpu.memory_space<vmem>>, vector<1x16xi32>,
    %get3A_1419 = arith.constant 3 : i32
    %get3A_1420 = arith.index_cast %get3A_1419 : i32 to index
    %get3A_1421 = arith.constant 64 : index
    %get3A_1422 = tpu.vector_load %arg7[%get3A_1420, %get3A_1421] {strides = array<i32>} : memref<26x128xi32, #tpu.memory_space<vmem>>, vector<1x16xi32>,
    %get3A_1423 = vector.shape_cast %get3A_1422 : vector<1x16xi32> to vector<16xi32>
    %add3A_1424 = arith.constant 300000 : i32
    %add3A_1425 = vector.broadcast %add3A_1424 : i32 to vector<16xi32>
    %add3A_1426 = arith.addi %get3A_1423, %add3A_1425 : vector<16xi32>
    %swap3A_1427 = arith.constant 3 : i32
    %swap3A_1428 = arith.index_cast %swap3A_1427 : i32 to index
    %swap3A_1429 = arith.constant 64 : index
    %swap3A_1430 = tpu.vector_load %arg7[%swap3A_1428, %swap3A_1429] {strides = array<i32>} : memref<26x128xi32, #tpu.memory_space<vmem>>, vector<1x16xi32>,
    %swap3A_1431 = vector.shape_cast %swap3A_1430 : vector<1x16xi32> to vector<16xi32>
    %swap3A_1432 = vector.shape_cast %add3A_1426 : vector<16xi32> to vector<1x16xi32>
    tpu.vector_store %arg7[%swap3A_1428, %swap3A_1429], %swap3A_1432 {strides = array<i32>} : memref<26x128xi32, #tpu.memory_space<vmem>>, vector<1x16xi32>,
    %get3A_1433 = arith.constant 4 : i32
    %get3A_1434 = arith.index_cast %get3A_1433 : i32 to index
    %get3A_1435 = arith.constant 64 : index
    %get3A_1436 = tpu.vector_load %arg7[%get3A_1434, %get3A_1435] {strides = array<i32>} : memref<26x128xi32, #tpu.memory_space<vmem>>, vector<1x16xi32>,
    %get3A_1437 = vector.shape_cast %get3A_1436 : vector<1x16xi32> to vector<16xi32>
    %add3A_1438 = arith.constant 400000 : i32
    %add3A_1439 = vector.broadcast %add3A_1438 : i32 to vector<16xi32>
    %add3A_1440 = arith.addi %get3A_1437, %add3A_1439 : vector<16xi32>
    %swap3A_1441 = arith.constant 4 : i32
    %swap3A_1442 = arith.index_cast %swap3A_1441 : i32 to index
    %swap3A_1443 = arith.constant 64 : index
    %swap3A_1444 = tpu.vector_load %arg7[%swap3A_1442, %swap3A_1443] {strides = array<i32>} : memref<26x128xi32, #tpu.memory_space<vmem>>, vector<1x16xi32>,
    %swap3A_1445 = vector.shape_cast %swap3A_1444 : vector<1x16xi32> to vector<16xi32>
    %swap3A_1446 = vector.shape_cast %add3A_1440 : vector<16xi32> to vector<1x16xi32>
    tpu.vector_store %arg7[%swap3A_1442, %swap3A_1443], %swap3A_1446 {strides = array<i32>} : memref<26x128xi32, #tpu.memory_space<vmem>>, vector<1x16xi32>,
    %get3A_1447 = arith.constant 5 : i32
    %get3A_1448 = arith.index_cast %get3A_1447 : i32 to index
    %get3A_1449 = arith.constant 64 : index
    %get3A_1450 = tpu.vector_load %arg7[%get3A_1448, %get3A_1449] {strides = array<i32>} : memref<26x128xi32, #tpu.memory_space<vmem>>, vector<1x16xi32>,
    %get3A_1451 = vector.shape_cast %get3A_1450 : vector<1x16xi32> to vector<16xi32>
    %add3A_1452 = arith.constant 500000 : i32
    %add3A_1453 = vector.broadcast %add3A_1452 : i32 to vector<16xi32>
    %add3A_1454 = arith.addi %get3A_1451, %add3A_1453 : vector<16xi32>
    %swap3A_1455 = arith.constant 5 : i32
    %swap3A_1456 = arith.index_cast %swap3A_1455 : i32 to index
    %swap3A_1457 = arith.constant 64 : index
    %swap3A_1458 = tpu.vector_load %arg7[%swap3A_1456, %swap3A_1457] {strides = array<i32>} : memref<26x128xi32, #tpu.memory_space<vmem>>, vector<1x16xi32>,
    %swap3A_1459 = vector.shape_cast %swap3A_1458 : vector<1x16xi32> to vector<16xi32>
    %swap3A_1460 = vector.shape_cast %add3A_1454 : vector<16xi32> to vector<1x16xi32>
    tpu.vector_store %arg7[%swap3A_1456, %swap3A_1457], %swap3A_1460 {strides = array<i32>} : memref<26x128xi32, #tpu.memory_space<vmem>>, vector<1x16xi32>,
    %get3A_1461 = arith.constant 6 : i32
    %get3A_1462 = arith.index_cast %get3A_1461 : i32 to index
    %get3A_1463 = arith.constant 64 : index
    %get3A_1464 = tpu.vector_load %arg7[%get3A_1462, %get3A_1463] {strides = array<i32>} : memref<26x128xi32, #tpu.memory_space<vmem>>, vector<1x16xi32>,
    %get3A_1465 = vector.shape_cast %get3A_1464 : vector<1x16xi32> to vector<16xi32>
    %add3A_1466 = arith.constant 600000 : i32
    %add3A_1467 = vector.broadcast %add3A_1466 : i32 to vector<16xi32>
    %add3A_1468 = arith.addi %get3A_1465, %add3A_1467 : vector<16xi32>
    %swap3A_1469 = arith.constant 6 : i32
    %swap3A_1470 = arith.index_cast %swap3A_1469 : i32 to index
    %swap3A_1471 = arith.constant 64 : index
    %swap3A_1472 = tpu.vector_load %arg7[%swap3A_1470, %swap3A_1471] {strides = array<i32>} : memref<26x128xi32, #tpu.memory_space<vmem>>, vector<1x16xi32>,
    %swap3A_1473 = vector.shape_cast %swap3A_1472 : vector<1x16xi32> to vector<16xi32>
    %swap3A_1474 = vector.shape_cast %add3A_1468 : vector<16xi32> to vector<1x16xi32>
    tpu.vector_store %arg7[%swap3A_1470, %swap3A_1471], %swap3A_1474 {strides = array<i32>} : memref<26x128xi32, #tpu.memory_space<vmem>>, vector<1x16xi32>,
    %get3A_1475 = arith.constant 7 : i32
    %get3A_1476 = arith.index_cast %get3A_1475 : i32 to index
    %get3A_1477 = arith.constant 64 : index
    %get3A_1478 = tpu.vector_load %arg7[%get3A_1476, %get3A_1477] {strides = array<i32>} : memref<26x128xi32, #tpu.memory_space<vmem>>, vector<1x16xi32>,
    %get3A_1479 = vector.shape_cast %get3A_1478 : vector<1x16xi32> to vector<16xi32>
    %add3A_1480 = arith.constant 700000 : i32
    %add3A_1481 = vector.broadcast %add3A_1480 : i32 to vector<16xi32>
    %add3A_1482 = arith.addi %get3A_1479, %add3A_1481 : vector<16xi32>
    %swap3A_1483 = arith.constant 7 : i32
    %swap3A_1484 = arith.index_cast %swap3A_1483 : i32 to index
    %swap3A_1485 = arith.constant 64 : index
    %swap3A_1486 = tpu.vector_load %arg7[%swap3A_1484, %swap3A_1485] {strides = array<i32>} : memref<26x128xi32, #tpu.memory_space<vmem>>, vector<1x16xi32>,
    %swap3A_1487 = vector.shape_cast %swap3A_1486 : vector<1x16xi32> to vector<16xi32>
    %swap3A_1488 = vector.shape_cast %add3A_1482 : vector<16xi32> to vector<1x16xi32>
    tpu.vector_store %arg7[%swap3A_1484, %swap3A_1485], %swap3A_1488 {strides = array<i32>} : memref<26x128xi32, #tpu.memory_space<vmem>>, vector<1x16xi32>,
    %get3A_1489 = arith.constant 8 : i32
    %get3A_1490 = arith.index_cast %get3A_1489 : i32 to index
    %get3A_1491 = arith.constant 64 : index
    %get3A_1492 = tpu.vector_load %arg7[%get3A_1490, %get3A_1491] {strides = array<i32>} : memref<26x128xi32, #tpu.memory_space<vmem>>, vector<1x16xi32>,
    %get3A_1493 = vector.shape_cast %get3A_1492 : vector<1x16xi32> to vector<16xi32>
    %add3A_1494 = arith.constant 800000 : i32
    %add3A_1495 = vector.broadcast %add3A_1494 : i32 to vector<16xi32>
    %add3A_1496 = arith.addi %get3A_1493, %add3A_1495 : vector<16xi32>
    %swap3A_1497 = arith.constant 8 : i32
    %swap3A_1498 = arith.index_cast %swap3A_1497 : i32 to index
    %swap3A_1499 = arith.constant 64 : index
    %swap3A_1500 = tpu.vector_load %arg7[%swap3A_1498, %swap3A_1499] {strides = array<i32>} : memref<26x128xi32, #tpu.memory_space<vmem>>, vector<1x16xi32>,
    %swap3A_1501 = vector.shape_cast %swap3A_1500 : vector<1x16xi32> to vector<16xi32>
    %swap3A_1502 = vector.shape_cast %add3A_1496 : vector<16xi32> to vector<1x16xi32>
    tpu.vector_store %arg7[%swap3A_1498, %swap3A_1499], %swap3A_1502 {strides = array<i32>} : memref<26x128xi32, #tpu.memory_space<vmem>>, vector<1x16xi32>,
    %get3A_1503 = arith.constant 9 : i32
    %get3A_1504 = arith.index_cast %get3A_1503 : i32 to index
    %get3A_1505 = arith.constant 64 : index
    %get3A_1506 = tpu.vector_load %arg7[%get3A_1504, %get3A_1505] {strides = array<i32>} : memref<26x128xi32, #tpu.memory_space<vmem>>, vector<1x16xi32>,
    %get3A_1507 = vector.shape_cast %get3A_1506 : vector<1x16xi32> to vector<16xi32>
    %add3A_1508 = arith.constant 900000 : i32
    %add3A_1509 = vector.broadcast %add3A_1508 : i32 to vector<16xi32>
    %add3A_1510 = arith.addi %get3A_1507, %add3A_1509 : vector<16xi32>
    %swap3A_1511 = arith.constant 9 : i32
    %swap3A_1512 = arith.index_cast %swap3A_1511 : i32 to index
    %swap3A_1513 = arith.constant 64 : index
    %swap3A_1514 = tpu.vector_load %arg7[%swap3A_1512, %swap3A_1513] {strides = array<i32>} : memref<26x128xi32, #tpu.memory_space<vmem>>, vector<1x16xi32>,
    %swap3A_1515 = vector.shape_cast %swap3A_1514 : vector<1x16xi32> to vector<16xi32>
    %swap3A_1516 = vector.shape_cast %add3A_1510 : vector<16xi32> to vector<1x16xi32>
    tpu.vector_store %arg7[%swap3A_1512, %swap3A_1513], %swap3A_1516 {strides = array<i32>} : memref<26x128xi32, #tpu.memory_space<vmem>>, vector<1x16xi32>,
    %get3A_1517 = arith.constant 10 : i32
    %get3A_1518 = arith.index_cast %get3A_1517 : i32 to index
    %get3A_1519 = arith.constant 64 : index
    %get3A_1520 = tpu.vector_load %arg7[%get3A_1518, %get3A_1519] {strides = array<i32>} : memref<26x128xi32, #tpu.memory_space<vmem>>, vector<1x16xi32>,
    %get3A_1521 = vector.shape_cast %get3A_1520 : vector<1x16xi32> to vector<16xi32>
    %add3A_1522 = arith.constant 1000000 : i32
    %add3A_1523 = vector.broadcast %add3A_1522 : i32 to vector<16xi32>
    %add3A_1524 = arith.addi %get3A_1521, %add3A_1523 : vector<16xi32>
    %swap3A_1525 = arith.constant 10 : i32
    %swap3A_1526 = arith.index_cast %swap3A_1525 : i32 to index
    %swap3A_1527 = arith.constant 64 : index
    %swap3A_1528 = tpu.vector_load %arg7[%swap3A_1526, %swap3A_1527] {strides = array<i32>} : memref<26x128xi32, #tpu.memory_space<vmem>>, vector<1x16xi32>,
    %swap3A_1529 = vector.shape_cast %swap3A_1528 : vector<1x16xi32> to vector<16xi32>
    %swap3A_1530 = vector.shape_cast %add3A_1524 : vector<16xi32> to vector<1x16xi32>
    tpu.vector_store %arg7[%swap3A_1526, %swap3A_1527], %swap3A_1530 {strides = array<i32>} : memref<26x128xi32, #tpu.memory_space<vmem>>, vector<1x16xi32>,
    %get3A_1531 = arith.constant 11 : i32
    %get3A_1532 = arith.index_cast %get3A_1531 : i32 to index
    %get3A_1533 = arith.constant 64 : index
    %get3A_1534 = tpu.vector_load %arg7[%get3A_1532, %get3A_1533] {strides = array<i32>} : memref<26x128xi32, #tpu.memory_space<vmem>>, vector<1x16xi32>,
    %get3A_1535 = vector.shape_cast %get3A_1534 : vector<1x16xi32> to vector<16xi32>
    %add3A_1536 = arith.constant 1100000 : i32
    %add3A_1537 = vector.broadcast %add3A_1536 : i32 to vector<16xi32>
    %add3A_1538 = arith.addi %get3A_1535, %add3A_1537 : vector<16xi32>
    %swap3A_1539 = arith.constant 11 : i32
    %swap3A_1540 = arith.index_cast %swap3A_1539 : i32 to index
    %swap3A_1541 = arith.constant 64 : index
    %swap3A_1542 = tpu.vector_load %arg7[%swap3A_1540, %swap3A_1541] {strides = array<i32>} : memref<26x128xi32, #tpu.memory_space<vmem>>, vector<1x16xi32>,
    %swap3A_1543 = vector.shape_cast %swap3A_1542 : vector<1x16xi32> to vector<16xi32>
    %swap3A_1544 = vector.shape_cast %add3A_1538 : vector<16xi32> to vector<1x16xi32>
    tpu.vector_store %arg7[%swap3A_1540, %swap3A_1541], %swap3A_1544 {strides = array<i32>} : memref<26x128xi32, #tpu.memory_space<vmem>>, vector<1x16xi32>,
    %get3A_1545 = arith.constant 12 : i32
    %get3A_1546 = arith.index_cast %get3A_1545 : i32 to index
    %get3A_1547 = arith.constant 64 : index
    %get3A_1548 = tpu.vector_load %arg7[%get3A_1546, %get3A_1547] {strides = array<i32>} : memref<26x128xi32, #tpu.memory_space<vmem>>, vector<1x16xi32>,
    %get3A_1549 = vector.shape_cast %get3A_1548 : vector<1x16xi32> to vector<16xi32>
    %add3A_1550 = arith.constant 1200000 : i32
    %add3A_1551 = vector.broadcast %add3A_1550 : i32 to vector<16xi32>
    %add3A_1552 = arith.addi %get3A_1549, %add3A_1551 : vector<16xi32>
    %swap3A_1553 = arith.constant 12 : i32
    %swap3A_1554 = arith.index_cast %swap3A_1553 : i32 to index
    %swap3A_1555 = arith.constant 64 : index
    %swap3A_1556 = tpu.vector_load %arg7[%swap3A_1554, %swap3A_1555] {strides = array<i32>} : memref<26x128xi32, #tpu.memory_space<vmem>>, vector<1x16xi32>,
    %swap3A_1557 = vector.shape_cast %swap3A_1556 : vector<1x16xi32> to vector<16xi32>
    %swap3A_1558 = vector.shape_cast %add3A_1552 : vector<16xi32> to vector<1x16xi32>
    tpu.vector_store %arg7[%swap3A_1554, %swap3A_1555], %swap3A_1558 {strides = array<i32>} : memref<26x128xi32, #tpu.memory_space<vmem>>, vector<1x16xi32>,
    %get3A_1559 = arith.constant 14 : i32
    %get3A_1560 = arith.index_cast %get3A_1559 : i32 to index
    %get3A_1561 = arith.constant 64 : index
    %get3A_1562 = tpu.vector_load %arg7[%get3A_1560, %get3A_1561] {strides = array<i32>} : memref<26x128xi32, #tpu.memory_space<vmem>>, vector<1x16xi32>,
    %get3A_1563 = vector.shape_cast %get3A_1562 : vector<1x16xi32> to vector<16xi32>
    %add3A_1564 = arith.constant 100000 : i32
    %add3A_1565 = vector.broadcast %add3A_1564 : i32 to vector<16xi32>
    %add3A_1566 = arith.addi %get3A_1563, %add3A_1565 : vector<16xi32>
    %swap3A_1567 = arith.constant 14 : i32
    %swap3A_1568 = arith.index_cast %swap3A_1567 : i32 to index
    %swap3A_1569 = arith.constant 64 : index
    %swap3A_1570 = tpu.vector_load %arg7[%swap3A_1568, %swap3A_1569] {strides = array<i32>} : memref<26x128xi32, #tpu.memory_space<vmem>>, vector<1x16xi32>,
    %swap3A_1571 = vector.shape_cast %swap3A_1570 : vector<1x16xi32> to vector<16xi32>
    %swap3A_1572 = vector.shape_cast %add3A_1566 : vector<16xi32> to vector<1x16xi32>
    tpu.vector_store %arg7[%swap3A_1568, %swap3A_1569], %swap3A_1572 {strides = array<i32>} : memref<26x128xi32, #tpu.memory_space<vmem>>, vector<1x16xi32>,
    %get3A_1573 = arith.constant 15 : i32
    %get3A_1574 = arith.index_cast %get3A_1573 : i32 to index
    %get3A_1575 = arith.constant 64 : index
    %get3A_1576 = tpu.vector_load %arg7[%get3A_1574, %get3A_1575] {strides = array<i32>} : memref<26x128xi32, #tpu.memory_space<vmem>>, vector<1x16xi32>,
    %get3A_1577 = vector.shape_cast %get3A_1576 : vector<1x16xi32> to vector<16xi32>
    %add3A_1578 = arith.constant 200000 : i32
    %add3A_1579 = vector.broadcast %add3A_1578 : i32 to vector<16xi32>
    %add3A_1580 = arith.addi %get3A_1577, %add3A_1579 : vector<16xi32>
    %swap3A_1581 = arith.constant 15 : i32
    %swap3A_1582 = arith.index_cast %swap3A_1581 : i32 to index
    %swap3A_1583 = arith.constant 64 : index
    %swap3A_1584 = tpu.vector_load %arg7[%swap3A_1582, %swap3A_1583] {strides = array<i32>} : memref<26x128xi32, #tpu.memory_space<vmem>>, vector<1x16xi32>,
    %swap3A_1585 = vector.shape_cast %swap3A_1584 : vector<1x16xi32> to vector<16xi32>
    %swap3A_1586 = vector.shape_cast %add3A_1580 : vector<16xi32> to vector<1x16xi32>
    tpu.vector_store %arg7[%swap3A_1582, %swap3A_1583], %swap3A_1586 {strides = array<i32>} : memref<26x128xi32, #tpu.memory_space<vmem>>, vector<1x16xi32>,
    %get3A_1587 = arith.constant 16 : i32
    %get3A_1588 = arith.index_cast %get3A_1587 : i32 to index
    %get3A_1589 = arith.constant 64 : index
    %get3A_1590 = tpu.vector_load %arg7[%get3A_1588, %get3A_1589] {strides = array<i32>} : memref<26x128xi32, #tpu.memory_space<vmem>>, vector<1x16xi32>,
    %get3A_1591 = vector.shape_cast %get3A_1590 : vector<1x16xi32> to vector<16xi32>
    %add3A_1592 = arith.constant 300000 : i32
    %add3A_1593 = vector.broadcast %add3A_1592 : i32 to vector<16xi32>
    %add3A_1594 = arith.addi %get3A_1591, %add3A_1593 : vector<16xi32>
    %swap3A_1595 = arith.constant 16 : i32
    %swap3A_1596 = arith.index_cast %swap3A_1595 : i32 to index
    %swap3A_1597 = arith.constant 64 : index
    %swap3A_1598 = tpu.vector_load %arg7[%swap3A_1596, %swap3A_1597] {strides = array<i32>} : memref<26x128xi32, #tpu.memory_space<vmem>>, vector<1x16xi32>,
    %swap3A_1599 = vector.shape_cast %swap3A_1598 : vector<1x16xi32> to vector<16xi32>
    %swap3A_1600 = vector.shape_cast %add3A_1594 : vector<16xi32> to vector<1x16xi32>
    tpu.vector_store %arg7[%swap3A_1596, %swap3A_1597], %swap3A_1600 {strides = array<i32>} : memref<26x128xi32, #tpu.memory_space<vmem>>, vector<1x16xi32>,
    %get3A_1601 = arith.constant 17 : i32
    %get3A_1602 = arith.index_cast %get3A_1601 : i32 to index
    %get3A_1603 = arith.constant 64 : index
    %get3A_1604 = tpu.vector_load %arg7[%get3A_1602, %get3A_1603] {strides = array<i32>} : memref<26x128xi32, #tpu.memory_space<vmem>>, vector<1x16xi32>,
    %get3A_1605 = vector.shape_cast %get3A_1604 : vector<1x16xi32> to vector<16xi32>
    %add3A_1606 = arith.constant 400000 : i32
    %add3A_1607 = vector.broadcast %add3A_1606 : i32 to vector<16xi32>
    %add3A_1608 = arith.addi %get3A_1605, %add3A_1607 : vector<16xi32>
    %swap3A_1609 = arith.constant 17 : i32
    %swap3A_1610 = arith.index_cast %swap3A_1609 : i32 to index
    %swap3A_1611 = arith.constant 64 : index
    %swap3A_1612 = tpu.vector_load %arg7[%swap3A_1610, %swap3A_1611] {strides = array<i32>} : memref<26x128xi32, #tpu.memory_space<vmem>>, vector<1x16xi32>,
    %swap3A_1613 = vector.shape_cast %swap3A_1612 : vector<1x16xi32> to vector<16xi32>
    %swap3A_1614 = vector.shape_cast %add3A_1608 : vector<16xi32> to vector<1x16xi32>
    tpu.vector_store %arg7[%swap3A_1610, %swap3A_1611], %swap3A_1614 {strides = array<i32>} : memref<26x128xi32, #tpu.memory_space<vmem>>, vector<1x16xi32>,
    %get3A_1615 = arith.constant 18 : i32
    %get3A_1616 = arith.index_cast %get3A_1615 : i32 to index
    %get3A_1617 = arith.constant 64 : index
    %get3A_1618 = tpu.vector_load %arg7[%get3A_1616, %get3A_1617] {strides = array<i32>} : memref<26x128xi32, #tpu.memory_space<vmem>>, vector<1x16xi32>,
    %get3A_1619 = vector.shape_cast %get3A_1618 : vector<1x16xi32> to vector<16xi32>
    %add3A_1620 = arith.constant 500000 : i32
    %add3A_1621 = vector.broadcast %add3A_1620 : i32 to vector<16xi32>
    %add3A_1622 = arith.addi %get3A_1619, %add3A_1621 : vector<16xi32>
    %swap3A_1623 = arith.constant 18 : i32
    %swap3A_1624 = arith.index_cast %swap3A_1623 : i32 to index
    %swap3A_1625 = arith.constant 64 : index
    %swap3A_1626 = tpu.vector_load %arg7[%swap3A_1624, %swap3A_1625] {strides = array<i32>} : memref<26x128xi32, #tpu.memory_space<vmem>>, vector<1x16xi32>,
    %swap3A_1627 = vector.shape_cast %swap3A_1626 : vector<1x16xi32> to vector<16xi32>
    %swap3A_1628 = vector.shape_cast %add3A_1622 : vector<16xi32> to vector<1x16xi32>
    tpu.vector_store %arg7[%swap3A_1624, %swap3A_1625], %swap3A_1628 {strides = array<i32>} : memref<26x128xi32, #tpu.memory_space<vmem>>, vector<1x16xi32>,
    %get3A_1629 = arith.constant 19 : i32
    %get3A_1630 = arith.index_cast %get3A_1629 : i32 to index
    %get3A_1631 = arith.constant 64 : index
    %get3A_1632 = tpu.vector_load %arg7[%get3A_1630, %get3A_1631] {strides = array<i32>} : memref<26x128xi32, #tpu.memory_space<vmem>>, vector<1x16xi32>,
    %get3A_1633 = vector.shape_cast %get3A_1632 : vector<1x16xi32> to vector<16xi32>
    %add3A_1634 = arith.constant 600000 : i32
    %add3A_1635 = vector.broadcast %add3A_1634 : i32 to vector<16xi32>
    %add3A_1636 = arith.addi %get3A_1633, %add3A_1635 : vector<16xi32>
    %swap3A_1637 = arith.constant 19 : i32
    %swap3A_1638 = arith.index_cast %swap3A_1637 : i32 to index
    %swap3A_1639 = arith.constant 64 : index
    %swap3A_1640 = tpu.vector_load %arg7[%swap3A_1638, %swap3A_1639] {strides = array<i32>} : memref<26x128xi32, #tpu.memory_space<vmem>>, vector<1x16xi32>,
    %swap3A_1641 = vector.shape_cast %swap3A_1640 : vector<1x16xi32> to vector<16xi32>
    %swap3A_1642 = vector.shape_cast %add3A_1636 : vector<16xi32> to vector<1x16xi32>
    tpu.vector_store %arg7[%swap3A_1638, %swap3A_1639], %swap3A_1642 {strides = array<i32>} : memref<26x128xi32, #tpu.memory_space<vmem>>, vector<1x16xi32>,
    %get3A_1643 = arith.constant 20 : i32
    %get3A_1644 = arith.index_cast %get3A_1643 : i32 to index
    %get3A_1645 = arith.constant 64 : index
    %get3A_1646 = tpu.vector_load %arg7[%get3A_1644, %get3A_1645] {strides = array<i32>} : memref<26x128xi32, #tpu.memory_space<vmem>>, vector<1x16xi32>,
    %get3A_1647 = vector.shape_cast %get3A_1646 : vector<1x16xi32> to vector<16xi32>
    %add3A_1648 = arith.constant 700000 : i32
    %add3A_1649 = vector.broadcast %add3A_1648 : i32 to vector<16xi32>
    %add3A_1650 = arith.addi %get3A_1647, %add3A_1649 : vector<16xi32>
    %swap3A_1651 = arith.constant 20 : i32
    %swap3A_1652 = arith.index_cast %swap3A_1651 : i32 to index
    %swap3A_1653 = arith.constant 64 : index
    %swap3A_1654 = tpu.vector_load %arg7[%swap3A_1652, %swap3A_1653] {strides = array<i32>} : memref<26x128xi32, #tpu.memory_space<vmem>>, vector<1x16xi32>,
    %swap3A_1655 = vector.shape_cast %swap3A_1654 : vector<1x16xi32> to vector<16xi32>
    %swap3A_1656 = vector.shape_cast %add3A_1650 : vector<16xi32> to vector<1x16xi32>
    tpu.vector_store %arg7[%swap3A_1652, %swap3A_1653], %swap3A_1656 {strides = array<i32>} : memref<26x128xi32, #tpu.memory_space<vmem>>, vector<1x16xi32>,
    %get3A_1657 = arith.constant 21 : i32
    %get3A_1658 = arith.index_cast %get3A_1657 : i32 to index
    %get3A_1659 = arith.constant 64 : index
    %get3A_1660 = tpu.vector_load %arg7[%get3A_1658, %get3A_1659] {strides = array<i32>} : memref<26x128xi32, #tpu.memory_space<vmem>>, vector<1x16xi32>,
    %get3A_1661 = vector.shape_cast %get3A_1660 : vector<1x16xi32> to vector<16xi32>
    %add3A_1662 = arith.constant 800000 : i32
    %add3A_1663 = vector.broadcast %add3A_1662 : i32 to vector<16xi32>
    %add3A_1664 = arith.addi %get3A_1661, %add3A_1663 : vector<16xi32>
    %swap3A_1665 = arith.constant 21 : i32
    %swap3A_1666 = arith.index_cast %swap3A_1665 : i32 to index
    %swap3A_1667 = arith.constant 64 : index
    %swap3A_1668 = tpu.vector_load %arg7[%swap3A_1666, %swap3A_1667] {strides = array<i32>} : memref<26x128xi32, #tpu.memory_space<vmem>>, vector<1x16xi32>,
    %swap3A_1669 = vector.shape_cast %swap3A_1668 : vector<1x16xi32> to vector<16xi32>
    %swap3A_1670 = vector.shape_cast %add3A_1664 : vector<16xi32> to vector<1x16xi32>
    tpu.vector_store %arg7[%swap3A_1666, %swap3A_1667], %swap3A_1670 {strides = array<i32>} : memref<26x128xi32, #tpu.memory_space<vmem>>, vector<1x16xi32>,
    %get3A_1671 = arith.constant 22 : i32
    %get3A_1672 = arith.index_cast %get3A_1671 : i32 to index
    %get3A_1673 = arith.constant 64 : index
    %get3A_1674 = tpu.vector_load %arg7[%get3A_1672, %get3A_1673] {strides = array<i32>} : memref<26x128xi32, #tpu.memory_space<vmem>>, vector<1x16xi32>,
    %get3A_1675 = vector.shape_cast %get3A_1674 : vector<1x16xi32> to vector<16xi32>
    %add3A_1676 = arith.constant 900000 : i32
    %add3A_1677 = vector.broadcast %add3A_1676 : i32 to vector<16xi32>
    %add3A_1678 = arith.addi %get3A_1675, %add3A_1677 : vector<16xi32>
    %swap3A_1679 = arith.constant 22 : i32
    %swap3A_1680 = arith.index_cast %swap3A_1679 : i32 to index
    %swap3A_1681 = arith.constant 64 : index
    %swap3A_1682 = tpu.vector_load %arg7[%swap3A_1680, %swap3A_1681] {strides = array<i32>} : memref<26x128xi32, #tpu.memory_space<vmem>>, vector<1x16xi32>,
    %swap3A_1683 = vector.shape_cast %swap3A_1682 : vector<1x16xi32> to vector<16xi32>
    %swap3A_1684 = vector.shape_cast %add3A_1678 : vector<16xi32> to vector<1x16xi32>
    tpu.vector_store %arg7[%swap3A_1680, %swap3A_1681], %swap3A_1684 {strides = array<i32>} : memref<26x128xi32, #tpu.memory_space<vmem>>, vector<1x16xi32>,
    %get3A_1685 = arith.constant 23 : i32
    %get3A_1686 = arith.index_cast %get3A_1685 : i32 to index
    %get3A_1687 = arith.constant 64 : index
    %get3A_1688 = tpu.vector_load %arg7[%get3A_1686, %get3A_1687] {strides = array<i32>} : memref<26x128xi32, #tpu.memory_space<vmem>>, vector<1x16xi32>,
    %get3A_1689 = vector.shape_cast %get3A_1688 : vector<1x16xi32> to vector<16xi32>
    %add3A_1690 = arith.constant 1000000 : i32
    %add3A_1691 = vector.broadcast %add3A_1690 : i32 to vector<16xi32>
    %add3A_1692 = arith.addi %get3A_1689, %add3A_1691 : vector<16xi32>
    %swap3A_1693 = arith.constant 23 : i32
    %swap3A_1694 = arith.index_cast %swap3A_1693 : i32 to index
    %swap3A_1695 = arith.constant 64 : index
    %swap3A_1696 = tpu.vector_load %arg7[%swap3A_1694, %swap3A_1695] {strides = array<i32>} : memref<26x128xi32, #tpu.memory_space<vmem>>, vector<1x16xi32>,
    %swap3A_1697 = vector.shape_cast %swap3A_1696 : vector<1x16xi32> to vector<16xi32>
    %swap3A_1698 = vector.shape_cast %add3A_1692 : vector<16xi32> to vector<1x16xi32>
    tpu.vector_store %arg7[%swap3A_1694, %swap3A_1695], %swap3A_1698 {strides = array<i32>} : memref<26x128xi32, #tpu.memory_space<vmem>>, vector<1x16xi32>,
    %get3A_1699 = arith.constant 24 : i32
    %get3A_1700 = arith.index_cast %get3A_1699 : i32 to index
    %get3A_1701 = arith.constant 64 : index
    %get3A_1702 = tpu.vector_load %arg7[%get3A_1700, %get3A_1701] {strides = array<i32>} : memref<26x128xi32, #tpu.memory_space<vmem>>, vector<1x16xi32>,
    %get3A_1703 = vector.shape_cast %get3A_1702 : vector<1x16xi32> to vector<16xi32>
    %add3A_1704 = arith.constant 1100000 : i32
    %add3A_1705 = vector.broadcast %add3A_1704 : i32 to vector<16xi32>
    %add3A_1706 = arith.addi %get3A_1703, %add3A_1705 : vector<16xi32>
    %swap3A_1707 = arith.constant 24 : i32
    %swap3A_1708 = arith.index_cast %swap3A_1707 : i32 to index
    %swap3A_1709 = arith.constant 64 : index
    %swap3A_1710 = tpu.vector_load %arg7[%swap3A_1708, %swap3A_1709] {strides = array<i32>} : memref<26x128xi32, #tpu.memory_space<vmem>>, vector<1x16xi32>,
    %swap3A_1711 = vector.shape_cast %swap3A_1710 : vector<1x16xi32> to vector<16xi32>
    %swap3A_1712 = vector.shape_cast %add3A_1706 : vector<16xi32> to vector<1x16xi32>
    tpu.vector_store %arg7[%swap3A_1708, %swap3A_1709], %swap3A_1712 {strides = array<i32>} : memref<26x128xi32, #tpu.memory_space<vmem>>, vector<1x16xi32>,
    %get3A_1713 = arith.constant 25 : i32
    %get3A_1714 = arith.index_cast %get3A_1713 : i32 to index
    %get3A_1715 = arith.constant 64 : index
    %get3A_1716 = tpu.vector_load %arg7[%get3A_1714, %get3A_1715] {strides = array<i32>} : memref<26x128xi32, #tpu.memory_space<vmem>>, vector<1x16xi32>,
    %get3A_1717 = vector.shape_cast %get3A_1716 : vector<1x16xi32> to vector<16xi32>
    %add3A_1718 = arith.constant 1200000 : i32
    %add3A_1719 = vector.broadcast %add3A_1718 : i32 to vector<16xi32>
    %add3A_1720 = arith.addi %get3A_1717, %add3A_1719 : vector<16xi32>
    %swap3A_1721 = arith.constant 25 : i32
    %swap3A_1722 = arith.index_cast %swap3A_1721 : i32 to index
    %swap3A_1723 = arith.constant 64 : index
    %swap3A_1724 = tpu.vector_load %arg7[%swap3A_1722, %swap3A_1723] {strides = array<i32>} : memref<26x128xi32, #tpu.memory_space<vmem>>, vector<1x16xi32>,
    %swap3A_1725 = vector.shape_cast %swap3A_1724 : vector<1x16xi32> to vector<16xi32>
    %swap3A_1726 = vector.shape_cast %add3A_1720 : vector<16xi32> to vector<1x16xi32>
    tpu.vector_store %arg7[%swap3A_1722, %swap3A_1723], %swap3A_1726 {strides = array<i32>} : memref<26x128xi32, #tpu.memory_space<vmem>>, vector<1x16xi32>,
    %iota3A_1727 = tpu.iota {dimensions = array<i32: 0>} : vector<16xi32>
    %add3A_1728 = arith.constant 80 : i32
    %add3A_1729 = arith.addi %mul3A_4, %add3A_1728 : i32
    %add3A_1730 = vector.broadcast %add3A_1729 : i32 to vector<16xi32>
    %add3A_1731 = arith.addi %iota3A_1727, %add3A_1730 : vector<16xi32>
    %swap3A_1732 = arith.constant 80 : index
    %swap3A_1733 = tpu.vector_load %arg8[%swap3A_1732] {strides = array<i32>} : memref<128xi32, #tpu.memory_space<vmem>>, vector<16xi32>,
    %swap3A_1734 = vector.shape_cast %swap3A_1733 : vector<16xi32> to vector<16xi32>
    %swap3A_1735 = vector.shape_cast %add3A_1731 : vector<16xi32> to vector<16xi32>
    tpu.vector_store %arg8[%swap3A_1732], %swap3A_1735 {strides = array<i32>} : memref<128xi32, #tpu.memory_space<vmem>>, vector<16xi32>,
    %get3A_1736 = arith.constant 1 : i32
    %get3A_1737 = arith.index_cast %get3A_1736 : i32 to index
    %get3A_1738 = arith.constant 80 : index
    %get3A_1739 = tpu.vector_load %arg7[%get3A_1737, %get3A_1738] {strides = array<i32>} : memref<26x128xi32, #tpu.memory_space<vmem>>, vector<1x16xi32>,
    %get3A_1740 = vector.shape_cast %get3A_1739 : vector<1x16xi32> to vector<16xi32>
    %add3A_1741 = arith.constant 100000 : i32
    %add3A_1742 = vector.broadcast %add3A_1741 : i32 to vector<16xi32>
    %add3A_1743 = arith.addi %get3A_1740, %add3A_1742 : vector<16xi32>
    %swap3A_1744 = arith.constant 1 : i32
    %swap3A_1745 = arith.index_cast %swap3A_1744 : i32 to index
    %swap3A_1746 = arith.constant 80 : index
    %swap3A_1747 = tpu.vector_load %arg7[%swap3A_1745, %swap3A_1746] {strides = array<i32>} : memref<26x128xi32, #tpu.memory_space<vmem>>, vector<1x16xi32>,
    %swap3A_1748 = vector.shape_cast %swap3A_1747 : vector<1x16xi32> to vector<16xi32>
    %swap3A_1749 = vector.shape_cast %add3A_1743 : vector<16xi32> to vector<1x16xi32>
    tpu.vector_store %arg7[%swap3A_1745, %swap3A_1746], %swap3A_1749 {strides = array<i32>} : memref<26x128xi32, #tpu.memory_space<vmem>>, vector<1x16xi32>,
    %get3A_1750 = arith.constant 2 : i32
    %get3A_1751 = arith.index_cast %get3A_1750 : i32 to index
    %get3A_1752 = arith.constant 80 : index
    %get3A_1753 = tpu.vector_load %arg7[%get3A_1751, %get3A_1752] {strides = array<i32>} : memref<26x128xi32, #tpu.memory_space<vmem>>, vector<1x16xi32>,
    %get3A_1754 = vector.shape_cast %get3A_1753 : vector<1x16xi32> to vector<16xi32>
    %add3A_1755 = arith.constant 200000 : i32
    %add3A_1756 = vector.broadcast %add3A_1755 : i32 to vector<16xi32>
    %add3A_1757 = arith.addi %get3A_1754, %add3A_1756 : vector<16xi32>
    %swap3A_1758 = arith.constant 2 : i32
    %swap3A_1759 = arith.index_cast %swap3A_1758 : i32 to index
    %swap3A_1760 = arith.constant 80 : index
    %swap3A_1761 = tpu.vector_load %arg7[%swap3A_1759, %swap3A_1760] {strides = array<i32>} : memref<26x128xi32, #tpu.memory_space<vmem>>, vector<1x16xi32>,
    %swap3A_1762 = vector.shape_cast %swap3A_1761 : vector<1x16xi32> to vector<16xi32>
    %swap3A_1763 = vector.shape_cast %add3A_1757 : vector<16xi32> to vector<1x16xi32>
    tpu.vector_store %arg7[%swap3A_1759, %swap3A_1760], %swap3A_1763 {strides = array<i32>} : memref<26x128xi32, #tpu.memory_space<vmem>>, vector<1x16xi32>,
    %get3A_1764 = arith.constant 3 : i32
    %get3A_1765 = arith.index_cast %get3A_1764 : i32 to index
    %get3A_1766 = arith.constant 80 : index
    %get3A_1767 = tpu.vector_load %arg7[%get3A_1765, %get3A_1766] {strides = array<i32>} : memref<26x128xi32, #tpu.memory_space<vmem>>, vector<1x16xi32>,
    %get3A_1768 = vector.shape_cast %get3A_1767 : vector<1x16xi32> to vector<16xi32>
    %add3A_1769 = arith.constant 300000 : i32
    %add3A_1770 = vector.broadcast %add3A_1769 : i32 to vector<16xi32>
    %add3A_1771 = arith.addi %get3A_1768, %add3A_1770 : vector<16xi32>
    %swap3A_1772 = arith.constant 3 : i32
    %swap3A_1773 = arith.index_cast %swap3A_1772 : i32 to index
    %swap3A_1774 = arith.constant 80 : index
    %swap3A_1775 = tpu.vector_load %arg7[%swap3A_1773, %swap3A_1774] {strides = array<i32>} : memref<26x128xi32, #tpu.memory_space<vmem>>, vector<1x16xi32>,
    %swap3A_1776 = vector.shape_cast %swap3A_1775 : vector<1x16xi32> to vector<16xi32>
    %swap3A_1777 = vector.shape_cast %add3A_1771 : vector<16xi32> to vector<1x16xi32>
    tpu.vector_store %arg7[%swap3A_1773, %swap3A_1774], %swap3A_1777 {strides = array<i32>} : memref<26x128xi32, #tpu.memory_space<vmem>>, vector<1x16xi32>,
    %get3A_1778 = arith.constant 4 : i32
    %get3A_1779 = arith.index_cast %get3A_1778 : i32 to index
    %get3A_1780 = arith.constant 80 : index
    %get3A_1781 = tpu.vector_load %arg7[%get3A_1779, %get3A_1780] {strides = array<i32>} : memref<26x128xi32, #tpu.memory_space<vmem>>, vector<1x16xi32>,
    %get3A_1782 = vector.shape_cast %get3A_1781 : vector<1x16xi32> to vector<16xi32>
    %add3A_1783 = arith.constant 400000 : i32
    %add3A_1784 = vector.broadcast %add3A_1783 : i32 to vector<16xi32>
    %add3A_1785 = arith.addi %get3A_1782, %add3A_1784 : vector<16xi32>
    %swap3A_1786 = arith.constant 4 : i32
    %swap3A_1787 = arith.index_cast %swap3A_1786 : i32 to index
    %swap3A_1788 = arith.constant 80 : index
    %swap3A_1789 = tpu.vector_load %arg7[%swap3A_1787, %swap3A_1788] {strides = array<i32>} : memref<26x128xi32, #tpu.memory_space<vmem>>, vector<1x16xi32>,
    %swap3A_1790 = vector.shape_cast %swap3A_1789 : vector<1x16xi32> to vector<16xi32>
    %swap3A_1791 = vector.shape_cast %add3A_1785 : vector<16xi32> to vector<1x16xi32>
    tpu.vector_store %arg7[%swap3A_1787, %swap3A_1788], %swap3A_1791 {strides = array<i32>} : memref<26x128xi32, #tpu.memory_space<vmem>>, vector<1x16xi32>,
    %get3A_1792 = arith.constant 5 : i32
    %get3A_1793 = arith.index_cast %get3A_1792 : i32 to index
    %get3A_1794 = arith.constant 80 : index
    %get3A_1795 = tpu.vector_load %arg7[%get3A_1793, %get3A_1794] {strides = array<i32>} : memref<26x128xi32, #tpu.memory_space<vmem>>, vector<1x16xi32>,
    %get3A_1796 = vector.shape_cast %get3A_1795 : vector<1x16xi32> to vector<16xi32>
    %add3A_1797 = arith.constant 500000 : i32
    %add3A_1798 = vector.broadcast %add3A_1797 : i32 to vector<16xi32>
    %add3A_1799 = arith.addi %get3A_1796, %add3A_1798 : vector<16xi32>
    %swap3A_1800 = arith.constant 5 : i32
    %swap3A_1801 = arith.index_cast %swap3A_1800 : i32 to index
    %swap3A_1802 = arith.constant 80 : index
    %swap3A_1803 = tpu.vector_load %arg7[%swap3A_1801, %swap3A_1802] {strides = array<i32>} : memref<26x128xi32, #tpu.memory_space<vmem>>, vector<1x16xi32>,
    %swap3A_1804 = vector.shape_cast %swap3A_1803 : vector<1x16xi32> to vector<16xi32>
    %swap3A_1805 = vector.shape_cast %add3A_1799 : vector<16xi32> to vector<1x16xi32>
    tpu.vector_store %arg7[%swap3A_1801, %swap3A_1802], %swap3A_1805 {strides = array<i32>} : memref<26x128xi32, #tpu.memory_space<vmem>>, vector<1x16xi32>,
    %get3A_1806 = arith.constant 6 : i32
    %get3A_1807 = arith.index_cast %get3A_1806 : i32 to index
    %get3A_1808 = arith.constant 80 : index
    %get3A_1809 = tpu.vector_load %arg7[%get3A_1807, %get3A_1808] {strides = array<i32>} : memref<26x128xi32, #tpu.memory_space<vmem>>, vector<1x16xi32>,
    %get3A_1810 = vector.shape_cast %get3A_1809 : vector<1x16xi32> to vector<16xi32>
    %add3A_1811 = arith.constant 600000 : i32
    %add3A_1812 = vector.broadcast %add3A_1811 : i32 to vector<16xi32>
    %add3A_1813 = arith.addi %get3A_1810, %add3A_1812 : vector<16xi32>
    %swap3A_1814 = arith.constant 6 : i32
    %swap3A_1815 = arith.index_cast %swap3A_1814 : i32 to index
    %swap3A_1816 = arith.constant 80 : index
    %swap3A_1817 = tpu.vector_load %arg7[%swap3A_1815, %swap3A_1816] {strides = array<i32>} : memref<26x128xi32, #tpu.memory_space<vmem>>, vector<1x16xi32>,
    %swap3A_1818 = vector.shape_cast %swap3A_1817 : vector<1x16xi32> to vector<16xi32>
    %swap3A_1819 = vector.shape_cast %add3A_1813 : vector<16xi32> to vector<1x16xi32>
    tpu.vector_store %arg7[%swap3A_1815, %swap3A_1816], %swap3A_1819 {strides = array<i32>} : memref<26x128xi32, #tpu.memory_space<vmem>>, vector<1x16xi32>,
    %get3A_1820 = arith.constant 7 : i32
    %get3A_1821 = arith.index_cast %get3A_1820 : i32 to index
    %get3A_1822 = arith.constant 80 : index
    %get3A_1823 = tpu.vector_load %arg7[%get3A_1821, %get3A_1822] {strides = array<i32>} : memref<26x128xi32, #tpu.memory_space<vmem>>, vector<1x16xi32>,
    %get3A_1824 = vector.shape_cast %get3A_1823 : vector<1x16xi32> to vector<16xi32>
    %add3A_1825 = arith.constant 700000 : i32
    %add3A_1826 = vector.broadcast %add3A_1825 : i32 to vector<16xi32>
    %add3A_1827 = arith.addi %get3A_1824, %add3A_1826 : vector<16xi32>
    %swap3A_1828 = arith.constant 7 : i32
    %swap3A_1829 = arith.index_cast %swap3A_1828 : i32 to index
    %swap3A_1830 = arith.constant 80 : index
    %swap3A_1831 = tpu.vector_load %arg7[%swap3A_1829, %swap3A_1830] {strides = array<i32>} : memref<26x128xi32, #tpu.memory_space<vmem>>, vector<1x16xi32>,
    %swap3A_1832 = vector.shape_cast %swap3A_1831 : vector<1x16xi32> to vector<16xi32>
    %swap3A_1833 = vector.shape_cast %add3A_1827 : vector<16xi32> to vector<1x16xi32>
    tpu.vector_store %arg7[%swap3A_1829, %swap3A_1830], %swap3A_1833 {strides = array<i32>} : memref<26x128xi32, #tpu.memory_space<vmem>>, vector<1x16xi32>,
    %get3A_1834 = arith.constant 8 : i32
    %get3A_1835 = arith.index_cast %get3A_1834 : i32 to index
    %get3A_1836 = arith.constant 80 : index
    %get3A_1837 = tpu.vector_load %arg7[%get3A_1835, %get3A_1836] {strides = array<i32>} : memref<26x128xi32, #tpu.memory_space<vmem>>, vector<1x16xi32>,
    %get3A_1838 = vector.shape_cast %get3A_1837 : vector<1x16xi32> to vector<16xi32>
    %add3A_1839 = arith.constant 800000 : i32
    %add3A_1840 = vector.broadcast %add3A_1839 : i32 to vector<16xi32>
    %add3A_1841 = arith.addi %get3A_1838, %add3A_1840 : vector<16xi32>
    %swap3A_1842 = arith.constant 8 : i32
    %swap3A_1843 = arith.index_cast %swap3A_1842 : i32 to index
    %swap3A_1844 = arith.constant 80 : index
    %swap3A_1845 = tpu.vector_load %arg7[%swap3A_1843, %swap3A_1844] {strides = array<i32>} : memref<26x128xi32, #tpu.memory_space<vmem>>, vector<1x16xi32>,
    %swap3A_1846 = vector.shape_cast %swap3A_1845 : vector<1x16xi32> to vector<16xi32>
    %swap3A_1847 = vector.shape_cast %add3A_1841 : vector<16xi32> to vector<1x16xi32>
    tpu.vector_store %arg7[%swap3A_1843, %swap3A_1844], %swap3A_1847 {strides = array<i32>} : memref<26x128xi32, #tpu.memory_space<vmem>>, vector<1x16xi32>,
    %get3A_1848 = arith.constant 9 : i32
    %get3A_1849 = arith.index_cast %get3A_1848 : i32 to index
    %get3A_1850 = arith.constant 80 : index
    %get3A_1851 = tpu.vector_load %arg7[%get3A_1849, %get3A_1850] {strides = array<i32>} : memref<26x128xi32, #tpu.memory_space<vmem>>, vector<1x16xi32>,
    %get3A_1852 = vector.shape_cast %get3A_1851 : vector<1x16xi32> to vector<16xi32>
    %add3A_1853 = arith.constant 900000 : i32
    %add3A_1854 = vector.broadcast %add3A_1853 : i32 to vector<16xi32>
    %add3A_1855 = arith.addi %get3A_1852, %add3A_1854 : vector<16xi32>
    %swap3A_1856 = arith.constant 9 : i32
    %swap3A_1857 = arith.index_cast %swap3A_1856 : i32 to index
    %swap3A_1858 = arith.constant 80 : index
    %swap3A_1859 = tpu.vector_load %arg7[%swap3A_1857, %swap3A_1858] {strides = array<i32>} : memref<26x128xi32, #tpu.memory_space<vmem>>, vector<1x16xi32>,
    %swap3A_1860 = vector.shape_cast %swap3A_1859 : vector<1x16xi32> to vector<16xi32>
    %swap3A_1861 = vector.shape_cast %add3A_1855 : vector<16xi32> to vector<1x16xi32>
    tpu.vector_store %arg7[%swap3A_1857, %swap3A_1858], %swap3A_1861 {strides = array<i32>} : memref<26x128xi32, #tpu.memory_space<vmem>>, vector<1x16xi32>,
    %get3A_1862 = arith.constant 10 : i32
    %get3A_1863 = arith.index_cast %get3A_1862 : i32 to index
    %get3A_1864 = arith.constant 80 : index
    %get3A_1865 = tpu.vector_load %arg7[%get3A_1863, %get3A_1864] {strides = array<i32>} : memref<26x128xi32, #tpu.memory_space<vmem>>, vector<1x16xi32>,
    %get3A_1866 = vector.shape_cast %get3A_1865 : vector<1x16xi32> to vector<16xi32>
    %add3A_1867 = arith.constant 1000000 : i32
    %add3A_1868 = vector.broadcast %add3A_1867 : i32 to vector<16xi32>
    %add3A_1869 = arith.addi %get3A_1866, %add3A_1868 : vector<16xi32>
    %swap3A_1870 = arith.constant 10 : i32
    %swap3A_1871 = arith.index_cast %swap3A_1870 : i32 to index
    %swap3A_1872 = arith.constant 80 : index
    %swap3A_1873 = tpu.vector_load %arg7[%swap3A_1871, %swap3A_1872] {strides = array<i32>} : memref<26x128xi32, #tpu.memory_space<vmem>>, vector<1x16xi32>,
    %swap3A_1874 = vector.shape_cast %swap3A_1873 : vector<1x16xi32> to vector<16xi32>
    %swap3A_1875 = vector.shape_cast %add3A_1869 : vector<16xi32> to vector<1x16xi32>
    tpu.vector_store %arg7[%swap3A_1871, %swap3A_1872], %swap3A_1875 {strides = array<i32>} : memref<26x128xi32, #tpu.memory_space<vmem>>, vector<1x16xi32>,
    %get3A_1876 = arith.constant 11 : i32
    %get3A_1877 = arith.index_cast %get3A_1876 : i32 to index
    %get3A_1878 = arith.constant 80 : index
    %get3A_1879 = tpu.vector_load %arg7[%get3A_1877, %get3A_1878] {strides = array<i32>} : memref<26x128xi32, #tpu.memory_space<vmem>>, vector<1x16xi32>,
    %get3A_1880 = vector.shape_cast %get3A_1879 : vector<1x16xi32> to vector<16xi32>
    %add3A_1881 = arith.constant 1100000 : i32
    %add3A_1882 = vector.broadcast %add3A_1881 : i32 to vector<16xi32>
    %add3A_1883 = arith.addi %get3A_1880, %add3A_1882 : vector<16xi32>
    %swap3A_1884 = arith.constant 11 : i32
    %swap3A_1885 = arith.index_cast %swap3A_1884 : i32 to index
    %swap3A_1886 = arith.constant 80 : index
    %swap3A_1887 = tpu.vector_load %arg7[%swap3A_1885, %swap3A_1886] {strides = array<i32>} : memref<26x128xi32, #tpu.memory_space<vmem>>, vector<1x16xi32>,
    %swap3A_1888 = vector.shape_cast %swap3A_1887 : vector<1x16xi32> to vector<16xi32>
    %swap3A_1889 = vector.shape_cast %add3A_1883 : vector<16xi32> to vector<1x16xi32>
    tpu.vector_store %arg7[%swap3A_1885, %swap3A_1886], %swap3A_1889 {strides = array<i32>} : memref<26x128xi32, #tpu.memory_space<vmem>>, vector<1x16xi32>,
    %get3A_1890 = arith.constant 12 : i32
    %get3A_1891 = arith.index_cast %get3A_1890 : i32 to index
    %get3A_1892 = arith.constant 80 : index
    %get3A_1893 = tpu.vector_load %arg7[%get3A_1891, %get3A_1892] {strides = array<i32>} : memref<26x128xi32, #tpu.memory_space<vmem>>, vector<1x16xi32>,
    %get3A_1894 = vector.shape_cast %get3A_1893 : vector<1x16xi32> to vector<16xi32>
    %add3A_1895 = arith.constant 1200000 : i32
    %add3A_1896 = vector.broadcast %add3A_1895 : i32 to vector<16xi32>
    %add3A_1897 = arith.addi %get3A_1894, %add3A_1896 : vector<16xi32>
    %swap3A_1898 = arith.constant 12 : i32
    %swap3A_1899 = arith.index_cast %swap3A_1898 : i32 to index
    %swap3A_1900 = arith.constant 80 : index
    %swap3A_1901 = tpu.vector_load %arg7[%swap3A_1899, %swap3A_1900] {strides = array<i32>} : memref<26x128xi32, #tpu.memory_space<vmem>>, vector<1x16xi32>,
    %swap3A_1902 = vector.shape_cast %swap3A_1901 : vector<1x16xi32> to vector<16xi32>
    %swap3A_1903 = vector.shape_cast %add3A_1897 : vector<16xi32> to vector<1x16xi32>
    tpu.vector_store %arg7[%swap3A_1899, %swap3A_1900], %swap3A_1903 {strides = array<i32>} : memref<26x128xi32, #tpu.memory_space<vmem>>, vector<1x16xi32>,
    %get3A_1904 = arith.constant 14 : i32
    %get3A_1905 = arith.index_cast %get3A_1904 : i32 to index
    %get3A_1906 = arith.constant 80 : index
    %get3A_1907 = tpu.vector_load %arg7[%get3A_1905, %get3A_1906] {strides = array<i32>} : memref<26x128xi32, #tpu.memory_space<vmem>>, vector<1x16xi32>,
    %get3A_1908 = vector.shape_cast %get3A_1907 : vector<1x16xi32> to vector<16xi32>
    %add3A_1909 = arith.constant 100000 : i32
    %add3A_1910 = vector.broadcast %add3A_1909 : i32 to vector<16xi32>
    %add3A_1911 = arith.addi %get3A_1908, %add3A_1910 : vector<16xi32>
    %swap3A_1912 = arith.constant 14 : i32
    %swap3A_1913 = arith.index_cast %swap3A_1912 : i32 to index
    %swap3A_1914 = arith.constant 80 : index
    %swap3A_1915 = tpu.vector_load %arg7[%swap3A_1913, %swap3A_1914] {strides = array<i32>} : memref<26x128xi32, #tpu.memory_space<vmem>>, vector<1x16xi32>,
    %swap3A_1916 = vector.shape_cast %swap3A_1915 : vector<1x16xi32> to vector<16xi32>
    %swap3A_1917 = vector.shape_cast %add3A_1911 : vector<16xi32> to vector<1x16xi32>
    tpu.vector_store %arg7[%swap3A_1913, %swap3A_1914], %swap3A_1917 {strides = array<i32>} : memref<26x128xi32, #tpu.memory_space<vmem>>, vector<1x16xi32>,
    %get3A_1918 = arith.constant 15 : i32
    %get3A_1919 = arith.index_cast %get3A_1918 : i32 to index
    %get3A_1920 = arith.constant 80 : index
    %get3A_1921 = tpu.vector_load %arg7[%get3A_1919, %get3A_1920] {strides = array<i32>} : memref<26x128xi32, #tpu.memory_space<vmem>>, vector<1x16xi32>,
    %get3A_1922 = vector.shape_cast %get3A_1921 : vector<1x16xi32> to vector<16xi32>
    %add3A_1923 = arith.constant 200000 : i32
    %add3A_1924 = vector.broadcast %add3A_1923 : i32 to vector<16xi32>
    %add3A_1925 = arith.addi %get3A_1922, %add3A_1924 : vector<16xi32>
    %swap3A_1926 = arith.constant 15 : i32
    %swap3A_1927 = arith.index_cast %swap3A_1926 : i32 to index
    %swap3A_1928 = arith.constant 80 : index
    %swap3A_1929 = tpu.vector_load %arg7[%swap3A_1927, %swap3A_1928] {strides = array<i32>} : memref<26x128xi32, #tpu.memory_space<vmem>>, vector<1x16xi32>,
    %swap3A_1930 = vector.shape_cast %swap3A_1929 : vector<1x16xi32> to vector<16xi32>
    %swap3A_1931 = vector.shape_cast %add3A_1925 : vector<16xi32> to vector<1x16xi32>
    tpu.vector_store %arg7[%swap3A_1927, %swap3A_1928], %swap3A_1931 {strides = array<i32>} : memref<26x128xi32, #tpu.memory_space<vmem>>, vector<1x16xi32>,
    %get3A_1932 = arith.constant 16 : i32
    %get3A_1933 = arith.index_cast %get3A_1932 : i32 to index
    %get3A_1934 = arith.constant 80 : index
    %get3A_1935 = tpu.vector_load %arg7[%get3A_1933, %get3A_1934] {strides = array<i32>} : memref<26x128xi32, #tpu.memory_space<vmem>>, vector<1x16xi32>,
    %get3A_1936 = vector.shape_cast %get3A_1935 : vector<1x16xi32> to vector<16xi32>
    %add3A_1937 = arith.constant 300000 : i32
    %add3A_1938 = vector.broadcast %add3A_1937 : i32 to vector<16xi32>
    %add3A_1939 = arith.addi %get3A_1936, %add3A_1938 : vector<16xi32>
    %swap3A_1940 = arith.constant 16 : i32
    %swap3A_1941 = arith.index_cast %swap3A_1940 : i32 to index
    %swap3A_1942 = arith.constant 80 : index
    %swap3A_1943 = tpu.vector_load %arg7[%swap3A_1941, %swap3A_1942] {strides = array<i32>} : memref<26x128xi32, #tpu.memory_space<vmem>>, vector<1x16xi32>,
    %swap3A_1944 = vector.shape_cast %swap3A_1943 : vector<1x16xi32> to vector<16xi32>
    %swap3A_1945 = vector.shape_cast %add3A_1939 : vector<16xi32> to vector<1x16xi32>
    tpu.vector_store %arg7[%swap3A_1941, %swap3A_1942], %swap3A_1945 {strides = array<i32>} : memref<26x128xi32, #tpu.memory_space<vmem>>, vector<1x16xi32>,
    %get3A_1946 = arith.constant 17 : i32
    %get3A_1947 = arith.index_cast %get3A_1946 : i32 to index
    %get3A_1948 = arith.constant 80 : index
    %get3A_1949 = tpu.vector_load %arg7[%get3A_1947, %get3A_1948] {strides = array<i32>} : memref<26x128xi32, #tpu.memory_space<vmem>>, vector<1x16xi32>,
    %get3A_1950 = vector.shape_cast %get3A_1949 : vector<1x16xi32> to vector<16xi32>
    %add3A_1951 = arith.constant 400000 : i32
    %add3A_1952 = vector.broadcast %add3A_1951 : i32 to vector<16xi32>
    %add3A_1953 = arith.addi %get3A_1950, %add3A_1952 : vector<16xi32>
    %swap3A_1954 = arith.constant 17 : i32
    %swap3A_1955 = arith.index_cast %swap3A_1954 : i32 to index
    %swap3A_1956 = arith.constant 80 : index
    %swap3A_1957 = tpu.vector_load %arg7[%swap3A_1955, %swap3A_1956] {strides = array<i32>} : memref<26x128xi32, #tpu.memory_space<vmem>>, vector<1x16xi32>,
    %swap3A_1958 = vector.shape_cast %swap3A_1957 : vector<1x16xi32> to vector<16xi32>
    %swap3A_1959 = vector.shape_cast %add3A_1953 : vector<16xi32> to vector<1x16xi32>
    tpu.vector_store %arg7[%swap3A_1955, %swap3A_1956], %swap3A_1959 {strides = array<i32>} : memref<26x128xi32, #tpu.memory_space<vmem>>, vector<1x16xi32>,
    %get3A_1960 = arith.constant 18 : i32
    %get3A_1961 = arith.index_cast %get3A_1960 : i32 to index
    %get3A_1962 = arith.constant 80 : index
    %get3A_1963 = tpu.vector_load %arg7[%get3A_1961, %get3A_1962] {strides = array<i32>} : memref<26x128xi32, #tpu.memory_space<vmem>>, vector<1x16xi32>,
    %get3A_1964 = vector.shape_cast %get3A_1963 : vector<1x16xi32> to vector<16xi32>
    %add3A_1965 = arith.constant 500000 : i32
    %add3A_1966 = vector.broadcast %add3A_1965 : i32 to vector<16xi32>
    %add3A_1967 = arith.addi %get3A_1964, %add3A_1966 : vector<16xi32>
    %swap3A_1968 = arith.constant 18 : i32
    %swap3A_1969 = arith.index_cast %swap3A_1968 : i32 to index
    %swap3A_1970 = arith.constant 80 : index
    %swap3A_1971 = tpu.vector_load %arg7[%swap3A_1969, %swap3A_1970] {strides = array<i32>} : memref<26x128xi32, #tpu.memory_space<vmem>>, vector<1x16xi32>,
    %swap3A_1972 = vector.shape_cast %swap3A_1971 : vector<1x16xi32> to vector<16xi32>
    %swap3A_1973 = vector.shape_cast %add3A_1967 : vector<16xi32> to vector<1x16xi32>
    tpu.vector_store %arg7[%swap3A_1969, %swap3A_1970], %swap3A_1973 {strides = array<i32>} : memref<26x128xi32, #tpu.memory_space<vmem>>, vector<1x16xi32>,
    %get3A_1974 = arith.constant 19 : i32
    %get3A_1975 = arith.index_cast %get3A_1974 : i32 to index
    %get3A_1976 = arith.constant 80 : index
    %get3A_1977 = tpu.vector_load %arg7[%get3A_1975, %get3A_1976] {strides = array<i32>} : memref<26x128xi32, #tpu.memory_space<vmem>>, vector<1x16xi32>,
    %get3A_1978 = vector.shape_cast %get3A_1977 : vector<1x16xi32> to vector<16xi32>
    %add3A_1979 = arith.constant 600000 : i32
    %add3A_1980 = vector.broadcast %add3A_1979 : i32 to vector<16xi32>
    %add3A_1981 = arith.addi %get3A_1978, %add3A_1980 : vector<16xi32>
    %swap3A_1982 = arith.constant 19 : i32
    %swap3A_1983 = arith.index_cast %swap3A_1982 : i32 to index
    %swap3A_1984 = arith.constant 80 : index
    %swap3A_1985 = tpu.vector_load %arg7[%swap3A_1983, %swap3A_1984] {strides = array<i32>} : memref<26x128xi32, #tpu.memory_space<vmem>>, vector<1x16xi32>,
    %swap3A_1986 = vector.shape_cast %swap3A_1985 : vector<1x16xi32> to vector<16xi32>
    %swap3A_1987 = vector.shape_cast %add3A_1981 : vector<16xi32> to vector<1x16xi32>
    tpu.vector_store %arg7[%swap3A_1983, %swap3A_1984], %swap3A_1987 {strides = array<i32>} : memref<26x128xi32, #tpu.memory_space<vmem>>, vector<1x16xi32>,
    %get3A_1988 = arith.constant 20 : i32
    %get3A_1989 = arith.index_cast %get3A_1988 : i32 to index
    %get3A_1990 = arith.constant 80 : index
    %get3A_1991 = tpu.vector_load %arg7[%get3A_1989, %get3A_1990] {strides = array<i32>} : memref<26x128xi32, #tpu.memory_space<vmem>>, vector<1x16xi32>,
    %get3A_1992 = vector.shape_cast %get3A_1991 : vector<1x16xi32> to vector<16xi32>
    %add3A_1993 = arith.constant 700000 : i32
    %add3A_1994 = vector.broadcast %add3A_1993 : i32 to vector<16xi32>
    %add3A_1995 = arith.addi %get3A_1992, %add3A_1994 : vector<16xi32>
    %swap3A_1996 = arith.constant 20 : i32
    %swap3A_1997 = arith.index_cast %swap3A_1996 : i32 to index
    %swap3A_1998 = arith.constant 80 : index
    %swap3A_1999 = tpu.vector_load %arg7[%swap3A_1997, %swap3A_1998] {strides = array<i32>} : memref<26x128xi32, #tpu.memory_space<vmem>>, vector<1x16xi32>,
    %swap3A_2000 = vector.shape_cast %swap3A_1999 : vector<1x16xi32> to vector<16xi32>
    %swap3A_2001 = vector.shape_cast %add3A_1995 : vector<16xi32> to vector<1x16xi32>
    tpu.vector_store %arg7[%swap3A_1997, %swap3A_1998], %swap3A_2001 {strides = array<i32>} : memref<26x128xi32, #tpu.memory_space<vmem>>, vector<1x16xi32>,
    %get3A_2002 = arith.constant 21 : i32
    %get3A_2003 = arith.index_cast %get3A_2002 : i32 to index
    %get3A_2004 = arith.constant 80 : index
    %get3A_2005 = tpu.vector_load %arg7[%get3A_2003, %get3A_2004] {strides = array<i32>} : memref<26x128xi32, #tpu.memory_space<vmem>>, vector<1x16xi32>,
    %get3A_2006 = vector.shape_cast %get3A_2005 : vector<1x16xi32> to vector<16xi32>
    %add3A_2007 = arith.constant 800000 : i32
    %add3A_2008 = vector.broadcast %add3A_2007 : i32 to vector<16xi32>
    %add3A_2009 = arith.addi %get3A_2006, %add3A_2008 : vector<16xi32>
    %swap3A_2010 = arith.constant 21 : i32
    %swap3A_2011 = arith.index_cast %swap3A_2010 : i32 to index
    %swap3A_2012 = arith.constant 80 : index
    %swap3A_2013 = tpu.vector_load %arg7[%swap3A_2011, %swap3A_2012] {strides = array<i32>} : memref<26x128xi32, #tpu.memory_space<vmem>>, vector<1x16xi32>,
    %swap3A_2014 = vector.shape_cast %swap3A_2013 : vector<1x16xi32> to vector<16xi32>
    %swap3A_2015 = vector.shape_cast %add3A_2009 : vector<16xi32> to vector<1x16xi32>
    tpu.vector_store %arg7[%swap3A_2011, %swap3A_2012], %swap3A_2015 {strides = array<i32>} : memref<26x128xi32, #tpu.memory_space<vmem>>, vector<1x16xi32>,
    %get3A_2016 = arith.constant 22 : i32
    %get3A_2017 = arith.index_cast %get3A_2016 : i32 to index
    %get3A_2018 = arith.constant 80 : index
    %get3A_2019 = tpu.vector_load %arg7[%get3A_2017, %get3A_2018] {strides = array<i32>} : memref<26x128xi32, #tpu.memory_space<vmem>>, vector<1x16xi32>,
    %get3A_2020 = vector.shape_cast %get3A_2019 : vector<1x16xi32> to vector<16xi32>
    %add3A_2021 = arith.constant 900000 : i32
    %add3A_2022 = vector.broadcast %add3A_2021 : i32 to vector<16xi32>
    %add3A_2023 = arith.addi %get3A_2020, %add3A_2022 : vector<16xi32>
    %swap3A_2024 = arith.constant 22 : i32
    %swap3A_2025 = arith.index_cast %swap3A_2024 : i32 to index
    %swap3A_2026 = arith.constant 80 : index
    %swap3A_2027 = tpu.vector_load %arg7[%swap3A_2025, %swap3A_2026] {strides = array<i32>} : memref<26x128xi32, #tpu.memory_space<vmem>>, vector<1x16xi32>,
    %swap3A_2028 = vector.shape_cast %swap3A_2027 : vector<1x16xi32> to vector<16xi32>
    %swap3A_2029 = vector.shape_cast %add3A_2023 : vector<16xi32> to vector<1x16xi32>
    tpu.vector_store %arg7[%swap3A_2025, %swap3A_2026], %swap3A_2029 {strides = array<i32>} : memref<26x128xi32, #tpu.memory_space<vmem>>, vector<1x16xi32>,
    %get3A_2030 = arith.constant 23 : i32
    %get3A_2031 = arith.index_cast %get3A_2030 : i32 to index
    %get3A_2032 = arith.constant 80 : index
    %get3A_2033 = tpu.vector_load %arg7[%get3A_2031, %get3A_2032] {strides = array<i32>} : memref<26x128xi32, #tpu.memory_space<vmem>>, vector<1x16xi32>,
    %get3A_2034 = vector.shape_cast %get3A_2033 : vector<1x16xi32> to vector<16xi32>
    %add3A_2035 = arith.constant 1000000 : i32
    %add3A_2036 = vector.broadcast %add3A_2035 : i32 to vector<16xi32>
    %add3A_2037 = arith.addi %get3A_2034, %add3A_2036 : vector<16xi32>
    %swap3A_2038 = arith.constant 23 : i32
    %swap3A_2039 = arith.index_cast %swap3A_2038 : i32 to index
    %swap3A_2040 = arith.constant 80 : index
    %swap3A_2041 = tpu.vector_load %arg7[%swap3A_2039, %swap3A_2040] {strides = array<i32>} : memref<26x128xi32, #tpu.memory_space<vmem>>, vector<1x16xi32>,
    %swap3A_2042 = vector.shape_cast %swap3A_2041 : vector<1x16xi32> to vector<16xi32>
    %swap3A_2043 = vector.shape_cast %add3A_2037 : vector<16xi32> to vector<1x16xi32>
    tpu.vector_store %arg7[%swap3A_2039, %swap3A_2040], %swap3A_2043 {strides = array<i32>} : memref<26x128xi32, #tpu.memory_space<vmem>>, vector<1x16xi32>,
    %get3A_2044 = arith.constant 24 : i32
    %get3A_2045 = arith.index_cast %get3A_2044 : i32 to index
    %get3A_2046 = arith.constant 80 : index
    %get3A_2047 = tpu.vector_load %arg7[%get3A_2045, %get3A_2046] {strides = array<i32>} : memref<26x128xi32, #tpu.memory_space<vmem>>, vector<1x16xi32>,
    %get3A_2048 = vector.shape_cast %get3A_2047 : vector<1x16xi32> to vector<16xi32>
    %add3A_2049 = arith.constant 1100000 : i32
    %add3A_2050 = vector.broadcast %add3A_2049 : i32 to vector<16xi32>
    %add3A_2051 = arith.addi %get3A_2048, %add3A_2050 : vector<16xi32>
    %swap3A_2052 = arith.constant 24 : i32
    %swap3A_2053 = arith.index_cast %swap3A_2052 : i32 to index
    %swap3A_2054 = arith.constant 80 : index
    %swap3A_2055 = tpu.vector_load %arg7[%swap3A_2053, %swap3A_2054] {strides = array<i32>} : memref<26x128xi32, #tpu.memory_space<vmem>>, vector<1x16xi32>,
    %swap3A_2056 = vector.shape_cast %swap3A_2055 : vector<1x16xi32> to vector<16xi32>
    %swap3A_2057 = vector.shape_cast %add3A_2051 : vector<16xi32> to vector<1x16xi32>
    tpu.vector_store %arg7[%swap3A_2053, %swap3A_2054], %swap3A_2057 {strides = array<i32>} : memref<26x128xi32, #tpu.memory_space<vmem>>, vector<1x16xi32>,
    %get3A_2058 = arith.constant 25 : i32
    %get3A_2059 = arith.index_cast %get3A_2058 : i32 to index
    %get3A_2060 = arith.constant 80 : index
    %get3A_2061 = tpu.vector_load %arg7[%get3A_2059, %get3A_2060] {strides = array<i32>} : memref<26x128xi32, #tpu.memory_space<vmem>>, vector<1x16xi32>,
    %get3A_2062 = vector.shape_cast %get3A_2061 : vector<1x16xi32> to vector<16xi32>
    %add3A_2063 = arith.constant 1200000 : i32
    %add3A_2064 = vector.broadcast %add3A_2063 : i32 to vector<16xi32>
    %add3A_2065 = arith.addi %get3A_2062, %add3A_2064 : vector<16xi32>
    %swap3A_2066 = arith.constant 25 : i32
    %swap3A_2067 = arith.index_cast %swap3A_2066 : i32 to index
    %swap3A_2068 = arith.constant 80 : index
    %swap3A_2069 = tpu.vector_load %arg7[%swap3A_2067, %swap3A_2068] {strides = array<i32>} : memref<26x128xi32, #tpu.memory_space<vmem>>, vector<1x16xi32>,
    %swap3A_2070 = vector.shape_cast %swap3A_2069 : vector<1x16xi32> to vector<16xi32>
    %swap3A_2071 = vector.shape_cast %add3A_2065 : vector<16xi32> to vector<1x16xi32>
    tpu.vector_store %arg7[%swap3A_2067, %swap3A_2068], %swap3A_2071 {strides = array<i32>} : memref<26x128xi32, #tpu.memory_space<vmem>>, vector<1x16xi32>,
    %iota3A_2072 = tpu.iota {dimensions = array<i32: 0>} : vector<16xi32>
    %add3A_2073 = arith.constant 96 : i32
    %add3A_2074 = arith.addi %mul3A_4, %add3A_2073 : i32
    %add3A_2075 = vector.broadcast %add3A_2074 : i32 to vector<16xi32>
    %add3A_2076 = arith.addi %iota3A_2072, %add3A_2075 : vector<16xi32>
    %swap3A_2077 = arith.constant 96 : index
    %swap3A_2078 = tpu.vector_load %arg8[%swap3A_2077] {strides = array<i32>} : memref<128xi32, #tpu.memory_space<vmem>>, vector<16xi32>,
    %swap3A_2079 = vector.shape_cast %swap3A_2078 : vector<16xi32> to vector<16xi32>
    %swap3A_2080 = vector.shape_cast %add3A_2076 : vector<16xi32> to vector<16xi32>
    tpu.vector_store %arg8[%swap3A_2077], %swap3A_2080 {strides = array<i32>} : memref<128xi32, #tpu.memory_space<vmem>>, vector<16xi32>,
    %get3A_2081 = arith.constant 1 : i32
    %get3A_2082 = arith.index_cast %get3A_2081 : i32 to index
    %get3A_2083 = arith.constant 96 : index
    %get3A_2084 = tpu.vector_load %arg7[%get3A_2082, %get3A_2083] {strides = array<i32>} : memref<26x128xi32, #tpu.memory_space<vmem>>, vector<1x16xi32>,
    %get3A_2085 = vector.shape_cast %get3A_2084 : vector<1x16xi32> to vector<16xi32>
    %add3A_2086 = arith.constant 100000 : i32
    %add3A_2087 = vector.broadcast %add3A_2086 : i32 to vector<16xi32>
    %add3A_2088 = arith.addi %get3A_2085, %add3A_2087 : vector<16xi32>
    %swap3A_2089 = arith.constant 1 : i32
    %swap3A_2090 = arith.index_cast %swap3A_2089 : i32 to index
    %swap3A_2091 = arith.constant 96 : index
    %swap3A_2092 = tpu.vector_load %arg7[%swap3A_2090, %swap3A_2091] {strides = array<i32>} : memref<26x128xi32, #tpu.memory_space<vmem>>, vector<1x16xi32>,
    %swap3A_2093 = vector.shape_cast %swap3A_2092 : vector<1x16xi32> to vector<16xi32>
    %swap3A_2094 = vector.shape_cast %add3A_2088 : vector<16xi32> to vector<1x16xi32>
    tpu.vector_store %arg7[%swap3A_2090, %swap3A_2091], %swap3A_2094 {strides = array<i32>} : memref<26x128xi32, #tpu.memory_space<vmem>>, vector<1x16xi32>,
    %get3A_2095 = arith.constant 2 : i32
    %get3A_2096 = arith.index_cast %get3A_2095 : i32 to index
    %get3A_2097 = arith.constant 96 : index
    %get3A_2098 = tpu.vector_load %arg7[%get3A_2096, %get3A_2097] {strides = array<i32>} : memref<26x128xi32, #tpu.memory_space<vmem>>, vector<1x16xi32>,
    %get3A_2099 = vector.shape_cast %get3A_2098 : vector<1x16xi32> to vector<16xi32>
    %add3A_2100 = arith.constant 200000 : i32
    %add3A_2101 = vector.broadcast %add3A_2100 : i32 to vector<16xi32>
    %add3A_2102 = arith.addi %get3A_2099, %add3A_2101 : vector<16xi32>
    %swap3A_2103 = arith.constant 2 : i32
    %swap3A_2104 = arith.index_cast %swap3A_2103 : i32 to index
    %swap3A_2105 = arith.constant 96 : index
    %swap3A_2106 = tpu.vector_load %arg7[%swap3A_2104, %swap3A_2105] {strides = array<i32>} : memref<26x128xi32, #tpu.memory_space<vmem>>, vector<1x16xi32>,
    %swap3A_2107 = vector.shape_cast %swap3A_2106 : vector<1x16xi32> to vector<16xi32>
    %swap3A_2108 = vector.shape_cast %add3A_2102 : vector<16xi32> to vector<1x16xi32>
    tpu.vector_store %arg7[%swap3A_2104, %swap3A_2105], %swap3A_2108 {strides = array<i32>} : memref<26x128xi32, #tpu.memory_space<vmem>>, vector<1x16xi32>,
    %get3A_2109 = arith.constant 3 : i32
    %get3A_2110 = arith.index_cast %get3A_2109 : i32 to index
    %get3A_2111 = arith.constant 96 : index
    %get3A_2112 = tpu.vector_load %arg7[%get3A_2110, %get3A_2111] {strides = array<i32>} : memref<26x128xi32, #tpu.memory_space<vmem>>, vector<1x16xi32>,
    %get3A_2113 = vector.shape_cast %get3A_2112 : vector<1x16xi32> to vector<16xi32>
    %add3A_2114 = arith.constant 300000 : i32
    %add3A_2115 = vector.broadcast %add3A_2114 : i32 to vector<16xi32>
    %add3A_2116 = arith.addi %get3A_2113, %add3A_2115 : vector<16xi32>
    %swap3A_2117 = arith.constant 3 : i32
    %swap3A_2118 = arith.index_cast %swap3A_2117 : i32 to index
    %swap3A_2119 = arith.constant 96 : index
    %swap3A_2120 = tpu.vector_load %arg7[%swap3A_2118, %swap3A_2119] {strides = array<i32>} : memref<26x128xi32, #tpu.memory_space<vmem>>, vector<1x16xi32>,
    %swap3A_2121 = vector.shape_cast %swap3A_2120 : vector<1x16xi32> to vector<16xi32>
    %swap3A_2122 = vector.shape_cast %add3A_2116 : vector<16xi32> to vector<1x16xi32>
    tpu.vector_store %arg7[%swap3A_2118, %swap3A_2119], %swap3A_2122 {strides = array<i32>} : memref<26x128xi32, #tpu.memory_space<vmem>>, vector<1x16xi32>,
    %get3A_2123 = arith.constant 4 : i32
    %get3A_2124 = arith.index_cast %get3A_2123 : i32 to index
    %get3A_2125 = arith.constant 96 : index
    %get3A_2126 = tpu.vector_load %arg7[%get3A_2124, %get3A_2125] {strides = array<i32>} : memref<26x128xi32, #tpu.memory_space<vmem>>, vector<1x16xi32>,
    %get3A_2127 = vector.shape_cast %get3A_2126 : vector<1x16xi32> to vector<16xi32>
    %add3A_2128 = arith.constant 400000 : i32
    %add3A_2129 = vector.broadcast %add3A_2128 : i32 to vector<16xi32>
    %add3A_2130 = arith.addi %get3A_2127, %add3A_2129 : vector<16xi32>
    %swap3A_2131 = arith.constant 4 : i32
    %swap3A_2132 = arith.index_cast %swap3A_2131 : i32 to index
    %swap3A_2133 = arith.constant 96 : index
    %swap3A_2134 = tpu.vector_load %arg7[%swap3A_2132, %swap3A_2133] {strides = array<i32>} : memref<26x128xi32, #tpu.memory_space<vmem>>, vector<1x16xi32>,
    %swap3A_2135 = vector.shape_cast %swap3A_2134 : vector<1x16xi32> to vector<16xi32>
    %swap3A_2136 = vector.shape_cast %add3A_2130 : vector<16xi32> to vector<1x16xi32>
    tpu.vector_store %arg7[%swap3A_2132, %swap3A_2133], %swap3A_2136 {strides = array<i32>} : memref<26x128xi32, #tpu.memory_space<vmem>>, vector<1x16xi32>,
    %get3A_2137 = arith.constant 5 : i32
    %get3A_2138 = arith.index_cast %get3A_2137 : i32 to index
    %get3A_2139 = arith.constant 96 : index
    %get3A_2140 = tpu.vector_load %arg7[%get3A_2138, %get3A_2139] {strides = array<i32>} : memref<26x128xi32, #tpu.memory_space<vmem>>, vector<1x16xi32>,
    %get3A_2141 = vector.shape_cast %get3A_2140 : vector<1x16xi32> to vector<16xi32>
    %add3A_2142 = arith.constant 500000 : i32
    %add3A_2143 = vector.broadcast %add3A_2142 : i32 to vector<16xi32>
    %add3A_2144 = arith.addi %get3A_2141, %add3A_2143 : vector<16xi32>
    %swap3A_2145 = arith.constant 5 : i32
    %swap3A_2146 = arith.index_cast %swap3A_2145 : i32 to index
    %swap3A_2147 = arith.constant 96 : index
    %swap3A_2148 = tpu.vector_load %arg7[%swap3A_2146, %swap3A_2147] {strides = array<i32>} : memref<26x128xi32, #tpu.memory_space<vmem>>, vector<1x16xi32>,
    %swap3A_2149 = vector.shape_cast %swap3A_2148 : vector<1x16xi32> to vector<16xi32>
    %swap3A_2150 = vector.shape_cast %add3A_2144 : vector<16xi32> to vector<1x16xi32>
    tpu.vector_store %arg7[%swap3A_2146, %swap3A_2147], %swap3A_2150 {strides = array<i32>} : memref<26x128xi32, #tpu.memory_space<vmem>>, vector<1x16xi32>,
    %get3A_2151 = arith.constant 6 : i32
    %get3A_2152 = arith.index_cast %get3A_2151 : i32 to index
    %get3A_2153 = arith.constant 96 : index
    %get3A_2154 = tpu.vector_load %arg7[%get3A_2152, %get3A_2153] {strides = array<i32>} : memref<26x128xi32, #tpu.memory_space<vmem>>, vector<1x16xi32>,
    %get3A_2155 = vector.shape_cast %get3A_2154 : vector<1x16xi32> to vector<16xi32>
    %add3A_2156 = arith.constant 600000 : i32
    %add3A_2157 = vector.broadcast %add3A_2156 : i32 to vector<16xi32>
    %add3A_2158 = arith.addi %get3A_2155, %add3A_2157 : vector<16xi32>
    %swap3A_2159 = arith.constant 6 : i32
    %swap3A_2160 = arith.index_cast %swap3A_2159 : i32 to index
    %swap3A_2161 = arith.constant 96 : index
    %swap3A_2162 = tpu.vector_load %arg7[%swap3A_2160, %swap3A_2161] {strides = array<i32>} : memref<26x128xi32, #tpu.memory_space<vmem>>, vector<1x16xi32>,
    %swap3A_2163 = vector.shape_cast %swap3A_2162 : vector<1x16xi32> to vector<16xi32>
    %swap3A_2164 = vector.shape_cast %add3A_2158 : vector<16xi32> to vector<1x16xi32>
    tpu.vector_store %arg7[%swap3A_2160, %swap3A_2161], %swap3A_2164 {strides = array<i32>} : memref<26x128xi32, #tpu.memory_space<vmem>>, vector<1x16xi32>,
    %get3A_2165 = arith.constant 7 : i32
    %get3A_2166 = arith.index_cast %get3A_2165 : i32 to index
    %get3A_2167 = arith.constant 96 : index
    %get3A_2168 = tpu.vector_load %arg7[%get3A_2166, %get3A_2167] {strides = array<i32>} : memref<26x128xi32, #tpu.memory_space<vmem>>, vector<1x16xi32>,
    %get3A_2169 = vector.shape_cast %get3A_2168 : vector<1x16xi32> to vector<16xi32>
    %add3A_2170 = arith.constant 700000 : i32
    %add3A_2171 = vector.broadcast %add3A_2170 : i32 to vector<16xi32>
    %add3A_2172 = arith.addi %get3A_2169, %add3A_2171 : vector<16xi32>
    %swap3A_2173 = arith.constant 7 : i32
    %swap3A_2174 = arith.index_cast %swap3A_2173 : i32 to index
    %swap3A_2175 = arith.constant 96 : index
    %swap3A_2176 = tpu.vector_load %arg7[%swap3A_2174, %swap3A_2175] {strides = array<i32>} : memref<26x128xi32, #tpu.memory_space<vmem>>, vector<1x16xi32>,
    %swap3A_2177 = vector.shape_cast %swap3A_2176 : vector<1x16xi32> to vector<16xi32>
    %swap3A_2178 = vector.shape_cast %add3A_2172 : vector<16xi32> to vector<1x16xi32>
    tpu.vector_store %arg7[%swap3A_2174, %swap3A_2175], %swap3A_2178 {strides = array<i32>} : memref<26x128xi32, #tpu.memory_space<vmem>>, vector<1x16xi32>,
    %get3A_2179 = arith.constant 8 : i32
    %get3A_2180 = arith.index_cast %get3A_2179 : i32 to index
    %get3A_2181 = arith.constant 96 : index
    %get3A_2182 = tpu.vector_load %arg7[%get3A_2180, %get3A_2181] {strides = array<i32>} : memref<26x128xi32, #tpu.memory_space<vmem>>, vector<1x16xi32>,
    %get3A_2183 = vector.shape_cast %get3A_2182 : vector<1x16xi32> to vector<16xi32>
    %add3A_2184 = arith.constant 800000 : i32
    %add3A_2185 = vector.broadcast %add3A_2184 : i32 to vector<16xi32>
    %add3A_2186 = arith.addi %get3A_2183, %add3A_2185 : vector<16xi32>
    %swap3A_2187 = arith.constant 8 : i32
    %swap3A_2188 = arith.index_cast %swap3A_2187 : i32 to index
    %swap3A_2189 = arith.constant 96 : index
    %swap3A_2190 = tpu.vector_load %arg7[%swap3A_2188, %swap3A_2189] {strides = array<i32>} : memref<26x128xi32, #tpu.memory_space<vmem>>, vector<1x16xi32>,
    %swap3A_2191 = vector.shape_cast %swap3A_2190 : vector<1x16xi32> to vector<16xi32>
    %swap3A_2192 = vector.shape_cast %add3A_2186 : vector<16xi32> to vector<1x16xi32>
    tpu.vector_store %arg7[%swap3A_2188, %swap3A_2189], %swap3A_2192 {strides = array<i32>} : memref<26x128xi32, #tpu.memory_space<vmem>>, vector<1x16xi32>,
    %get3A_2193 = arith.constant 9 : i32
    %get3A_2194 = arith.index_cast %get3A_2193 : i32 to index
    %get3A_2195 = arith.constant 96 : index
    %get3A_2196 = tpu.vector_load %arg7[%get3A_2194, %get3A_2195] {strides = array<i32>} : memref<26x128xi32, #tpu.memory_space<vmem>>, vector<1x16xi32>,
    %get3A_2197 = vector.shape_cast %get3A_2196 : vector<1x16xi32> to vector<16xi32>
    %add3A_2198 = arith.constant 900000 : i32
    %add3A_2199 = vector.broadcast %add3A_2198 : i32 to vector<16xi32>
    %add3A_2200 = arith.addi %get3A_2197, %add3A_2199 : vector<16xi32>
    %swap3A_2201 = arith.constant 9 : i32
    %swap3A_2202 = arith.index_cast %swap3A_2201 : i32 to index
    %swap3A_2203 = arith.constant 96 : index
    %swap3A_2204 = tpu.vector_load %arg7[%swap3A_2202, %swap3A_2203] {strides = array<i32>} : memref<26x128xi32, #tpu.memory_space<vmem>>, vector<1x16xi32>,
    %swap3A_2205 = vector.shape_cast %swap3A_2204 : vector<1x16xi32> to vector<16xi32>
    %swap3A_2206 = vector.shape_cast %add3A_2200 : vector<16xi32> to vector<1x16xi32>
    tpu.vector_store %arg7[%swap3A_2202, %swap3A_2203], %swap3A_2206 {strides = array<i32>} : memref<26x128xi32, #tpu.memory_space<vmem>>, vector<1x16xi32>,
    %get3A_2207 = arith.constant 10 : i32
    %get3A_2208 = arith.index_cast %get3A_2207 : i32 to index
    %get3A_2209 = arith.constant 96 : index
    %get3A_2210 = tpu.vector_load %arg7[%get3A_2208, %get3A_2209] {strides = array<i32>} : memref<26x128xi32, #tpu.memory_space<vmem>>, vector<1x16xi32>,
    %get3A_2211 = vector.shape_cast %get3A_2210 : vector<1x16xi32> to vector<16xi32>
    %add3A_2212 = arith.constant 1000000 : i32
    %add3A_2213 = vector.broadcast %add3A_2212 : i32 to vector<16xi32>
    %add3A_2214 = arith.addi %get3A_2211, %add3A_2213 : vector<16xi32>
    %swap3A_2215 = arith.constant 10 : i32
    %swap3A_2216 = arith.index_cast %swap3A_2215 : i32 to index
    %swap3A_2217 = arith.constant 96 : index
    %swap3A_2218 = tpu.vector_load %arg7[%swap3A_2216, %swap3A_2217] {strides = array<i32>} : memref<26x128xi32, #tpu.memory_space<vmem>>, vector<1x16xi32>,
    %swap3A_2219 = vector.shape_cast %swap3A_2218 : vector<1x16xi32> to vector<16xi32>
    %swap3A_2220 = vector.shape_cast %add3A_2214 : vector<16xi32> to vector<1x16xi32>
    tpu.vector_store %arg7[%swap3A_2216, %swap3A_2217], %swap3A_2220 {strides = array<i32>} : memref<26x128xi32, #tpu.memory_space<vmem>>, vector<1x16xi32>,
    %get3A_2221 = arith.constant 11 : i32
    %get3A_2222 = arith.index_cast %get3A_2221 : i32 to index
    %get3A_2223 = arith.constant 96 : index
    %get3A_2224 = tpu.vector_load %arg7[%get3A_2222, %get3A_2223] {strides = array<i32>} : memref<26x128xi32, #tpu.memory_space<vmem>>, vector<1x16xi32>,
    %get3A_2225 = vector.shape_cast %get3A_2224 : vector<1x16xi32> to vector<16xi32>
    %add3A_2226 = arith.constant 1100000 : i32
    %add3A_2227 = vector.broadcast %add3A_2226 : i32 to vector<16xi32>
    %add3A_2228 = arith.addi %get3A_2225, %add3A_2227 : vector<16xi32>
    %swap3A_2229 = arith.constant 11 : i32
    %swap3A_2230 = arith.index_cast %swap3A_2229 : i32 to index
    %swap3A_2231 = arith.constant 96 : index
    %swap3A_2232 = tpu.vector_load %arg7[%swap3A_2230, %swap3A_2231] {strides = array<i32>} : memref<26x128xi32, #tpu.memory_space<vmem>>, vector<1x16xi32>,
    %swap3A_2233 = vector.shape_cast %swap3A_2232 : vector<1x16xi32> to vector<16xi32>
    %swap3A_2234 = vector.shape_cast %add3A_2228 : vector<16xi32> to vector<1x16xi32>
    tpu.vector_store %arg7[%swap3A_2230, %swap3A_2231], %swap3A_2234 {strides = array<i32>} : memref<26x128xi32, #tpu.memory_space<vmem>>, vector<1x16xi32>,
    %get3A_2235 = arith.constant 12 : i32
    %get3A_2236 = arith.index_cast %get3A_2235 : i32 to index
    %get3A_2237 = arith.constant 96 : index
    %get3A_2238 = tpu.vector_load %arg7[%get3A_2236, %get3A_2237] {strides = array<i32>} : memref<26x128xi32, #tpu.memory_space<vmem>>, vector<1x16xi32>,
    %get3A_2239 = vector.shape_cast %get3A_2238 : vector<1x16xi32> to vector<16xi32>
    %add3A_2240 = arith.constant 1200000 : i32
    %add3A_2241 = vector.broadcast %add3A_2240 : i32 to vector<16xi32>
    %add3A_2242 = arith.addi %get3A_2239, %add3A_2241 : vector<16xi32>
    %swap3A_2243 = arith.constant 12 : i32
    %swap3A_2244 = arith.index_cast %swap3A_2243 : i32 to index
    %swap3A_2245 = arith.constant 96 : index
    %swap3A_2246 = tpu.vector_load %arg7[%swap3A_2244, %swap3A_2245] {strides = array<i32>} : memref<26x128xi32, #tpu.memory_space<vmem>>, vector<1x16xi32>,
    %swap3A_2247 = vector.shape_cast %swap3A_2246 : vector<1x16xi32> to vector<16xi32>
    %swap3A_2248 = vector.shape_cast %add3A_2242 : vector<16xi32> to vector<1x16xi32>
    tpu.vector_store %arg7[%swap3A_2244, %swap3A_2245], %swap3A_2248 {strides = array<i32>} : memref<26x128xi32, #tpu.memory_space<vmem>>, vector<1x16xi32>,
    %get3A_2249 = arith.constant 14 : i32
    %get3A_2250 = arith.index_cast %get3A_2249 : i32 to index
    %get3A_2251 = arith.constant 96 : index
    %get3A_2252 = tpu.vector_load %arg7[%get3A_2250, %get3A_2251] {strides = array<i32>} : memref<26x128xi32, #tpu.memory_space<vmem>>, vector<1x16xi32>,
    %get3A_2253 = vector.shape_cast %get3A_2252 : vector<1x16xi32> to vector<16xi32>
    %add3A_2254 = arith.constant 100000 : i32
    %add3A_2255 = vector.broadcast %add3A_2254 : i32 to vector<16xi32>
    %add3A_2256 = arith.addi %get3A_2253, %add3A_2255 : vector<16xi32>
    %swap3A_2257 = arith.constant 14 : i32
    %swap3A_2258 = arith.index_cast %swap3A_2257 : i32 to index
    %swap3A_2259 = arith.constant 96 : index
    %swap3A_2260 = tpu.vector_load %arg7[%swap3A_2258, %swap3A_2259] {strides = array<i32>} : memref<26x128xi32, #tpu.memory_space<vmem>>, vector<1x16xi32>,
    %swap3A_2261 = vector.shape_cast %swap3A_2260 : vector<1x16xi32> to vector<16xi32>
    %swap3A_2262 = vector.shape_cast %add3A_2256 : vector<16xi32> to vector<1x16xi32>
    tpu.vector_store %arg7[%swap3A_2258, %swap3A_2259], %swap3A_2262 {strides = array<i32>} : memref<26x128xi32, #tpu.memory_space<vmem>>, vector<1x16xi32>,
    %get3A_2263 = arith.constant 15 : i32
    %get3A_2264 = arith.index_cast %get3A_2263 : i32 to index
    %get3A_2265 = arith.constant 96 : index
    %get3A_2266 = tpu.vector_load %arg7[%get3A_2264, %get3A_2265] {strides = array<i32>} : memref<26x128xi32, #tpu.memory_space<vmem>>, vector<1x16xi32>,
    %get3A_2267 = vector.shape_cast %get3A_2266 : vector<1x16xi32> to vector<16xi32>
    %add3A_2268 = arith.constant 200000 : i32
    %add3A_2269 = vector.broadcast %add3A_2268 : i32 to vector<16xi32>
    %add3A_2270 = arith.addi %get3A_2267, %add3A_2269 : vector<16xi32>
    %swap3A_2271 = arith.constant 15 : i32
    %swap3A_2272 = arith.index_cast %swap3A_2271 : i32 to index
    %swap3A_2273 = arith.constant 96 : index
    %swap3A_2274 = tpu.vector_load %arg7[%swap3A_2272, %swap3A_2273] {strides = array<i32>} : memref<26x128xi32, #tpu.memory_space<vmem>>, vector<1x16xi32>,
    %swap3A_2275 = vector.shape_cast %swap3A_2274 : vector<1x16xi32> to vector<16xi32>
    %swap3A_2276 = vector.shape_cast %add3A_2270 : vector<16xi32> to vector<1x16xi32>
    tpu.vector_store %arg7[%swap3A_2272, %swap3A_2273], %swap3A_2276 {strides = array<i32>} : memref<26x128xi32, #tpu.memory_space<vmem>>, vector<1x16xi32>,
    %get3A_2277 = arith.constant 16 : i32
    %get3A_2278 = arith.index_cast %get3A_2277 : i32 to index
    %get3A_2279 = arith.constant 96 : index
    %get3A_2280 = tpu.vector_load %arg7[%get3A_2278, %get3A_2279] {strides = array<i32>} : memref<26x128xi32, #tpu.memory_space<vmem>>, vector<1x16xi32>,
    %get3A_2281 = vector.shape_cast %get3A_2280 : vector<1x16xi32> to vector<16xi32>
    %add3A_2282 = arith.constant 300000 : i32
    %add3A_2283 = vector.broadcast %add3A_2282 : i32 to vector<16xi32>
    %add3A_2284 = arith.addi %get3A_2281, %add3A_2283 : vector<16xi32>
    %swap3A_2285 = arith.constant 16 : i32
    %swap3A_2286 = arith.index_cast %swap3A_2285 : i32 to index
    %swap3A_2287 = arith.constant 96 : index
    %swap3A_2288 = tpu.vector_load %arg7[%swap3A_2286, %swap3A_2287] {strides = array<i32>} : memref<26x128xi32, #tpu.memory_space<vmem>>, vector<1x16xi32>,
    %swap3A_2289 = vector.shape_cast %swap3A_2288 : vector<1x16xi32> to vector<16xi32>
    %swap3A_2290 = vector.shape_cast %add3A_2284 : vector<16xi32> to vector<1x16xi32>
    tpu.vector_store %arg7[%swap3A_2286, %swap3A_2287], %swap3A_2290 {strides = array<i32>} : memref<26x128xi32, #tpu.memory_space<vmem>>, vector<1x16xi32>,
    %get3A_2291 = arith.constant 17 : i32
    %get3A_2292 = arith.index_cast %get3A_2291 : i32 to index
    %get3A_2293 = arith.constant 96 : index
    %get3A_2294 = tpu.vector_load %arg7[%get3A_2292, %get3A_2293] {strides = array<i32>} : memref<26x128xi32, #tpu.memory_space<vmem>>, vector<1x16xi32>,
    %get3A_2295 = vector.shape_cast %get3A_2294 : vector<1x16xi32> to vector<16xi32>
    %add3A_2296 = arith.constant 400000 : i32
    %add3A_2297 = vector.broadcast %add3A_2296 : i32 to vector<16xi32>
    %add3A_2298 = arith.addi %get3A_2295, %add3A_2297 : vector<16xi32>
    %swap3A_2299 = arith.constant 17 : i32
    %swap3A_2300 = arith.index_cast %swap3A_2299 : i32 to index
    %swap3A_2301 = arith.constant 96 : index
    %swap3A_2302 = tpu.vector_load %arg7[%swap3A_2300, %swap3A_2301] {strides = array<i32>} : memref<26x128xi32, #tpu.memory_space<vmem>>, vector<1x16xi32>,
    %swap3A_2303 = vector.shape_cast %swap3A_2302 : vector<1x16xi32> to vector<16xi32>
    %swap3A_2304 = vector.shape_cast %add3A_2298 : vector<16xi32> to vector<1x16xi32>
    tpu.vector_store %arg7[%swap3A_2300, %swap3A_2301], %swap3A_2304 {strides = array<i32>} : memref<26x128xi32, #tpu.memory_space<vmem>>, vector<1x16xi32>,
    %get3A_2305 = arith.constant 18 : i32
    %get3A_2306 = arith.index_cast %get3A_2305 : i32 to index
    %get3A_2307 = arith.constant 96 : index
    %get3A_2308 = tpu.vector_load %arg7[%get3A_2306, %get3A_2307] {strides = array<i32>} : memref<26x128xi32, #tpu.memory_space<vmem>>, vector<1x16xi32>,
    %get3A_2309 = vector.shape_cast %get3A_2308 : vector<1x16xi32> to vector<16xi32>
    %add3A_2310 = arith.constant 500000 : i32
    %add3A_2311 = vector.broadcast %add3A_2310 : i32 to vector<16xi32>
    %add3A_2312 = arith.addi %get3A_2309, %add3A_2311 : vector<16xi32>
    %swap3A_2313 = arith.constant 18 : i32
    %swap3A_2314 = arith.index_cast %swap3A_2313 : i32 to index
    %swap3A_2315 = arith.constant 96 : index
    %swap3A_2316 = tpu.vector_load %arg7[%swap3A_2314, %swap3A_2315] {strides = array<i32>} : memref<26x128xi32, #tpu.memory_space<vmem>>, vector<1x16xi32>,
    %swap3A_2317 = vector.shape_cast %swap3A_2316 : vector<1x16xi32> to vector<16xi32>
    %swap3A_2318 = vector.shape_cast %add3A_2312 : vector<16xi32> to vector<1x16xi32>
    tpu.vector_store %arg7[%swap3A_2314, %swap3A_2315], %swap3A_2318 {strides = array<i32>} : memref<26x128xi32, #tpu.memory_space<vmem>>, vector<1x16xi32>,
    %get3A_2319 = arith.constant 19 : i32
    %get3A_2320 = arith.index_cast %get3A_2319 : i32 to index
    %get3A_2321 = arith.constant 96 : index
    %get3A_2322 = tpu.vector_load %arg7[%get3A_2320, %get3A_2321] {strides = array<i32>} : memref<26x128xi32, #tpu.memory_space<vmem>>, vector<1x16xi32>,
    %get3A_2323 = vector.shape_cast %get3A_2322 : vector<1x16xi32> to vector<16xi32>
    %add3A_2324 = arith.constant 600000 : i32
    %add3A_2325 = vector.broadcast %add3A_2324 : i32 to vector<16xi32>
    %add3A_2326 = arith.addi %get3A_2323, %add3A_2325 : vector<16xi32>
    %swap3A_2327 = arith.constant 19 : i32
    %swap3A_2328 = arith.index_cast %swap3A_2327 : i32 to index
    %swap3A_2329 = arith.constant 96 : index
    %swap3A_2330 = tpu.vector_load %arg7[%swap3A_2328, %swap3A_2329] {strides = array<i32>} : memref<26x128xi32, #tpu.memory_space<vmem>>, vector<1x16xi32>,
    %swap3A_2331 = vector.shape_cast %swap3A_2330 : vector<1x16xi32> to vector<16xi32>
    %swap3A_2332 = vector.shape_cast %add3A_2326 : vector<16xi32> to vector<1x16xi32>
    tpu.vector_store %arg7[%swap3A_2328, %swap3A_2329], %swap3A_2332 {strides = array<i32>} : memref<26x128xi32, #tpu.memory_space<vmem>>, vector<1x16xi32>,
    %get3A_2333 = arith.constant 20 : i32
    %get3A_2334 = arith.index_cast %get3A_2333 : i32 to index
    %get3A_2335 = arith.constant 96 : index
    %get3A_2336 = tpu.vector_load %arg7[%get3A_2334, %get3A_2335] {strides = array<i32>} : memref<26x128xi32, #tpu.memory_space<vmem>>, vector<1x16xi32>,
    %get3A_2337 = vector.shape_cast %get3A_2336 : vector<1x16xi32> to vector<16xi32>
    %add3A_2338 = arith.constant 700000 : i32
    %add3A_2339 = vector.broadcast %add3A_2338 : i32 to vector<16xi32>
    %add3A_2340 = arith.addi %get3A_2337, %add3A_2339 : vector<16xi32>
    %swap3A_2341 = arith.constant 20 : i32
    %swap3A_2342 = arith.index_cast %swap3A_2341 : i32 to index
    %swap3A_2343 = arith.constant 96 : index
    %swap3A_2344 = tpu.vector_load %arg7[%swap3A_2342, %swap3A_2343] {strides = array<i32>} : memref<26x128xi32, #tpu.memory_space<vmem>>, vector<1x16xi32>,
    %swap3A_2345 = vector.shape_cast %swap3A_2344 : vector<1x16xi32> to vector<16xi32>
    %swap3A_2346 = vector.shape_cast %add3A_2340 : vector<16xi32> to vector<1x16xi32>
    tpu.vector_store %arg7[%swap3A_2342, %swap3A_2343], %swap3A_2346 {strides = array<i32>} : memref<26x128xi32, #tpu.memory_space<vmem>>, vector<1x16xi32>,
    %get3A_2347 = arith.constant 21 : i32
    %get3A_2348 = arith.index_cast %get3A_2347 : i32 to index
    %get3A_2349 = arith.constant 96 : index
    %get3A_2350 = tpu.vector_load %arg7[%get3A_2348, %get3A_2349] {strides = array<i32>} : memref<26x128xi32, #tpu.memory_space<vmem>>, vector<1x16xi32>,
    %get3A_2351 = vector.shape_cast %get3A_2350 : vector<1x16xi32> to vector<16xi32>
    %add3A_2352 = arith.constant 800000 : i32
    %add3A_2353 = vector.broadcast %add3A_2352 : i32 to vector<16xi32>
    %add3A_2354 = arith.addi %get3A_2351, %add3A_2353 : vector<16xi32>
    %swap3A_2355 = arith.constant 21 : i32
    %swap3A_2356 = arith.index_cast %swap3A_2355 : i32 to index
    %swap3A_2357 = arith.constant 96 : index
    %swap3A_2358 = tpu.vector_load %arg7[%swap3A_2356, %swap3A_2357] {strides = array<i32>} : memref<26x128xi32, #tpu.memory_space<vmem>>, vector<1x16xi32>,
    %swap3A_2359 = vector.shape_cast %swap3A_2358 : vector<1x16xi32> to vector<16xi32>
    %swap3A_2360 = vector.shape_cast %add3A_2354 : vector<16xi32> to vector<1x16xi32>
    tpu.vector_store %arg7[%swap3A_2356, %swap3A_2357], %swap3A_2360 {strides = array<i32>} : memref<26x128xi32, #tpu.memory_space<vmem>>, vector<1x16xi32>,
    %get3A_2361 = arith.constant 22 : i32
    %get3A_2362 = arith.index_cast %get3A_2361 : i32 to index
    %get3A_2363 = arith.constant 96 : index
    %get3A_2364 = tpu.vector_load %arg7[%get3A_2362, %get3A_2363] {strides = array<i32>} : memref<26x128xi32, #tpu.memory_space<vmem>>, vector<1x16xi32>,
    %get3A_2365 = vector.shape_cast %get3A_2364 : vector<1x16xi32> to vector<16xi32>
    %add3A_2366 = arith.constant 900000 : i32
    %add3A_2367 = vector.broadcast %add3A_2366 : i32 to vector<16xi32>
    %add3A_2368 = arith.addi %get3A_2365, %add3A_2367 : vector<16xi32>
    %swap3A_2369 = arith.constant 22 : i32
    %swap3A_2370 = arith.index_cast %swap3A_2369 : i32 to index
    %swap3A_2371 = arith.constant 96 : index
    %swap3A_2372 = tpu.vector_load %arg7[%swap3A_2370, %swap3A_2371] {strides = array<i32>} : memref<26x128xi32, #tpu.memory_space<vmem>>, vector<1x16xi32>,
    %swap3A_2373 = vector.shape_cast %swap3A_2372 : vector<1x16xi32> to vector<16xi32>
    %swap3A_2374 = vector.shape_cast %add3A_2368 : vector<16xi32> to vector<1x16xi32>
    tpu.vector_store %arg7[%swap3A_2370, %swap3A_2371], %swap3A_2374 {strides = array<i32>} : memref<26x128xi32, #tpu.memory_space<vmem>>, vector<1x16xi32>,
    %get3A_2375 = arith.constant 23 : i32
    %get3A_2376 = arith.index_cast %get3A_2375 : i32 to index
    %get3A_2377 = arith.constant 96 : index
    %get3A_2378 = tpu.vector_load %arg7[%get3A_2376, %get3A_2377] {strides = array<i32>} : memref<26x128xi32, #tpu.memory_space<vmem>>, vector<1x16xi32>,
    %get3A_2379 = vector.shape_cast %get3A_2378 : vector<1x16xi32> to vector<16xi32>
    %add3A_2380 = arith.constant 1000000 : i32
    %add3A_2381 = vector.broadcast %add3A_2380 : i32 to vector<16xi32>
    %add3A_2382 = arith.addi %get3A_2379, %add3A_2381 : vector<16xi32>
    %swap3A_2383 = arith.constant 23 : i32
    %swap3A_2384 = arith.index_cast %swap3A_2383 : i32 to index
    %swap3A_2385 = arith.constant 96 : index
    %swap3A_2386 = tpu.vector_load %arg7[%swap3A_2384, %swap3A_2385] {strides = array<i32>} : memref<26x128xi32, #tpu.memory_space<vmem>>, vector<1x16xi32>,
    %swap3A_2387 = vector.shape_cast %swap3A_2386 : vector<1x16xi32> to vector<16xi32>
    %swap3A_2388 = vector.shape_cast %add3A_2382 : vector<16xi32> to vector<1x16xi32>
    tpu.vector_store %arg7[%swap3A_2384, %swap3A_2385], %swap3A_2388 {strides = array<i32>} : memref<26x128xi32, #tpu.memory_space<vmem>>, vector<1x16xi32>,
    %get3A_2389 = arith.constant 24 : i32
    %get3A_2390 = arith.index_cast %get3A_2389 : i32 to index
    %get3A_2391 = arith.constant 96 : index
    %get3A_2392 = tpu.vector_load %arg7[%get3A_2390, %get3A_2391] {strides = array<i32>} : memref<26x128xi32, #tpu.memory_space<vmem>>, vector<1x16xi32>,
    %get3A_2393 = vector.shape_cast %get3A_2392 : vector<1x16xi32> to vector<16xi32>
    %add3A_2394 = arith.constant 1100000 : i32
    %add3A_2395 = vector.broadcast %add3A_2394 : i32 to vector<16xi32>
    %add3A_2396 = arith.addi %get3A_2393, %add3A_2395 : vector<16xi32>
    %swap3A_2397 = arith.constant 24 : i32
    %swap3A_2398 = arith.index_cast %swap3A_2397 : i32 to index
    %swap3A_2399 = arith.constant 96 : index
    %swap3A_2400 = tpu.vector_load %arg7[%swap3A_2398, %swap3A_2399] {strides = array<i32>} : memref<26x128xi32, #tpu.memory_space<vmem>>, vector<1x16xi32>,
    %swap3A_2401 = vector.shape_cast %swap3A_2400 : vector<1x16xi32> to vector<16xi32>
    %swap3A_2402 = vector.shape_cast %add3A_2396 : vector<16xi32> to vector<1x16xi32>
    tpu.vector_store %arg7[%swap3A_2398, %swap3A_2399], %swap3A_2402 {strides = array<i32>} : memref<26x128xi32, #tpu.memory_space<vmem>>, vector<1x16xi32>,
    %get3A_2403 = arith.constant 25 : i32
    %get3A_2404 = arith.index_cast %get3A_2403 : i32 to index
    %get3A_2405 = arith.constant 96 : index
    %get3A_2406 = tpu.vector_load %arg7[%get3A_2404, %get3A_2405] {strides = array<i32>} : memref<26x128xi32, #tpu.memory_space<vmem>>, vector<1x16xi32>,
    %get3A_2407 = vector.shape_cast %get3A_2406 : vector<1x16xi32> to vector<16xi32>
    %add3A_2408 = arith.constant 1200000 : i32
    %add3A_2409 = vector.broadcast %add3A_2408 : i32 to vector<16xi32>
    %add3A_2410 = arith.addi %get3A_2407, %add3A_2409 : vector<16xi32>
    %swap3A_2411 = arith.constant 25 : i32
    %swap3A_2412 = arith.index_cast %swap3A_2411 : i32 to index
    %swap3A_2413 = arith.constant 96 : index
    %swap3A_2414 = tpu.vector_load %arg7[%swap3A_2412, %swap3A_2413] {strides = array<i32>} : memref<26x128xi32, #tpu.memory_space<vmem>>, vector<1x16xi32>,
    %swap3A_2415 = vector.shape_cast %swap3A_2414 : vector<1x16xi32> to vector<16xi32>
    %swap3A_2416 = vector.shape_cast %add3A_2410 : vector<16xi32> to vector<1x16xi32>
    tpu.vector_store %arg7[%swap3A_2412, %swap3A_2413], %swap3A_2416 {strides = array<i32>} : memref<26x128xi32, #tpu.memory_space<vmem>>, vector<1x16xi32>,
    %iota3A_2417 = tpu.iota {dimensions = array<i32: 0>} : vector<16xi32>
    %add3A_2418 = arith.constant 112 : i32
    %add3A_2419 = arith.addi %mul3A_4, %add3A_2418 : i32
    %add3A_2420 = vector.broadcast %add3A_2419 : i32 to vector<16xi32>
    %add3A_2421 = arith.addi %iota3A_2417, %add3A_2420 : vector<16xi32>
    %swap3A_2422 = arith.constant 112 : index
    %swap3A_2423 = tpu.vector_load %arg8[%swap3A_2422] {strides = array<i32>} : memref<128xi32, #tpu.memory_space<vmem>>, vector<16xi32>,
    %swap3A_2424 = vector.shape_cast %swap3A_2423 : vector<16xi32> to vector<16xi32>
    %swap3A_2425 = vector.shape_cast %add3A_2421 : vector<16xi32> to vector<16xi32>
    tpu.vector_store %arg8[%swap3A_2422], %swap3A_2425 {strides = array<i32>} : memref<128xi32, #tpu.memory_space<vmem>>, vector<16xi32>,
    %get3A_2426 = arith.constant 1 : i32
    %get3A_2427 = arith.index_cast %get3A_2426 : i32 to index
    %get3A_2428 = arith.constant 112 : index
    %get3A_2429 = tpu.vector_load %arg7[%get3A_2427, %get3A_2428] {strides = array<i32>} : memref<26x128xi32, #tpu.memory_space<vmem>>, vector<1x16xi32>,
    %get3A_2430 = vector.shape_cast %get3A_2429 : vector<1x16xi32> to vector<16xi32>
    %add3A_2431 = arith.constant 100000 : i32
    %add3A_2432 = vector.broadcast %add3A_2431 : i32 to vector<16xi32>
    %add3A_2433 = arith.addi %get3A_2430, %add3A_2432 : vector<16xi32>
    %swap3A_2434 = arith.constant 1 : i32
    %swap3A_2435 = arith.index_cast %swap3A_2434 : i32 to index
    %swap3A_2436 = arith.constant 112 : index
    %swap3A_2437 = tpu.vector_load %arg7[%swap3A_2435, %swap3A_2436] {strides = array<i32>} : memref<26x128xi32, #tpu.memory_space<vmem>>, vector<1x16xi32>,
    %swap3A_2438 = vector.shape_cast %swap3A_2437 : vector<1x16xi32> to vector<16xi32>
    %swap3A_2439 = vector.shape_cast %add3A_2433 : vector<16xi32> to vector<1x16xi32>
    tpu.vector_store %arg7[%swap3A_2435, %swap3A_2436], %swap3A_2439 {strides = array<i32>} : memref<26x128xi32, #tpu.memory_space<vmem>>, vector<1x16xi32>,
    %get3A_2440 = arith.constant 2 : i32
    %get3A_2441 = arith.index_cast %get3A_2440 : i32 to index
    %get3A_2442 = arith.constant 112 : index
    %get3A_2443 = tpu.vector_load %arg7[%get3A_2441, %get3A_2442] {strides = array<i32>} : memref<26x128xi32, #tpu.memory_space<vmem>>, vector<1x16xi32>,
    %get3A_2444 = vector.shape_cast %get3A_2443 : vector<1x16xi32> to vector<16xi32>
    %add3A_2445 = arith.constant 200000 : i32
    %add3A_2446 = vector.broadcast %add3A_2445 : i32 to vector<16xi32>
    %add3A_2447 = arith.addi %get3A_2444, %add3A_2446 : vector<16xi32>
    %swap3A_2448 = arith.constant 2 : i32
    %swap3A_2449 = arith.index_cast %swap3A_2448 : i32 to index
    %swap3A_2450 = arith.constant 112 : index
    %swap3A_2451 = tpu.vector_load %arg7[%swap3A_2449, %swap3A_2450] {strides = array<i32>} : memref<26x128xi32, #tpu.memory_space<vmem>>, vector<1x16xi32>,
    %swap3A_2452 = vector.shape_cast %swap3A_2451 : vector<1x16xi32> to vector<16xi32>
    %swap3A_2453 = vector.shape_cast %add3A_2447 : vector<16xi32> to vector<1x16xi32>
    tpu.vector_store %arg7[%swap3A_2449, %swap3A_2450], %swap3A_2453 {strides = array<i32>} : memref<26x128xi32, #tpu.memory_space<vmem>>, vector<1x16xi32>,
    %get3A_2454 = arith.constant 3 : i32
    %get3A_2455 = arith.index_cast %get3A_2454 : i32 to index
    %get3A_2456 = arith.constant 112 : index
    %get3A_2457 = tpu.vector_load %arg7[%get3A_2455, %get3A_2456] {strides = array<i32>} : memref<26x128xi32, #tpu.memory_space<vmem>>, vector<1x16xi32>,
    %get3A_2458 = vector.shape_cast %get3A_2457 : vector<1x16xi32> to vector<16xi32>
    %add3A_2459 = arith.constant 300000 : i32
    %add3A_2460 = vector.broadcast %add3A_2459 : i32 to vector<16xi32>
    %add3A_2461 = arith.addi %get3A_2458, %add3A_2460 : vector<16xi32>
    %swap3A_2462 = arith.constant 3 : i32
    %swap3A_2463 = arith.index_cast %swap3A_2462 : i32 to index
    %swap3A_2464 = arith.constant 112 : index
    %swap3A_2465 = tpu.vector_load %arg7[%swap3A_2463, %swap3A_2464] {strides = array<i32>} : memref<26x128xi32, #tpu.memory_space<vmem>>, vector<1x16xi32>,
    %swap3A_2466 = vector.shape_cast %swap3A_2465 : vector<1x16xi32> to vector<16xi32>
    %swap3A_2467 = vector.shape_cast %add3A_2461 : vector<16xi32> to vector<1x16xi32>
    tpu.vector_store %arg7[%swap3A_2463, %swap3A_2464], %swap3A_2467 {strides = array<i32>} : memref<26x128xi32, #tpu.memory_space<vmem>>, vector<1x16xi32>,
    %get3A_2468 = arith.constant 4 : i32
    %get3A_2469 = arith.index_cast %get3A_2468 : i32 to index
    %get3A_2470 = arith.constant 112 : index
    %get3A_2471 = tpu.vector_load %arg7[%get3A_2469, %get3A_2470] {strides = array<i32>} : memref<26x128xi32, #tpu.memory_space<vmem>>, vector<1x16xi32>,
    %get3A_2472 = vector.shape_cast %get3A_2471 : vector<1x16xi32> to vector<16xi32>
    %add3A_2473 = arith.constant 400000 : i32
    %add3A_2474 = vector.broadcast %add3A_2473 : i32 to vector<16xi32>
    %add3A_2475 = arith.addi %get3A_2472, %add3A_2474 : vector<16xi32>
    %swap3A_2476 = arith.constant 4 : i32
    %swap3A_2477 = arith.index_cast %swap3A_2476 : i32 to index
    %swap3A_2478 = arith.constant 112 : index
    %swap3A_2479 = tpu.vector_load %arg7[%swap3A_2477, %swap3A_2478] {strides = array<i32>} : memref<26x128xi32, #tpu.memory_space<vmem>>, vector<1x16xi32>,
    %swap3A_2480 = vector.shape_cast %swap3A_2479 : vector<1x16xi32> to vector<16xi32>
    %swap3A_2481 = vector.shape_cast %add3A_2475 : vector<16xi32> to vector<1x16xi32>
    tpu.vector_store %arg7[%swap3A_2477, %swap3A_2478], %swap3A_2481 {strides = array<i32>} : memref<26x128xi32, #tpu.memory_space<vmem>>, vector<1x16xi32>,
    %get3A_2482 = arith.constant 5 : i32
    %get3A_2483 = arith.index_cast %get3A_2482 : i32 to index
    %get3A_2484 = arith.constant 112 : index
    %get3A_2485 = tpu.vector_load %arg7[%get3A_2483, %get3A_2484] {strides = array<i32>} : memref<26x128xi32, #tpu.memory_space<vmem>>, vector<1x16xi32>,
    %get3A_2486 = vector.shape_cast %get3A_2485 : vector<1x16xi32> to vector<16xi32>
    %add3A_2487 = arith.constant 500000 : i32
    %add3A_2488 = vector.broadcast %add3A_2487 : i32 to vector<16xi32>
    %add3A_2489 = arith.addi %get3A_2486, %add3A_2488 : vector<16xi32>
    %swap3A_2490 = arith.constant 5 : i32
    %swap3A_2491 = arith.index_cast %swap3A_2490 : i32 to index
    %swap3A_2492 = arith.constant 112 : index
    %swap3A_2493 = tpu.vector_load %arg7[%swap3A_2491, %swap3A_2492] {strides = array<i32>} : memref<26x128xi32, #tpu.memory_space<vmem>>, vector<1x16xi32>,
    %swap3A_2494 = vector.shape_cast %swap3A_2493 : vector<1x16xi32> to vector<16xi32>
    %swap3A_2495 = vector.shape_cast %add3A_2489 : vector<16xi32> to vector<1x16xi32>
    tpu.vector_store %arg7[%swap3A_2491, %swap3A_2492], %swap3A_2495 {strides = array<i32>} : memref<26x128xi32, #tpu.memory_space<vmem>>, vector<1x16xi32>,
    %get3A_2496 = arith.constant 6 : i32
    %get3A_2497 = arith.index_cast %get3A_2496 : i32 to index
    %get3A_2498 = arith.constant 112 : index
    %get3A_2499 = tpu.vector_load %arg7[%get3A_2497, %get3A_2498] {strides = array<i32>} : memref<26x128xi32, #tpu.memory_space<vmem>>, vector<1x16xi32>,
    %get3A_2500 = vector.shape_cast %get3A_2499 : vector<1x16xi32> to vector<16xi32>
    %add3A_2501 = arith.constant 600000 : i32
    %add3A_2502 = vector.broadcast %add3A_2501 : i32 to vector<16xi32>
    %add3A_2503 = arith.addi %get3A_2500, %add3A_2502 : vector<16xi32>
    %swap3A_2504 = arith.constant 6 : i32
    %swap3A_2505 = arith.index_cast %swap3A_2504 : i32 to index
    %swap3A_2506 = arith.constant 112 : index
    %swap3A_2507 = tpu.vector_load %arg7[%swap3A_2505, %swap3A_2506] {strides = array<i32>} : memref<26x128xi32, #tpu.memory_space<vmem>>, vector<1x16xi32>,
    %swap3A_2508 = vector.shape_cast %swap3A_2507 : vector<1x16xi32> to vector<16xi32>
    %swap3A_2509 = vector.shape_cast %add3A_2503 : vector<16xi32> to vector<1x16xi32>
    tpu.vector_store %arg7[%swap3A_2505, %swap3A_2506], %swap3A_2509 {strides = array<i32>} : memref<26x128xi32, #tpu.memory_space<vmem>>, vector<1x16xi32>,
    %get3A_2510 = arith.constant 7 : i32
    %get3A_2511 = arith.index_cast %get3A_2510 : i32 to index
    %get3A_2512 = arith.constant 112 : index
    %get3A_2513 = tpu.vector_load %arg7[%get3A_2511, %get3A_2512] {strides = array<i32>} : memref<26x128xi32, #tpu.memory_space<vmem>>, vector<1x16xi32>,
    %get3A_2514 = vector.shape_cast %get3A_2513 : vector<1x16xi32> to vector<16xi32>
    %add3A_2515 = arith.constant 700000 : i32
    %add3A_2516 = vector.broadcast %add3A_2515 : i32 to vector<16xi32>
    %add3A_2517 = arith.addi %get3A_2514, %add3A_2516 : vector<16xi32>
    %swap3A_2518 = arith.constant 7 : i32
    %swap3A_2519 = arith.index_cast %swap3A_2518 : i32 to index
    %swap3A_2520 = arith.constant 112 : index
    %swap3A_2521 = tpu.vector_load %arg7[%swap3A_2519, %swap3A_2520] {strides = array<i32>} : memref<26x128xi32, #tpu.memory_space<vmem>>, vector<1x16xi32>,
    %swap3A_2522 = vector.shape_cast %swap3A_2521 : vector<1x16xi32> to vector<16xi32>
    %swap3A_2523 = vector.shape_cast %add3A_2517 : vector<16xi32> to vector<1x16xi32>
    tpu.vector_store %arg7[%swap3A_2519, %swap3A_2520], %swap3A_2523 {strides = array<i32>} : memref<26x128xi32, #tpu.memory_space<vmem>>, vector<1x16xi32>,
    %get3A_2524 = arith.constant 8 : i32
    %get3A_2525 = arith.index_cast %get3A_2524 : i32 to index
    %get3A_2526 = arith.constant 112 : index
    %get3A_2527 = tpu.vector_load %arg7[%get3A_2525, %get3A_2526] {strides = array<i32>} : memref<26x128xi32, #tpu.memory_space<vmem>>, vector<1x16xi32>,
    %get3A_2528 = vector.shape_cast %get3A_2527 : vector<1x16xi32> to vector<16xi32>
    %add3A_2529 = arith.constant 800000 : i32
    %add3A_2530 = vector.broadcast %add3A_2529 : i32 to vector<16xi32>
    %add3A_2531 = arith.addi %get3A_2528, %add3A_2530 : vector<16xi32>
    %swap3A_2532 = arith.constant 8 : i32
    %swap3A_2533 = arith.index_cast %swap3A_2532 : i32 to index
    %swap3A_2534 = arith.constant 112 : index
    %swap3A_2535 = tpu.vector_load %arg7[%swap3A_2533, %swap3A_2534] {strides = array<i32>} : memref<26x128xi32, #tpu.memory_space<vmem>>, vector<1x16xi32>,
    %swap3A_2536 = vector.shape_cast %swap3A_2535 : vector<1x16xi32> to vector<16xi32>
    %swap3A_2537 = vector.shape_cast %add3A_2531 : vector<16xi32> to vector<1x16xi32>
    tpu.vector_store %arg7[%swap3A_2533, %swap3A_2534], %swap3A_2537 {strides = array<i32>} : memref<26x128xi32, #tpu.memory_space<vmem>>, vector<1x16xi32>,
    %get3A_2538 = arith.constant 9 : i32
    %get3A_2539 = arith.index_cast %get3A_2538 : i32 to index
    %get3A_2540 = arith.constant 112 : index
    %get3A_2541 = tpu.vector_load %arg7[%get3A_2539, %get3A_2540] {strides = array<i32>} : memref<26x128xi32, #tpu.memory_space<vmem>>, vector<1x16xi32>,
    %get3A_2542 = vector.shape_cast %get3A_2541 : vector<1x16xi32> to vector<16xi32>
    %add3A_2543 = arith.constant 900000 : i32
    %add3A_2544 = vector.broadcast %add3A_2543 : i32 to vector<16xi32>
    %add3A_2545 = arith.addi %get3A_2542, %add3A_2544 : vector<16xi32>
    %swap3A_2546 = arith.constant 9 : i32
    %swap3A_2547 = arith.index_cast %swap3A_2546 : i32 to index
    %swap3A_2548 = arith.constant 112 : index
    %swap3A_2549 = tpu.vector_load %arg7[%swap3A_2547, %swap3A_2548] {strides = array<i32>} : memref<26x128xi32, #tpu.memory_space<vmem>>, vector<1x16xi32>,
    %swap3A_2550 = vector.shape_cast %swap3A_2549 : vector<1x16xi32> to vector<16xi32>
    %swap3A_2551 = vector.shape_cast %add3A_2545 : vector<16xi32> to vector<1x16xi32>
    tpu.vector_store %arg7[%swap3A_2547, %swap3A_2548], %swap3A_2551 {strides = array<i32>} : memref<26x128xi32, #tpu.memory_space<vmem>>, vector<1x16xi32>,
    %get3A_2552 = arith.constant 10 : i32
    %get3A_2553 = arith.index_cast %get3A_2552 : i32 to index
    %get3A_2554 = arith.constant 112 : index
    %get3A_2555 = tpu.vector_load %arg7[%get3A_2553, %get3A_2554] {strides = array<i32>} : memref<26x128xi32, #tpu.memory_space<vmem>>, vector<1x16xi32>,
    %get3A_2556 = vector.shape_cast %get3A_2555 : vector<1x16xi32> to vector<16xi32>
    %add3A_2557 = arith.constant 1000000 : i32
    %add3A_2558 = vector.broadcast %add3A_2557 : i32 to vector<16xi32>
    %add3A_2559 = arith.addi %get3A_2556, %add3A_2558 : vector<16xi32>
    %swap3A_2560 = arith.constant 10 : i32
    %swap3A_2561 = arith.index_cast %swap3A_2560 : i32 to index
    %swap3A_2562 = arith.constant 112 : index
    %swap3A_2563 = tpu.vector_load %arg7[%swap3A_2561, %swap3A_2562] {strides = array<i32>} : memref<26x128xi32, #tpu.memory_space<vmem>>, vector<1x16xi32>,
    %swap3A_2564 = vector.shape_cast %swap3A_2563 : vector<1x16xi32> to vector<16xi32>
    %swap3A_2565 = vector.shape_cast %add3A_2559 : vector<16xi32> to vector<1x16xi32>
    tpu.vector_store %arg7[%swap3A_2561, %swap3A_2562], %swap3A_2565 {strides = array<i32>} : memref<26x128xi32, #tpu.memory_space<vmem>>, vector<1x16xi32>,
    %get3A_2566 = arith.constant 11 : i32
    %get3A_2567 = arith.index_cast %get3A_2566 : i32 to index
    %get3A_2568 = arith.constant 112 : index
    %get3A_2569 = tpu.vector_load %arg7[%get3A_2567, %get3A_2568] {strides = array<i32>} : memref<26x128xi32, #tpu.memory_space<vmem>>, vector<1x16xi32>,
    %get3A_2570 = vector.shape_cast %get3A_2569 : vector<1x16xi32> to vector<16xi32>
    %add3A_2571 = arith.constant 1100000 : i32
    %add3A_2572 = vector.broadcast %add3A_2571 : i32 to vector<16xi32>
    %add3A_2573 = arith.addi %get3A_2570, %add3A_2572 : vector<16xi32>
    %swap3A_2574 = arith.constant 11 : i32
    %swap3A_2575 = arith.index_cast %swap3A_2574 : i32 to index
    %swap3A_2576 = arith.constant 112 : index
    %swap3A_2577 = tpu.vector_load %arg7[%swap3A_2575, %swap3A_2576] {strides = array<i32>} : memref<26x128xi32, #tpu.memory_space<vmem>>, vector<1x16xi32>,
    %swap3A_2578 = vector.shape_cast %swap3A_2577 : vector<1x16xi32> to vector<16xi32>
    %swap3A_2579 = vector.shape_cast %add3A_2573 : vector<16xi32> to vector<1x16xi32>
    tpu.vector_store %arg7[%swap3A_2575, %swap3A_2576], %swap3A_2579 {strides = array<i32>} : memref<26x128xi32, #tpu.memory_space<vmem>>, vector<1x16xi32>,
    %get3A_2580 = arith.constant 12 : i32
    %get3A_2581 = arith.index_cast %get3A_2580 : i32 to index
    %get3A_2582 = arith.constant 112 : index
    %get3A_2583 = tpu.vector_load %arg7[%get3A_2581, %get3A_2582] {strides = array<i32>} : memref<26x128xi32, #tpu.memory_space<vmem>>, vector<1x16xi32>,
    %get3A_2584 = vector.shape_cast %get3A_2583 : vector<1x16xi32> to vector<16xi32>
    %add3A_2585 = arith.constant 1200000 : i32
    %add3A_2586 = vector.broadcast %add3A_2585 : i32 to vector<16xi32>
    %add3A_2587 = arith.addi %get3A_2584, %add3A_2586 : vector<16xi32>
    %swap3A_2588 = arith.constant 12 : i32
    %swap3A_2589 = arith.index_cast %swap3A_2588 : i32 to index
    %swap3A_2590 = arith.constant 112 : index
    %swap3A_2591 = tpu.vector_load %arg7[%swap3A_2589, %swap3A_2590] {strides = array<i32>} : memref<26x128xi32, #tpu.memory_space<vmem>>, vector<1x16xi32>,
    %swap3A_2592 = vector.shape_cast %swap3A_2591 : vector<1x16xi32> to vector<16xi32>
    %swap3A_2593 = vector.shape_cast %add3A_2587 : vector<16xi32> to vector<1x16xi32>
    tpu.vector_store %arg7[%swap3A_2589, %swap3A_2590], %swap3A_2593 {strides = array<i32>} : memref<26x128xi32, #tpu.memory_space<vmem>>, vector<1x16xi32>,
    %get3A_2594 = arith.constant 14 : i32
    %get3A_2595 = arith.index_cast %get3A_2594 : i32 to index
    %get3A_2596 = arith.constant 112 : index
    %get3A_2597 = tpu.vector_load %arg7[%get3A_2595, %get3A_2596] {strides = array<i32>} : memref<26x128xi32, #tpu.memory_space<vmem>>, vector<1x16xi32>,
    %get3A_2598 = vector.shape_cast %get3A_2597 : vector<1x16xi32> to vector<16xi32>
    %add3A_2599 = arith.constant 100000 : i32
    %add3A_2600 = vector.broadcast %add3A_2599 : i32 to vector<16xi32>
    %add3A_2601 = arith.addi %get3A_2598, %add3A_2600 : vector<16xi32>
    %swap3A_2602 = arith.constant 14 : i32
    %swap3A_2603 = arith.index_cast %swap3A_2602 : i32 to index
    %swap3A_2604 = arith.constant 112 : index
    %swap3A_2605 = tpu.vector_load %arg7[%swap3A_2603, %swap3A_2604] {strides = array<i32>} : memref<26x128xi32, #tpu.memory_space<vmem>>, vector<1x16xi32>,
    %swap3A_2606 = vector.shape_cast %swap3A_2605 : vector<1x16xi32> to vector<16xi32>
    %swap3A_2607 = vector.shape_cast %add3A_2601 : vector<16xi32> to vector<1x16xi32>
    tpu.vector_store %arg7[%swap3A_2603, %swap3A_2604], %swap3A_2607 {strides = array<i32>} : memref<26x128xi32, #tpu.memory_space<vmem>>, vector<1x16xi32>,
    %get3A_2608 = arith.constant 15 : i32
    %get3A_2609 = arith.index_cast %get3A_2608 : i32 to index
    %get3A_2610 = arith.constant 112 : index
    %get3A_2611 = tpu.vector_load %arg7[%get3A_2609, %get3A_2610] {strides = array<i32>} : memref<26x128xi32, #tpu.memory_space<vmem>>, vector<1x16xi32>,
    %get3A_2612 = vector.shape_cast %get3A_2611 : vector<1x16xi32> to vector<16xi32>
    %add3A_2613 = arith.constant 200000 : i32
    %add3A_2614 = vector.broadcast %add3A_2613 : i32 to vector<16xi32>
    %add3A_2615 = arith.addi %get3A_2612, %add3A_2614 : vector<16xi32>
    %swap3A_2616 = arith.constant 15 : i32
    %swap3A_2617 = arith.index_cast %swap3A_2616 : i32 to index
    %swap3A_2618 = arith.constant 112 : index
    %swap3A_2619 = tpu.vector_load %arg7[%swap3A_2617, %swap3A_2618] {strides = array<i32>} : memref<26x128xi32, #tpu.memory_space<vmem>>, vector<1x16xi32>,
    %swap3A_2620 = vector.shape_cast %swap3A_2619 : vector<1x16xi32> to vector<16xi32>
    %swap3A_2621 = vector.shape_cast %add3A_2615 : vector<16xi32> to vector<1x16xi32>
    tpu.vector_store %arg7[%swap3A_2617, %swap3A_2618], %swap3A_2621 {strides = array<i32>} : memref<26x128xi32, #tpu.memory_space<vmem>>, vector<1x16xi32>,
    %get3A_2622 = arith.constant 16 : i32
    %get3A_2623 = arith.index_cast %get3A_2622 : i32 to index
    %get3A_2624 = arith.constant 112 : index
    %get3A_2625 = tpu.vector_load %arg7[%get3A_2623, %get3A_2624] {strides = array<i32>} : memref<26x128xi32, #tpu.memory_space<vmem>>, vector<1x16xi32>,
    %get3A_2626 = vector.shape_cast %get3A_2625 : vector<1x16xi32> to vector<16xi32>
    %add3A_2627 = arith.constant 300000 : i32
    %add3A_2628 = vector.broadcast %add3A_2627 : i32 to vector<16xi32>
    %add3A_2629 = arith.addi %get3A_2626, %add3A_2628 : vector<16xi32>
    %swap3A_2630 = arith.constant 16 : i32
    %swap3A_2631 = arith.index_cast %swap3A_2630 : i32 to index
    %swap3A_2632 = arith.constant 112 : index
    %swap3A_2633 = tpu.vector_load %arg7[%swap3A_2631, %swap3A_2632] {strides = array<i32>} : memref<26x128xi32, #tpu.memory_space<vmem>>, vector<1x16xi32>,
    %swap3A_2634 = vector.shape_cast %swap3A_2633 : vector<1x16xi32> to vector<16xi32>
    %swap3A_2635 = vector.shape_cast %add3A_2629 : vector<16xi32> to vector<1x16xi32>
    tpu.vector_store %arg7[%swap3A_2631, %swap3A_2632], %swap3A_2635 {strides = array<i32>} : memref<26x128xi32, #tpu.memory_space<vmem>>, vector<1x16xi32>,
    %get3A_2636 = arith.constant 17 : i32
    %get3A_2637 = arith.index_cast %get3A_2636 : i32 to index
    %get3A_2638 = arith.constant 112 : index
    %get3A_2639 = tpu.vector_load %arg7[%get3A_2637, %get3A_2638] {strides = array<i32>} : memref<26x128xi32, #tpu.memory_space<vmem>>, vector<1x16xi32>,
    %get3A_2640 = vector.shape_cast %get3A_2639 : vector<1x16xi32> to vector<16xi32>
    %add3A_2641 = arith.constant 400000 : i32
    %add3A_2642 = vector.broadcast %add3A_2641 : i32 to vector<16xi32>
    %add3A_2643 = arith.addi %get3A_2640, %add3A_2642 : vector<16xi32>
    %swap3A_2644 = arith.constant 17 : i32
    %swap3A_2645 = arith.index_cast %swap3A_2644 : i32 to index
    %swap3A_2646 = arith.constant 112 : index
    %swap3A_2647 = tpu.vector_load %arg7[%swap3A_2645, %swap3A_2646] {strides = array<i32>} : memref<26x128xi32, #tpu.memory_space<vmem>>, vector<1x16xi32>,
    %swap3A_2648 = vector.shape_cast %swap3A_2647 : vector<1x16xi32> to vector<16xi32>
    %swap3A_2649 = vector.shape_cast %add3A_2643 : vector<16xi32> to vector<1x16xi32>
    tpu.vector_store %arg7[%swap3A_2645, %swap3A_2646], %swap3A_2649 {strides = array<i32>} : memref<26x128xi32, #tpu.memory_space<vmem>>, vector<1x16xi32>,
    %get3A_2650 = arith.constant 18 : i32
    %get3A_2651 = arith.index_cast %get3A_2650 : i32 to index
    %get3A_2652 = arith.constant 112 : index
    %get3A_2653 = tpu.vector_load %arg7[%get3A_2651, %get3A_2652] {strides = array<i32>} : memref<26x128xi32, #tpu.memory_space<vmem>>, vector<1x16xi32>,
    %get3A_2654 = vector.shape_cast %get3A_2653 : vector<1x16xi32> to vector<16xi32>
    %add3A_2655 = arith.constant 500000 : i32
    %add3A_2656 = vector.broadcast %add3A_2655 : i32 to vector<16xi32>
    %add3A_2657 = arith.addi %get3A_2654, %add3A_2656 : vector<16xi32>
    %swap3A_2658 = arith.constant 18 : i32
    %swap3A_2659 = arith.index_cast %swap3A_2658 : i32 to index
    %swap3A_2660 = arith.constant 112 : index
    %swap3A_2661 = tpu.vector_load %arg7[%swap3A_2659, %swap3A_2660] {strides = array<i32>} : memref<26x128xi32, #tpu.memory_space<vmem>>, vector<1x16xi32>,
    %swap3A_2662 = vector.shape_cast %swap3A_2661 : vector<1x16xi32> to vector<16xi32>
    %swap3A_2663 = vector.shape_cast %add3A_2657 : vector<16xi32> to vector<1x16xi32>
    tpu.vector_store %arg7[%swap3A_2659, %swap3A_2660], %swap3A_2663 {strides = array<i32>} : memref<26x128xi32, #tpu.memory_space<vmem>>, vector<1x16xi32>,
    %get3A_2664 = arith.constant 19 : i32
    %get3A_2665 = arith.index_cast %get3A_2664 : i32 to index
    %get3A_2666 = arith.constant 112 : index
    %get3A_2667 = tpu.vector_load %arg7[%get3A_2665, %get3A_2666] {strides = array<i32>} : memref<26x128xi32, #tpu.memory_space<vmem>>, vector<1x16xi32>,
    %get3A_2668 = vector.shape_cast %get3A_2667 : vector<1x16xi32> to vector<16xi32>
    %add3A_2669 = arith.constant 600000 : i32
    %add3A_2670 = vector.broadcast %add3A_2669 : i32 to vector<16xi32>
    %add3A_2671 = arith.addi %get3A_2668, %add3A_2670 : vector<16xi32>
    %swap3A_2672 = arith.constant 19 : i32
    %swap3A_2673 = arith.index_cast %swap3A_2672 : i32 to index
    %swap3A_2674 = arith.constant 112 : index
    %swap3A_2675 = tpu.vector_load %arg7[%swap3A_2673, %swap3A_2674] {strides = array<i32>} : memref<26x128xi32, #tpu.memory_space<vmem>>, vector<1x16xi32>,
    %swap3A_2676 = vector.shape_cast %swap3A_2675 : vector<1x16xi32> to vector<16xi32>
    %swap3A_2677 = vector.shape_cast %add3A_2671 : vector<16xi32> to vector<1x16xi32>
    tpu.vector_store %arg7[%swap3A_2673, %swap3A_2674], %swap3A_2677 {strides = array<i32>} : memref<26x128xi32, #tpu.memory_space<vmem>>, vector<1x16xi32>,
    %get3A_2678 = arith.constant 20 : i32
    %get3A_2679 = arith.index_cast %get3A_2678 : i32 to index
    %get3A_2680 = arith.constant 112 : index
    %get3A_2681 = tpu.vector_load %arg7[%get3A_2679, %get3A_2680] {strides = array<i32>} : memref<26x128xi32, #tpu.memory_space<vmem>>, vector<1x16xi32>,
    %get3A_2682 = vector.shape_cast %get3A_2681 : vector<1x16xi32> to vector<16xi32>
    %add3A_2683 = arith.constant 700000 : i32
    %add3A_2684 = vector.broadcast %add3A_2683 : i32 to vector<16xi32>
    %add3A_2685 = arith.addi %get3A_2682, %add3A_2684 : vector<16xi32>
    %swap3A_2686 = arith.constant 20 : i32
    %swap3A_2687 = arith.index_cast %swap3A_2686 : i32 to index
    %swap3A_2688 = arith.constant 112 : index
    %swap3A_2689 = tpu.vector_load %arg7[%swap3A_2687, %swap3A_2688] {strides = array<i32>} : memref<26x128xi32, #tpu.memory_space<vmem>>, vector<1x16xi32>,
    %swap3A_2690 = vector.shape_cast %swap3A_2689 : vector<1x16xi32> to vector<16xi32>
    %swap3A_2691 = vector.shape_cast %add3A_2685 : vector<16xi32> to vector<1x16xi32>
    tpu.vector_store %arg7[%swap3A_2687, %swap3A_2688], %swap3A_2691 {strides = array<i32>} : memref<26x128xi32, #tpu.memory_space<vmem>>, vector<1x16xi32>,
    %get3A_2692 = arith.constant 21 : i32
    %get3A_2693 = arith.index_cast %get3A_2692 : i32 to index
    %get3A_2694 = arith.constant 112 : index
    %get3A_2695 = tpu.vector_load %arg7[%get3A_2693, %get3A_2694] {strides = array<i32>} : memref<26x128xi32, #tpu.memory_space<vmem>>, vector<1x16xi32>,
    %get3A_2696 = vector.shape_cast %get3A_2695 : vector<1x16xi32> to vector<16xi32>
    %add3A_2697 = arith.constant 800000 : i32
    %add3A_2698 = vector.broadcast %add3A_2697 : i32 to vector<16xi32>
    %add3A_2699 = arith.addi %get3A_2696, %add3A_2698 : vector<16xi32>
    %swap3A_2700 = arith.constant 21 : i32
    %swap3A_2701 = arith.index_cast %swap3A_2700 : i32 to index
    %swap3A_2702 = arith.constant 112 : index
    %swap3A_2703 = tpu.vector_load %arg7[%swap3A_2701, %swap3A_2702] {strides = array<i32>} : memref<26x128xi32, #tpu.memory_space<vmem>>, vector<1x16xi32>,
    %swap3A_2704 = vector.shape_cast %swap3A_2703 : vector<1x16xi32> to vector<16xi32>
    %swap3A_2705 = vector.shape_cast %add3A_2699 : vector<16xi32> to vector<1x16xi32>
    tpu.vector_store %arg7[%swap3A_2701, %swap3A_2702], %swap3A_2705 {strides = array<i32>} : memref<26x128xi32, #tpu.memory_space<vmem>>, vector<1x16xi32>,
    %get3A_2706 = arith.constant 22 : i32
    %get3A_2707 = arith.index_cast %get3A_2706 : i32 to index
    %get3A_2708 = arith.constant 112 : index
    %get3A_2709 = tpu.vector_load %arg7[%get3A_2707, %get3A_2708] {strides = array<i32>} : memref<26x128xi32, #tpu.memory_space<vmem>>, vector<1x16xi32>,
    %get3A_2710 = vector.shape_cast %get3A_2709 : vector<1x16xi32> to vector<16xi32>
    %add3A_2711 = arith.constant 900000 : i32
    %add3A_2712 = vector.broadcast %add3A_2711 : i32 to vector<16xi32>
    %add3A_2713 = arith.addi %get3A_2710, %add3A_2712 : vector<16xi32>
    %swap3A_2714 = arith.constant 22 : i32
    %swap3A_2715 = arith.index_cast %swap3A_2714 : i32 to index
    %swap3A_2716 = arith.constant 112 : index
    %swap3A_2717 = tpu.vector_load %arg7[%swap3A_2715, %swap3A_2716] {strides = array<i32>} : memref<26x128xi32, #tpu.memory_space<vmem>>, vector<1x16xi32>,
    %swap3A_2718 = vector.shape_cast %swap3A_2717 : vector<1x16xi32> to vector<16xi32>
    %swap3A_2719 = vector.shape_cast %add3A_2713 : vector<16xi32> to vector<1x16xi32>
    tpu.vector_store %arg7[%swap3A_2715, %swap3A_2716], %swap3A_2719 {strides = array<i32>} : memref<26x128xi32, #tpu.memory_space<vmem>>, vector<1x16xi32>,
    %get3A_2720 = arith.constant 23 : i32
    %get3A_2721 = arith.index_cast %get3A_2720 : i32 to index
    %get3A_2722 = arith.constant 112 : index
    %get3A_2723 = tpu.vector_load %arg7[%get3A_2721, %get3A_2722] {strides = array<i32>} : memref<26x128xi32, #tpu.memory_space<vmem>>, vector<1x16xi32>,
    %get3A_2724 = vector.shape_cast %get3A_2723 : vector<1x16xi32> to vector<16xi32>
    %add3A_2725 = arith.constant 1000000 : i32
    %add3A_2726 = vector.broadcast %add3A_2725 : i32 to vector<16xi32>
    %add3A_2727 = arith.addi %get3A_2724, %add3A_2726 : vector<16xi32>
    %swap3A_2728 = arith.constant 23 : i32
    %swap3A_2729 = arith.index_cast %swap3A_2728 : i32 to index
    %swap3A_2730 = arith.constant 112 : index
    %swap3A_2731 = tpu.vector_load %arg7[%swap3A_2729, %swap3A_2730] {strides = array<i32>} : memref<26x128xi32, #tpu.memory_space<vmem>>, vector<1x16xi32>,
    %swap3A_2732 = vector.shape_cast %swap3A_2731 : vector<1x16xi32> to vector<16xi32>
    %swap3A_2733 = vector.shape_cast %add3A_2727 : vector<16xi32> to vector<1x16xi32>
    tpu.vector_store %arg7[%swap3A_2729, %swap3A_2730], %swap3A_2733 {strides = array<i32>} : memref<26x128xi32, #tpu.memory_space<vmem>>, vector<1x16xi32>,
    %get3A_2734 = arith.constant 24 : i32
    %get3A_2735 = arith.index_cast %get3A_2734 : i32 to index
    %get3A_2736 = arith.constant 112 : index
    %get3A_2737 = tpu.vector_load %arg7[%get3A_2735, %get3A_2736] {strides = array<i32>} : memref<26x128xi32, #tpu.memory_space<vmem>>, vector<1x16xi32>,
    %get3A_2738 = vector.shape_cast %get3A_2737 : vector<1x16xi32> to vector<16xi32>
    %add3A_2739 = arith.constant 1100000 : i32
    %add3A_2740 = vector.broadcast %add3A_2739 : i32 to vector<16xi32>
    %add3A_2741 = arith.addi %get3A_2738, %add3A_2740 : vector<16xi32>
    %swap3A_2742 = arith.constant 24 : i32
    %swap3A_2743 = arith.index_cast %swap3A_2742 : i32 to index
    %swap3A_2744 = arith.constant 112 : index
    %swap3A_2745 = tpu.vector_load %arg7[%swap3A_2743, %swap3A_2744] {strides = array<i32>} : memref<26x128xi32, #tpu.memory_space<vmem>>, vector<1x16xi32>,
    %swap3A_2746 = vector.shape_cast %swap3A_2745 : vector<1x16xi32> to vector<16xi32>
    %swap3A_2747 = vector.shape_cast %add3A_2741 : vector<16xi32> to vector<1x16xi32>
    tpu.vector_store %arg7[%swap3A_2743, %swap3A_2744], %swap3A_2747 {strides = array<i32>} : memref<26x128xi32, #tpu.memory_space<vmem>>, vector<1x16xi32>,
    %get3A_2748 = arith.constant 25 : i32
    %get3A_2749 = arith.index_cast %get3A_2748 : i32 to index
    %get3A_2750 = arith.constant 112 : index
    %get3A_2751 = tpu.vector_load %arg7[%get3A_2749, %get3A_2750] {strides = array<i32>} : memref<26x128xi32, #tpu.memory_space<vmem>>, vector<1x16xi32>,
    %get3A_2752 = vector.shape_cast %get3A_2751 : vector<1x16xi32> to vector<16xi32>
    %add3A_2753 = arith.constant 1200000 : i32
    %add3A_2754 = vector.broadcast %add3A_2753 : i32 to vector<16xi32>
    %add3A_2755 = arith.addi %get3A_2752, %add3A_2754 : vector<16xi32>
    %swap3A_2756 = arith.constant 25 : i32
    %swap3A_2757 = arith.index_cast %swap3A_2756 : i32 to index
    %swap3A_2758 = arith.constant 112 : index
    %swap3A_2759 = tpu.vector_load %arg7[%swap3A_2757, %swap3A_2758] {strides = array<i32>} : memref<26x128xi32, #tpu.memory_space<vmem>>, vector<1x16xi32>,
    %swap3A_2760 = vector.shape_cast %swap3A_2759 : vector<1x16xi32> to vector<16xi32>
    %swap3A_2761 = vector.shape_cast %add3A_2755 : vector<16xi32> to vector<1x16xi32>
    tpu.vector_store %arg7[%swap3A_2757, %swap3A_2758], %swap3A_2761 {strides = array<i32>} : memref<26x128xi32, #tpu.memory_space<vmem>>, vector<1x16xi32>,
    %dma_start3A = arith.constant 0 : i32
    %dma_start3A_2762 = arith.constant 0 : i32
    %dma_start3A_2763 = arith.constant 0 : i32
    %dma_start3A_2764 = arith.constant 0 : i32
    %dma_start3A_2765 = arith.constant 0 : i32
    %dma_start3A_2766 = tpu.memref_slice %arg9[%dma_start3A_2762, %dma_start3A_2764, %dma_start3A_2765] : memref<2x128x64xf32, #tpu.memory_space<vmem>> -> memref<1x128x64xf32, #tpu.memory_space<vmem>>
    %dma_start3A_2767 = tpu.memref_squeeze %dma_start3A_2766 : memref<1x128x64xf32, #tpu.memory_space<vmem>> -> memref<128x64xf32, #tpu.memory_space<vmem>>
    %dma_start3A_2768 = arith.constant 0 : i32
    %dma_start3A_2769 = tpu.memref_slice %arg7[%dma_start3A, %dma_start3A_2768] : memref<26x128xi32, #tpu.memory_space<vmem>> -> memref<1x128xi32, #tpu.memory_space<vmem>>
    %dma_start3A_2770 = tpu.memref_squeeze %dma_start3A_2769 : memref<1x128xi32, #tpu.memory_space<vmem>> -> memref<128xi32, #tpu.memory_space<vmem>>
    %dma_start3A_2771 = arith.constant 0 : i32
    %dma_start3A_2772 = arith.constant 0 : i32
    %dma_start3A_2773 = tpu.memref_slice %arg3[%dma_start3A_2771, %dma_start3A_2772] : memref<1300000x64xf32, #tpu.memory_space<hbm>> -> memref<1300000x64xf32, #tpu.memory_space<hbm>>
    %dma_start3A_2774 = tpu.memref_slice %arg13[%dma_start3A_2763] : memref<2x!tpu.dma_semaphore, #tpu.memory_space<semaphore_mem>> -> memref<1x!tpu.dma_semaphore, #tpu.memory_space<semaphore_mem>>
    %dma_start3A_2775 = tpu.memref_squeeze %dma_start3A_2774 : memref<1x!tpu.dma_semaphore, #tpu.memory_space<semaphore_mem>> -> memref<!tpu.dma_semaphore, #tpu.memory_space<semaphore_mem>>
    tpu.enqueue_indirect_dma source(%dma_start3A_2773 : memref<1300000x64xf32, #tpu.memory_space<hbm>>) target(%dma_start3A_2767 : memref<128x64xf32, #tpu.memory_space<vmem>>) offsets(%dma_start3A_2770 : memref<128xi32, #tpu.memory_space<vmem>>) semaphore(%dma_start3A_2775 : memref<!tpu.dma_semaphore, #tpu.memory_space<semaphore_mem>>)
    %dma_start3A_2776 = arith.constant 1 : i32
    %dma_start3A_2777 = arith.constant 1 : i32
    %dma_start3A_2778 = arith.constant 1 : i32
    %dma_start3A_2779 = arith.constant 0 : i32
    %dma_start3A_2780 = arith.constant 0 : i32
    %dma_start3A_2781 = tpu.memref_slice %arg9[%dma_start3A_2777, %dma_start3A_2779, %dma_start3A_2780] : memref<2x128x64xf32, #tpu.memory_space<vmem>> -> memref<1x128x64xf32, #tpu.memory_space<vmem>>
    %dma_start3A_2782 = tpu.memref_squeeze %dma_start3A_2781 : memref<1x128x64xf32, #tpu.memory_space<vmem>> -> memref<128x64xf32, #tpu.memory_space<vmem>>
    %dma_start3A_2783 = arith.constant 0 : i32
    %dma_start3A_2784 = tpu.memref_slice %arg7[%dma_start3A_2776, %dma_start3A_2783] : memref<26x128xi32, #tpu.memory_space<vmem>> -> memref<1x128xi32, #tpu.memory_space<vmem>>
    %dma_start3A_2785 = tpu.memref_squeeze %dma_start3A_2784 : memref<1x128xi32, #tpu.memory_space<vmem>> -> memref<128xi32, #tpu.memory_space<vmem>>
    %dma_start3A_2786 = arith.constant 0 : i32
    %dma_start3A_2787 = arith.constant 0 : i32
    %dma_start3A_2788 = tpu.memref_slice %arg3[%dma_start3A_2786, %dma_start3A_2787] : memref<1300000x64xf32, #tpu.memory_space<hbm>> -> memref<1300000x64xf32, #tpu.memory_space<hbm>>
    %dma_start3A_2789 = tpu.memref_slice %arg13[%dma_start3A_2778] : memref<2x!tpu.dma_semaphore, #tpu.memory_space<semaphore_mem>> -> memref<1x!tpu.dma_semaphore, #tpu.memory_space<semaphore_mem>>
    %dma_start3A_2790 = tpu.memref_squeeze %dma_start3A_2789 : memref<1x!tpu.dma_semaphore, #tpu.memory_space<semaphore_mem>> -> memref<!tpu.dma_semaphore, #tpu.memory_space<semaphore_mem>>
    tpu.enqueue_indirect_dma source(%dma_start3A_2788 : memref<1300000x64xf32, #tpu.memory_space<hbm>>) target(%dma_start3A_2782 : memref<128x64xf32, #tpu.memory_space<vmem>>) offsets(%dma_start3A_2785 : memref<128xi32, #tpu.memory_space<vmem>>) semaphore(%dma_start3A_2790 : memref<!tpu.dma_semaphore, #tpu.memory_space<semaphore_mem>>)
    %dma_wait3A = arith.constant 0 : i32
    %dma_wait3A_2791 = arith.constant 0 : i32
    %dma_wait3A_2792 = arith.constant 0 : i32
    %dma_wait3A_2793 = arith.constant 0 : i32
    %dma_wait3A_2794 = arith.constant 0 : i32
    %dma_wait3A_2795 = tpu.memref_slice %arg9[%dma_wait3A_2791, %dma_wait3A_2793, %dma_wait3A_2794] : memref<2x128x64xf32, #tpu.memory_space<vmem>> -> memref<1x128x64xf32, #tpu.memory_space<vmem>>
    %dma_wait3A_2796 = tpu.memref_squeeze %dma_wait3A_2795 : memref<1x128x64xf32, #tpu.memory_space<vmem>> -> memref<128x64xf32, #tpu.memory_space<vmem>>
    %dma_wait3A_2797 = arith.constant 0 : i32
    %dma_wait3A_2798 = tpu.memref_slice %arg7[%dma_wait3A, %dma_wait3A_2797] : memref<26x128xi32, #tpu.memory_space<vmem>> -> memref<1x128xi32, #tpu.memory_space<vmem>>
    %dma_wait3A_2799 = tpu.memref_squeeze %dma_wait3A_2798 : memref<1x128xi32, #tpu.memory_space<vmem>> -> memref<128xi32, #tpu.memory_space<vmem>>
    %dma_wait3A_2800 = arith.constant 0 : i32
    %dma_wait3A_2801 = arith.constant 0 : i32
    %dma_wait3A_2802 = tpu.memref_slice %arg3[%dma_wait3A_2800, %dma_wait3A_2801] : memref<1300000x64xf32, #tpu.memory_space<hbm>> -> memref<1300000x64xf32, #tpu.memory_space<hbm>>
    %dma_wait3A_2803 = tpu.memref_slice %arg13[%dma_wait3A_2792] : memref<2x!tpu.dma_semaphore, #tpu.memory_space<semaphore_mem>> -> memref<1x!tpu.dma_semaphore, #tpu.memory_space<semaphore_mem>>
    %dma_wait3A_2804 = tpu.memref_squeeze %dma_wait3A_2803 : memref<1x!tpu.dma_semaphore, #tpu.memory_space<semaphore_mem>> -> memref<!tpu.dma_semaphore, #tpu.memory_space<semaphore_mem>>
    tpu.wait_indirect_dma semaphore(%dma_wait3A_2804 : memref<!tpu.dma_semaphore, #tpu.memory_space<semaphore_mem>>) src(%dma_wait3A_2802 : memref<1300000x64xf32, #tpu.memory_space<hbm>>) dst(%dma_wait3A_2796 : memref<128x64xf32, #tpu.memory_space<vmem>>)
    %run_scoped3A = arith.constant 0 : i32
    "tpu.region"() ({
      %run_scoped3A_3565 = tpu.sem_alloc : memref<!tpu.dma_semaphore, #tpu.memory_space<semaphore_mem>>
      %dma_start3A_3566 = arith.constant 0 : i32
      %dma_start3A_3567 = arith.constant 0 : i32
      %dma_start3A_3568 = tpu.memref_slice %arg9[%run_scoped3A, %dma_start3A_3566, %dma_start3A_3567] : memref<2x128x64xf32, #tpu.memory_space<vmem>> -> memref<1x128x64xf32, #tpu.memory_space<vmem>>
      %dma_start3A_3569 = tpu.memref_squeeze %dma_start3A_3568 : memref<1x128x64xf32, #tpu.memory_space<vmem>> -> memref<128x64xf32, #tpu.memory_space<vmem>>
      %dma_start3A_3570 = arith.constant 0 : i32
      %dma_start3A_3571 = tpu.memref_slice %arg11[%mul3A_4, %dma_start3A_3570] : memref<2048x64xf32, #tpu.memory_space<vmem_shared>> -> memref<128x64xf32, #tpu.memory_space<vmem_shared>>
      %dma_start3A_3572 = arith.constant 0 : i32
      %dma_start3A_3573 = tpu.memref_slice %arg11[%mul3A_4, %dma_start3A_3572] : memref<2048x64xf32, #tpu.memory_space<vmem_shared>> -> memref<128x64xf32, #tpu.memory_space<vmem_shared>>
      %dma_start3A_3574 = arith.constant 0 : i32
      %dma_start3A_3575 = arith.constant 0 : i32
      %dma_start3A_3576 = tpu.memref_slice %arg9[%run_scoped3A, %dma_start3A_3574, %dma_start3A_3575] : memref<2x128x64xf32, #tpu.memory_space<vmem>> -> memref<1x128x64xf32, #tpu.memory_space<vmem>>
      %dma_start3A_3577 = tpu.memref_squeeze %dma_start3A_3576 : memref<1x128x64xf32, #tpu.memory_space<vmem>> -> memref<128x64xf32, #tpu.memory_space<vmem>>
      tpu.enqueue_dma source(%dma_start3A_3577 : memref<128x64xf32, #tpu.memory_space<vmem>>) target(%dma_start3A_3573 : memref<128x64xf32, #tpu.memory_space<vmem_shared>>) target_semaphore(%run_scoped3A_3565 : memref<!tpu.dma_semaphore, #tpu.memory_space<semaphore_mem>>)
      %dma_wait3A_3578 = arith.constant 0 : i32
      %dma_wait3A_3579 = arith.constant 0 : i32
      %dma_wait3A_3580 = tpu.memref_slice %arg9[%run_scoped3A, %dma_wait3A_3578, %dma_wait3A_3579] : memref<2x128x64xf32, #tpu.memory_space<vmem>> -> memref<1x128x64xf32, #tpu.memory_space<vmem>>
      %dma_wait3A_3581 = tpu.memref_squeeze %dma_wait3A_3580 : memref<1x128x64xf32, #tpu.memory_space<vmem>> -> memref<128x64xf32, #tpu.memory_space<vmem>>
      %dma_wait3A_3582 = arith.constant 0 : i32
      %dma_wait3A_3583 = tpu.memref_slice %arg11[%mul3A_4, %dma_wait3A_3582] : memref<2048x64xf32, #tpu.memory_space<vmem_shared>> -> memref<128x64xf32, #tpu.memory_space<vmem_shared>>
      %dma_wait3A_3584 = arith.constant 0 : i32
      %dma_wait3A_3585 = tpu.memref_slice %arg11[%mul3A_4, %dma_wait3A_3584] : memref<2048x64xf32, #tpu.memory_space<vmem_shared>> -> memref<128x64xf32, #tpu.memory_space<vmem_shared>>
      %dma_wait3A_3586 = arith.constant 0 : i32
      %dma_wait3A_3587 = arith.constant 0 : i32
      %dma_wait3A_3588 = tpu.memref_slice %arg9[%run_scoped3A, %dma_wait3A_3586, %dma_wait3A_3587] : memref<2x128x64xf32, #tpu.memory_space<vmem>> -> memref<1x128x64xf32, #tpu.memory_space<vmem>>
      %dma_wait3A_3589 = tpu.memref_squeeze %dma_wait3A_3588 : memref<1x128x64xf32, #tpu.memory_space<vmem>> -> memref<128x64xf32, #tpu.memory_space<vmem>>
      tpu.wait_dma2 semaphore(%run_scoped3A_3565 : memref<!tpu.dma_semaphore, #tpu.memory_space<semaphore_mem>>) src(%dma_wait3A_3589 : memref<128x64xf32, #tpu.memory_space<vmem>>) dst(%dma_wait3A_3585 : memref<128x64xf32, #tpu.memory_space<vmem_shared>>)
      tpu.yield
    }) : () -> ()
    %dma_start3A_2805 = arith.constant 2 : i32
    %dma_start3A_2806 = arith.constant 0 : i32
    %dma_start3A_2807 = arith.constant 0 : i32
    %dma_start3A_2808 = arith.constant 0 : i32
    %dma_start3A_2809 = arith.constant 0 : i32
    %dma_start3A_2810 = tpu.memref_slice %arg9[%dma_start3A_2806, %dma_start3A_2808, %dma_start3A_2809] : memref<2x128x64xf32, #tpu.memory_space<vmem>> -> memref<1x128x64xf32, #tpu.memory_space<vmem>>
    %dma_start3A_2811 = tpu.memref_squeeze %dma_start3A_2810 : memref<1x128x64xf32, #tpu.memory_space<vmem>> -> memref<128x64xf32, #tpu.memory_space<vmem>>
    %dma_start3A_2812 = arith.constant 0 : i32
    %dma_start3A_2813 = tpu.memref_slice %arg7[%dma_start3A_2805, %dma_start3A_2812] : memref<26x128xi32, #tpu.memory_space<vmem>> -> memref<1x128xi32, #tpu.memory_space<vmem>>
    %dma_start3A_2814 = tpu.memref_squeeze %dma_start3A_2813 : memref<1x128xi32, #tpu.memory_space<vmem>> -> memref<128xi32, #tpu.memory_space<vmem>>
    %dma_start3A_2815 = arith.constant 0 : i32
    %dma_start3A_2816 = arith.constant 0 : i32
    %dma_start3A_2817 = tpu.memref_slice %arg3[%dma_start3A_2815, %dma_start3A_2816] : memref<1300000x64xf32, #tpu.memory_space<hbm>> -> memref<1300000x64xf32, #tpu.memory_space<hbm>>
    %dma_start3A_2818 = tpu.memref_slice %arg13[%dma_start3A_2807] : memref<2x!tpu.dma_semaphore, #tpu.memory_space<semaphore_mem>> -> memref<1x!tpu.dma_semaphore, #tpu.memory_space<semaphore_mem>>
    %dma_start3A_2819 = tpu.memref_squeeze %dma_start3A_2818 : memref<1x!tpu.dma_semaphore, #tpu.memory_space<semaphore_mem>> -> memref<!tpu.dma_semaphore, #tpu.memory_space<semaphore_mem>>
    tpu.enqueue_indirect_dma source(%dma_start3A_2817 : memref<1300000x64xf32, #tpu.memory_space<hbm>>) target(%dma_start3A_2811 : memref<128x64xf32, #tpu.memory_space<vmem>>) offsets(%dma_start3A_2814 : memref<128xi32, #tpu.memory_space<vmem>>) semaphore(%dma_start3A_2819 : memref<!tpu.dma_semaphore, #tpu.memory_space<semaphore_mem>>)
    %dma_wait3A_2820 = arith.constant 1 : i32
    %dma_wait3A_2821 = arith.constant 1 : i32
    %dma_wait3A_2822 = arith.constant 1 : i32
    %dma_wait3A_2823 = arith.constant 0 : i32
    %dma_wait3A_2824 = arith.constant 0 : i32
    %dma_wait3A_2825 = tpu.memref_slice %arg9[%dma_wait3A_2821, %dma_wait3A_2823, %dma_wait3A_2824] : memref<2x128x64xf32, #tpu.memory_space<vmem>> -> memref<1x128x64xf32, #tpu.memory_space<vmem>>
    %dma_wait3A_2826 = tpu.memref_squeeze %dma_wait3A_2825 : memref<1x128x64xf32, #tpu.memory_space<vmem>> -> memref<128x64xf32, #tpu.memory_space<vmem>>
    %dma_wait3A_2827 = arith.constant 0 : i32
    %dma_wait3A_2828 = tpu.memref_slice %arg7[%dma_wait3A_2820, %dma_wait3A_2827] : memref<26x128xi32, #tpu.memory_space<vmem>> -> memref<1x128xi32, #tpu.memory_space<vmem>>
    %dma_wait3A_2829 = tpu.memref_squeeze %dma_wait3A_2828 : memref<1x128xi32, #tpu.memory_space<vmem>> -> memref<128xi32, #tpu.memory_space<vmem>>
    %dma_wait3A_2830 = arith.constant 0 : i32
    %dma_wait3A_2831 = arith.constant 0 : i32
    %dma_wait3A_2832 = tpu.memref_slice %arg3[%dma_wait3A_2830, %dma_wait3A_2831] : memref<1300000x64xf32, #tpu.memory_space<hbm>> -> memref<1300000x64xf32, #tpu.memory_space<hbm>>
    %dma_wait3A_2833 = tpu.memref_slice %arg13[%dma_wait3A_2822] : memref<2x!tpu.dma_semaphore, #tpu.memory_space<semaphore_mem>> -> memref<1x!tpu.dma_semaphore, #tpu.memory_space<semaphore_mem>>
    %dma_wait3A_2834 = tpu.memref_squeeze %dma_wait3A_2833 : memref<1x!tpu.dma_semaphore, #tpu.memory_space<semaphore_mem>> -> memref<!tpu.dma_semaphore, #tpu.memory_space<semaphore_mem>>
    tpu.wait_indirect_dma semaphore(%dma_wait3A_2834 : memref<!tpu.dma_semaphore, #tpu.memory_space<semaphore_mem>>) src(%dma_wait3A_2832 : memref<1300000x64xf32, #tpu.memory_space<hbm>>) dst(%dma_wait3A_2826 : memref<128x64xf32, #tpu.memory_space<vmem>>)
    %run_scoped3A_2835 = arith.constant 1 : i32
    "tpu.region"() ({
      %run_scoped3A_3565 = tpu.sem_alloc : memref<!tpu.dma_semaphore, #tpu.memory_space<semaphore_mem>>
      %dma_start3A_3566 = arith.constant 0 : i32
      %dma_start3A_3567 = arith.constant 0 : i32
      %dma_start3A_3568 = tpu.memref_slice %arg9[%run_scoped3A_2835, %dma_start3A_3566, %dma_start3A_3567] : memref<2x128x64xf32, #tpu.memory_space<vmem>> -> memref<1x128x64xf32, #tpu.memory_space<vmem>>
      %dma_start3A_3569 = tpu.memref_squeeze %dma_start3A_3568 : memref<1x128x64xf32, #tpu.memory_space<vmem>> -> memref<128x64xf32, #tpu.memory_space<vmem>>
      %dma_start3A_3570 = arith.constant 0 : i32
      %dma_start3A_3571 = arith.constant 0 : i32
      %dma_start3A_3572 = tpu.memref_slice %arg11[%dma_start3A_3570, %dma_start3A_3571] : memref<2048x64xf32, #tpu.memory_space<vmem_shared>> -> memref<2048x64xf32, #tpu.memory_space<vmem_shared>>
      tpu.enqueue_indirect_dma source(%dma_start3A_3569 : memref<128x64xf32, #tpu.memory_space<vmem>>) target(%dma_start3A_3572 : memref<2048x64xf32, #tpu.memory_space<vmem_shared>>) offsets(%arg8 : memref<128xi32, #tpu.memory_space<vmem>>) semaphore(%run_scoped3A_3565 : memref<!tpu.dma_semaphore, #tpu.memory_space<semaphore_mem>>) {add = true}
      %dma_wait3A_3573 = arith.constant 0 : i32
      %dma_wait3A_3574 = arith.constant 0 : i32
      %dma_wait3A_3575 = tpu.memref_slice %arg9[%run_scoped3A_2835, %dma_wait3A_3573, %dma_wait3A_3574] : memref<2x128x64xf32, #tpu.memory_space<vmem>> -> memref<1x128x64xf32, #tpu.memory_space<vmem>>
      %dma_wait3A_3576 = tpu.memref_squeeze %dma_wait3A_3575 : memref<1x128x64xf32, #tpu.memory_space<vmem>> -> memref<128x64xf32, #tpu.memory_space<vmem>>
      %dma_wait3A_3577 = arith.constant 0 : i32
      %dma_wait3A_3578 = arith.constant 0 : i32
      %dma_wait3A_3579 = tpu.memref_slice %arg11[%dma_wait3A_3577, %dma_wait3A_3578] : memref<2048x64xf32, #tpu.memory_space<vmem_shared>> -> memref<2048x64xf32, #tpu.memory_space<vmem_shared>>
      tpu.wait_indirect_dma semaphore(%run_scoped3A_3565 : memref<!tpu.dma_semaphore, #tpu.memory_space<semaphore_mem>>) src(%dma_wait3A_3576 : memref<128x64xf32, #tpu.memory_space<vmem>>) dst(%dma_wait3A_3579 : memref<2048x64xf32, #tpu.memory_space<vmem_shared>>)
      tpu.yield
    }) : () -> ()
    %dma_start3A_2836 = arith.constant 3 : i32
    %dma_start3A_2837 = arith.constant 1 : i32
    %dma_start3A_2838 = arith.constant 1 : i32
    %dma_start3A_2839 = arith.constant 0 : i32
    %dma_start3A_2840 = arith.constant 0 : i32
    %dma_start3A_2841 = tpu.memref_slice %arg9[%dma_start3A_2837, %dma_start3A_2839, %dma_start3A_2840] : memref<2x128x64xf32, #tpu.memory_space<vmem>> -> memref<1x128x64xf32, #tpu.memory_space<vmem>>
    %dma_start3A_2842 = tpu.memref_squeeze %dma_start3A_2841 : memref<1x128x64xf32, #tpu.memory_space<vmem>> -> memref<128x64xf32, #tpu.memory_space<vmem>>
    %dma_start3A_2843 = arith.constant 0 : i32
    %dma_start3A_2844 = tpu.memref_slice %arg7[%dma_start3A_2836, %dma_start3A_2843] : memref<26x128xi32, #tpu.memory_space<vmem>> -> memref<1x128xi32, #tpu.memory_space<vmem>>
    %dma_start3A_2845 = tpu.memref_squeeze %dma_start3A_2844 : memref<1x128xi32, #tpu.memory_space<vmem>> -> memref<128xi32, #tpu.memory_space<vmem>>
    %dma_start3A_2846 = arith.constant 0 : i32
    %dma_start3A_2847 = arith.constant 0 : i32
    %dma_start3A_2848 = tpu.memref_slice %arg3[%dma_start3A_2846, %dma_start3A_2847] : memref<1300000x64xf32, #tpu.memory_space<hbm>> -> memref<1300000x64xf32, #tpu.memory_space<hbm>>
    %dma_start3A_2849 = tpu.memref_slice %arg13[%dma_start3A_2838] : memref<2x!tpu.dma_semaphore, #tpu.memory_space<semaphore_mem>> -> memref<1x!tpu.dma_semaphore, #tpu.memory_space<semaphore_mem>>
    %dma_start3A_2850 = tpu.memref_squeeze %dma_start3A_2849 : memref<1x!tpu.dma_semaphore, #tpu.memory_space<semaphore_mem>> -> memref<!tpu.dma_semaphore, #tpu.memory_space<semaphore_mem>>
    tpu.enqueue_indirect_dma source(%dma_start3A_2848 : memref<1300000x64xf32, #tpu.memory_space<hbm>>) target(%dma_start3A_2842 : memref<128x64xf32, #tpu.memory_space<vmem>>) offsets(%dma_start3A_2845 : memref<128xi32, #tpu.memory_space<vmem>>) semaphore(%dma_start3A_2850 : memref<!tpu.dma_semaphore, #tpu.memory_space<semaphore_mem>>)
    %dma_wait3A_2851 = arith.constant 2 : i32
    %dma_wait3A_2852 = arith.constant 0 : i32
    %dma_wait3A_2853 = arith.constant 0 : i32
    %dma_wait3A_2854 = arith.constant 0 : i32
    %dma_wait3A_2855 = arith.constant 0 : i32
    %dma_wait3A_2856 = tpu.memref_slice %arg9[%dma_wait3A_2852, %dma_wait3A_2854, %dma_wait3A_2855] : memref<2x128x64xf32, #tpu.memory_space<vmem>> -> memref<1x128x64xf32, #tpu.memory_space<vmem>>
    %dma_wait3A_2857 = tpu.memref_squeeze %dma_wait3A_2856 : memref<1x128x64xf32, #tpu.memory_space<vmem>> -> memref<128x64xf32, #tpu.memory_space<vmem>>
    %dma_wait3A_2858 = arith.constant 0 : i32
    %dma_wait3A_2859 = tpu.memref_slice %arg7[%dma_wait3A_2851, %dma_wait3A_2858] : memref<26x128xi32, #tpu.memory_space<vmem>> -> memref<1x128xi32, #tpu.memory_space<vmem>>
    %dma_wait3A_2860 = tpu.memref_squeeze %dma_wait3A_2859 : memref<1x128xi32, #tpu.memory_space<vmem>> -> memref<128xi32, #tpu.memory_space<vmem>>
    %dma_wait3A_2861 = arith.constant 0 : i32
    %dma_wait3A_2862 = arith.constant 0 : i32
    %dma_wait3A_2863 = tpu.memref_slice %arg3[%dma_wait3A_2861, %dma_wait3A_2862] : memref<1300000x64xf32, #tpu.memory_space<hbm>> -> memref<1300000x64xf32, #tpu.memory_space<hbm>>
    %dma_wait3A_2864 = tpu.memref_slice %arg13[%dma_wait3A_2853] : memref<2x!tpu.dma_semaphore, #tpu.memory_space<semaphore_mem>> -> memref<1x!tpu.dma_semaphore, #tpu.memory_space<semaphore_mem>>
    %dma_wait3A_2865 = tpu.memref_squeeze %dma_wait3A_2864 : memref<1x!tpu.dma_semaphore, #tpu.memory_space<semaphore_mem>> -> memref<!tpu.dma_semaphore, #tpu.memory_space<semaphore_mem>>
    tpu.wait_indirect_dma semaphore(%dma_wait3A_2865 : memref<!tpu.dma_semaphore, #tpu.memory_space<semaphore_mem>>) src(%dma_wait3A_2863 : memref<1300000x64xf32, #tpu.memory_space<hbm>>) dst(%dma_wait3A_2857 : memref<128x64xf32, #tpu.memory_space<vmem>>)
    %run_scoped3A_2866 = arith.constant 0 : i32
    "tpu.region"() ({
      %run_scoped3A_3565 = tpu.sem_alloc : memref<!tpu.dma_semaphore, #tpu.memory_space<semaphore_mem>>
      %dma_start3A_3566 = arith.constant 0 : i32
      %dma_start3A_3567 = arith.constant 0 : i32
      %dma_start3A_3568 = tpu.memref_slice %arg9[%run_scoped3A_2866, %dma_start3A_3566, %dma_start3A_3567] : memref<2x128x64xf32, #tpu.memory_space<vmem>> -> memref<1x128x64xf32, #tpu.memory_space<vmem>>
      %dma_start3A_3569 = tpu.memref_squeeze %dma_start3A_3568 : memref<1x128x64xf32, #tpu.memory_space<vmem>> -> memref<128x64xf32, #tpu.memory_space<vmem>>
      %dma_start3A_3570 = arith.constant 0 : i32
      %dma_start3A_3571 = arith.constant 0 : i32
      %dma_start3A_3572 = tpu.memref_slice %arg11[%dma_start3A_3570, %dma_start3A_3571] : memref<2048x64xf32, #tpu.memory_space<vmem_shared>> -> memref<2048x64xf32, #tpu.memory_space<vmem_shared>>
      tpu.enqueue_indirect_dma source(%dma_start3A_3569 : memref<128x64xf32, #tpu.memory_space<vmem>>) target(%dma_start3A_3572 : memref<2048x64xf32, #tpu.memory_space<vmem_shared>>) offsets(%arg8 : memref<128xi32, #tpu.memory_space<vmem>>) semaphore(%run_scoped3A_3565 : memref<!tpu.dma_semaphore, #tpu.memory_space<semaphore_mem>>) {add = true}
      %dma_wait3A_3573 = arith.constant 0 : i32
      %dma_wait3A_3574 = arith.constant 0 : i32
      %dma_wait3A_3575 = tpu.memref_slice %arg9[%run_scoped3A_2866, %dma_wait3A_3573, %dma_wait3A_3574] : memref<2x128x64xf32, #tpu.memory_space<vmem>> -> memref<1x128x64xf32, #tpu.memory_space<vmem>>
      %dma_wait3A_3576 = tpu.memref_squeeze %dma_wait3A_3575 : memref<1x128x64xf32, #tpu.memory_space<vmem>> -> memref<128x64xf32, #tpu.memory_space<vmem>>
      %dma_wait3A_3577 = arith.constant 0 : i32
      %dma_wait3A_3578 = arith.constant 0 : i32
      %dma_wait3A_3579 = tpu.memref_slice %arg11[%dma_wait3A_3577, %dma_wait3A_3578] : memref<2048x64xf32, #tpu.memory_space<vmem_shared>> -> memref<2048x64xf32, #tpu.memory_space<vmem_shared>>
      tpu.wait_indirect_dma semaphore(%run_scoped3A_3565 : memref<!tpu.dma_semaphore, #tpu.memory_space<semaphore_mem>>) src(%dma_wait3A_3576 : memref<128x64xf32, #tpu.memory_space<vmem>>) dst(%dma_wait3A_3579 : memref<2048x64xf32, #tpu.memory_space<vmem_shared>>)
      tpu.yield
    }) : () -> ()
    %dma_start3A_2867 = arith.constant 4 : i32
    %dma_start3A_2868 = arith.constant 0 : i32
    %dma_start3A_2869 = arith.constant 0 : i32
    %dma_start3A_2870 = arith.constant 0 : i32
    %dma_start3A_2871 = arith.constant 0 : i32
    %dma_start3A_2872 = tpu.memref_slice %arg9[%dma_start3A_2868, %dma_start3A_2870, %dma_start3A_2871] : memref<2x128x64xf32, #tpu.memory_space<vmem>> -> memref<1x128x64xf32, #tpu.memory_space<vmem>>
    %dma_start3A_2873 = tpu.memref_squeeze %dma_start3A_2872 : memref<1x128x64xf32, #tpu.memory_space<vmem>> -> memref<128x64xf32, #tpu.memory_space<vmem>>
    %dma_start3A_2874 = arith.constant 0 : i32
    %dma_start3A_2875 = tpu.memref_slice %arg7[%dma_start3A_2867, %dma_start3A_2874] : memref<26x128xi32, #tpu.memory_space<vmem>> -> memref<1x128xi32, #tpu.memory_space<vmem>>
    %dma_start3A_2876 = tpu.memref_squeeze %dma_start3A_2875 : memref<1x128xi32, #tpu.memory_space<vmem>> -> memref<128xi32, #tpu.memory_space<vmem>>
    %dma_start3A_2877 = arith.constant 0 : i32
    %dma_start3A_2878 = arith.constant 0 : i32
    %dma_start3A_2879 = tpu.memref_slice %arg3[%dma_start3A_2877, %dma_start3A_2878] : memref<1300000x64xf32, #tpu.memory_space<hbm>> -> memref<1300000x64xf32, #tpu.memory_space<hbm>>
    %dma_start3A_2880 = tpu.memref_slice %arg13[%dma_start3A_2869] : memref<2x!tpu.dma_semaphore, #tpu.memory_space<semaphore_mem>> -> memref<1x!tpu.dma_semaphore, #tpu.memory_space<semaphore_mem>>
    %dma_start3A_2881 = tpu.memref_squeeze %dma_start3A_2880 : memref<1x!tpu.dma_semaphore, #tpu.memory_space<semaphore_mem>> -> memref<!tpu.dma_semaphore, #tpu.memory_space<semaphore_mem>>
    tpu.enqueue_indirect_dma source(%dma_start3A_2879 : memref<1300000x64xf32, #tpu.memory_space<hbm>>) target(%dma_start3A_2873 : memref<128x64xf32, #tpu.memory_space<vmem>>) offsets(%dma_start3A_2876 : memref<128xi32, #tpu.memory_space<vmem>>) semaphore(%dma_start3A_2881 : memref<!tpu.dma_semaphore, #tpu.memory_space<semaphore_mem>>)
    %dma_wait3A_2882 = arith.constant 3 : i32
    %dma_wait3A_2883 = arith.constant 1 : i32
    %dma_wait3A_2884 = arith.constant 1 : i32
    %dma_wait3A_2885 = arith.constant 0 : i32
    %dma_wait3A_2886 = arith.constant 0 : i32
    %dma_wait3A_2887 = tpu.memref_slice %arg9[%dma_wait3A_2883, %dma_wait3A_2885, %dma_wait3A_2886] : memref<2x128x64xf32, #tpu.memory_space<vmem>> -> memref<1x128x64xf32, #tpu.memory_space<vmem>>
    %dma_wait3A_2888 = tpu.memref_squeeze %dma_wait3A_2887 : memref<1x128x64xf32, #tpu.memory_space<vmem>> -> memref<128x64xf32, #tpu.memory_space<vmem>>
    %dma_wait3A_2889 = arith.constant 0 : i32
    %dma_wait3A_2890 = tpu.memref_slice %arg7[%dma_wait3A_2882, %dma_wait3A_2889] : memref<26x128xi32, #tpu.memory_space<vmem>> -> memref<1x128xi32, #tpu.memory_space<vmem>>
    %dma_wait3A_2891 = tpu.memref_squeeze %dma_wait3A_2890 : memref<1x128xi32, #tpu.memory_space<vmem>> -> memref<128xi32, #tpu.memory_space<vmem>>
    %dma_wait3A_2892 = arith.constant 0 : i32
    %dma_wait3A_2893 = arith.constant 0 : i32
    %dma_wait3A_2894 = tpu.memref_slice %arg3[%dma_wait3A_2892, %dma_wait3A_2893] : memref<1300000x64xf32, #tpu.memory_space<hbm>> -> memref<1300000x64xf32, #tpu.memory_space<hbm>>
    %dma_wait3A_2895 = tpu.memref_slice %arg13[%dma_wait3A_2884] : memref<2x!tpu.dma_semaphore, #tpu.memory_space<semaphore_mem>> -> memref<1x!tpu.dma_semaphore, #tpu.memory_space<semaphore_mem>>
    %dma_wait3A_2896 = tpu.memref_squeeze %dma_wait3A_2895 : memref<1x!tpu.dma_semaphore, #tpu.memory_space<semaphore_mem>> -> memref<!tpu.dma_semaphore, #tpu.memory_space<semaphore_mem>>
    tpu.wait_indirect_dma semaphore(%dma_wait3A_2896 : memref<!tpu.dma_semaphore, #tpu.memory_space<semaphore_mem>>) src(%dma_wait3A_2894 : memref<1300000x64xf32, #tpu.memory_space<hbm>>) dst(%dma_wait3A_2888 : memref<128x64xf32, #tpu.memory_space<vmem>>)
    %run_scoped3A_2897 = arith.constant 1 : i32
    "tpu.region"() ({
      %run_scoped3A_3565 = tpu.sem_alloc : memref<!tpu.dma_semaphore, #tpu.memory_space<semaphore_mem>>
      %dma_start3A_3566 = arith.constant 0 : i32
      %dma_start3A_3567 = arith.constant 0 : i32
      %dma_start3A_3568 = tpu.memref_slice %arg9[%run_scoped3A_2897, %dma_start3A_3566, %dma_start3A_3567] : memref<2x128x64xf32, #tpu.memory_space<vmem>> -> memref<1x128x64xf32, #tpu.memory_space<vmem>>
      %dma_start3A_3569 = tpu.memref_squeeze %dma_start3A_3568 : memref<1x128x64xf32, #tpu.memory_space<vmem>> -> memref<128x64xf32, #tpu.memory_space<vmem>>
      %dma_start3A_3570 = arith.constant 0 : i32
      %dma_start3A_3571 = arith.constant 0 : i32
      %dma_start3A_3572 = tpu.memref_slice %arg11[%dma_start3A_3570, %dma_start3A_3571] : memref<2048x64xf32, #tpu.memory_space<vmem_shared>> -> memref<2048x64xf32, #tpu.memory_space<vmem_shared>>
      tpu.enqueue_indirect_dma source(%dma_start3A_3569 : memref<128x64xf32, #tpu.memory_space<vmem>>) target(%dma_start3A_3572 : memref<2048x64xf32, #tpu.memory_space<vmem_shared>>) offsets(%arg8 : memref<128xi32, #tpu.memory_space<vmem>>) semaphore(%run_scoped3A_3565 : memref<!tpu.dma_semaphore, #tpu.memory_space<semaphore_mem>>) {add = true}
      %dma_wait3A_3573 = arith.constant 0 : i32
      %dma_wait3A_3574 = arith.constant 0 : i32
      %dma_wait3A_3575 = tpu.memref_slice %arg9[%run_scoped3A_2897, %dma_wait3A_3573, %dma_wait3A_3574] : memref<2x128x64xf32, #tpu.memory_space<vmem>> -> memref<1x128x64xf32, #tpu.memory_space<vmem>>
      %dma_wait3A_3576 = tpu.memref_squeeze %dma_wait3A_3575 : memref<1x128x64xf32, #tpu.memory_space<vmem>> -> memref<128x64xf32, #tpu.memory_space<vmem>>
      %dma_wait3A_3577 = arith.constant 0 : i32
      %dma_wait3A_3578 = arith.constant 0 : i32
      %dma_wait3A_3579 = tpu.memref_slice %arg11[%dma_wait3A_3577, %dma_wait3A_3578] : memref<2048x64xf32, #tpu.memory_space<vmem_shared>> -> memref<2048x64xf32, #tpu.memory_space<vmem_shared>>
      tpu.wait_indirect_dma semaphore(%run_scoped3A_3565 : memref<!tpu.dma_semaphore, #tpu.memory_space<semaphore_mem>>) src(%dma_wait3A_3576 : memref<128x64xf32, #tpu.memory_space<vmem>>) dst(%dma_wait3A_3579 : memref<2048x64xf32, #tpu.memory_space<vmem_shared>>)
      tpu.yield
    }) : () -> ()
    %dma_start3A_2898 = arith.constant 5 : i32
    %dma_start3A_2899 = arith.constant 1 : i32
    %dma_start3A_2900 = arith.constant 1 : i32
    %dma_start3A_2901 = arith.constant 0 : i32
    %dma_start3A_2902 = arith.constant 0 : i32
    %dma_start3A_2903 = tpu.memref_slice %arg9[%dma_start3A_2899, %dma_start3A_2901, %dma_start3A_2902] : memref<2x128x64xf32, #tpu.memory_space<vmem>> -> memref<1x128x64xf32, #tpu.memory_space<vmem>>
    %dma_start3A_2904 = tpu.memref_squeeze %dma_start3A_2903 : memref<1x128x64xf32, #tpu.memory_space<vmem>> -> memref<128x64xf32, #tpu.memory_space<vmem>>
    %dma_start3A_2905 = arith.constant 0 : i32
    %dma_start3A_2906 = tpu.memref_slice %arg7[%dma_start3A_2898, %dma_start3A_2905] : memref<26x128xi32, #tpu.memory_space<vmem>> -> memref<1x128xi32, #tpu.memory_space<vmem>>
    %dma_start3A_2907 = tpu.memref_squeeze %dma_start3A_2906 : memref<1x128xi32, #tpu.memory_space<vmem>> -> memref<128xi32, #tpu.memory_space<vmem>>
    %dma_start3A_2908 = arith.constant 0 : i32
    %dma_start3A_2909 = arith.constant 0 : i32
    %dma_start3A_2910 = tpu.memref_slice %arg3[%dma_start3A_2908, %dma_start3A_2909] : memref<1300000x64xf32, #tpu.memory_space<hbm>> -> memref<1300000x64xf32, #tpu.memory_space<hbm>>
    %dma_start3A_2911 = tpu.memref_slice %arg13[%dma_start3A_2900] : memref<2x!tpu.dma_semaphore, #tpu.memory_space<semaphore_mem>> -> memref<1x!tpu.dma_semaphore, #tpu.memory_space<semaphore_mem>>
    %dma_start3A_2912 = tpu.memref_squeeze %dma_start3A_2911 : memref<1x!tpu.dma_semaphore, #tpu.memory_space<semaphore_mem>> -> memref<!tpu.dma_semaphore, #tpu.memory_space<semaphore_mem>>
    tpu.enqueue_indirect_dma source(%dma_start3A_2910 : memref<1300000x64xf32, #tpu.memory_space<hbm>>) target(%dma_start3A_2904 : memref<128x64xf32, #tpu.memory_space<vmem>>) offsets(%dma_start3A_2907 : memref<128xi32, #tpu.memory_space<vmem>>) semaphore(%dma_start3A_2912 : memref<!tpu.dma_semaphore, #tpu.memory_space<semaphore_mem>>)
    %dma_wait3A_2913 = arith.constant 4 : i32
    %dma_wait3A_2914 = arith.constant 0 : i32
    %dma_wait3A_2915 = arith.constant 0 : i32
    %dma_wait3A_2916 = arith.constant 0 : i32
    %dma_wait3A_2917 = arith.constant 0 : i32
    %dma_wait3A_2918 = tpu.memref_slice %arg9[%dma_wait3A_2914, %dma_wait3A_2916, %dma_wait3A_2917] : memref<2x128x64xf32, #tpu.memory_space<vmem>> -> memref<1x128x64xf32, #tpu.memory_space<vmem>>
    %dma_wait3A_2919 = tpu.memref_squeeze %dma_wait3A_2918 : memref<1x128x64xf32, #tpu.memory_space<vmem>> -> memref<128x64xf32, #tpu.memory_space<vmem>>
    %dma_wait3A_2920 = arith.constant 0 : i32
    %dma_wait3A_2921 = tpu.memref_slice %arg7[%dma_wait3A_2913, %dma_wait3A_2920] : memref<26x128xi32, #tpu.memory_space<vmem>> -> memref<1x128xi32, #tpu.memory_space<vmem>>
    %dma_wait3A_2922 = tpu.memref_squeeze %dma_wait3A_2921 : memref<1x128xi32, #tpu.memory_space<vmem>> -> memref<128xi32, #tpu.memory_space<vmem>>
    %dma_wait3A_2923 = arith.constant 0 : i32
    %dma_wait3A_2924 = arith.constant 0 : i32
    %dma_wait3A_2925 = tpu.memref_slice %arg3[%dma_wait3A_2923, %dma_wait3A_2924] : memref<1300000x64xf32, #tpu.memory_space<hbm>> -> memref<1300000x64xf32, #tpu.memory_space<hbm>>
    %dma_wait3A_2926 = tpu.memref_slice %arg13[%dma_wait3A_2915] : memref<2x!tpu.dma_semaphore, #tpu.memory_space<semaphore_mem>> -> memref<1x!tpu.dma_semaphore, #tpu.memory_space<semaphore_mem>>
    %dma_wait3A_2927 = tpu.memref_squeeze %dma_wait3A_2926 : memref<1x!tpu.dma_semaphore, #tpu.memory_space<semaphore_mem>> -> memref<!tpu.dma_semaphore, #tpu.memory_space<semaphore_mem>>
    tpu.wait_indirect_dma semaphore(%dma_wait3A_2927 : memref<!tpu.dma_semaphore, #tpu.memory_space<semaphore_mem>>) src(%dma_wait3A_2925 : memref<1300000x64xf32, #tpu.memory_space<hbm>>) dst(%dma_wait3A_2919 : memref<128x64xf32, #tpu.memory_space<vmem>>)
    %run_scoped3A_2928 = arith.constant 0 : i32
    "tpu.region"() ({
      %run_scoped3A_3565 = tpu.sem_alloc : memref<!tpu.dma_semaphore, #tpu.memory_space<semaphore_mem>>
      %dma_start3A_3566 = arith.constant 0 : i32
      %dma_start3A_3567 = arith.constant 0 : i32
      %dma_start3A_3568 = tpu.memref_slice %arg9[%run_scoped3A_2928, %dma_start3A_3566, %dma_start3A_3567] : memref<2x128x64xf32, #tpu.memory_space<vmem>> -> memref<1x128x64xf32, #tpu.memory_space<vmem>>
      %dma_start3A_3569 = tpu.memref_squeeze %dma_start3A_3568 : memref<1x128x64xf32, #tpu.memory_space<vmem>> -> memref<128x64xf32, #tpu.memory_space<vmem>>
      %dma_start3A_3570 = arith.constant 0 : i32
      %dma_start3A_3571 = arith.constant 0 : i32
      %dma_start3A_3572 = tpu.memref_slice %arg11[%dma_start3A_3570, %dma_start3A_3571] : memref<2048x64xf32, #tpu.memory_space<vmem_shared>> -> memref<2048x64xf32, #tpu.memory_space<vmem_shared>>
      tpu.enqueue_indirect_dma source(%dma_start3A_3569 : memref<128x64xf32, #tpu.memory_space<vmem>>) target(%dma_start3A_3572 : memref<2048x64xf32, #tpu.memory_space<vmem_shared>>) offsets(%arg8 : memref<128xi32, #tpu.memory_space<vmem>>) semaphore(%run_scoped3A_3565 : memref<!tpu.dma_semaphore, #tpu.memory_space<semaphore_mem>>) {add = true}
      %dma_wait3A_3573 = arith.constant 0 : i32
      %dma_wait3A_3574 = arith.constant 0 : i32
      %dma_wait3A_3575 = tpu.memref_slice %arg9[%run_scoped3A_2928, %dma_wait3A_3573, %dma_wait3A_3574] : memref<2x128x64xf32, #tpu.memory_space<vmem>> -> memref<1x128x64xf32, #tpu.memory_space<vmem>>
      %dma_wait3A_3576 = tpu.memref_squeeze %dma_wait3A_3575 : memref<1x128x64xf32, #tpu.memory_space<vmem>> -> memref<128x64xf32, #tpu.memory_space<vmem>>
      %dma_wait3A_3577 = arith.constant 0 : i32
      %dma_wait3A_3578 = arith.constant 0 : i32
      %dma_wait3A_3579 = tpu.memref_slice %arg11[%dma_wait3A_3577, %dma_wait3A_3578] : memref<2048x64xf32, #tpu.memory_space<vmem_shared>> -> memref<2048x64xf32, #tpu.memory_space<vmem_shared>>
      tpu.wait_indirect_dma semaphore(%run_scoped3A_3565 : memref<!tpu.dma_semaphore, #tpu.memory_space<semaphore_mem>>) src(%dma_wait3A_3576 : memref<128x64xf32, #tpu.memory_space<vmem>>) dst(%dma_wait3A_3579 : memref<2048x64xf32, #tpu.memory_space<vmem_shared>>)
      tpu.yield
    }) : () -> ()
    %dma_start3A_2929 = arith.constant 6 : i32
    %dma_start3A_2930 = arith.constant 0 : i32
    %dma_start3A_2931 = arith.constant 0 : i32
    %dma_start3A_2932 = arith.constant 0 : i32
    %dma_start3A_2933 = arith.constant 0 : i32
    %dma_start3A_2934 = tpu.memref_slice %arg9[%dma_start3A_2930, %dma_start3A_2932, %dma_start3A_2933] : memref<2x128x64xf32, #tpu.memory_space<vmem>> -> memref<1x128x64xf32, #tpu.memory_space<vmem>>
    %dma_start3A_2935 = tpu.memref_squeeze %dma_start3A_2934 : memref<1x128x64xf32, #tpu.memory_space<vmem>> -> memref<128x64xf32, #tpu.memory_space<vmem>>
    %dma_start3A_2936 = arith.constant 0 : i32
    %dma_start3A_2937 = tpu.memref_slice %arg7[%dma_start3A_2929, %dma_start3A_2936] : memref<26x128xi32, #tpu.memory_space<vmem>> -> memref<1x128xi32, #tpu.memory_space<vmem>>
    %dma_start3A_2938 = tpu.memref_squeeze %dma_start3A_2937 : memref<1x128xi32, #tpu.memory_space<vmem>> -> memref<128xi32, #tpu.memory_space<vmem>>
    %dma_start3A_2939 = arith.constant 0 : i32
    %dma_start3A_2940 = arith.constant 0 : i32
    %dma_start3A_2941 = tpu.memref_slice %arg3[%dma_start3A_2939, %dma_start3A_2940] : memref<1300000x64xf32, #tpu.memory_space<hbm>> -> memref<1300000x64xf32, #tpu.memory_space<hbm>>
    %dma_start3A_2942 = tpu.memref_slice %arg13[%dma_start3A_2931] : memref<2x!tpu.dma_semaphore, #tpu.memory_space<semaphore_mem>> -> memref<1x!tpu.dma_semaphore, #tpu.memory_space<semaphore_mem>>
    %dma_start3A_2943 = tpu.memref_squeeze %dma_start3A_2942 : memref<1x!tpu.dma_semaphore, #tpu.memory_space<semaphore_mem>> -> memref<!tpu.dma_semaphore, #tpu.memory_space<semaphore_mem>>
    tpu.enqueue_indirect_dma source(%dma_start3A_2941 : memref<1300000x64xf32, #tpu.memory_space<hbm>>) target(%dma_start3A_2935 : memref<128x64xf32, #tpu.memory_space<vmem>>) offsets(%dma_start3A_2938 : memref<128xi32, #tpu.memory_space<vmem>>) semaphore(%dma_start3A_2943 : memref<!tpu.dma_semaphore, #tpu.memory_space<semaphore_mem>>)
    %dma_wait3A_2944 = arith.constant 5 : i32
    %dma_wait3A_2945 = arith.constant 1 : i32
    %dma_wait3A_2946 = arith.constant 1 : i32
    %dma_wait3A_2947 = arith.constant 0 : i32
    %dma_wait3A_2948 = arith.constant 0 : i32
    %dma_wait3A_2949 = tpu.memref_slice %arg9[%dma_wait3A_2945, %dma_wait3A_2947, %dma_wait3A_2948] : memref<2x128x64xf32, #tpu.memory_space<vmem>> -> memref<1x128x64xf32, #tpu.memory_space<vmem>>
    %dma_wait3A_2950 = tpu.memref_squeeze %dma_wait3A_2949 : memref<1x128x64xf32, #tpu.memory_space<vmem>> -> memref<128x64xf32, #tpu.memory_space<vmem>>
    %dma_wait3A_2951 = arith.constant 0 : i32
    %dma_wait3A_2952 = tpu.memref_slice %arg7[%dma_wait3A_2944, %dma_wait3A_2951] : memref<26x128xi32, #tpu.memory_space<vmem>> -> memref<1x128xi32, #tpu.memory_space<vmem>>
    %dma_wait3A_2953 = tpu.memref_squeeze %dma_wait3A_2952 : memref<1x128xi32, #tpu.memory_space<vmem>> -> memref<128xi32, #tpu.memory_space<vmem>>
    %dma_wait3A_2954 = arith.constant 0 : i32
    %dma_wait3A_2955 = arith.constant 0 : i32
    %dma_wait3A_2956 = tpu.memref_slice %arg3[%dma_wait3A_2954, %dma_wait3A_2955] : memref<1300000x64xf32, #tpu.memory_space<hbm>> -> memref<1300000x64xf32, #tpu.memory_space<hbm>>
    %dma_wait3A_2957 = tpu.memref_slice %arg13[%dma_wait3A_2946] : memref<2x!tpu.dma_semaphore, #tpu.memory_space<semaphore_mem>> -> memref<1x!tpu.dma_semaphore, #tpu.memory_space<semaphore_mem>>
    %dma_wait3A_2958 = tpu.memref_squeeze %dma_wait3A_2957 : memref<1x!tpu.dma_semaphore, #tpu.memory_space<semaphore_mem>> -> memref<!tpu.dma_semaphore, #tpu.memory_space<semaphore_mem>>
    tpu.wait_indirect_dma semaphore(%dma_wait3A_2958 : memref<!tpu.dma_semaphore, #tpu.memory_space<semaphore_mem>>) src(%dma_wait3A_2956 : memref<1300000x64xf32, #tpu.memory_space<hbm>>) dst(%dma_wait3A_2950 : memref<128x64xf32, #tpu.memory_space<vmem>>)
    %run_scoped3A_2959 = arith.constant 1 : i32
    "tpu.region"() ({
      %run_scoped3A_3565 = tpu.sem_alloc : memref<!tpu.dma_semaphore, #tpu.memory_space<semaphore_mem>>
      %dma_start3A_3566 = arith.constant 0 : i32
      %dma_start3A_3567 = arith.constant 0 : i32
      %dma_start3A_3568 = tpu.memref_slice %arg9[%run_scoped3A_2959, %dma_start3A_3566, %dma_start3A_3567] : memref<2x128x64xf32, #tpu.memory_space<vmem>> -> memref<1x128x64xf32, #tpu.memory_space<vmem>>
      %dma_start3A_3569 = tpu.memref_squeeze %dma_start3A_3568 : memref<1x128x64xf32, #tpu.memory_space<vmem>> -> memref<128x64xf32, #tpu.memory_space<vmem>>
      %dma_start3A_3570 = arith.constant 0 : i32
      %dma_start3A_3571 = arith.constant 0 : i32
      %dma_start3A_3572 = tpu.memref_slice %arg11[%dma_start3A_3570, %dma_start3A_3571] : memref<2048x64xf32, #tpu.memory_space<vmem_shared>> -> memref<2048x64xf32, #tpu.memory_space<vmem_shared>>
      tpu.enqueue_indirect_dma source(%dma_start3A_3569 : memref<128x64xf32, #tpu.memory_space<vmem>>) target(%dma_start3A_3572 : memref<2048x64xf32, #tpu.memory_space<vmem_shared>>) offsets(%arg8 : memref<128xi32, #tpu.memory_space<vmem>>) semaphore(%run_scoped3A_3565 : memref<!tpu.dma_semaphore, #tpu.memory_space<semaphore_mem>>) {add = true}
      %dma_wait3A_3573 = arith.constant 0 : i32
      %dma_wait3A_3574 = arith.constant 0 : i32
      %dma_wait3A_3575 = tpu.memref_slice %arg9[%run_scoped3A_2959, %dma_wait3A_3573, %dma_wait3A_3574] : memref<2x128x64xf32, #tpu.memory_space<vmem>> -> memref<1x128x64xf32, #tpu.memory_space<vmem>>
      %dma_wait3A_3576 = tpu.memref_squeeze %dma_wait3A_3575 : memref<1x128x64xf32, #tpu.memory_space<vmem>> -> memref<128x64xf32, #tpu.memory_space<vmem>>
      %dma_wait3A_3577 = arith.constant 0 : i32
      %dma_wait3A_3578 = arith.constant 0 : i32
      %dma_wait3A_3579 = tpu.memref_slice %arg11[%dma_wait3A_3577, %dma_wait3A_3578] : memref<2048x64xf32, #tpu.memory_space<vmem_shared>> -> memref<2048x64xf32, #tpu.memory_space<vmem_shared>>
      tpu.wait_indirect_dma semaphore(%run_scoped3A_3565 : memref<!tpu.dma_semaphore, #tpu.memory_space<semaphore_mem>>) src(%dma_wait3A_3576 : memref<128x64xf32, #tpu.memory_space<vmem>>) dst(%dma_wait3A_3579 : memref<2048x64xf32, #tpu.memory_space<vmem_shared>>)
      tpu.yield
    }) : () -> ()
    %dma_start3A_2960 = arith.constant 7 : i32
    %dma_start3A_2961 = arith.constant 1 : i32
    %dma_start3A_2962 = arith.constant 1 : i32
    %dma_start3A_2963 = arith.constant 0 : i32
    %dma_start3A_2964 = arith.constant 0 : i32
    %dma_start3A_2965 = tpu.memref_slice %arg9[%dma_start3A_2961, %dma_start3A_2963, %dma_start3A_2964] : memref<2x128x64xf32, #tpu.memory_space<vmem>> -> memref<1x128x64xf32, #tpu.memory_space<vmem>>
    %dma_start3A_2966 = tpu.memref_squeeze %dma_start3A_2965 : memref<1x128x64xf32, #tpu.memory_space<vmem>> -> memref<128x64xf32, #tpu.memory_space<vmem>>
    %dma_start3A_2967 = arith.constant 0 : i32
    %dma_start3A_2968 = tpu.memref_slice %arg7[%dma_start3A_2960, %dma_start3A_2967] : memref<26x128xi32, #tpu.memory_space<vmem>> -> memref<1x128xi32, #tpu.memory_space<vmem>>
    %dma_start3A_2969 = tpu.memref_squeeze %dma_start3A_2968 : memref<1x128xi32, #tpu.memory_space<vmem>> -> memref<128xi32, #tpu.memory_space<vmem>>
    %dma_start3A_2970 = arith.constant 0 : i32
    %dma_start3A_2971 = arith.constant 0 : i32
    %dma_start3A_2972 = tpu.memref_slice %arg3[%dma_start3A_2970, %dma_start3A_2971] : memref<1300000x64xf32, #tpu.memory_space<hbm>> -> memref<1300000x64xf32, #tpu.memory_space<hbm>>
    %dma_start3A_2973 = tpu.memref_slice %arg13[%dma_start3A_2962] : memref<2x!tpu.dma_semaphore, #tpu.memory_space<semaphore_mem>> -> memref<1x!tpu.dma_semaphore, #tpu.memory_space<semaphore_mem>>
    %dma_start3A_2974 = tpu.memref_squeeze %dma_start3A_2973 : memref<1x!tpu.dma_semaphore, #tpu.memory_space<semaphore_mem>> -> memref<!tpu.dma_semaphore, #tpu.memory_space<semaphore_mem>>
    tpu.enqueue_indirect_dma source(%dma_start3A_2972 : memref<1300000x64xf32, #tpu.memory_space<hbm>>) target(%dma_start3A_2966 : memref<128x64xf32, #tpu.memory_space<vmem>>) offsets(%dma_start3A_2969 : memref<128xi32, #tpu.memory_space<vmem>>) semaphore(%dma_start3A_2974 : memref<!tpu.dma_semaphore, #tpu.memory_space<semaphore_mem>>)
    %dma_wait3A_2975 = arith.constant 6 : i32
    %dma_wait3A_2976 = arith.constant 0 : i32
    %dma_wait3A_2977 = arith.constant 0 : i32
    %dma_wait3A_2978 = arith.constant 0 : i32
    %dma_wait3A_2979 = arith.constant 0 : i32
    %dma_wait3A_2980 = tpu.memref_slice %arg9[%dma_wait3A_2976, %dma_wait3A_2978, %dma_wait3A_2979] : memref<2x128x64xf32, #tpu.memory_space<vmem>> -> memref<1x128x64xf32, #tpu.memory_space<vmem>>
    %dma_wait3A_2981 = tpu.memref_squeeze %dma_wait3A_2980 : memref<1x128x64xf32, #tpu.memory_space<vmem>> -> memref<128x64xf32, #tpu.memory_space<vmem>>
    %dma_wait3A_2982 = arith.constant 0 : i32
    %dma_wait3A_2983 = tpu.memref_slice %arg7[%dma_wait3A_2975, %dma_wait3A_2982] : memref<26x128xi32, #tpu.memory_space<vmem>> -> memref<1x128xi32, #tpu.memory_space<vmem>>
    %dma_wait3A_2984 = tpu.memref_squeeze %dma_wait3A_2983 : memref<1x128xi32, #tpu.memory_space<vmem>> -> memref<128xi32, #tpu.memory_space<vmem>>
    %dma_wait3A_2985 = arith.constant 0 : i32
    %dma_wait3A_2986 = arith.constant 0 : i32
    %dma_wait3A_2987 = tpu.memref_slice %arg3[%dma_wait3A_2985, %dma_wait3A_2986] : memref<1300000x64xf32, #tpu.memory_space<hbm>> -> memref<1300000x64xf32, #tpu.memory_space<hbm>>
    %dma_wait3A_2988 = tpu.memref_slice %arg13[%dma_wait3A_2977] : memref<2x!tpu.dma_semaphore, #tpu.memory_space<semaphore_mem>> -> memref<1x!tpu.dma_semaphore, #tpu.memory_space<semaphore_mem>>
    %dma_wait3A_2989 = tpu.memref_squeeze %dma_wait3A_2988 : memref<1x!tpu.dma_semaphore, #tpu.memory_space<semaphore_mem>> -> memref<!tpu.dma_semaphore, #tpu.memory_space<semaphore_mem>>
    tpu.wait_indirect_dma semaphore(%dma_wait3A_2989 : memref<!tpu.dma_semaphore, #tpu.memory_space<semaphore_mem>>) src(%dma_wait3A_2987 : memref<1300000x64xf32, #tpu.memory_space<hbm>>) dst(%dma_wait3A_2981 : memref<128x64xf32, #tpu.memory_space<vmem>>)
    %run_scoped3A_2990 = arith.constant 0 : i32
    "tpu.region"() ({
      %run_scoped3A_3565 = tpu.sem_alloc : memref<!tpu.dma_semaphore, #tpu.memory_space<semaphore_mem>>
      %dma_start3A_3566 = arith.constant 0 : i32
      %dma_start3A_3567 = arith.constant 0 : i32
      %dma_start3A_3568 = tpu.memref_slice %arg9[%run_scoped3A_2990, %dma_start3A_3566, %dma_start3A_3567] : memref<2x128x64xf32, #tpu.memory_space<vmem>> -> memref<1x128x64xf32, #tpu.memory_space<vmem>>
      %dma_start3A_3569 = tpu.memref_squeeze %dma_start3A_3568 : memref<1x128x64xf32, #tpu.memory_space<vmem>> -> memref<128x64xf32, #tpu.memory_space<vmem>>
      %dma_start3A_3570 = arith.constant 0 : i32
      %dma_start3A_3571 = arith.constant 0 : i32
      %dma_start3A_3572 = tpu.memref_slice %arg11[%dma_start3A_3570, %dma_start3A_3571] : memref<2048x64xf32, #tpu.memory_space<vmem_shared>> -> memref<2048x64xf32, #tpu.memory_space<vmem_shared>>
      tpu.enqueue_indirect_dma source(%dma_start3A_3569 : memref<128x64xf32, #tpu.memory_space<vmem>>) target(%dma_start3A_3572 : memref<2048x64xf32, #tpu.memory_space<vmem_shared>>) offsets(%arg8 : memref<128xi32, #tpu.memory_space<vmem>>) semaphore(%run_scoped3A_3565 : memref<!tpu.dma_semaphore, #tpu.memory_space<semaphore_mem>>) {add = true}
      %dma_wait3A_3573 = arith.constant 0 : i32
      %dma_wait3A_3574 = arith.constant 0 : i32
      %dma_wait3A_3575 = tpu.memref_slice %arg9[%run_scoped3A_2990, %dma_wait3A_3573, %dma_wait3A_3574] : memref<2x128x64xf32, #tpu.memory_space<vmem>> -> memref<1x128x64xf32, #tpu.memory_space<vmem>>
      %dma_wait3A_3576 = tpu.memref_squeeze %dma_wait3A_3575 : memref<1x128x64xf32, #tpu.memory_space<vmem>> -> memref<128x64xf32, #tpu.memory_space<vmem>>
      %dma_wait3A_3577 = arith.constant 0 : i32
      %dma_wait3A_3578 = arith.constant 0 : i32
      %dma_wait3A_3579 = tpu.memref_slice %arg11[%dma_wait3A_3577, %dma_wait3A_3578] : memref<2048x64xf32, #tpu.memory_space<vmem_shared>> -> memref<2048x64xf32, #tpu.memory_space<vmem_shared>>
      tpu.wait_indirect_dma semaphore(%run_scoped3A_3565 : memref<!tpu.dma_semaphore, #tpu.memory_space<semaphore_mem>>) src(%dma_wait3A_3576 : memref<128x64xf32, #tpu.memory_space<vmem>>) dst(%dma_wait3A_3579 : memref<2048x64xf32, #tpu.memory_space<vmem_shared>>)
      tpu.yield
    }) : () -> ()
    %dma_start3A_2991 = arith.constant 8 : i32
    %dma_start3A_2992 = arith.constant 0 : i32
    %dma_start3A_2993 = arith.constant 0 : i32
    %dma_start3A_2994 = arith.constant 0 : i32
    %dma_start3A_2995 = arith.constant 0 : i32
    %dma_start3A_2996 = tpu.memref_slice %arg9[%dma_start3A_2992, %dma_start3A_2994, %dma_start3A_2995] : memref<2x128x64xf32, #tpu.memory_space<vmem>> -> memref<1x128x64xf32, #tpu.memory_space<vmem>>
    %dma_start3A_2997 = tpu.memref_squeeze %dma_start3A_2996 : memref<1x128x64xf32, #tpu.memory_space<vmem>> -> memref<128x64xf32, #tpu.memory_space<vmem>>
    %dma_start3A_2998 = arith.constant 0 : i32
    %dma_start3A_2999 = tpu.memref_slice %arg7[%dma_start3A_2991, %dma_start3A_2998] : memref<26x128xi32, #tpu.memory_space<vmem>> -> memref<1x128xi32, #tpu.memory_space<vmem>>
    %dma_start3A_3000 = tpu.memref_squeeze %dma_start3A_2999 : memref<1x128xi32, #tpu.memory_space<vmem>> -> memref<128xi32, #tpu.memory_space<vmem>>
    %dma_start3A_3001 = arith.constant 0 : i32
    %dma_start3A_3002 = arith.constant 0 : i32
    %dma_start3A_3003 = tpu.memref_slice %arg3[%dma_start3A_3001, %dma_start3A_3002] : memref<1300000x64xf32, #tpu.memory_space<hbm>> -> memref<1300000x64xf32, #tpu.memory_space<hbm>>
    %dma_start3A_3004 = tpu.memref_slice %arg13[%dma_start3A_2993] : memref<2x!tpu.dma_semaphore, #tpu.memory_space<semaphore_mem>> -> memref<1x!tpu.dma_semaphore, #tpu.memory_space<semaphore_mem>>
    %dma_start3A_3005 = tpu.memref_squeeze %dma_start3A_3004 : memref<1x!tpu.dma_semaphore, #tpu.memory_space<semaphore_mem>> -> memref<!tpu.dma_semaphore, #tpu.memory_space<semaphore_mem>>
    tpu.enqueue_indirect_dma source(%dma_start3A_3003 : memref<1300000x64xf32, #tpu.memory_space<hbm>>) target(%dma_start3A_2997 : memref<128x64xf32, #tpu.memory_space<vmem>>) offsets(%dma_start3A_3000 : memref<128xi32, #tpu.memory_space<vmem>>) semaphore(%dma_start3A_3005 : memref<!tpu.dma_semaphore, #tpu.memory_space<semaphore_mem>>)
    %dma_wait3A_3006 = arith.constant 7 : i32
    %dma_wait3A_3007 = arith.constant 1 : i32
    %dma_wait3A_3008 = arith.constant 1 : i32
    %dma_wait3A_3009 = arith.constant 0 : i32
    %dma_wait3A_3010 = arith.constant 0 : i32
    %dma_wait3A_3011 = tpu.memref_slice %arg9[%dma_wait3A_3007, %dma_wait3A_3009, %dma_wait3A_3010] : memref<2x128x64xf32, #tpu.memory_space<vmem>> -> memref<1x128x64xf32, #tpu.memory_space<vmem>>
    %dma_wait3A_3012 = tpu.memref_squeeze %dma_wait3A_3011 : memref<1x128x64xf32, #tpu.memory_space<vmem>> -> memref<128x64xf32, #tpu.memory_space<vmem>>
    %dma_wait3A_3013 = arith.constant 0 : i32
    %dma_wait3A_3014 = tpu.memref_slice %arg7[%dma_wait3A_3006, %dma_wait3A_3013] : memref<26x128xi32, #tpu.memory_space<vmem>> -> memref<1x128xi32, #tpu.memory_space<vmem>>
    %dma_wait3A_3015 = tpu.memref_squeeze %dma_wait3A_3014 : memref<1x128xi32, #tpu.memory_space<vmem>> -> memref<128xi32, #tpu.memory_space<vmem>>
    %dma_wait3A_3016 = arith.constant 0 : i32
    %dma_wait3A_3017 = arith.constant 0 : i32
    %dma_wait3A_3018 = tpu.memref_slice %arg3[%dma_wait3A_3016, %dma_wait3A_3017] : memref<1300000x64xf32, #tpu.memory_space<hbm>> -> memref<1300000x64xf32, #tpu.memory_space<hbm>>
    %dma_wait3A_3019 = tpu.memref_slice %arg13[%dma_wait3A_3008] : memref<2x!tpu.dma_semaphore, #tpu.memory_space<semaphore_mem>> -> memref<1x!tpu.dma_semaphore, #tpu.memory_space<semaphore_mem>>
    %dma_wait3A_3020 = tpu.memref_squeeze %dma_wait3A_3019 : memref<1x!tpu.dma_semaphore, #tpu.memory_space<semaphore_mem>> -> memref<!tpu.dma_semaphore, #tpu.memory_space<semaphore_mem>>
    tpu.wait_indirect_dma semaphore(%dma_wait3A_3020 : memref<!tpu.dma_semaphore, #tpu.memory_space<semaphore_mem>>) src(%dma_wait3A_3018 : memref<1300000x64xf32, #tpu.memory_space<hbm>>) dst(%dma_wait3A_3012 : memref<128x64xf32, #tpu.memory_space<vmem>>)
    %run_scoped3A_3021 = arith.constant 1 : i32
    "tpu.region"() ({
      %run_scoped3A_3565 = tpu.sem_alloc : memref<!tpu.dma_semaphore, #tpu.memory_space<semaphore_mem>>
      %dma_start3A_3566 = arith.constant 0 : i32
      %dma_start3A_3567 = arith.constant 0 : i32
      %dma_start3A_3568 = tpu.memref_slice %arg9[%run_scoped3A_3021, %dma_start3A_3566, %dma_start3A_3567] : memref<2x128x64xf32, #tpu.memory_space<vmem>> -> memref<1x128x64xf32, #tpu.memory_space<vmem>>
      %dma_start3A_3569 = tpu.memref_squeeze %dma_start3A_3568 : memref<1x128x64xf32, #tpu.memory_space<vmem>> -> memref<128x64xf32, #tpu.memory_space<vmem>>
      %dma_start3A_3570 = arith.constant 0 : i32
      %dma_start3A_3571 = arith.constant 0 : i32
      %dma_start3A_3572 = tpu.memref_slice %arg11[%dma_start3A_3570, %dma_start3A_3571] : memref<2048x64xf32, #tpu.memory_space<vmem_shared>> -> memref<2048x64xf32, #tpu.memory_space<vmem_shared>>
      tpu.enqueue_indirect_dma source(%dma_start3A_3569 : memref<128x64xf32, #tpu.memory_space<vmem>>) target(%dma_start3A_3572 : memref<2048x64xf32, #tpu.memory_space<vmem_shared>>) offsets(%arg8 : memref<128xi32, #tpu.memory_space<vmem>>) semaphore(%run_scoped3A_3565 : memref<!tpu.dma_semaphore, #tpu.memory_space<semaphore_mem>>) {add = true}
      %dma_wait3A_3573 = arith.constant 0 : i32
      %dma_wait3A_3574 = arith.constant 0 : i32
      %dma_wait3A_3575 = tpu.memref_slice %arg9[%run_scoped3A_3021, %dma_wait3A_3573, %dma_wait3A_3574] : memref<2x128x64xf32, #tpu.memory_space<vmem>> -> memref<1x128x64xf32, #tpu.memory_space<vmem>>
      %dma_wait3A_3576 = tpu.memref_squeeze %dma_wait3A_3575 : memref<1x128x64xf32, #tpu.memory_space<vmem>> -> memref<128x64xf32, #tpu.memory_space<vmem>>
      %dma_wait3A_3577 = arith.constant 0 : i32
      %dma_wait3A_3578 = arith.constant 0 : i32
      %dma_wait3A_3579 = tpu.memref_slice %arg11[%dma_wait3A_3577, %dma_wait3A_3578] : memref<2048x64xf32, #tpu.memory_space<vmem_shared>> -> memref<2048x64xf32, #tpu.memory_space<vmem_shared>>
      tpu.wait_indirect_dma semaphore(%run_scoped3A_3565 : memref<!tpu.dma_semaphore, #tpu.memory_space<semaphore_mem>>) src(%dma_wait3A_3576 : memref<128x64xf32, #tpu.memory_space<vmem>>) dst(%dma_wait3A_3579 : memref<2048x64xf32, #tpu.memory_space<vmem_shared>>)
      tpu.yield
    }) : () -> ()
    %dma_start3A_3022 = arith.constant 9 : i32
    %dma_start3A_3023 = arith.constant 1 : i32
    %dma_start3A_3024 = arith.constant 1 : i32
    %dma_start3A_3025 = arith.constant 0 : i32
    %dma_start3A_3026 = arith.constant 0 : i32
    %dma_start3A_3027 = tpu.memref_slice %arg9[%dma_start3A_3023, %dma_start3A_3025, %dma_start3A_3026] : memref<2x128x64xf32, #tpu.memory_space<vmem>> -> memref<1x128x64xf32, #tpu.memory_space<vmem>>
    %dma_start3A_3028 = tpu.memref_squeeze %dma_start3A_3027 : memref<1x128x64xf32, #tpu.memory_space<vmem>> -> memref<128x64xf32, #tpu.memory_space<vmem>>
    %dma_start3A_3029 = arith.constant 0 : i32
    %dma_start3A_3030 = tpu.memref_slice %arg7[%dma_start3A_3022, %dma_start3A_3029] : memref<26x128xi32, #tpu.memory_space<vmem>> -> memref<1x128xi32, #tpu.memory_space<vmem>>
    %dma_start3A_3031 = tpu.memref_squeeze %dma_start3A_3030 : memref<1x128xi32, #tpu.memory_space<vmem>> -> memref<128xi32, #tpu.memory_space<vmem>>
    %dma_start3A_3032 = arith.constant 0 : i32
    %dma_start3A_3033 = arith.constant 0 : i32
    %dma_start3A_3034 = tpu.memref_slice %arg3[%dma_start3A_3032, %dma_start3A_3033] : memref<1300000x64xf32, #tpu.memory_space<hbm>> -> memref<1300000x64xf32, #tpu.memory_space<hbm>>
    %dma_start3A_3035 = tpu.memref_slice %arg13[%dma_start3A_3024] : memref<2x!tpu.dma_semaphore, #tpu.memory_space<semaphore_mem>> -> memref<1x!tpu.dma_semaphore, #tpu.memory_space<semaphore_mem>>
    %dma_start3A_3036 = tpu.memref_squeeze %dma_start3A_3035 : memref<1x!tpu.dma_semaphore, #tpu.memory_space<semaphore_mem>> -> memref<!tpu.dma_semaphore, #tpu.memory_space<semaphore_mem>>
    tpu.enqueue_indirect_dma source(%dma_start3A_3034 : memref<1300000x64xf32, #tpu.memory_space<hbm>>) target(%dma_start3A_3028 : memref<128x64xf32, #tpu.memory_space<vmem>>) offsets(%dma_start3A_3031 : memref<128xi32, #tpu.memory_space<vmem>>) semaphore(%dma_start3A_3036 : memref<!tpu.dma_semaphore, #tpu.memory_space<semaphore_mem>>)
    %dma_wait3A_3037 = arith.constant 8 : i32
    %dma_wait3A_3038 = arith.constant 0 : i32
    %dma_wait3A_3039 = arith.constant 0 : i32
    %dma_wait3A_3040 = arith.constant 0 : i32
    %dma_wait3A_3041 = arith.constant 0 : i32
    %dma_wait3A_3042 = tpu.memref_slice %arg9[%dma_wait3A_3038, %dma_wait3A_3040, %dma_wait3A_3041] : memref<2x128x64xf32, #tpu.memory_space<vmem>> -> memref<1x128x64xf32, #tpu.memory_space<vmem>>
    %dma_wait3A_3043 = tpu.memref_squeeze %dma_wait3A_3042 : memref<1x128x64xf32, #tpu.memory_space<vmem>> -> memref<128x64xf32, #tpu.memory_space<vmem>>
    %dma_wait3A_3044 = arith.constant 0 : i32
    %dma_wait3A_3045 = tpu.memref_slice %arg7[%dma_wait3A_3037, %dma_wait3A_3044] : memref<26x128xi32, #tpu.memory_space<vmem>> -> memref<1x128xi32, #tpu.memory_space<vmem>>
    %dma_wait3A_3046 = tpu.memref_squeeze %dma_wait3A_3045 : memref<1x128xi32, #tpu.memory_space<vmem>> -> memref<128xi32, #tpu.memory_space<vmem>>
    %dma_wait3A_3047 = arith.constant 0 : i32
    %dma_wait3A_3048 = arith.constant 0 : i32
    %dma_wait3A_3049 = tpu.memref_slice %arg3[%dma_wait3A_3047, %dma_wait3A_3048] : memref<1300000x64xf32, #tpu.memory_space<hbm>> -> memref<1300000x64xf32, #tpu.memory_space<hbm>>
    %dma_wait3A_3050 = tpu.memref_slice %arg13[%dma_wait3A_3039] : memref<2x!tpu.dma_semaphore, #tpu.memory_space<semaphore_mem>> -> memref<1x!tpu.dma_semaphore, #tpu.memory_space<semaphore_mem>>
    %dma_wait3A_3051 = tpu.memref_squeeze %dma_wait3A_3050 : memref<1x!tpu.dma_semaphore, #tpu.memory_space<semaphore_mem>> -> memref<!tpu.dma_semaphore, #tpu.memory_space<semaphore_mem>>
    tpu.wait_indirect_dma semaphore(%dma_wait3A_3051 : memref<!tpu.dma_semaphore, #tpu.memory_space<semaphore_mem>>) src(%dma_wait3A_3049 : memref<1300000x64xf32, #tpu.memory_space<hbm>>) dst(%dma_wait3A_3043 : memref<128x64xf32, #tpu.memory_space<vmem>>)
    %run_scoped3A_3052 = arith.constant 0 : i32
    "tpu.region"() ({
      %run_scoped3A_3565 = tpu.sem_alloc : memref<!tpu.dma_semaphore, #tpu.memory_space<semaphore_mem>>
      %dma_start3A_3566 = arith.constant 0 : i32
      %dma_start3A_3567 = arith.constant 0 : i32
      %dma_start3A_3568 = tpu.memref_slice %arg9[%run_scoped3A_3052, %dma_start3A_3566, %dma_start3A_3567] : memref<2x128x64xf32, #tpu.memory_space<vmem>> -> memref<1x128x64xf32, #tpu.memory_space<vmem>>
      %dma_start3A_3569 = tpu.memref_squeeze %dma_start3A_3568 : memref<1x128x64xf32, #tpu.memory_space<vmem>> -> memref<128x64xf32, #tpu.memory_space<vmem>>
      %dma_start3A_3570 = arith.constant 0 : i32
      %dma_start3A_3571 = arith.constant 0 : i32
      %dma_start3A_3572 = tpu.memref_slice %arg11[%dma_start3A_3570, %dma_start3A_3571] : memref<2048x64xf32, #tpu.memory_space<vmem_shared>> -> memref<2048x64xf32, #tpu.memory_space<vmem_shared>>
      tpu.enqueue_indirect_dma source(%dma_start3A_3569 : memref<128x64xf32, #tpu.memory_space<vmem>>) target(%dma_start3A_3572 : memref<2048x64xf32, #tpu.memory_space<vmem_shared>>) offsets(%arg8 : memref<128xi32, #tpu.memory_space<vmem>>) semaphore(%run_scoped3A_3565 : memref<!tpu.dma_semaphore, #tpu.memory_space<semaphore_mem>>) {add = true}
      %dma_wait3A_3573 = arith.constant 0 : i32
      %dma_wait3A_3574 = arith.constant 0 : i32
      %dma_wait3A_3575 = tpu.memref_slice %arg9[%run_scoped3A_3052, %dma_wait3A_3573, %dma_wait3A_3574] : memref<2x128x64xf32, #tpu.memory_space<vmem>> -> memref<1x128x64xf32, #tpu.memory_space<vmem>>
      %dma_wait3A_3576 = tpu.memref_squeeze %dma_wait3A_3575 : memref<1x128x64xf32, #tpu.memory_space<vmem>> -> memref<128x64xf32, #tpu.memory_space<vmem>>
      %dma_wait3A_3577 = arith.constant 0 : i32
      %dma_wait3A_3578 = arith.constant 0 : i32
      %dma_wait3A_3579 = tpu.memref_slice %arg11[%dma_wait3A_3577, %dma_wait3A_3578] : memref<2048x64xf32, #tpu.memory_space<vmem_shared>> -> memref<2048x64xf32, #tpu.memory_space<vmem_shared>>
      tpu.wait_indirect_dma semaphore(%run_scoped3A_3565 : memref<!tpu.dma_semaphore, #tpu.memory_space<semaphore_mem>>) src(%dma_wait3A_3576 : memref<128x64xf32, #tpu.memory_space<vmem>>) dst(%dma_wait3A_3579 : memref<2048x64xf32, #tpu.memory_space<vmem_shared>>)
      tpu.yield
    }) : () -> ()
    %dma_start3A_3053 = arith.constant 10 : i32
    %dma_start3A_3054 = arith.constant 0 : i32
    %dma_start3A_3055 = arith.constant 0 : i32
    %dma_start3A_3056 = arith.constant 0 : i32
    %dma_start3A_3057 = arith.constant 0 : i32
    %dma_start3A_3058 = tpu.memref_slice %arg9[%dma_start3A_3054, %dma_start3A_3056, %dma_start3A_3057] : memref<2x128x64xf32, #tpu.memory_space<vmem>> -> memref<1x128x64xf32, #tpu.memory_space<vmem>>
    %dma_start3A_3059 = tpu.memref_squeeze %dma_start3A_3058 : memref<1x128x64xf32, #tpu.memory_space<vmem>> -> memref<128x64xf32, #tpu.memory_space<vmem>>
    %dma_start3A_3060 = arith.constant 0 : i32
    %dma_start3A_3061 = tpu.memref_slice %arg7[%dma_start3A_3053, %dma_start3A_3060] : memref<26x128xi32, #tpu.memory_space<vmem>> -> memref<1x128xi32, #tpu.memory_space<vmem>>
    %dma_start3A_3062 = tpu.memref_squeeze %dma_start3A_3061 : memref<1x128xi32, #tpu.memory_space<vmem>> -> memref<128xi32, #tpu.memory_space<vmem>>
    %dma_start3A_3063 = arith.constant 0 : i32
    %dma_start3A_3064 = arith.constant 0 : i32
    %dma_start3A_3065 = tpu.memref_slice %arg3[%dma_start3A_3063, %dma_start3A_3064] : memref<1300000x64xf32, #tpu.memory_space<hbm>> -> memref<1300000x64xf32, #tpu.memory_space<hbm>>
    %dma_start3A_3066 = tpu.memref_slice %arg13[%dma_start3A_3055] : memref<2x!tpu.dma_semaphore, #tpu.memory_space<semaphore_mem>> -> memref<1x!tpu.dma_semaphore, #tpu.memory_space<semaphore_mem>>
    %dma_start3A_3067 = tpu.memref_squeeze %dma_start3A_3066 : memref<1x!tpu.dma_semaphore, #tpu.memory_space<semaphore_mem>> -> memref<!tpu.dma_semaphore, #tpu.memory_space<semaphore_mem>>
    tpu.enqueue_indirect_dma source(%dma_start3A_3065 : memref<1300000x64xf32, #tpu.memory_space<hbm>>) target(%dma_start3A_3059 : memref<128x64xf32, #tpu.memory_space<vmem>>) offsets(%dma_start3A_3062 : memref<128xi32, #tpu.memory_space<vmem>>) semaphore(%dma_start3A_3067 : memref<!tpu.dma_semaphore, #tpu.memory_space<semaphore_mem>>)
    %dma_wait3A_3068 = arith.constant 9 : i32
    %dma_wait3A_3069 = arith.constant 1 : i32
    %dma_wait3A_3070 = arith.constant 1 : i32
    %dma_wait3A_3071 = arith.constant 0 : i32
    %dma_wait3A_3072 = arith.constant 0 : i32
    %dma_wait3A_3073 = tpu.memref_slice %arg9[%dma_wait3A_3069, %dma_wait3A_3071, %dma_wait3A_3072] : memref<2x128x64xf32, #tpu.memory_space<vmem>> -> memref<1x128x64xf32, #tpu.memory_space<vmem>>
    %dma_wait3A_3074 = tpu.memref_squeeze %dma_wait3A_3073 : memref<1x128x64xf32, #tpu.memory_space<vmem>> -> memref<128x64xf32, #tpu.memory_space<vmem>>
    %dma_wait3A_3075 = arith.constant 0 : i32
    %dma_wait3A_3076 = tpu.memref_slice %arg7[%dma_wait3A_3068, %dma_wait3A_3075] : memref<26x128xi32, #tpu.memory_space<vmem>> -> memref<1x128xi32, #tpu.memory_space<vmem>>
    %dma_wait3A_3077 = tpu.memref_squeeze %dma_wait3A_3076 : memref<1x128xi32, #tpu.memory_space<vmem>> -> memref<128xi32, #tpu.memory_space<vmem>>
    %dma_wait3A_3078 = arith.constant 0 : i32
    %dma_wait3A_3079 = arith.constant 0 : i32
    %dma_wait3A_3080 = tpu.memref_slice %arg3[%dma_wait3A_3078, %dma_wait3A_3079] : memref<1300000x64xf32, #tpu.memory_space<hbm>> -> memref<1300000x64xf32, #tpu.memory_space<hbm>>
    %dma_wait3A_3081 = tpu.memref_slice %arg13[%dma_wait3A_3070] : memref<2x!tpu.dma_semaphore, #tpu.memory_space<semaphore_mem>> -> memref<1x!tpu.dma_semaphore, #tpu.memory_space<semaphore_mem>>
    %dma_wait3A_3082 = tpu.memref_squeeze %dma_wait3A_3081 : memref<1x!tpu.dma_semaphore, #tpu.memory_space<semaphore_mem>> -> memref<!tpu.dma_semaphore, #tpu.memory_space<semaphore_mem>>
    tpu.wait_indirect_dma semaphore(%dma_wait3A_3082 : memref<!tpu.dma_semaphore, #tpu.memory_space<semaphore_mem>>) src(%dma_wait3A_3080 : memref<1300000x64xf32, #tpu.memory_space<hbm>>) dst(%dma_wait3A_3074 : memref<128x64xf32, #tpu.memory_space<vmem>>)
    %run_scoped3A_3083 = arith.constant 1 : i32
    "tpu.region"() ({
      %run_scoped3A_3565 = tpu.sem_alloc : memref<!tpu.dma_semaphore, #tpu.memory_space<semaphore_mem>>
      %dma_start3A_3566 = arith.constant 0 : i32
      %dma_start3A_3567 = arith.constant 0 : i32
      %dma_start3A_3568 = tpu.memref_slice %arg9[%run_scoped3A_3083, %dma_start3A_3566, %dma_start3A_3567] : memref<2x128x64xf32, #tpu.memory_space<vmem>> -> memref<1x128x64xf32, #tpu.memory_space<vmem>>
      %dma_start3A_3569 = tpu.memref_squeeze %dma_start3A_3568 : memref<1x128x64xf32, #tpu.memory_space<vmem>> -> memref<128x64xf32, #tpu.memory_space<vmem>>
      %dma_start3A_3570 = arith.constant 0 : i32
      %dma_start3A_3571 = arith.constant 0 : i32
      %dma_start3A_3572 = tpu.memref_slice %arg11[%dma_start3A_3570, %dma_start3A_3571] : memref<2048x64xf32, #tpu.memory_space<vmem_shared>> -> memref<2048x64xf32, #tpu.memory_space<vmem_shared>>
      tpu.enqueue_indirect_dma source(%dma_start3A_3569 : memref<128x64xf32, #tpu.memory_space<vmem>>) target(%dma_start3A_3572 : memref<2048x64xf32, #tpu.memory_space<vmem_shared>>) offsets(%arg8 : memref<128xi32, #tpu.memory_space<vmem>>) semaphore(%run_scoped3A_3565 : memref<!tpu.dma_semaphore, #tpu.memory_space<semaphore_mem>>) {add = true}
      %dma_wait3A_3573 = arith.constant 0 : i32
      %dma_wait3A_3574 = arith.constant 0 : i32
      %dma_wait3A_3575 = tpu.memref_slice %arg9[%run_scoped3A_3083, %dma_wait3A_3573, %dma_wait3A_3574] : memref<2x128x64xf32, #tpu.memory_space<vmem>> -> memref<1x128x64xf32, #tpu.memory_space<vmem>>
      %dma_wait3A_3576 = tpu.memref_squeeze %dma_wait3A_3575 : memref<1x128x64xf32, #tpu.memory_space<vmem>> -> memref<128x64xf32, #tpu.memory_space<vmem>>
      %dma_wait3A_3577 = arith.constant 0 : i32
      %dma_wait3A_3578 = arith.constant 0 : i32
      %dma_wait3A_3579 = tpu.memref_slice %arg11[%dma_wait3A_3577, %dma_wait3A_3578] : memref<2048x64xf32, #tpu.memory_space<vmem_shared>> -> memref<2048x64xf32, #tpu.memory_space<vmem_shared>>
      tpu.wait_indirect_dma semaphore(%run_scoped3A_3565 : memref<!tpu.dma_semaphore, #tpu.memory_space<semaphore_mem>>) src(%dma_wait3A_3576 : memref<128x64xf32, #tpu.memory_space<vmem>>) dst(%dma_wait3A_3579 : memref<2048x64xf32, #tpu.memory_space<vmem_shared>>)
      tpu.yield
    }) : () -> ()
    %dma_start3A_3084 = arith.constant 11 : i32
    %dma_start3A_3085 = arith.constant 1 : i32
    %dma_start3A_3086 = arith.constant 1 : i32
    %dma_start3A_3087 = arith.constant 0 : i32
    %dma_start3A_3088 = arith.constant 0 : i32
    %dma_start3A_3089 = tpu.memref_slice %arg9[%dma_start3A_3085, %dma_start3A_3087, %dma_start3A_3088] : memref<2x128x64xf32, #tpu.memory_space<vmem>> -> memref<1x128x64xf32, #tpu.memory_space<vmem>>
    %dma_start3A_3090 = tpu.memref_squeeze %dma_start3A_3089 : memref<1x128x64xf32, #tpu.memory_space<vmem>> -> memref<128x64xf32, #tpu.memory_space<vmem>>
    %dma_start3A_3091 = arith.constant 0 : i32
    %dma_start3A_3092 = tpu.memref_slice %arg7[%dma_start3A_3084, %dma_start3A_3091] : memref<26x128xi32, #tpu.memory_space<vmem>> -> memref<1x128xi32, #tpu.memory_space<vmem>>
    %dma_start3A_3093 = tpu.memref_squeeze %dma_start3A_3092 : memref<1x128xi32, #tpu.memory_space<vmem>> -> memref<128xi32, #tpu.memory_space<vmem>>
    %dma_start3A_3094 = arith.constant 0 : i32
    %dma_start3A_3095 = arith.constant 0 : i32
    %dma_start3A_3096 = tpu.memref_slice %arg3[%dma_start3A_3094, %dma_start3A_3095] : memref<1300000x64xf32, #tpu.memory_space<hbm>> -> memref<1300000x64xf32, #tpu.memory_space<hbm>>
    %dma_start3A_3097 = tpu.memref_slice %arg13[%dma_start3A_3086] : memref<2x!tpu.dma_semaphore, #tpu.memory_space<semaphore_mem>> -> memref<1x!tpu.dma_semaphore, #tpu.memory_space<semaphore_mem>>
    %dma_start3A_3098 = tpu.memref_squeeze %dma_start3A_3097 : memref<1x!tpu.dma_semaphore, #tpu.memory_space<semaphore_mem>> -> memref<!tpu.dma_semaphore, #tpu.memory_space<semaphore_mem>>
    tpu.enqueue_indirect_dma source(%dma_start3A_3096 : memref<1300000x64xf32, #tpu.memory_space<hbm>>) target(%dma_start3A_3090 : memref<128x64xf32, #tpu.memory_space<vmem>>) offsets(%dma_start3A_3093 : memref<128xi32, #tpu.memory_space<vmem>>) semaphore(%dma_start3A_3098 : memref<!tpu.dma_semaphore, #tpu.memory_space<semaphore_mem>>)
    %dma_wait3A_3099 = arith.constant 10 : i32
    %dma_wait3A_3100 = arith.constant 0 : i32
    %dma_wait3A_3101 = arith.constant 0 : i32
    %dma_wait3A_3102 = arith.constant 0 : i32
    %dma_wait3A_3103 = arith.constant 0 : i32
    %dma_wait3A_3104 = tpu.memref_slice %arg9[%dma_wait3A_3100, %dma_wait3A_3102, %dma_wait3A_3103] : memref<2x128x64xf32, #tpu.memory_space<vmem>> -> memref<1x128x64xf32, #tpu.memory_space<vmem>>
    %dma_wait3A_3105 = tpu.memref_squeeze %dma_wait3A_3104 : memref<1x128x64xf32, #tpu.memory_space<vmem>> -> memref<128x64xf32, #tpu.memory_space<vmem>>
    %dma_wait3A_3106 = arith.constant 0 : i32
    %dma_wait3A_3107 = tpu.memref_slice %arg7[%dma_wait3A_3099, %dma_wait3A_3106] : memref<26x128xi32, #tpu.memory_space<vmem>> -> memref<1x128xi32, #tpu.memory_space<vmem>>
    %dma_wait3A_3108 = tpu.memref_squeeze %dma_wait3A_3107 : memref<1x128xi32, #tpu.memory_space<vmem>> -> memref<128xi32, #tpu.memory_space<vmem>>
    %dma_wait3A_3109 = arith.constant 0 : i32
    %dma_wait3A_3110 = arith.constant 0 : i32
    %dma_wait3A_3111 = tpu.memref_slice %arg3[%dma_wait3A_3109, %dma_wait3A_3110] : memref<1300000x64xf32, #tpu.memory_space<hbm>> -> memref<1300000x64xf32, #tpu.memory_space<hbm>>
    %dma_wait3A_3112 = tpu.memref_slice %arg13[%dma_wait3A_3101] : memref<2x!tpu.dma_semaphore, #tpu.memory_space<semaphore_mem>> -> memref<1x!tpu.dma_semaphore, #tpu.memory_space<semaphore_mem>>
    %dma_wait3A_3113 = tpu.memref_squeeze %dma_wait3A_3112 : memref<1x!tpu.dma_semaphore, #tpu.memory_space<semaphore_mem>> -> memref<!tpu.dma_semaphore, #tpu.memory_space<semaphore_mem>>
    tpu.wait_indirect_dma semaphore(%dma_wait3A_3113 : memref<!tpu.dma_semaphore, #tpu.memory_space<semaphore_mem>>) src(%dma_wait3A_3111 : memref<1300000x64xf32, #tpu.memory_space<hbm>>) dst(%dma_wait3A_3105 : memref<128x64xf32, #tpu.memory_space<vmem>>)
    %run_scoped3A_3114 = arith.constant 0 : i32
    "tpu.region"() ({
      %run_scoped3A_3565 = tpu.sem_alloc : memref<!tpu.dma_semaphore, #tpu.memory_space<semaphore_mem>>
      %dma_start3A_3566 = arith.constant 0 : i32
      %dma_start3A_3567 = arith.constant 0 : i32
      %dma_start3A_3568 = tpu.memref_slice %arg9[%run_scoped3A_3114, %dma_start3A_3566, %dma_start3A_3567] : memref<2x128x64xf32, #tpu.memory_space<vmem>> -> memref<1x128x64xf32, #tpu.memory_space<vmem>>
      %dma_start3A_3569 = tpu.memref_squeeze %dma_start3A_3568 : memref<1x128x64xf32, #tpu.memory_space<vmem>> -> memref<128x64xf32, #tpu.memory_space<vmem>>
      %dma_start3A_3570 = arith.constant 0 : i32
      %dma_start3A_3571 = arith.constant 0 : i32
      %dma_start3A_3572 = tpu.memref_slice %arg11[%dma_start3A_3570, %dma_start3A_3571] : memref<2048x64xf32, #tpu.memory_space<vmem_shared>> -> memref<2048x64xf32, #tpu.memory_space<vmem_shared>>
      tpu.enqueue_indirect_dma source(%dma_start3A_3569 : memref<128x64xf32, #tpu.memory_space<vmem>>) target(%dma_start3A_3572 : memref<2048x64xf32, #tpu.memory_space<vmem_shared>>) offsets(%arg8 : memref<128xi32, #tpu.memory_space<vmem>>) semaphore(%run_scoped3A_3565 : memref<!tpu.dma_semaphore, #tpu.memory_space<semaphore_mem>>) {add = true}
      %dma_wait3A_3573 = arith.constant 0 : i32
      %dma_wait3A_3574 = arith.constant 0 : i32
      %dma_wait3A_3575 = tpu.memref_slice %arg9[%run_scoped3A_3114, %dma_wait3A_3573, %dma_wait3A_3574] : memref<2x128x64xf32, #tpu.memory_space<vmem>> -> memref<1x128x64xf32, #tpu.memory_space<vmem>>
      %dma_wait3A_3576 = tpu.memref_squeeze %dma_wait3A_3575 : memref<1x128x64xf32, #tpu.memory_space<vmem>> -> memref<128x64xf32, #tpu.memory_space<vmem>>
      %dma_wait3A_3577 = arith.constant 0 : i32
      %dma_wait3A_3578 = arith.constant 0 : i32
      %dma_wait3A_3579 = tpu.memref_slice %arg11[%dma_wait3A_3577, %dma_wait3A_3578] : memref<2048x64xf32, #tpu.memory_space<vmem_shared>> -> memref<2048x64xf32, #tpu.memory_space<vmem_shared>>
      tpu.wait_indirect_dma semaphore(%run_scoped3A_3565 : memref<!tpu.dma_semaphore, #tpu.memory_space<semaphore_mem>>) src(%dma_wait3A_3576 : memref<128x64xf32, #tpu.memory_space<vmem>>) dst(%dma_wait3A_3579 : memref<2048x64xf32, #tpu.memory_space<vmem_shared>>)
      tpu.yield
    }) : () -> ()
    %dma_start3A_3115 = arith.constant 12 : i32
    %dma_start3A_3116 = arith.constant 0 : i32
    %dma_start3A_3117 = arith.constant 0 : i32
    %dma_start3A_3118 = arith.constant 0 : i32
    %dma_start3A_3119 = arith.constant 0 : i32
    %dma_start3A_3120 = tpu.memref_slice %arg9[%dma_start3A_3116, %dma_start3A_3118, %dma_start3A_3119] : memref<2x128x64xf32, #tpu.memory_space<vmem>> -> memref<1x128x64xf32, #tpu.memory_space<vmem>>
    %dma_start3A_3121 = tpu.memref_squeeze %dma_start3A_3120 : memref<1x128x64xf32, #tpu.memory_space<vmem>> -> memref<128x64xf32, #tpu.memory_space<vmem>>
    %dma_start3A_3122 = arith.constant 0 : i32
    %dma_start3A_3123 = tpu.memref_slice %arg7[%dma_start3A_3115, %dma_start3A_3122] : memref<26x128xi32, #tpu.memory_space<vmem>> -> memref<1x128xi32, #tpu.memory_space<vmem>>
    %dma_start3A_3124 = tpu.memref_squeeze %dma_start3A_3123 : memref<1x128xi32, #tpu.memory_space<vmem>> -> memref<128xi32, #tpu.memory_space<vmem>>
    %dma_start3A_3125 = arith.constant 0 : i32
    %dma_start3A_3126 = arith.constant 0 : i32
    %dma_start3A_3127 = tpu.memref_slice %arg3[%dma_start3A_3125, %dma_start3A_3126] : memref<1300000x64xf32, #tpu.memory_space<hbm>> -> memref<1300000x64xf32, #tpu.memory_space<hbm>>
    %dma_start3A_3128 = tpu.memref_slice %arg13[%dma_start3A_3117] : memref<2x!tpu.dma_semaphore, #tpu.memory_space<semaphore_mem>> -> memref<1x!tpu.dma_semaphore, #tpu.memory_space<semaphore_mem>>
    %dma_start3A_3129 = tpu.memref_squeeze %dma_start3A_3128 : memref<1x!tpu.dma_semaphore, #tpu.memory_space<semaphore_mem>> -> memref<!tpu.dma_semaphore, #tpu.memory_space<semaphore_mem>>
    tpu.enqueue_indirect_dma source(%dma_start3A_3127 : memref<1300000x64xf32, #tpu.memory_space<hbm>>) target(%dma_start3A_3121 : memref<128x64xf32, #tpu.memory_space<vmem>>) offsets(%dma_start3A_3124 : memref<128xi32, #tpu.memory_space<vmem>>) semaphore(%dma_start3A_3129 : memref<!tpu.dma_semaphore, #tpu.memory_space<semaphore_mem>>)
    %dma_wait3A_3130 = arith.constant 11 : i32
    %dma_wait3A_3131 = arith.constant 1 : i32
    %dma_wait3A_3132 = arith.constant 1 : i32
    %dma_wait3A_3133 = arith.constant 0 : i32
    %dma_wait3A_3134 = arith.constant 0 : i32
    %dma_wait3A_3135 = tpu.memref_slice %arg9[%dma_wait3A_3131, %dma_wait3A_3133, %dma_wait3A_3134] : memref<2x128x64xf32, #tpu.memory_space<vmem>> -> memref<1x128x64xf32, #tpu.memory_space<vmem>>
    %dma_wait3A_3136 = tpu.memref_squeeze %dma_wait3A_3135 : memref<1x128x64xf32, #tpu.memory_space<vmem>> -> memref<128x64xf32, #tpu.memory_space<vmem>>
    %dma_wait3A_3137 = arith.constant 0 : i32
    %dma_wait3A_3138 = tpu.memref_slice %arg7[%dma_wait3A_3130, %dma_wait3A_3137] : memref<26x128xi32, #tpu.memory_space<vmem>> -> memref<1x128xi32, #tpu.memory_space<vmem>>
    %dma_wait3A_3139 = tpu.memref_squeeze %dma_wait3A_3138 : memref<1x128xi32, #tpu.memory_space<vmem>> -> memref<128xi32, #tpu.memory_space<vmem>>
    %dma_wait3A_3140 = arith.constant 0 : i32
    %dma_wait3A_3141 = arith.constant 0 : i32
    %dma_wait3A_3142 = tpu.memref_slice %arg3[%dma_wait3A_3140, %dma_wait3A_3141] : memref<1300000x64xf32, #tpu.memory_space<hbm>> -> memref<1300000x64xf32, #tpu.memory_space<hbm>>
    %dma_wait3A_3143 = tpu.memref_slice %arg13[%dma_wait3A_3132] : memref<2x!tpu.dma_semaphore, #tpu.memory_space<semaphore_mem>> -> memref<1x!tpu.dma_semaphore, #tpu.memory_space<semaphore_mem>>
    %dma_wait3A_3144 = tpu.memref_squeeze %dma_wait3A_3143 : memref<1x!tpu.dma_semaphore, #tpu.memory_space<semaphore_mem>> -> memref<!tpu.dma_semaphore, #tpu.memory_space<semaphore_mem>>
    tpu.wait_indirect_dma semaphore(%dma_wait3A_3144 : memref<!tpu.dma_semaphore, #tpu.memory_space<semaphore_mem>>) src(%dma_wait3A_3142 : memref<1300000x64xf32, #tpu.memory_space<hbm>>) dst(%dma_wait3A_3136 : memref<128x64xf32, #tpu.memory_space<vmem>>)
    %run_scoped3A_3145 = arith.constant 1 : i32
    "tpu.region"() ({
      %run_scoped3A_3565 = tpu.sem_alloc : memref<!tpu.dma_semaphore, #tpu.memory_space<semaphore_mem>>
      %dma_start3A_3566 = arith.constant 0 : i32
      %dma_start3A_3567 = arith.constant 0 : i32
      %dma_start3A_3568 = tpu.memref_slice %arg9[%run_scoped3A_3145, %dma_start3A_3566, %dma_start3A_3567] : memref<2x128x64xf32, #tpu.memory_space<vmem>> -> memref<1x128x64xf32, #tpu.memory_space<vmem>>
      %dma_start3A_3569 = tpu.memref_squeeze %dma_start3A_3568 : memref<1x128x64xf32, #tpu.memory_space<vmem>> -> memref<128x64xf32, #tpu.memory_space<vmem>>
      %dma_start3A_3570 = arith.constant 0 : i32
      %dma_start3A_3571 = arith.constant 0 : i32
      %dma_start3A_3572 = tpu.memref_slice %arg11[%dma_start3A_3570, %dma_start3A_3571] : memref<2048x64xf32, #tpu.memory_space<vmem_shared>> -> memref<2048x64xf32, #tpu.memory_space<vmem_shared>>
      tpu.enqueue_indirect_dma source(%dma_start3A_3569 : memref<128x64xf32, #tpu.memory_space<vmem>>) target(%dma_start3A_3572 : memref<2048x64xf32, #tpu.memory_space<vmem_shared>>) offsets(%arg8 : memref<128xi32, #tpu.memory_space<vmem>>) semaphore(%run_scoped3A_3565 : memref<!tpu.dma_semaphore, #tpu.memory_space<semaphore_mem>>) {add = true}
      %dma_wait3A_3573 = arith.constant 0 : i32
      %dma_wait3A_3574 = arith.constant 0 : i32
      %dma_wait3A_3575 = tpu.memref_slice %arg9[%run_scoped3A_3145, %dma_wait3A_3573, %dma_wait3A_3574] : memref<2x128x64xf32, #tpu.memory_space<vmem>> -> memref<1x128x64xf32, #tpu.memory_space<vmem>>
      %dma_wait3A_3576 = tpu.memref_squeeze %dma_wait3A_3575 : memref<1x128x64xf32, #tpu.memory_space<vmem>> -> memref<128x64xf32, #tpu.memory_space<vmem>>
      %dma_wait3A_3577 = arith.constant 0 : i32
      %dma_wait3A_3578 = arith.constant 0 : i32
      %dma_wait3A_3579 = tpu.memref_slice %arg11[%dma_wait3A_3577, %dma_wait3A_3578] : memref<2048x64xf32, #tpu.memory_space<vmem_shared>> -> memref<2048x64xf32, #tpu.memory_space<vmem_shared>>
      tpu.wait_indirect_dma semaphore(%run_scoped3A_3565 : memref<!tpu.dma_semaphore, #tpu.memory_space<semaphore_mem>>) src(%dma_wait3A_3576 : memref<128x64xf32, #tpu.memory_space<vmem>>) dst(%dma_wait3A_3579 : memref<2048x64xf32, #tpu.memory_space<vmem_shared>>)
      tpu.yield
    }) : () -> ()
    %dma_start3A_3146 = arith.constant 13 : i32
    %dma_start3A_3147 = arith.constant 1 : i32
    %dma_start3A_3148 = arith.constant 1 : i32
    %dma_start3A_3149 = arith.constant 0 : i32
    %dma_start3A_3150 = arith.constant 0 : i32
    %dma_start3A_3151 = tpu.memref_slice %arg10[%dma_start3A_3147, %dma_start3A_3149, %dma_start3A_3150] : memref<2x128x16xf32, #tpu.memory_space<vmem>> -> memref<1x128x16xf32, #tpu.memory_space<vmem>>
    %dma_start3A_3152 = tpu.memref_squeeze %dma_start3A_3151 : memref<1x128x16xf32, #tpu.memory_space<vmem>> -> memref<128x16xf32, #tpu.memory_space<vmem>>
    %dma_start3A_3153 = arith.constant 0 : i32
    %dma_start3A_3154 = tpu.memref_slice %arg7[%dma_start3A_3146, %dma_start3A_3153] : memref<26x128xi32, #tpu.memory_space<vmem>> -> memref<1x128xi32, #tpu.memory_space<vmem>>
    %dma_start3A_3155 = tpu.memref_squeeze %dma_start3A_3154 : memref<1x128xi32, #tpu.memory_space<vmem>> -> memref<128xi32, #tpu.memory_space<vmem>>
    %dma_start3A_3156 = arith.constant 0 : i32
    %dma_start3A_3157 = arith.constant 0 : i32
    %dma_start3A_3158 = tpu.memref_slice %arg4[%dma_start3A_3156, %dma_start3A_3157] : memref<1300000x16xf32, #tpu.memory_space<hbm>> -> memref<1300000x16xf32, #tpu.memory_space<hbm>>
    %dma_start3A_3159 = tpu.memref_slice %arg13[%dma_start3A_3148] : memref<2x!tpu.dma_semaphore, #tpu.memory_space<semaphore_mem>> -> memref<1x!tpu.dma_semaphore, #tpu.memory_space<semaphore_mem>>
    %dma_start3A_3160 = tpu.memref_squeeze %dma_start3A_3159 : memref<1x!tpu.dma_semaphore, #tpu.memory_space<semaphore_mem>> -> memref<!tpu.dma_semaphore, #tpu.memory_space<semaphore_mem>>
    tpu.enqueue_indirect_dma source(%dma_start3A_3158 : memref<1300000x16xf32, #tpu.memory_space<hbm>>) target(%dma_start3A_3152 : memref<128x16xf32, #tpu.memory_space<vmem>>) offsets(%dma_start3A_3155 : memref<128xi32, #tpu.memory_space<vmem>>) semaphore(%dma_start3A_3160 : memref<!tpu.dma_semaphore, #tpu.memory_space<semaphore_mem>>)
    %dma_wait3A_3161 = arith.constant 12 : i32
    %dma_wait3A_3162 = arith.constant 0 : i32
    %dma_wait3A_3163 = arith.constant 0 : i32
    %dma_wait3A_3164 = arith.constant 0 : i32
    %dma_wait3A_3165 = arith.constant 0 : i32
    %dma_wait3A_3166 = tpu.memref_slice %arg9[%dma_wait3A_3162, %dma_wait3A_3164, %dma_wait3A_3165] : memref<2x128x64xf32, #tpu.memory_space<vmem>> -> memref<1x128x64xf32, #tpu.memory_space<vmem>>
    %dma_wait3A_3167 = tpu.memref_squeeze %dma_wait3A_3166 : memref<1x128x64xf32, #tpu.memory_space<vmem>> -> memref<128x64xf32, #tpu.memory_space<vmem>>
    %dma_wait3A_3168 = arith.constant 0 : i32
    %dma_wait3A_3169 = tpu.memref_slice %arg7[%dma_wait3A_3161, %dma_wait3A_3168] : memref<26x128xi32, #tpu.memory_space<vmem>> -> memref<1x128xi32, #tpu.memory_space<vmem>>
    %dma_wait3A_3170 = tpu.memref_squeeze %dma_wait3A_3169 : memref<1x128xi32, #tpu.memory_space<vmem>> -> memref<128xi32, #tpu.memory_space<vmem>>
    %dma_wait3A_3171 = arith.constant 0 : i32
    %dma_wait3A_3172 = arith.constant 0 : i32
    %dma_wait3A_3173 = tpu.memref_slice %arg3[%dma_wait3A_3171, %dma_wait3A_3172] : memref<1300000x64xf32, #tpu.memory_space<hbm>> -> memref<1300000x64xf32, #tpu.memory_space<hbm>>
    %dma_wait3A_3174 = tpu.memref_slice %arg13[%dma_wait3A_3163] : memref<2x!tpu.dma_semaphore, #tpu.memory_space<semaphore_mem>> -> memref<1x!tpu.dma_semaphore, #tpu.memory_space<semaphore_mem>>
    %dma_wait3A_3175 = tpu.memref_squeeze %dma_wait3A_3174 : memref<1x!tpu.dma_semaphore, #tpu.memory_space<semaphore_mem>> -> memref<!tpu.dma_semaphore, #tpu.memory_space<semaphore_mem>>
    tpu.wait_indirect_dma semaphore(%dma_wait3A_3175 : memref<!tpu.dma_semaphore, #tpu.memory_space<semaphore_mem>>) src(%dma_wait3A_3173 : memref<1300000x64xf32, #tpu.memory_space<hbm>>) dst(%dma_wait3A_3167 : memref<128x64xf32, #tpu.memory_space<vmem>>)
    %run_scoped3A_3176 = arith.constant 0 : i32
    "tpu.region"() ({
      %run_scoped3A_3565 = tpu.sem_alloc : memref<!tpu.dma_semaphore, #tpu.memory_space<semaphore_mem>>
      %dma_start3A_3566 = arith.constant 0 : i32
      %dma_start3A_3567 = arith.constant 0 : i32
      %dma_start3A_3568 = tpu.memref_slice %arg9[%run_scoped3A_3176, %dma_start3A_3566, %dma_start3A_3567] : memref<2x128x64xf32, #tpu.memory_space<vmem>> -> memref<1x128x64xf32, #tpu.memory_space<vmem>>
      %dma_start3A_3569 = tpu.memref_squeeze %dma_start3A_3568 : memref<1x128x64xf32, #tpu.memory_space<vmem>> -> memref<128x64xf32, #tpu.memory_space<vmem>>
      %dma_start3A_3570 = arith.constant 0 : i32
      %dma_start3A_3571 = arith.constant 0 : i32
      %dma_start3A_3572 = tpu.memref_slice %arg11[%dma_start3A_3570, %dma_start3A_3571] : memref<2048x64xf32, #tpu.memory_space<vmem_shared>> -> memref<2048x64xf32, #tpu.memory_space<vmem_shared>>
      tpu.enqueue_indirect_dma source(%dma_start3A_3569 : memref<128x64xf32, #tpu.memory_space<vmem>>) target(%dma_start3A_3572 : memref<2048x64xf32, #tpu.memory_space<vmem_shared>>) offsets(%arg8 : memref<128xi32, #tpu.memory_space<vmem>>) semaphore(%run_scoped3A_3565 : memref<!tpu.dma_semaphore, #tpu.memory_space<semaphore_mem>>) {add = true}
      %dma_wait3A_3573 = arith.constant 0 : i32
      %dma_wait3A_3574 = arith.constant 0 : i32
      %dma_wait3A_3575 = tpu.memref_slice %arg9[%run_scoped3A_3176, %dma_wait3A_3573, %dma_wait3A_3574] : memref<2x128x64xf32, #tpu.memory_space<vmem>> -> memref<1x128x64xf32, #tpu.memory_space<vmem>>
      %dma_wait3A_3576 = tpu.memref_squeeze %dma_wait3A_3575 : memref<1x128x64xf32, #tpu.memory_space<vmem>> -> memref<128x64xf32, #tpu.memory_space<vmem>>
      %dma_wait3A_3577 = arith.constant 0 : i32
      %dma_wait3A_3578 = arith.constant 0 : i32
      %dma_wait3A_3579 = tpu.memref_slice %arg11[%dma_wait3A_3577, %dma_wait3A_3578] : memref<2048x64xf32, #tpu.memory_space<vmem_shared>> -> memref<2048x64xf32, #tpu.memory_space<vmem_shared>>
      tpu.wait_indirect_dma semaphore(%run_scoped3A_3565 : memref<!tpu.dma_semaphore, #tpu.memory_space<semaphore_mem>>) src(%dma_wait3A_3576 : memref<128x64xf32, #tpu.memory_space<vmem>>) dst(%dma_wait3A_3579 : memref<2048x64xf32, #tpu.memory_space<vmem_shared>>)
      tpu.yield
    }) : () -> ()
    %dma_start3A_3177 = arith.constant 14 : i32
    %dma_start3A_3178 = arith.constant 0 : i32
    %dma_start3A_3179 = arith.constant 0 : i32
    %dma_start3A_3180 = arith.constant 0 : i32
    %dma_start3A_3181 = arith.constant 0 : i32
    %dma_start3A_3182 = tpu.memref_slice %arg10[%dma_start3A_3178, %dma_start3A_3180, %dma_start3A_3181] : memref<2x128x16xf32, #tpu.memory_space<vmem>> -> memref<1x128x16xf32, #tpu.memory_space<vmem>>
    %dma_start3A_3183 = tpu.memref_squeeze %dma_start3A_3182 : memref<1x128x16xf32, #tpu.memory_space<vmem>> -> memref<128x16xf32, #tpu.memory_space<vmem>>
    %dma_start3A_3184 = arith.constant 0 : i32
    %dma_start3A_3185 = tpu.memref_slice %arg7[%dma_start3A_3177, %dma_start3A_3184] : memref<26x128xi32, #tpu.memory_space<vmem>> -> memref<1x128xi32, #tpu.memory_space<vmem>>
    %dma_start3A_3186 = tpu.memref_squeeze %dma_start3A_3185 : memref<1x128xi32, #tpu.memory_space<vmem>> -> memref<128xi32, #tpu.memory_space<vmem>>
    %dma_start3A_3187 = arith.constant 0 : i32
    %dma_start3A_3188 = arith.constant 0 : i32
    %dma_start3A_3189 = tpu.memref_slice %arg4[%dma_start3A_3187, %dma_start3A_3188] : memref<1300000x16xf32, #tpu.memory_space<hbm>> -> memref<1300000x16xf32, #tpu.memory_space<hbm>>
    %dma_start3A_3190 = tpu.memref_slice %arg13[%dma_start3A_3179] : memref<2x!tpu.dma_semaphore, #tpu.memory_space<semaphore_mem>> -> memref<1x!tpu.dma_semaphore, #tpu.memory_space<semaphore_mem>>
    %dma_start3A_3191 = tpu.memref_squeeze %dma_start3A_3190 : memref<1x!tpu.dma_semaphore, #tpu.memory_space<semaphore_mem>> -> memref<!tpu.dma_semaphore, #tpu.memory_space<semaphore_mem>>
    tpu.enqueue_indirect_dma source(%dma_start3A_3189 : memref<1300000x16xf32, #tpu.memory_space<hbm>>) target(%dma_start3A_3183 : memref<128x16xf32, #tpu.memory_space<vmem>>) offsets(%dma_start3A_3186 : memref<128xi32, #tpu.memory_space<vmem>>) semaphore(%dma_start3A_3191 : memref<!tpu.dma_semaphore, #tpu.memory_space<semaphore_mem>>)
    %dma_wait3A_3192 = arith.constant 13 : i32
    %dma_wait3A_3193 = arith.constant 1 : i32
    %dma_wait3A_3194 = arith.constant 1 : i32
    %dma_wait3A_3195 = arith.constant 0 : i32
    %dma_wait3A_3196 = arith.constant 0 : i32
    %dma_wait3A_3197 = tpu.memref_slice %arg10[%dma_wait3A_3193, %dma_wait3A_3195, %dma_wait3A_3196] : memref<2x128x16xf32, #tpu.memory_space<vmem>> -> memref<1x128x16xf32, #tpu.memory_space<vmem>>
    %dma_wait3A_3198 = tpu.memref_squeeze %dma_wait3A_3197 : memref<1x128x16xf32, #tpu.memory_space<vmem>> -> memref<128x16xf32, #tpu.memory_space<vmem>>
    %dma_wait3A_3199 = arith.constant 0 : i32
    %dma_wait3A_3200 = tpu.memref_slice %arg7[%dma_wait3A_3192, %dma_wait3A_3199] : memref<26x128xi32, #tpu.memory_space<vmem>> -> memref<1x128xi32, #tpu.memory_space<vmem>>
    %dma_wait3A_3201 = tpu.memref_squeeze %dma_wait3A_3200 : memref<1x128xi32, #tpu.memory_space<vmem>> -> memref<128xi32, #tpu.memory_space<vmem>>
    %dma_wait3A_3202 = arith.constant 0 : i32
    %dma_wait3A_3203 = arith.constant 0 : i32
    %dma_wait3A_3204 = tpu.memref_slice %arg4[%dma_wait3A_3202, %dma_wait3A_3203] : memref<1300000x16xf32, #tpu.memory_space<hbm>> -> memref<1300000x16xf32, #tpu.memory_space<hbm>>
    %dma_wait3A_3205 = tpu.memref_slice %arg13[%dma_wait3A_3194] : memref<2x!tpu.dma_semaphore, #tpu.memory_space<semaphore_mem>> -> memref<1x!tpu.dma_semaphore, #tpu.memory_space<semaphore_mem>>
    %dma_wait3A_3206 = tpu.memref_squeeze %dma_wait3A_3205 : memref<1x!tpu.dma_semaphore, #tpu.memory_space<semaphore_mem>> -> memref<!tpu.dma_semaphore, #tpu.memory_space<semaphore_mem>>
    tpu.wait_indirect_dma semaphore(%dma_wait3A_3206 : memref<!tpu.dma_semaphore, #tpu.memory_space<semaphore_mem>>) src(%dma_wait3A_3204 : memref<1300000x16xf32, #tpu.memory_space<hbm>>) dst(%dma_wait3A_3198 : memref<128x16xf32, #tpu.memory_space<vmem>>)
    %run_scoped3A_3207 = arith.constant 1 : i32
    "tpu.region"() ({
      %run_scoped3A_3565 = tpu.sem_alloc : memref<!tpu.dma_semaphore, #tpu.memory_space<semaphore_mem>>
      %dma_start3A_3566 = arith.constant 0 : i32
      %dma_start3A_3567 = arith.constant 0 : i32
      %dma_start3A_3568 = tpu.memref_slice %arg10[%run_scoped3A_3207, %dma_start3A_3566, %dma_start3A_3567] : memref<2x128x16xf32, #tpu.memory_space<vmem>> -> memref<1x128x16xf32, #tpu.memory_space<vmem>>
      %dma_start3A_3569 = tpu.memref_squeeze %dma_start3A_3568 : memref<1x128x16xf32, #tpu.memory_space<vmem>> -> memref<128x16xf32, #tpu.memory_space<vmem>>
      %dma_start3A_3570 = arith.constant 0 : i32
      %dma_start3A_3571 = tpu.memref_slice %arg12[%mul3A_4, %dma_start3A_3570] : memref<2048x16xf32, #tpu.memory_space<vmem_shared>> -> memref<128x16xf32, #tpu.memory_space<vmem_shared>>
      %dma_start3A_3572 = arith.constant 0 : i32
      %dma_start3A_3573 = tpu.memref_slice %arg12[%mul3A_4, %dma_start3A_3572] : memref<2048x16xf32, #tpu.memory_space<vmem_shared>> -> memref<128x16xf32, #tpu.memory_space<vmem_shared>>
      %dma_start3A_3574 = arith.constant 0 : i32
      %dma_start3A_3575 = arith.constant 0 : i32
      %dma_start3A_3576 = tpu.memref_slice %arg10[%run_scoped3A_3207, %dma_start3A_3574, %dma_start3A_3575] : memref<2x128x16xf32, #tpu.memory_space<vmem>> -> memref<1x128x16xf32, #tpu.memory_space<vmem>>
      %dma_start3A_3577 = tpu.memref_squeeze %dma_start3A_3576 : memref<1x128x16xf32, #tpu.memory_space<vmem>> -> memref<128x16xf32, #tpu.memory_space<vmem>>
      tpu.enqueue_dma source(%dma_start3A_3577 : memref<128x16xf32, #tpu.memory_space<vmem>>) target(%dma_start3A_3573 : memref<128x16xf32, #tpu.memory_space<vmem_shared>>) target_semaphore(%run_scoped3A_3565 : memref<!tpu.dma_semaphore, #tpu.memory_space<semaphore_mem>>)
      %dma_wait3A_3578 = arith.constant 0 : i32
      %dma_wait3A_3579 = arith.constant 0 : i32
      %dma_wait3A_3580 = tpu.memref_slice %arg10[%run_scoped3A_3207, %dma_wait3A_3578, %dma_wait3A_3579] : memref<2x128x16xf32, #tpu.memory_space<vmem>> -> memref<1x128x16xf32, #tpu.memory_space<vmem>>
      %dma_wait3A_3581 = tpu.memref_squeeze %dma_wait3A_3580 : memref<1x128x16xf32, #tpu.memory_space<vmem>> -> memref<128x16xf32, #tpu.memory_space<vmem>>
      %dma_wait3A_3582 = arith.constant 0 : i32
      %dma_wait3A_3583 = tpu.memref_slice %arg12[%mul3A_4, %dma_wait3A_3582] : memref<2048x16xf32, #tpu.memory_space<vmem_shared>> -> memref<128x16xf32, #tpu.memory_space<vmem_shared>>
      %dma_wait3A_3584 = arith.constant 0 : i32
      %dma_wait3A_3585 = tpu.memref_slice %arg12[%mul3A_4, %dma_wait3A_3584] : memref<2048x16xf32, #tpu.memory_space<vmem_shared>> -> memref<128x16xf32, #tpu.memory_space<vmem_shared>>
      %dma_wait3A_3586 = arith.constant 0 : i32
      %dma_wait3A_3587 = arith.constant 0 : i32
      %dma_wait3A_3588 = tpu.memref_slice %arg10[%run_scoped3A_3207, %dma_wait3A_3586, %dma_wait3A_3587] : memref<2x128x16xf32, #tpu.memory_space<vmem>> -> memref<1x128x16xf32, #tpu.memory_space<vmem>>
      %dma_wait3A_3589 = tpu.memref_squeeze %dma_wait3A_3588 : memref<1x128x16xf32, #tpu.memory_space<vmem>> -> memref<128x16xf32, #tpu.memory_space<vmem>>
      tpu.wait_dma2 semaphore(%run_scoped3A_3565 : memref<!tpu.dma_semaphore, #tpu.memory_space<semaphore_mem>>) src(%dma_wait3A_3589 : memref<128x16xf32, #tpu.memory_space<vmem>>) dst(%dma_wait3A_3585 : memref<128x16xf32, #tpu.memory_space<vmem_shared>>)
      tpu.yield
    }) : () -> ()
    %dma_start3A_3208 = arith.constant 15 : i32
    %dma_start3A_3209 = arith.constant 1 : i32
    %dma_start3A_3210 = arith.constant 1 : i32
    %dma_start3A_3211 = arith.constant 0 : i32
    %dma_start3A_3212 = arith.constant 0 : i32
    %dma_start3A_3213 = tpu.memref_slice %arg10[%dma_start3A_3209, %dma_start3A_3211, %dma_start3A_3212] : memref<2x128x16xf32, #tpu.memory_space<vmem>> -> memref<1x128x16xf32, #tpu.memory_space<vmem>>
    %dma_start3A_3214 = tpu.memref_squeeze %dma_start3A_3213 : memref<1x128x16xf32, #tpu.memory_space<vmem>> -> memref<128x16xf32, #tpu.memory_space<vmem>>
    %dma_start3A_3215 = arith.constant 0 : i32
    %dma_start3A_3216 = tpu.memref_slice %arg7[%dma_start3A_3208, %dma_start3A_3215] : memref<26x128xi32, #tpu.memory_space<vmem>> -> memref<1x128xi32, #tpu.memory_space<vmem>>
    %dma_start3A_3217 = tpu.memref_squeeze %dma_start3A_3216 : memref<1x128xi32, #tpu.memory_space<vmem>> -> memref<128xi32, #tpu.memory_space<vmem>>
    %dma_start3A_3218 = arith.constant 0 : i32
    %dma_start3A_3219 = arith.constant 0 : i32
    %dma_start3A_3220 = tpu.memref_slice %arg4[%dma_start3A_3218, %dma_start3A_3219] : memref<1300000x16xf32, #tpu.memory_space<hbm>> -> memref<1300000x16xf32, #tpu.memory_space<hbm>>
    %dma_start3A_3221 = tpu.memref_slice %arg13[%dma_start3A_3210] : memref<2x!tpu.dma_semaphore, #tpu.memory_space<semaphore_mem>> -> memref<1x!tpu.dma_semaphore, #tpu.memory_space<semaphore_mem>>
    %dma_start3A_3222 = tpu.memref_squeeze %dma_start3A_3221 : memref<1x!tpu.dma_semaphore, #tpu.memory_space<semaphore_mem>> -> memref<!tpu.dma_semaphore, #tpu.memory_space<semaphore_mem>>
    tpu.enqueue_indirect_dma source(%dma_start3A_3220 : memref<1300000x16xf32, #tpu.memory_space<hbm>>) target(%dma_start3A_3214 : memref<128x16xf32, #tpu.memory_space<vmem>>) offsets(%dma_start3A_3217 : memref<128xi32, #tpu.memory_space<vmem>>) semaphore(%dma_start3A_3222 : memref<!tpu.dma_semaphore, #tpu.memory_space<semaphore_mem>>)
    %dma_wait3A_3223 = arith.constant 14 : i32
    %dma_wait3A_3224 = arith.constant 0 : i32
    %dma_wait3A_3225 = arith.constant 0 : i32
    %dma_wait3A_3226 = arith.constant 0 : i32
    %dma_wait3A_3227 = arith.constant 0 : i32
    %dma_wait3A_3228 = tpu.memref_slice %arg10[%dma_wait3A_3224, %dma_wait3A_3226, %dma_wait3A_3227] : memref<2x128x16xf32, #tpu.memory_space<vmem>> -> memref<1x128x16xf32, #tpu.memory_space<vmem>>
    %dma_wait3A_3229 = tpu.memref_squeeze %dma_wait3A_3228 : memref<1x128x16xf32, #tpu.memory_space<vmem>> -> memref<128x16xf32, #tpu.memory_space<vmem>>
    %dma_wait3A_3230 = arith.constant 0 : i32
    %dma_wait3A_3231 = tpu.memref_slice %arg7[%dma_wait3A_3223, %dma_wait3A_3230] : memref<26x128xi32, #tpu.memory_space<vmem>> -> memref<1x128xi32, #tpu.memory_space<vmem>>
    %dma_wait3A_3232 = tpu.memref_squeeze %dma_wait3A_3231 : memref<1x128xi32, #tpu.memory_space<vmem>> -> memref<128xi32, #tpu.memory_space<vmem>>
    %dma_wait3A_3233 = arith.constant 0 : i32
    %dma_wait3A_3234 = arith.constant 0 : i32
    %dma_wait3A_3235 = tpu.memref_slice %arg4[%dma_wait3A_3233, %dma_wait3A_3234] : memref<1300000x16xf32, #tpu.memory_space<hbm>> -> memref<1300000x16xf32, #tpu.memory_space<hbm>>
    %dma_wait3A_3236 = tpu.memref_slice %arg13[%dma_wait3A_3225] : memref<2x!tpu.dma_semaphore, #tpu.memory_space<semaphore_mem>> -> memref<1x!tpu.dma_semaphore, #tpu.memory_space<semaphore_mem>>
    %dma_wait3A_3237 = tpu.memref_squeeze %dma_wait3A_3236 : memref<1x!tpu.dma_semaphore, #tpu.memory_space<semaphore_mem>> -> memref<!tpu.dma_semaphore, #tpu.memory_space<semaphore_mem>>
    tpu.wait_indirect_dma semaphore(%dma_wait3A_3237 : memref<!tpu.dma_semaphore, #tpu.memory_space<semaphore_mem>>) src(%dma_wait3A_3235 : memref<1300000x16xf32, #tpu.memory_space<hbm>>) dst(%dma_wait3A_3229 : memref<128x16xf32, #tpu.memory_space<vmem>>)
    %run_scoped3A_3238 = arith.constant 0 : i32
    "tpu.region"() ({
      %run_scoped3A_3565 = tpu.sem_alloc : memref<!tpu.dma_semaphore, #tpu.memory_space<semaphore_mem>>
      %dma_start3A_3566 = arith.constant 0 : i32
      %dma_start3A_3567 = arith.constant 0 : i32
      %dma_start3A_3568 = tpu.memref_slice %arg10[%run_scoped3A_3238, %dma_start3A_3566, %dma_start3A_3567] : memref<2x128x16xf32, #tpu.memory_space<vmem>> -> memref<1x128x16xf32, #tpu.memory_space<vmem>>
      %dma_start3A_3569 = tpu.memref_squeeze %dma_start3A_3568 : memref<1x128x16xf32, #tpu.memory_space<vmem>> -> memref<128x16xf32, #tpu.memory_space<vmem>>
      %dma_start3A_3570 = arith.constant 0 : i32
      %dma_start3A_3571 = arith.constant 0 : i32
      %dma_start3A_3572 = tpu.memref_slice %arg12[%dma_start3A_3570, %dma_start3A_3571] : memref<2048x16xf32, #tpu.memory_space<vmem_shared>> -> memref<2048x16xf32, #tpu.memory_space<vmem_shared>>
      tpu.enqueue_indirect_dma source(%dma_start3A_3569 : memref<128x16xf32, #tpu.memory_space<vmem>>) target(%dma_start3A_3572 : memref<2048x16xf32, #tpu.memory_space<vmem_shared>>) offsets(%arg8 : memref<128xi32, #tpu.memory_space<vmem>>) semaphore(%run_scoped3A_3565 : memref<!tpu.dma_semaphore, #tpu.memory_space<semaphore_mem>>) {add = true}
      %dma_wait3A_3573 = arith.constant 0 : i32
      %dma_wait3A_3574 = arith.constant 0 : i32
      %dma_wait3A_3575 = tpu.memref_slice %arg10[%run_scoped3A_3238, %dma_wait3A_3573, %dma_wait3A_3574] : memref<2x128x16xf32, #tpu.memory_space<vmem>> -> memref<1x128x16xf32, #tpu.memory_space<vmem>>
      %dma_wait3A_3576 = tpu.memref_squeeze %dma_wait3A_3575 : memref<1x128x16xf32, #tpu.memory_space<vmem>> -> memref<128x16xf32, #tpu.memory_space<vmem>>
      %dma_wait3A_3577 = arith.constant 0 : i32
      %dma_wait3A_3578 = arith.constant 0 : i32
      %dma_wait3A_3579 = tpu.memref_slice %arg12[%dma_wait3A_3577, %dma_wait3A_3578] : memref<2048x16xf32, #tpu.memory_space<vmem_shared>> -> memref<2048x16xf32, #tpu.memory_space<vmem_shared>>
      tpu.wait_indirect_dma semaphore(%run_scoped3A_3565 : memref<!tpu.dma_semaphore, #tpu.memory_space<semaphore_mem>>) src(%dma_wait3A_3576 : memref<128x16xf32, #tpu.memory_space<vmem>>) dst(%dma_wait3A_3579 : memref<2048x16xf32, #tpu.memory_space<vmem_shared>>)
      tpu.yield
    }) : () -> ()
    %dma_start3A_3239 = arith.constant 16 : i32
    %dma_start3A_3240 = arith.constant 0 : i32
    %dma_start3A_3241 = arith.constant 0 : i32
    %dma_start3A_3242 = arith.constant 0 : i32
    %dma_start3A_3243 = arith.constant 0 : i32
    %dma_start3A_3244 = tpu.memref_slice %arg10[%dma_start3A_3240, %dma_start3A_3242, %dma_start3A_3243] : memref<2x128x16xf32, #tpu.memory_space<vmem>> -> memref<1x128x16xf32, #tpu.memory_space<vmem>>
    %dma_start3A_3245 = tpu.memref_squeeze %dma_start3A_3244 : memref<1x128x16xf32, #tpu.memory_space<vmem>> -> memref<128x16xf32, #tpu.memory_space<vmem>>
    %dma_start3A_3246 = arith.constant 0 : i32
    %dma_start3A_3247 = tpu.memref_slice %arg7[%dma_start3A_3239, %dma_start3A_3246] : memref<26x128xi32, #tpu.memory_space<vmem>> -> memref<1x128xi32, #tpu.memory_space<vmem>>
    %dma_start3A_3248 = tpu.memref_squeeze %dma_start3A_3247 : memref<1x128xi32, #tpu.memory_space<vmem>> -> memref<128xi32, #tpu.memory_space<vmem>>
    %dma_start3A_3249 = arith.constant 0 : i32
    %dma_start3A_3250 = arith.constant 0 : i32
    %dma_start3A_3251 = tpu.memref_slice %arg4[%dma_start3A_3249, %dma_start3A_3250] : memref<1300000x16xf32, #tpu.memory_space<hbm>> -> memref<1300000x16xf32, #tpu.memory_space<hbm>>
    %dma_start3A_3252 = tpu.memref_slice %arg13[%dma_start3A_3241] : memref<2x!tpu.dma_semaphore, #tpu.memory_space<semaphore_mem>> -> memref<1x!tpu.dma_semaphore, #tpu.memory_space<semaphore_mem>>
    %dma_start3A_3253 = tpu.memref_squeeze %dma_start3A_3252 : memref<1x!tpu.dma_semaphore, #tpu.memory_space<semaphore_mem>> -> memref<!tpu.dma_semaphore, #tpu.memory_space<semaphore_mem>>
    tpu.enqueue_indirect_dma source(%dma_start3A_3251 : memref<1300000x16xf32, #tpu.memory_space<hbm>>) target(%dma_start3A_3245 : memref<128x16xf32, #tpu.memory_space<vmem>>) offsets(%dma_start3A_3248 : memref<128xi32, #tpu.memory_space<vmem>>) semaphore(%dma_start3A_3253 : memref<!tpu.dma_semaphore, #tpu.memory_space<semaphore_mem>>)
    %dma_wait3A_3254 = arith.constant 15 : i32
    %dma_wait3A_3255 = arith.constant 1 : i32
    %dma_wait3A_3256 = arith.constant 1 : i32
    %dma_wait3A_3257 = arith.constant 0 : i32
    %dma_wait3A_3258 = arith.constant 0 : i32
    %dma_wait3A_3259 = tpu.memref_slice %arg10[%dma_wait3A_3255, %dma_wait3A_3257, %dma_wait3A_3258] : memref<2x128x16xf32, #tpu.memory_space<vmem>> -> memref<1x128x16xf32, #tpu.memory_space<vmem>>
    %dma_wait3A_3260 = tpu.memref_squeeze %dma_wait3A_3259 : memref<1x128x16xf32, #tpu.memory_space<vmem>> -> memref<128x16xf32, #tpu.memory_space<vmem>>
    %dma_wait3A_3261 = arith.constant 0 : i32
    %dma_wait3A_3262 = tpu.memref_slice %arg7[%dma_wait3A_3254, %dma_wait3A_3261] : memref<26x128xi32, #tpu.memory_space<vmem>> -> memref<1x128xi32, #tpu.memory_space<vmem>>
    %dma_wait3A_3263 = tpu.memref_squeeze %dma_wait3A_3262 : memref<1x128xi32, #tpu.memory_space<vmem>> -> memref<128xi32, #tpu.memory_space<vmem>>
    %dma_wait3A_3264 = arith.constant 0 : i32
    %dma_wait3A_3265 = arith.constant 0 : i32
    %dma_wait3A_3266 = tpu.memref_slice %arg4[%dma_wait3A_3264, %dma_wait3A_3265] : memref<1300000x16xf32, #tpu.memory_space<hbm>> -> memref<1300000x16xf32, #tpu.memory_space<hbm>>
    %dma_wait3A_3267 = tpu.memref_slice %arg13[%dma_wait3A_3256] : memref<2x!tpu.dma_semaphore, #tpu.memory_space<semaphore_mem>> -> memref<1x!tpu.dma_semaphore, #tpu.memory_space<semaphore_mem>>
    %dma_wait3A_3268 = tpu.memref_squeeze %dma_wait3A_3267 : memref<1x!tpu.dma_semaphore, #tpu.memory_space<semaphore_mem>> -> memref<!tpu.dma_semaphore, #tpu.memory_space<semaphore_mem>>
    tpu.wait_indirect_dma semaphore(%dma_wait3A_3268 : memref<!tpu.dma_semaphore, #tpu.memory_space<semaphore_mem>>) src(%dma_wait3A_3266 : memref<1300000x16xf32, #tpu.memory_space<hbm>>) dst(%dma_wait3A_3260 : memref<128x16xf32, #tpu.memory_space<vmem>>)
    %run_scoped3A_3269 = arith.constant 1 : i32
    "tpu.region"() ({
      %run_scoped3A_3565 = tpu.sem_alloc : memref<!tpu.dma_semaphore, #tpu.memory_space<semaphore_mem>>
      %dma_start3A_3566 = arith.constant 0 : i32
      %dma_start3A_3567 = arith.constant 0 : i32
      %dma_start3A_3568 = tpu.memref_slice %arg10[%run_scoped3A_3269, %dma_start3A_3566, %dma_start3A_3567] : memref<2x128x16xf32, #tpu.memory_space<vmem>> -> memref<1x128x16xf32, #tpu.memory_space<vmem>>
      %dma_start3A_3569 = tpu.memref_squeeze %dma_start3A_3568 : memref<1x128x16xf32, #tpu.memory_space<vmem>> -> memref<128x16xf32, #tpu.memory_space<vmem>>
      %dma_start3A_3570 = arith.constant 0 : i32
      %dma_start3A_3571 = arith.constant 0 : i32
      %dma_start3A_3572 = tpu.memref_slice %arg12[%dma_start3A_3570, %dma_start3A_3571] : memref<2048x16xf32, #tpu.memory_space<vmem_shared>> -> memref<2048x16xf32, #tpu.memory_space<vmem_shared>>
      tpu.enqueue_indirect_dma source(%dma_start3A_3569 : memref<128x16xf32, #tpu.memory_space<vmem>>) target(%dma_start3A_3572 : memref<2048x16xf32, #tpu.memory_space<vmem_shared>>) offsets(%arg8 : memref<128xi32, #tpu.memory_space<vmem>>) semaphore(%run_scoped3A_3565 : memref<!tpu.dma_semaphore, #tpu.memory_space<semaphore_mem>>) {add = true}
      %dma_wait3A_3573 = arith.constant 0 : i32
      %dma_wait3A_3574 = arith.constant 0 : i32
      %dma_wait3A_3575 = tpu.memref_slice %arg10[%run_scoped3A_3269, %dma_wait3A_3573, %dma_wait3A_3574] : memref<2x128x16xf32, #tpu.memory_space<vmem>> -> memref<1x128x16xf32, #tpu.memory_space<vmem>>
      %dma_wait3A_3576 = tpu.memref_squeeze %dma_wait3A_3575 : memref<1x128x16xf32, #tpu.memory_space<vmem>> -> memref<128x16xf32, #tpu.memory_space<vmem>>
      %dma_wait3A_3577 = arith.constant 0 : i32
      %dma_wait3A_3578 = arith.constant 0 : i32
      %dma_wait3A_3579 = tpu.memref_slice %arg12[%dma_wait3A_3577, %dma_wait3A_3578] : memref<2048x16xf32, #tpu.memory_space<vmem_shared>> -> memref<2048x16xf32, #tpu.memory_space<vmem_shared>>
      tpu.wait_indirect_dma semaphore(%run_scoped3A_3565 : memref<!tpu.dma_semaphore, #tpu.memory_space<semaphore_mem>>) src(%dma_wait3A_3576 : memref<128x16xf32, #tpu.memory_space<vmem>>) dst(%dma_wait3A_3579 : memref<2048x16xf32, #tpu.memory_space<vmem_shared>>)
      tpu.yield
    }) : () -> ()
    %dma_start3A_3270 = arith.constant 17 : i32
    %dma_start3A_3271 = arith.constant 1 : i32
    %dma_start3A_3272 = arith.constant 1 : i32
    %dma_start3A_3273 = arith.constant 0 : i32
    %dma_start3A_3274 = arith.constant 0 : i32
    %dma_start3A_3275 = tpu.memref_slice %arg10[%dma_start3A_3271, %dma_start3A_3273, %dma_start3A_3274] : memref<2x128x16xf32, #tpu.memory_space<vmem>> -> memref<1x128x16xf32, #tpu.memory_space<vmem>>
    %dma_start3A_3276 = tpu.memref_squeeze %dma_start3A_3275 : memref<1x128x16xf32, #tpu.memory_space<vmem>> -> memref<128x16xf32, #tpu.memory_space<vmem>>
    %dma_start3A_3277 = arith.constant 0 : i32
    %dma_start3A_3278 = tpu.memref_slice %arg7[%dma_start3A_3270, %dma_start3A_3277] : memref<26x128xi32, #tpu.memory_space<vmem>> -> memref<1x128xi32, #tpu.memory_space<vmem>>
    %dma_start3A_3279 = tpu.memref_squeeze %dma_start3A_3278 : memref<1x128xi32, #tpu.memory_space<vmem>> -> memref<128xi32, #tpu.memory_space<vmem>>
    %dma_start3A_3280 = arith.constant 0 : i32
    %dma_start3A_3281 = arith.constant 0 : i32
    %dma_start3A_3282 = tpu.memref_slice %arg4[%dma_start3A_3280, %dma_start3A_3281] : memref<1300000x16xf32, #tpu.memory_space<hbm>> -> memref<1300000x16xf32, #tpu.memory_space<hbm>>
    %dma_start3A_3283 = tpu.memref_slice %arg13[%dma_start3A_3272] : memref<2x!tpu.dma_semaphore, #tpu.memory_space<semaphore_mem>> -> memref<1x!tpu.dma_semaphore, #tpu.memory_space<semaphore_mem>>
    %dma_start3A_3284 = tpu.memref_squeeze %dma_start3A_3283 : memref<1x!tpu.dma_semaphore, #tpu.memory_space<semaphore_mem>> -> memref<!tpu.dma_semaphore, #tpu.memory_space<semaphore_mem>>
    tpu.enqueue_indirect_dma source(%dma_start3A_3282 : memref<1300000x16xf32, #tpu.memory_space<hbm>>) target(%dma_start3A_3276 : memref<128x16xf32, #tpu.memory_space<vmem>>) offsets(%dma_start3A_3279 : memref<128xi32, #tpu.memory_space<vmem>>) semaphore(%dma_start3A_3284 : memref<!tpu.dma_semaphore, #tpu.memory_space<semaphore_mem>>)
    %dma_wait3A_3285 = arith.constant 16 : i32
    %dma_wait3A_3286 = arith.constant 0 : i32
    %dma_wait3A_3287 = arith.constant 0 : i32
    %dma_wait3A_3288 = arith.constant 0 : i32
    %dma_wait3A_3289 = arith.constant 0 : i32
    %dma_wait3A_3290 = tpu.memref_slice %arg10[%dma_wait3A_3286, %dma_wait3A_3288, %dma_wait3A_3289] : memref<2x128x16xf32, #tpu.memory_space<vmem>> -> memref<1x128x16xf32, #tpu.memory_space<vmem>>
    %dma_wait3A_3291 = tpu.memref_squeeze %dma_wait3A_3290 : memref<1x128x16xf32, #tpu.memory_space<vmem>> -> memref<128x16xf32, #tpu.memory_space<vmem>>
    %dma_wait3A_3292 = arith.constant 0 : i32
    %dma_wait3A_3293 = tpu.memref_slice %arg7[%dma_wait3A_3285, %dma_wait3A_3292] : memref<26x128xi32, #tpu.memory_space<vmem>> -> memref<1x128xi32, #tpu.memory_space<vmem>>
    %dma_wait3A_3294 = tpu.memref_squeeze %dma_wait3A_3293 : memref<1x128xi32, #tpu.memory_space<vmem>> -> memref<128xi32, #tpu.memory_space<vmem>>
    %dma_wait3A_3295 = arith.constant 0 : i32
    %dma_wait3A_3296 = arith.constant 0 : i32
    %dma_wait3A_3297 = tpu.memref_slice %arg4[%dma_wait3A_3295, %dma_wait3A_3296] : memref<1300000x16xf32, #tpu.memory_space<hbm>> -> memref<1300000x16xf32, #tpu.memory_space<hbm>>
    %dma_wait3A_3298 = tpu.memref_slice %arg13[%dma_wait3A_3287] : memref<2x!tpu.dma_semaphore, #tpu.memory_space<semaphore_mem>> -> memref<1x!tpu.dma_semaphore, #tpu.memory_space<semaphore_mem>>
    %dma_wait3A_3299 = tpu.memref_squeeze %dma_wait3A_3298 : memref<1x!tpu.dma_semaphore, #tpu.memory_space<semaphore_mem>> -> memref<!tpu.dma_semaphore, #tpu.memory_space<semaphore_mem>>
    tpu.wait_indirect_dma semaphore(%dma_wait3A_3299 : memref<!tpu.dma_semaphore, #tpu.memory_space<semaphore_mem>>) src(%dma_wait3A_3297 : memref<1300000x16xf32, #tpu.memory_space<hbm>>) dst(%dma_wait3A_3291 : memref<128x16xf32, #tpu.memory_space<vmem>>)
    %run_scoped3A_3300 = arith.constant 0 : i32
    "tpu.region"() ({
      %run_scoped3A_3565 = tpu.sem_alloc : memref<!tpu.dma_semaphore, #tpu.memory_space<semaphore_mem>>
      %dma_start3A_3566 = arith.constant 0 : i32
      %dma_start3A_3567 = arith.constant 0 : i32
      %dma_start3A_3568 = tpu.memref_slice %arg10[%run_scoped3A_3300, %dma_start3A_3566, %dma_start3A_3567] : memref<2x128x16xf32, #tpu.memory_space<vmem>> -> memref<1x128x16xf32, #tpu.memory_space<vmem>>
      %dma_start3A_3569 = tpu.memref_squeeze %dma_start3A_3568 : memref<1x128x16xf32, #tpu.memory_space<vmem>> -> memref<128x16xf32, #tpu.memory_space<vmem>>
      %dma_start3A_3570 = arith.constant 0 : i32
      %dma_start3A_3571 = arith.constant 0 : i32
      %dma_start3A_3572 = tpu.memref_slice %arg12[%dma_start3A_3570, %dma_start3A_3571] : memref<2048x16xf32, #tpu.memory_space<vmem_shared>> -> memref<2048x16xf32, #tpu.memory_space<vmem_shared>>
      tpu.enqueue_indirect_dma source(%dma_start3A_3569 : memref<128x16xf32, #tpu.memory_space<vmem>>) target(%dma_start3A_3572 : memref<2048x16xf32, #tpu.memory_space<vmem_shared>>) offsets(%arg8 : memref<128xi32, #tpu.memory_space<vmem>>) semaphore(%run_scoped3A_3565 : memref<!tpu.dma_semaphore, #tpu.memory_space<semaphore_mem>>) {add = true}
      %dma_wait3A_3573 = arith.constant 0 : i32
      %dma_wait3A_3574 = arith.constant 0 : i32
      %dma_wait3A_3575 = tpu.memref_slice %arg10[%run_scoped3A_3300, %dma_wait3A_3573, %dma_wait3A_3574] : memref<2x128x16xf32, #tpu.memory_space<vmem>> -> memref<1x128x16xf32, #tpu.memory_space<vmem>>
      %dma_wait3A_3576 = tpu.memref_squeeze %dma_wait3A_3575 : memref<1x128x16xf32, #tpu.memory_space<vmem>> -> memref<128x16xf32, #tpu.memory_space<vmem>>
      %dma_wait3A_3577 = arith.constant 0 : i32
      %dma_wait3A_3578 = arith.constant 0 : i32
      %dma_wait3A_3579 = tpu.memref_slice %arg12[%dma_wait3A_3577, %dma_wait3A_3578] : memref<2048x16xf32, #tpu.memory_space<vmem_shared>> -> memref<2048x16xf32, #tpu.memory_space<vmem_shared>>
      tpu.wait_indirect_dma semaphore(%run_scoped3A_3565 : memref<!tpu.dma_semaphore, #tpu.memory_space<semaphore_mem>>) src(%dma_wait3A_3576 : memref<128x16xf32, #tpu.memory_space<vmem>>) dst(%dma_wait3A_3579 : memref<2048x16xf32, #tpu.memory_space<vmem_shared>>)
      tpu.yield
    }) : () -> ()
    %dma_start3A_3301 = arith.constant 18 : i32
    %dma_start3A_3302 = arith.constant 0 : i32
    %dma_start3A_3303 = arith.constant 0 : i32
    %dma_start3A_3304 = arith.constant 0 : i32
    %dma_start3A_3305 = arith.constant 0 : i32
    %dma_start3A_3306 = tpu.memref_slice %arg10[%dma_start3A_3302, %dma_start3A_3304, %dma_start3A_3305] : memref<2x128x16xf32, #tpu.memory_space<vmem>> -> memref<1x128x16xf32, #tpu.memory_space<vmem>>
    %dma_start3A_3307 = tpu.memref_squeeze %dma_start3A_3306 : memref<1x128x16xf32, #tpu.memory_space<vmem>> -> memref<128x16xf32, #tpu.memory_space<vmem>>
    %dma_start3A_3308 = arith.constant 0 : i32
    %dma_start3A_3309 = tpu.memref_slice %arg7[%dma_start3A_3301, %dma_start3A_3308] : memref<26x128xi32, #tpu.memory_space<vmem>> -> memref<1x128xi32, #tpu.memory_space<vmem>>
    %dma_start3A_3310 = tpu.memref_squeeze %dma_start3A_3309 : memref<1x128xi32, #tpu.memory_space<vmem>> -> memref<128xi32, #tpu.memory_space<vmem>>
    %dma_start3A_3311 = arith.constant 0 : i32
    %dma_start3A_3312 = arith.constant 0 : i32
    %dma_start3A_3313 = tpu.memref_slice %arg4[%dma_start3A_3311, %dma_start3A_3312] : memref<1300000x16xf32, #tpu.memory_space<hbm>> -> memref<1300000x16xf32, #tpu.memory_space<hbm>>
    %dma_start3A_3314 = tpu.memref_slice %arg13[%dma_start3A_3303] : memref<2x!tpu.dma_semaphore, #tpu.memory_space<semaphore_mem>> -> memref<1x!tpu.dma_semaphore, #tpu.memory_space<semaphore_mem>>
    %dma_start3A_3315 = tpu.memref_squeeze %dma_start3A_3314 : memref<1x!tpu.dma_semaphore, #tpu.memory_space<semaphore_mem>> -> memref<!tpu.dma_semaphore, #tpu.memory_space<semaphore_mem>>
    tpu.enqueue_indirect_dma source(%dma_start3A_3313 : memref<1300000x16xf32, #tpu.memory_space<hbm>>) target(%dma_start3A_3307 : memref<128x16xf32, #tpu.memory_space<vmem>>) offsets(%dma_start3A_3310 : memref<128xi32, #tpu.memory_space<vmem>>) semaphore(%dma_start3A_3315 : memref<!tpu.dma_semaphore, #tpu.memory_space<semaphore_mem>>)
    %dma_wait3A_3316 = arith.constant 17 : i32
    %dma_wait3A_3317 = arith.constant 1 : i32
    %dma_wait3A_3318 = arith.constant 1 : i32
    %dma_wait3A_3319 = arith.constant 0 : i32
    %dma_wait3A_3320 = arith.constant 0 : i32
    %dma_wait3A_3321 = tpu.memref_slice %arg10[%dma_wait3A_3317, %dma_wait3A_3319, %dma_wait3A_3320] : memref<2x128x16xf32, #tpu.memory_space<vmem>> -> memref<1x128x16xf32, #tpu.memory_space<vmem>>
    %dma_wait3A_3322 = tpu.memref_squeeze %dma_wait3A_3321 : memref<1x128x16xf32, #tpu.memory_space<vmem>> -> memref<128x16xf32, #tpu.memory_space<vmem>>
    %dma_wait3A_3323 = arith.constant 0 : i32
    %dma_wait3A_3324 = tpu.memref_slice %arg7[%dma_wait3A_3316, %dma_wait3A_3323] : memref<26x128xi32, #tpu.memory_space<vmem>> -> memref<1x128xi32, #tpu.memory_space<vmem>>
    %dma_wait3A_3325 = tpu.memref_squeeze %dma_wait3A_3324 : memref<1x128xi32, #tpu.memory_space<vmem>> -> memref<128xi32, #tpu.memory_space<vmem>>
    %dma_wait3A_3326 = arith.constant 0 : i32
    %dma_wait3A_3327 = arith.constant 0 : i32
    %dma_wait3A_3328 = tpu.memref_slice %arg4[%dma_wait3A_3326, %dma_wait3A_3327] : memref<1300000x16xf32, #tpu.memory_space<hbm>> -> memref<1300000x16xf32, #tpu.memory_space<hbm>>
    %dma_wait3A_3329 = tpu.memref_slice %arg13[%dma_wait3A_3318] : memref<2x!tpu.dma_semaphore, #tpu.memory_space<semaphore_mem>> -> memref<1x!tpu.dma_semaphore, #tpu.memory_space<semaphore_mem>>
    %dma_wait3A_3330 = tpu.memref_squeeze %dma_wait3A_3329 : memref<1x!tpu.dma_semaphore, #tpu.memory_space<semaphore_mem>> -> memref<!tpu.dma_semaphore, #tpu.memory_space<semaphore_mem>>
    tpu.wait_indirect_dma semaphore(%dma_wait3A_3330 : memref<!tpu.dma_semaphore, #tpu.memory_space<semaphore_mem>>) src(%dma_wait3A_3328 : memref<1300000x16xf32, #tpu.memory_space<hbm>>) dst(%dma_wait3A_3322 : memref<128x16xf32, #tpu.memory_space<vmem>>)
    %run_scoped3A_3331 = arith.constant 1 : i32
    "tpu.region"() ({
      %run_scoped3A_3565 = tpu.sem_alloc : memref<!tpu.dma_semaphore, #tpu.memory_space<semaphore_mem>>
      %dma_start3A_3566 = arith.constant 0 : i32
      %dma_start3A_3567 = arith.constant 0 : i32
      %dma_start3A_3568 = tpu.memref_slice %arg10[%run_scoped3A_3331, %dma_start3A_3566, %dma_start3A_3567] : memref<2x128x16xf32, #tpu.memory_space<vmem>> -> memref<1x128x16xf32, #tpu.memory_space<vmem>>
      %dma_start3A_3569 = tpu.memref_squeeze %dma_start3A_3568 : memref<1x128x16xf32, #tpu.memory_space<vmem>> -> memref<128x16xf32, #tpu.memory_space<vmem>>
      %dma_start3A_3570 = arith.constant 0 : i32
      %dma_start3A_3571 = arith.constant 0 : i32
      %dma_start3A_3572 = tpu.memref_slice %arg12[%dma_start3A_3570, %dma_start3A_3571] : memref<2048x16xf32, #tpu.memory_space<vmem_shared>> -> memref<2048x16xf32, #tpu.memory_space<vmem_shared>>
      tpu.enqueue_indirect_dma source(%dma_start3A_3569 : memref<128x16xf32, #tpu.memory_space<vmem>>) target(%dma_start3A_3572 : memref<2048x16xf32, #tpu.memory_space<vmem_shared>>) offsets(%arg8 : memref<128xi32, #tpu.memory_space<vmem>>) semaphore(%run_scoped3A_3565 : memref<!tpu.dma_semaphore, #tpu.memory_space<semaphore_mem>>) {add = true}
      %dma_wait3A_3573 = arith.constant 0 : i32
      %dma_wait3A_3574 = arith.constant 0 : i32
      %dma_wait3A_3575 = tpu.memref_slice %arg10[%run_scoped3A_3331, %dma_wait3A_3573, %dma_wait3A_3574] : memref<2x128x16xf32, #tpu.memory_space<vmem>> -> memref<1x128x16xf32, #tpu.memory_space<vmem>>
      %dma_wait3A_3576 = tpu.memref_squeeze %dma_wait3A_3575 : memref<1x128x16xf32, #tpu.memory_space<vmem>> -> memref<128x16xf32, #tpu.memory_space<vmem>>
      %dma_wait3A_3577 = arith.constant 0 : i32
      %dma_wait3A_3578 = arith.constant 0 : i32
      %dma_wait3A_3579 = tpu.memref_slice %arg12[%dma_wait3A_3577, %dma_wait3A_3578] : memref<2048x16xf32, #tpu.memory_space<vmem_shared>> -> memref<2048x16xf32, #tpu.memory_space<vmem_shared>>
      tpu.wait_indirect_dma semaphore(%run_scoped3A_3565 : memref<!tpu.dma_semaphore, #tpu.memory_space<semaphore_mem>>) src(%dma_wait3A_3576 : memref<128x16xf32, #tpu.memory_space<vmem>>) dst(%dma_wait3A_3579 : memref<2048x16xf32, #tpu.memory_space<vmem_shared>>)
      tpu.yield
    }) : () -> ()
    %dma_start3A_3332 = arith.constant 19 : i32
    %dma_start3A_3333 = arith.constant 1 : i32
    %dma_start3A_3334 = arith.constant 1 : i32
    %dma_start3A_3335 = arith.constant 0 : i32
    %dma_start3A_3336 = arith.constant 0 : i32
    %dma_start3A_3337 = tpu.memref_slice %arg10[%dma_start3A_3333, %dma_start3A_3335, %dma_start3A_3336] : memref<2x128x16xf32, #tpu.memory_space<vmem>> -> memref<1x128x16xf32, #tpu.memory_space<vmem>>
    %dma_start3A_3338 = tpu.memref_squeeze %dma_start3A_3337 : memref<1x128x16xf32, #tpu.memory_space<vmem>> -> memref<128x16xf32, #tpu.memory_space<vmem>>
    %dma_start3A_3339 = arith.constant 0 : i32
    %dma_start3A_3340 = tpu.memref_slice %arg7[%dma_start3A_3332, %dma_start3A_3339] : memref<26x128xi32, #tpu.memory_space<vmem>> -> memref<1x128xi32, #tpu.memory_space<vmem>>
    %dma_start3A_3341 = tpu.memref_squeeze %dma_start3A_3340 : memref<1x128xi32, #tpu.memory_space<vmem>> -> memref<128xi32, #tpu.memory_space<vmem>>
    %dma_start3A_3342 = arith.constant 0 : i32
    %dma_start3A_3343 = arith.constant 0 : i32
    %dma_start3A_3344 = tpu.memref_slice %arg4[%dma_start3A_3342, %dma_start3A_3343] : memref<1300000x16xf32, #tpu.memory_space<hbm>> -> memref<1300000x16xf32, #tpu.memory_space<hbm>>
    %dma_start3A_3345 = tpu.memref_slice %arg13[%dma_start3A_3334] : memref<2x!tpu.dma_semaphore, #tpu.memory_space<semaphore_mem>> -> memref<1x!tpu.dma_semaphore, #tpu.memory_space<semaphore_mem>>
    %dma_start3A_3346 = tpu.memref_squeeze %dma_start3A_3345 : memref<1x!tpu.dma_semaphore, #tpu.memory_space<semaphore_mem>> -> memref<!tpu.dma_semaphore, #tpu.memory_space<semaphore_mem>>
    tpu.enqueue_indirect_dma source(%dma_start3A_3344 : memref<1300000x16xf32, #tpu.memory_space<hbm>>) target(%dma_start3A_3338 : memref<128x16xf32, #tpu.memory_space<vmem>>) offsets(%dma_start3A_3341 : memref<128xi32, #tpu.memory_space<vmem>>) semaphore(%dma_start3A_3346 : memref<!tpu.dma_semaphore, #tpu.memory_space<semaphore_mem>>)
    %dma_wait3A_3347 = arith.constant 18 : i32
    %dma_wait3A_3348 = arith.constant 0 : i32
    %dma_wait3A_3349 = arith.constant 0 : i32
    %dma_wait3A_3350 = arith.constant 0 : i32
    %dma_wait3A_3351 = arith.constant 0 : i32
    %dma_wait3A_3352 = tpu.memref_slice %arg10[%dma_wait3A_3348, %dma_wait3A_3350, %dma_wait3A_3351] : memref<2x128x16xf32, #tpu.memory_space<vmem>> -> memref<1x128x16xf32, #tpu.memory_space<vmem>>
    %dma_wait3A_3353 = tpu.memref_squeeze %dma_wait3A_3352 : memref<1x128x16xf32, #tpu.memory_space<vmem>> -> memref<128x16xf32, #tpu.memory_space<vmem>>
    %dma_wait3A_3354 = arith.constant 0 : i32
    %dma_wait3A_3355 = tpu.memref_slice %arg7[%dma_wait3A_3347, %dma_wait3A_3354] : memref<26x128xi32, #tpu.memory_space<vmem>> -> memref<1x128xi32, #tpu.memory_space<vmem>>
    %dma_wait3A_3356 = tpu.memref_squeeze %dma_wait3A_3355 : memref<1x128xi32, #tpu.memory_space<vmem>> -> memref<128xi32, #tpu.memory_space<vmem>>
    %dma_wait3A_3357 = arith.constant 0 : i32
    %dma_wait3A_3358 = arith.constant 0 : i32
    %dma_wait3A_3359 = tpu.memref_slice %arg4[%dma_wait3A_3357, %dma_wait3A_3358] : memref<1300000x16xf32, #tpu.memory_space<hbm>> -> memref<1300000x16xf32, #tpu.memory_space<hbm>>
    %dma_wait3A_3360 = tpu.memref_slice %arg13[%dma_wait3A_3349] : memref<2x!tpu.dma_semaphore, #tpu.memory_space<semaphore_mem>> -> memref<1x!tpu.dma_semaphore, #tpu.memory_space<semaphore_mem>>
    %dma_wait3A_3361 = tpu.memref_squeeze %dma_wait3A_3360 : memref<1x!tpu.dma_semaphore, #tpu.memory_space<semaphore_mem>> -> memref<!tpu.dma_semaphore, #tpu.memory_space<semaphore_mem>>
    tpu.wait_indirect_dma semaphore(%dma_wait3A_3361 : memref<!tpu.dma_semaphore, #tpu.memory_space<semaphore_mem>>) src(%dma_wait3A_3359 : memref<1300000x16xf32, #tpu.memory_space<hbm>>) dst(%dma_wait3A_3353 : memref<128x16xf32, #tpu.memory_space<vmem>>)
    %run_scoped3A_3362 = arith.constant 0 : i32
    "tpu.region"() ({
      %run_scoped3A_3565 = tpu.sem_alloc : memref<!tpu.dma_semaphore, #tpu.memory_space<semaphore_mem>>
      %dma_start3A_3566 = arith.constant 0 : i32
      %dma_start3A_3567 = arith.constant 0 : i32
      %dma_start3A_3568 = tpu.memref_slice %arg10[%run_scoped3A_3362, %dma_start3A_3566, %dma_start3A_3567] : memref<2x128x16xf32, #tpu.memory_space<vmem>> -> memref<1x128x16xf32, #tpu.memory_space<vmem>>
      %dma_start3A_3569 = tpu.memref_squeeze %dma_start3A_3568 : memref<1x128x16xf32, #tpu.memory_space<vmem>> -> memref<128x16xf32, #tpu.memory_space<vmem>>
      %dma_start3A_3570 = arith.constant 0 : i32
      %dma_start3A_3571 = arith.constant 0 : i32
      %dma_start3A_3572 = tpu.memref_slice %arg12[%dma_start3A_3570, %dma_start3A_3571] : memref<2048x16xf32, #tpu.memory_space<vmem_shared>> -> memref<2048x16xf32, #tpu.memory_space<vmem_shared>>
      tpu.enqueue_indirect_dma source(%dma_start3A_3569 : memref<128x16xf32, #tpu.memory_space<vmem>>) target(%dma_start3A_3572 : memref<2048x16xf32, #tpu.memory_space<vmem_shared>>) offsets(%arg8 : memref<128xi32, #tpu.memory_space<vmem>>) semaphore(%run_scoped3A_3565 : memref<!tpu.dma_semaphore, #tpu.memory_space<semaphore_mem>>) {add = true}
      %dma_wait3A_3573 = arith.constant 0 : i32
      %dma_wait3A_3574 = arith.constant 0 : i32
      %dma_wait3A_3575 = tpu.memref_slice %arg10[%run_scoped3A_3362, %dma_wait3A_3573, %dma_wait3A_3574] : memref<2x128x16xf32, #tpu.memory_space<vmem>> -> memref<1x128x16xf32, #tpu.memory_space<vmem>>
      %dma_wait3A_3576 = tpu.memref_squeeze %dma_wait3A_3575 : memref<1x128x16xf32, #tpu.memory_space<vmem>> -> memref<128x16xf32, #tpu.memory_space<vmem>>
      %dma_wait3A_3577 = arith.constant 0 : i32
      %dma_wait3A_3578 = arith.constant 0 : i32
      %dma_wait3A_3579 = tpu.memref_slice %arg12[%dma_wait3A_3577, %dma_wait3A_3578] : memref<2048x16xf32, #tpu.memory_space<vmem_shared>> -> memref<2048x16xf32, #tpu.memory_space<vmem_shared>>
      tpu.wait_indirect_dma semaphore(%run_scoped3A_3565 : memref<!tpu.dma_semaphore, #tpu.memory_space<semaphore_mem>>) src(%dma_wait3A_3576 : memref<128x16xf32, #tpu.memory_space<vmem>>) dst(%dma_wait3A_3579 : memref<2048x16xf32, #tpu.memory_space<vmem_shared>>)
      tpu.yield
    }) : () -> ()
    %dma_start3A_3363 = arith.constant 20 : i32
    %dma_start3A_3364 = arith.constant 0 : i32
    %dma_start3A_3365 = arith.constant 0 : i32
    %dma_start3A_3366 = arith.constant 0 : i32
    %dma_start3A_3367 = arith.constant 0 : i32
    %dma_start3A_3368 = tpu.memref_slice %arg10[%dma_start3A_3364, %dma_start3A_3366, %dma_start3A_3367] : memref<2x128x16xf32, #tpu.memory_space<vmem>> -> memref<1x128x16xf32, #tpu.memory_space<vmem>>
    %dma_start3A_3369 = tpu.memref_squeeze %dma_start3A_3368 : memref<1x128x16xf32, #tpu.memory_space<vmem>> -> memref<128x16xf32, #tpu.memory_space<vmem>>
    %dma_start3A_3370 = arith.constant 0 : i32
    %dma_start3A_3371 = tpu.memref_slice %arg7[%dma_start3A_3363, %dma_start3A_3370] : memref<26x128xi32, #tpu.memory_space<vmem>> -> memref<1x128xi32, #tpu.memory_space<vmem>>
    %dma_start3A_3372 = tpu.memref_squeeze %dma_start3A_3371 : memref<1x128xi32, #tpu.memory_space<vmem>> -> memref<128xi32, #tpu.memory_space<vmem>>
    %dma_start3A_3373 = arith.constant 0 : i32
    %dma_start3A_3374 = arith.constant 0 : i32
    %dma_start3A_3375 = tpu.memref_slice %arg4[%dma_start3A_3373, %dma_start3A_3374] : memref<1300000x16xf32, #tpu.memory_space<hbm>> -> memref<1300000x16xf32, #tpu.memory_space<hbm>>
    %dma_start3A_3376 = tpu.memref_slice %arg13[%dma_start3A_3365] : memref<2x!tpu.dma_semaphore, #tpu.memory_space<semaphore_mem>> -> memref<1x!tpu.dma_semaphore, #tpu.memory_space<semaphore_mem>>
    %dma_start3A_3377 = tpu.memref_squeeze %dma_start3A_3376 : memref<1x!tpu.dma_semaphore, #tpu.memory_space<semaphore_mem>> -> memref<!tpu.dma_semaphore, #tpu.memory_space<semaphore_mem>>
    tpu.enqueue_indirect_dma source(%dma_start3A_3375 : memref<1300000x16xf32, #tpu.memory_space<hbm>>) target(%dma_start3A_3369 : memref<128x16xf32, #tpu.memory_space<vmem>>) offsets(%dma_start3A_3372 : memref<128xi32, #tpu.memory_space<vmem>>) semaphore(%dma_start3A_3377 : memref<!tpu.dma_semaphore, #tpu.memory_space<semaphore_mem>>)
    %dma_wait3A_3378 = arith.constant 19 : i32
    %dma_wait3A_3379 = arith.constant 1 : i32
    %dma_wait3A_3380 = arith.constant 1 : i32
    %dma_wait3A_3381 = arith.constant 0 : i32
    %dma_wait3A_3382 = arith.constant 0 : i32
    %dma_wait3A_3383 = tpu.memref_slice %arg10[%dma_wait3A_3379, %dma_wait3A_3381, %dma_wait3A_3382] : memref<2x128x16xf32, #tpu.memory_space<vmem>> -> memref<1x128x16xf32, #tpu.memory_space<vmem>>
    %dma_wait3A_3384 = tpu.memref_squeeze %dma_wait3A_3383 : memref<1x128x16xf32, #tpu.memory_space<vmem>> -> memref<128x16xf32, #tpu.memory_space<vmem>>
    %dma_wait3A_3385 = arith.constant 0 : i32
    %dma_wait3A_3386 = tpu.memref_slice %arg7[%dma_wait3A_3378, %dma_wait3A_3385] : memref<26x128xi32, #tpu.memory_space<vmem>> -> memref<1x128xi32, #tpu.memory_space<vmem>>
    %dma_wait3A_3387 = tpu.memref_squeeze %dma_wait3A_3386 : memref<1x128xi32, #tpu.memory_space<vmem>> -> memref<128xi32, #tpu.memory_space<vmem>>
    %dma_wait3A_3388 = arith.constant 0 : i32
    %dma_wait3A_3389 = arith.constant 0 : i32
    %dma_wait3A_3390 = tpu.memref_slice %arg4[%dma_wait3A_3388, %dma_wait3A_3389] : memref<1300000x16xf32, #tpu.memory_space<hbm>> -> memref<1300000x16xf32, #tpu.memory_space<hbm>>
    %dma_wait3A_3391 = tpu.memref_slice %arg13[%dma_wait3A_3380] : memref<2x!tpu.dma_semaphore, #tpu.memory_space<semaphore_mem>> -> memref<1x!tpu.dma_semaphore, #tpu.memory_space<semaphore_mem>>
    %dma_wait3A_3392 = tpu.memref_squeeze %dma_wait3A_3391 : memref<1x!tpu.dma_semaphore, #tpu.memory_space<semaphore_mem>> -> memref<!tpu.dma_semaphore, #tpu.memory_space<semaphore_mem>>
    tpu.wait_indirect_dma semaphore(%dma_wait3A_3392 : memref<!tpu.dma_semaphore, #tpu.memory_space<semaphore_mem>>) src(%dma_wait3A_3390 : memref<1300000x16xf32, #tpu.memory_space<hbm>>) dst(%dma_wait3A_3384 : memref<128x16xf32, #tpu.memory_space<vmem>>)
    %run_scoped3A_3393 = arith.constant 1 : i32
    "tpu.region"() ({
      %run_scoped3A_3565 = tpu.sem_alloc : memref<!tpu.dma_semaphore, #tpu.memory_space<semaphore_mem>>
      %dma_start3A_3566 = arith.constant 0 : i32
      %dma_start3A_3567 = arith.constant 0 : i32
      %dma_start3A_3568 = tpu.memref_slice %arg10[%run_scoped3A_3393, %dma_start3A_3566, %dma_start3A_3567] : memref<2x128x16xf32, #tpu.memory_space<vmem>> -> memref<1x128x16xf32, #tpu.memory_space<vmem>>
      %dma_start3A_3569 = tpu.memref_squeeze %dma_start3A_3568 : memref<1x128x16xf32, #tpu.memory_space<vmem>> -> memref<128x16xf32, #tpu.memory_space<vmem>>
      %dma_start3A_3570 = arith.constant 0 : i32
      %dma_start3A_3571 = arith.constant 0 : i32
      %dma_start3A_3572 = tpu.memref_slice %arg12[%dma_start3A_3570, %dma_start3A_3571] : memref<2048x16xf32, #tpu.memory_space<vmem_shared>> -> memref<2048x16xf32, #tpu.memory_space<vmem_shared>>
      tpu.enqueue_indirect_dma source(%dma_start3A_3569 : memref<128x16xf32, #tpu.memory_space<vmem>>) target(%dma_start3A_3572 : memref<2048x16xf32, #tpu.memory_space<vmem_shared>>) offsets(%arg8 : memref<128xi32, #tpu.memory_space<vmem>>) semaphore(%run_scoped3A_3565 : memref<!tpu.dma_semaphore, #tpu.memory_space<semaphore_mem>>) {add = true}
      %dma_wait3A_3573 = arith.constant 0 : i32
      %dma_wait3A_3574 = arith.constant 0 : i32
      %dma_wait3A_3575 = tpu.memref_slice %arg10[%run_scoped3A_3393, %dma_wait3A_3573, %dma_wait3A_3574] : memref<2x128x16xf32, #tpu.memory_space<vmem>> -> memref<1x128x16xf32, #tpu.memory_space<vmem>>
      %dma_wait3A_3576 = tpu.memref_squeeze %dma_wait3A_3575 : memref<1x128x16xf32, #tpu.memory_space<vmem>> -> memref<128x16xf32, #tpu.memory_space<vmem>>
      %dma_wait3A_3577 = arith.constant 0 : i32
      %dma_wait3A_3578 = arith.constant 0 : i32
      %dma_wait3A_3579 = tpu.memref_slice %arg12[%dma_wait3A_3577, %dma_wait3A_3578] : memref<2048x16xf32, #tpu.memory_space<vmem_shared>> -> memref<2048x16xf32, #tpu.memory_space<vmem_shared>>
      tpu.wait_indirect_dma semaphore(%run_scoped3A_3565 : memref<!tpu.dma_semaphore, #tpu.memory_space<semaphore_mem>>) src(%dma_wait3A_3576 : memref<128x16xf32, #tpu.memory_space<vmem>>) dst(%dma_wait3A_3579 : memref<2048x16xf32, #tpu.memory_space<vmem_shared>>)
      tpu.yield
    }) : () -> ()
    %dma_start3A_3394 = arith.constant 21 : i32
    %dma_start3A_3395 = arith.constant 1 : i32
    %dma_start3A_3396 = arith.constant 1 : i32
    %dma_start3A_3397 = arith.constant 0 : i32
    %dma_start3A_3398 = arith.constant 0 : i32
    %dma_start3A_3399 = tpu.memref_slice %arg10[%dma_start3A_3395, %dma_start3A_3397, %dma_start3A_3398] : memref<2x128x16xf32, #tpu.memory_space<vmem>> -> memref<1x128x16xf32, #tpu.memory_space<vmem>>
    %dma_start3A_3400 = tpu.memref_squeeze %dma_start3A_3399 : memref<1x128x16xf32, #tpu.memory_space<vmem>> -> memref<128x16xf32, #tpu.memory_space<vmem>>
    %dma_start3A_3401 = arith.constant 0 : i32
    %dma_start3A_3402 = tpu.memref_slice %arg7[%dma_start3A_3394, %dma_start3A_3401] : memref<26x128xi32, #tpu.memory_space<vmem>> -> memref<1x128xi32, #tpu.memory_space<vmem>>
    %dma_start3A_3403 = tpu.memref_squeeze %dma_start3A_3402 : memref<1x128xi32, #tpu.memory_space<vmem>> -> memref<128xi32, #tpu.memory_space<vmem>>
    %dma_start3A_3404 = arith.constant 0 : i32
    %dma_start3A_3405 = arith.constant 0 : i32
    %dma_start3A_3406 = tpu.memref_slice %arg4[%dma_start3A_3404, %dma_start3A_3405] : memref<1300000x16xf32, #tpu.memory_space<hbm>> -> memref<1300000x16xf32, #tpu.memory_space<hbm>>
    %dma_start3A_3407 = tpu.memref_slice %arg13[%dma_start3A_3396] : memref<2x!tpu.dma_semaphore, #tpu.memory_space<semaphore_mem>> -> memref<1x!tpu.dma_semaphore, #tpu.memory_space<semaphore_mem>>
    %dma_start3A_3408 = tpu.memref_squeeze %dma_start3A_3407 : memref<1x!tpu.dma_semaphore, #tpu.memory_space<semaphore_mem>> -> memref<!tpu.dma_semaphore, #tpu.memory_space<semaphore_mem>>
    tpu.enqueue_indirect_dma source(%dma_start3A_3406 : memref<1300000x16xf32, #tpu.memory_space<hbm>>) target(%dma_start3A_3400 : memref<128x16xf32, #tpu.memory_space<vmem>>) offsets(%dma_start3A_3403 : memref<128xi32, #tpu.memory_space<vmem>>) semaphore(%dma_start3A_3408 : memref<!tpu.dma_semaphore, #tpu.memory_space<semaphore_mem>>)
    %dma_wait3A_3409 = arith.constant 20 : i32
    %dma_wait3A_3410 = arith.constant 0 : i32
    %dma_wait3A_3411 = arith.constant 0 : i32
    %dma_wait3A_3412 = arith.constant 0 : i32
    %dma_wait3A_3413 = arith.constant 0 : i32
    %dma_wait3A_3414 = tpu.memref_slice %arg10[%dma_wait3A_3410, %dma_wait3A_3412, %dma_wait3A_3413] : memref<2x128x16xf32, #tpu.memory_space<vmem>> -> memref<1x128x16xf32, #tpu.memory_space<vmem>>
    %dma_wait3A_3415 = tpu.memref_squeeze %dma_wait3A_3414 : memref<1x128x16xf32, #tpu.memory_space<vmem>> -> memref<128x16xf32, #tpu.memory_space<vmem>>
    %dma_wait3A_3416 = arith.constant 0 : i32
    %dma_wait3A_3417 = tpu.memref_slice %arg7[%dma_wait3A_3409, %dma_wait3A_3416] : memref<26x128xi32, #tpu.memory_space<vmem>> -> memref<1x128xi32, #tpu.memory_space<vmem>>
    %dma_wait3A_3418 = tpu.memref_squeeze %dma_wait3A_3417 : memref<1x128xi32, #tpu.memory_space<vmem>> -> memref<128xi32, #tpu.memory_space<vmem>>
    %dma_wait3A_3419 = arith.constant 0 : i32
    %dma_wait3A_3420 = arith.constant 0 : i32
    %dma_wait3A_3421 = tpu.memref_slice %arg4[%dma_wait3A_3419, %dma_wait3A_3420] : memref<1300000x16xf32, #tpu.memory_space<hbm>> -> memref<1300000x16xf32, #tpu.memory_space<hbm>>
    %dma_wait3A_3422 = tpu.memref_slice %arg13[%dma_wait3A_3411] : memref<2x!tpu.dma_semaphore, #tpu.memory_space<semaphore_mem>> -> memref<1x!tpu.dma_semaphore, #tpu.memory_space<semaphore_mem>>
    %dma_wait3A_3423 = tpu.memref_squeeze %dma_wait3A_3422 : memref<1x!tpu.dma_semaphore, #tpu.memory_space<semaphore_mem>> -> memref<!tpu.dma_semaphore, #tpu.memory_space<semaphore_mem>>
    tpu.wait_indirect_dma semaphore(%dma_wait3A_3423 : memref<!tpu.dma_semaphore, #tpu.memory_space<semaphore_mem>>) src(%dma_wait3A_3421 : memref<1300000x16xf32, #tpu.memory_space<hbm>>) dst(%dma_wait3A_3415 : memref<128x16xf32, #tpu.memory_space<vmem>>)
    %run_scoped3A_3424 = arith.constant 0 : i32
    "tpu.region"() ({
      %run_scoped3A_3565 = tpu.sem_alloc : memref<!tpu.dma_semaphore, #tpu.memory_space<semaphore_mem>>
      %dma_start3A_3566 = arith.constant 0 : i32
      %dma_start3A_3567 = arith.constant 0 : i32
      %dma_start3A_3568 = tpu.memref_slice %arg10[%run_scoped3A_3424, %dma_start3A_3566, %dma_start3A_3567] : memref<2x128x16xf32, #tpu.memory_space<vmem>> -> memref<1x128x16xf32, #tpu.memory_space<vmem>>
      %dma_start3A_3569 = tpu.memref_squeeze %dma_start3A_3568 : memref<1x128x16xf32, #tpu.memory_space<vmem>> -> memref<128x16xf32, #tpu.memory_space<vmem>>
      %dma_start3A_3570 = arith.constant 0 : i32
      %dma_start3A_3571 = arith.constant 0 : i32
      %dma_start3A_3572 = tpu.memref_slice %arg12[%dma_start3A_3570, %dma_start3A_3571] : memref<2048x16xf32, #tpu.memory_space<vmem_shared>> -> memref<2048x16xf32, #tpu.memory_space<vmem_shared>>
      tpu.enqueue_indirect_dma source(%dma_start3A_3569 : memref<128x16xf32, #tpu.memory_space<vmem>>) target(%dma_start3A_3572 : memref<2048x16xf32, #tpu.memory_space<vmem_shared>>) offsets(%arg8 : memref<128xi32, #tpu.memory_space<vmem>>) semaphore(%run_scoped3A_3565 : memref<!tpu.dma_semaphore, #tpu.memory_space<semaphore_mem>>) {add = true}
      %dma_wait3A_3573 = arith.constant 0 : i32
      %dma_wait3A_3574 = arith.constant 0 : i32
      %dma_wait3A_3575 = tpu.memref_slice %arg10[%run_scoped3A_3424, %dma_wait3A_3573, %dma_wait3A_3574] : memref<2x128x16xf32, #tpu.memory_space<vmem>> -> memref<1x128x16xf32, #tpu.memory_space<vmem>>
      %dma_wait3A_3576 = tpu.memref_squeeze %dma_wait3A_3575 : memref<1x128x16xf32, #tpu.memory_space<vmem>> -> memref<128x16xf32, #tpu.memory_space<vmem>>
      %dma_wait3A_3577 = arith.constant 0 : i32
      %dma_wait3A_3578 = arith.constant 0 : i32
      %dma_wait3A_3579 = tpu.memref_slice %arg12[%dma_wait3A_3577, %dma_wait3A_3578] : memref<2048x16xf32, #tpu.memory_space<vmem_shared>> -> memref<2048x16xf32, #tpu.memory_space<vmem_shared>>
      tpu.wait_indirect_dma semaphore(%run_scoped3A_3565 : memref<!tpu.dma_semaphore, #tpu.memory_space<semaphore_mem>>) src(%dma_wait3A_3576 : memref<128x16xf32, #tpu.memory_space<vmem>>) dst(%dma_wait3A_3579 : memref<2048x16xf32, #tpu.memory_space<vmem_shared>>)
      tpu.yield
    }) : () -> ()
    %dma_start3A_3425 = arith.constant 22 : i32
    %dma_start3A_3426 = arith.constant 0 : i32
    %dma_start3A_3427 = arith.constant 0 : i32
    %dma_start3A_3428 = arith.constant 0 : i32
    %dma_start3A_3429 = arith.constant 0 : i32
    %dma_start3A_3430 = tpu.memref_slice %arg10[%dma_start3A_3426, %dma_start3A_3428, %dma_start3A_3429] : memref<2x128x16xf32, #tpu.memory_space<vmem>> -> memref<1x128x16xf32, #tpu.memory_space<vmem>>
    %dma_start3A_3431 = tpu.memref_squeeze %dma_start3A_3430 : memref<1x128x16xf32, #tpu.memory_space<vmem>> -> memref<128x16xf32, #tpu.memory_space<vmem>>
    %dma_start3A_3432 = arith.constant 0 : i32
    %dma_start3A_3433 = tpu.memref_slice %arg7[%dma_start3A_3425, %dma_start3A_3432] : memref<26x128xi32, #tpu.memory_space<vmem>> -> memref<1x128xi32, #tpu.memory_space<vmem>>
    %dma_start3A_3434 = tpu.memref_squeeze %dma_start3A_3433 : memref<1x128xi32, #tpu.memory_space<vmem>> -> memref<128xi32, #tpu.memory_space<vmem>>
    %dma_start3A_3435 = arith.constant 0 : i32
    %dma_start3A_3436 = arith.constant 0 : i32
    %dma_start3A_3437 = tpu.memref_slice %arg4[%dma_start3A_3435, %dma_start3A_3436] : memref<1300000x16xf32, #tpu.memory_space<hbm>> -> memref<1300000x16xf32, #tpu.memory_space<hbm>>
    %dma_start3A_3438 = tpu.memref_slice %arg13[%dma_start3A_3427] : memref<2x!tpu.dma_semaphore, #tpu.memory_space<semaphore_mem>> -> memref<1x!tpu.dma_semaphore, #tpu.memory_space<semaphore_mem>>
    %dma_start3A_3439 = tpu.memref_squeeze %dma_start3A_3438 : memref<1x!tpu.dma_semaphore, #tpu.memory_space<semaphore_mem>> -> memref<!tpu.dma_semaphore, #tpu.memory_space<semaphore_mem>>
    tpu.enqueue_indirect_dma source(%dma_start3A_3437 : memref<1300000x16xf32, #tpu.memory_space<hbm>>) target(%dma_start3A_3431 : memref<128x16xf32, #tpu.memory_space<vmem>>) offsets(%dma_start3A_3434 : memref<128xi32, #tpu.memory_space<vmem>>) semaphore(%dma_start3A_3439 : memref<!tpu.dma_semaphore, #tpu.memory_space<semaphore_mem>>)
    %dma_wait3A_3440 = arith.constant 21 : i32
    %dma_wait3A_3441 = arith.constant 1 : i32
    %dma_wait3A_3442 = arith.constant 1 : i32
    %dma_wait3A_3443 = arith.constant 0 : i32
    %dma_wait3A_3444 = arith.constant 0 : i32
    %dma_wait3A_3445 = tpu.memref_slice %arg10[%dma_wait3A_3441, %dma_wait3A_3443, %dma_wait3A_3444] : memref<2x128x16xf32, #tpu.memory_space<vmem>> -> memref<1x128x16xf32, #tpu.memory_space<vmem>>
    %dma_wait3A_3446 = tpu.memref_squeeze %dma_wait3A_3445 : memref<1x128x16xf32, #tpu.memory_space<vmem>> -> memref<128x16xf32, #tpu.memory_space<vmem>>
    %dma_wait3A_3447 = arith.constant 0 : i32
    %dma_wait3A_3448 = tpu.memref_slice %arg7[%dma_wait3A_3440, %dma_wait3A_3447] : memref<26x128xi32, #tpu.memory_space<vmem>> -> memref<1x128xi32, #tpu.memory_space<vmem>>
    %dma_wait3A_3449 = tpu.memref_squeeze %dma_wait3A_3448 : memref<1x128xi32, #tpu.memory_space<vmem>> -> memref<128xi32, #tpu.memory_space<vmem>>
    %dma_wait3A_3450 = arith.constant 0 : i32
    %dma_wait3A_3451 = arith.constant 0 : i32
    %dma_wait3A_3452 = tpu.memref_slice %arg4[%dma_wait3A_3450, %dma_wait3A_3451] : memref<1300000x16xf32, #tpu.memory_space<hbm>> -> memref<1300000x16xf32, #tpu.memory_space<hbm>>
    %dma_wait3A_3453 = tpu.memref_slice %arg13[%dma_wait3A_3442] : memref<2x!tpu.dma_semaphore, #tpu.memory_space<semaphore_mem>> -> memref<1x!tpu.dma_semaphore, #tpu.memory_space<semaphore_mem>>
    %dma_wait3A_3454 = tpu.memref_squeeze %dma_wait3A_3453 : memref<1x!tpu.dma_semaphore, #tpu.memory_space<semaphore_mem>> -> memref<!tpu.dma_semaphore, #tpu.memory_space<semaphore_mem>>
    tpu.wait_indirect_dma semaphore(%dma_wait3A_3454 : memref<!tpu.dma_semaphore, #tpu.memory_space<semaphore_mem>>) src(%dma_wait3A_3452 : memref<1300000x16xf32, #tpu.memory_space<hbm>>) dst(%dma_wait3A_3446 : memref<128x16xf32, #tpu.memory_space<vmem>>)
    %run_scoped3A_3455 = arith.constant 1 : i32
    "tpu.region"() ({
      %run_scoped3A_3565 = tpu.sem_alloc : memref<!tpu.dma_semaphore, #tpu.memory_space<semaphore_mem>>
      %dma_start3A_3566 = arith.constant 0 : i32
      %dma_start3A_3567 = arith.constant 0 : i32
      %dma_start3A_3568 = tpu.memref_slice %arg10[%run_scoped3A_3455, %dma_start3A_3566, %dma_start3A_3567] : memref<2x128x16xf32, #tpu.memory_space<vmem>> -> memref<1x128x16xf32, #tpu.memory_space<vmem>>
      %dma_start3A_3569 = tpu.memref_squeeze %dma_start3A_3568 : memref<1x128x16xf32, #tpu.memory_space<vmem>> -> memref<128x16xf32, #tpu.memory_space<vmem>>
      %dma_start3A_3570 = arith.constant 0 : i32
      %dma_start3A_3571 = arith.constant 0 : i32
      %dma_start3A_3572 = tpu.memref_slice %arg12[%dma_start3A_3570, %dma_start3A_3571] : memref<2048x16xf32, #tpu.memory_space<vmem_shared>> -> memref<2048x16xf32, #tpu.memory_space<vmem_shared>>
      tpu.enqueue_indirect_dma source(%dma_start3A_3569 : memref<128x16xf32, #tpu.memory_space<vmem>>) target(%dma_start3A_3572 : memref<2048x16xf32, #tpu.memory_space<vmem_shared>>) offsets(%arg8 : memref<128xi32, #tpu.memory_space<vmem>>) semaphore(%run_scoped3A_3565 : memref<!tpu.dma_semaphore, #tpu.memory_space<semaphore_mem>>) {add = true}
      %dma_wait3A_3573 = arith.constant 0 : i32
      %dma_wait3A_3574 = arith.constant 0 : i32
      %dma_wait3A_3575 = tpu.memref_slice %arg10[%run_scoped3A_3455, %dma_wait3A_3573, %dma_wait3A_3574] : memref<2x128x16xf32, #tpu.memory_space<vmem>> -> memref<1x128x16xf32, #tpu.memory_space<vmem>>
      %dma_wait3A_3576 = tpu.memref_squeeze %dma_wait3A_3575 : memref<1x128x16xf32, #tpu.memory_space<vmem>> -> memref<128x16xf32, #tpu.memory_space<vmem>>
      %dma_wait3A_3577 = arith.constant 0 : i32
      %dma_wait3A_3578 = arith.constant 0 : i32
      %dma_wait3A_3579 = tpu.memref_slice %arg12[%dma_wait3A_3577, %dma_wait3A_3578] : memref<2048x16xf32, #tpu.memory_space<vmem_shared>> -> memref<2048x16xf32, #tpu.memory_space<vmem_shared>>
      tpu.wait_indirect_dma semaphore(%run_scoped3A_3565 : memref<!tpu.dma_semaphore, #tpu.memory_space<semaphore_mem>>) src(%dma_wait3A_3576 : memref<128x16xf32, #tpu.memory_space<vmem>>) dst(%dma_wait3A_3579 : memref<2048x16xf32, #tpu.memory_space<vmem_shared>>)
      tpu.yield
    }) : () -> ()
    %dma_start3A_3456 = arith.constant 23 : i32
    %dma_start3A_3457 = arith.constant 1 : i32
    %dma_start3A_3458 = arith.constant 1 : i32
    %dma_start3A_3459 = arith.constant 0 : i32
    %dma_start3A_3460 = arith.constant 0 : i32
    %dma_start3A_3461 = tpu.memref_slice %arg10[%dma_start3A_3457, %dma_start3A_3459, %dma_start3A_3460] : memref<2x128x16xf32, #tpu.memory_space<vmem>> -> memref<1x128x16xf32, #tpu.memory_space<vmem>>
    %dma_start3A_3462 = tpu.memref_squeeze %dma_start3A_3461 : memref<1x128x16xf32, #tpu.memory_space<vmem>> -> memref<128x16xf32, #tpu.memory_space<vmem>>
    %dma_start3A_3463 = arith.constant 0 : i32
    %dma_start3A_3464 = tpu.memref_slice %arg7[%dma_start3A_3456, %dma_start3A_3463] : memref<26x128xi32, #tpu.memory_space<vmem>> -> memref<1x128xi32, #tpu.memory_space<vmem>>
    %dma_start3A_3465 = tpu.memref_squeeze %dma_start3A_3464 : memref<1x128xi32, #tpu.memory_space<vmem>> -> memref<128xi32, #tpu.memory_space<vmem>>
    %dma_start3A_3466 = arith.constant 0 : i32
    %dma_start3A_3467 = arith.constant 0 : i32
    %dma_start3A_3468 = tpu.memref_slice %arg4[%dma_start3A_3466, %dma_start3A_3467] : memref<1300000x16xf32, #tpu.memory_space<hbm>> -> memref<1300000x16xf32, #tpu.memory_space<hbm>>
    %dma_start3A_3469 = tpu.memref_slice %arg13[%dma_start3A_3458] : memref<2x!tpu.dma_semaphore, #tpu.memory_space<semaphore_mem>> -> memref<1x!tpu.dma_semaphore, #tpu.memory_space<semaphore_mem>>
    %dma_start3A_3470 = tpu.memref_squeeze %dma_start3A_3469 : memref<1x!tpu.dma_semaphore, #tpu.memory_space<semaphore_mem>> -> memref<!tpu.dma_semaphore, #tpu.memory_space<semaphore_mem>>
    tpu.enqueue_indirect_dma source(%dma_start3A_3468 : memref<1300000x16xf32, #tpu.memory_space<hbm>>) target(%dma_start3A_3462 : memref<128x16xf32, #tpu.memory_space<vmem>>) offsets(%dma_start3A_3465 : memref<128xi32, #tpu.memory_space<vmem>>) semaphore(%dma_start3A_3470 : memref<!tpu.dma_semaphore, #tpu.memory_space<semaphore_mem>>)
    %dma_wait3A_3471 = arith.constant 22 : i32
    %dma_wait3A_3472 = arith.constant 0 : i32
    %dma_wait3A_3473 = arith.constant 0 : i32
    %dma_wait3A_3474 = arith.constant 0 : i32
    %dma_wait3A_3475 = arith.constant 0 : i32
    %dma_wait3A_3476 = tpu.memref_slice %arg10[%dma_wait3A_3472, %dma_wait3A_3474, %dma_wait3A_3475] : memref<2x128x16xf32, #tpu.memory_space<vmem>> -> memref<1x128x16xf32, #tpu.memory_space<vmem>>
    %dma_wait3A_3477 = tpu.memref_squeeze %dma_wait3A_3476 : memref<1x128x16xf32, #tpu.memory_space<vmem>> -> memref<128x16xf32, #tpu.memory_space<vmem>>
    %dma_wait3A_3478 = arith.constant 0 : i32
    %dma_wait3A_3479 = tpu.memref_slice %arg7[%dma_wait3A_3471, %dma_wait3A_3478] : memref<26x128xi32, #tpu.memory_space<vmem>> -> memref<1x128xi32, #tpu.memory_space<vmem>>
    %dma_wait3A_3480 = tpu.memref_squeeze %dma_wait3A_3479 : memref<1x128xi32, #tpu.memory_space<vmem>> -> memref<128xi32, #tpu.memory_space<vmem>>
    %dma_wait3A_3481 = arith.constant 0 : i32
    %dma_wait3A_3482 = arith.constant 0 : i32
    %dma_wait3A_3483 = tpu.memref_slice %arg4[%dma_wait3A_3481, %dma_wait3A_3482] : memref<1300000x16xf32, #tpu.memory_space<hbm>> -> memref<1300000x16xf32, #tpu.memory_space<hbm>>
    %dma_wait3A_3484 = tpu.memref_slice %arg13[%dma_wait3A_3473] : memref<2x!tpu.dma_semaphore, #tpu.memory_space<semaphore_mem>> -> memref<1x!tpu.dma_semaphore, #tpu.memory_space<semaphore_mem>>
    %dma_wait3A_3485 = tpu.memref_squeeze %dma_wait3A_3484 : memref<1x!tpu.dma_semaphore, #tpu.memory_space<semaphore_mem>> -> memref<!tpu.dma_semaphore, #tpu.memory_space<semaphore_mem>>
    tpu.wait_indirect_dma semaphore(%dma_wait3A_3485 : memref<!tpu.dma_semaphore, #tpu.memory_space<semaphore_mem>>) src(%dma_wait3A_3483 : memref<1300000x16xf32, #tpu.memory_space<hbm>>) dst(%dma_wait3A_3477 : memref<128x16xf32, #tpu.memory_space<vmem>>)
    %run_scoped3A_3486 = arith.constant 0 : i32
    "tpu.region"() ({
      %run_scoped3A_3565 = tpu.sem_alloc : memref<!tpu.dma_semaphore, #tpu.memory_space<semaphore_mem>>
      %dma_start3A_3566 = arith.constant 0 : i32
      %dma_start3A_3567 = arith.constant 0 : i32
      %dma_start3A_3568 = tpu.memref_slice %arg10[%run_scoped3A_3486, %dma_start3A_3566, %dma_start3A_3567] : memref<2x128x16xf32, #tpu.memory_space<vmem>> -> memref<1x128x16xf32, #tpu.memory_space<vmem>>
      %dma_start3A_3569 = tpu.memref_squeeze %dma_start3A_3568 : memref<1x128x16xf32, #tpu.memory_space<vmem>> -> memref<128x16xf32, #tpu.memory_space<vmem>>
      %dma_start3A_3570 = arith.constant 0 : i32
      %dma_start3A_3571 = arith.constant 0 : i32
      %dma_start3A_3572 = tpu.memref_slice %arg12[%dma_start3A_3570, %dma_start3A_3571] : memref<2048x16xf32, #tpu.memory_space<vmem_shared>> -> memref<2048x16xf32, #tpu.memory_space<vmem_shared>>
      tpu.enqueue_indirect_dma source(%dma_start3A_3569 : memref<128x16xf32, #tpu.memory_space<vmem>>) target(%dma_start3A_3572 : memref<2048x16xf32, #tpu.memory_space<vmem_shared>>) offsets(%arg8 : memref<128xi32, #tpu.memory_space<vmem>>) semaphore(%run_scoped3A_3565 : memref<!tpu.dma_semaphore, #tpu.memory_space<semaphore_mem>>) {add = true}
      %dma_wait3A_3573 = arith.constant 0 : i32
      %dma_wait3A_3574 = arith.constant 0 : i32
      %dma_wait3A_3575 = tpu.memref_slice %arg10[%run_scoped3A_3486, %dma_wait3A_3573, %dma_wait3A_3574] : memref<2x128x16xf32, #tpu.memory_space<vmem>> -> memref<1x128x16xf32, #tpu.memory_space<vmem>>
      %dma_wait3A_3576 = tpu.memref_squeeze %dma_wait3A_3575 : memref<1x128x16xf32, #tpu.memory_space<vmem>> -> memref<128x16xf32, #tpu.memory_space<vmem>>
      %dma_wait3A_3577 = arith.constant 0 : i32
      %dma_wait3A_3578 = arith.constant 0 : i32
      %dma_wait3A_3579 = tpu.memref_slice %arg12[%dma_wait3A_3577, %dma_wait3A_3578] : memref<2048x16xf32, #tpu.memory_space<vmem_shared>> -> memref<2048x16xf32, #tpu.memory_space<vmem_shared>>
      tpu.wait_indirect_dma semaphore(%run_scoped3A_3565 : memref<!tpu.dma_semaphore, #tpu.memory_space<semaphore_mem>>) src(%dma_wait3A_3576 : memref<128x16xf32, #tpu.memory_space<vmem>>) dst(%dma_wait3A_3579 : memref<2048x16xf32, #tpu.memory_space<vmem_shared>>)
      tpu.yield
    }) : () -> ()
    %dma_start3A_3487 = arith.constant 24 : i32
    %dma_start3A_3488 = arith.constant 0 : i32
    %dma_start3A_3489 = arith.constant 0 : i32
    %dma_start3A_3490 = arith.constant 0 : i32
    %dma_start3A_3491 = arith.constant 0 : i32
    %dma_start3A_3492 = tpu.memref_slice %arg10[%dma_start3A_3488, %dma_start3A_3490, %dma_start3A_3491] : memref<2x128x16xf32, #tpu.memory_space<vmem>> -> memref<1x128x16xf32, #tpu.memory_space<vmem>>
    %dma_start3A_3493 = tpu.memref_squeeze %dma_start3A_3492 : memref<1x128x16xf32, #tpu.memory_space<vmem>> -> memref<128x16xf32, #tpu.memory_space<vmem>>
    %dma_start3A_3494 = arith.constant 0 : i32
    %dma_start3A_3495 = tpu.memref_slice %arg7[%dma_start3A_3487, %dma_start3A_3494] : memref<26x128xi32, #tpu.memory_space<vmem>> -> memref<1x128xi32, #tpu.memory_space<vmem>>
    %dma_start3A_3496 = tpu.memref_squeeze %dma_start3A_3495 : memref<1x128xi32, #tpu.memory_space<vmem>> -> memref<128xi32, #tpu.memory_space<vmem>>
    %dma_start3A_3497 = arith.constant 0 : i32
    %dma_start3A_3498 = arith.constant 0 : i32
    %dma_start3A_3499 = tpu.memref_slice %arg4[%dma_start3A_3497, %dma_start3A_3498] : memref<1300000x16xf32, #tpu.memory_space<hbm>> -> memref<1300000x16xf32, #tpu.memory_space<hbm>>
    %dma_start3A_3500 = tpu.memref_slice %arg13[%dma_start3A_3489] : memref<2x!tpu.dma_semaphore, #tpu.memory_space<semaphore_mem>> -> memref<1x!tpu.dma_semaphore, #tpu.memory_space<semaphore_mem>>
    %dma_start3A_3501 = tpu.memref_squeeze %dma_start3A_3500 : memref<1x!tpu.dma_semaphore, #tpu.memory_space<semaphore_mem>> -> memref<!tpu.dma_semaphore, #tpu.memory_space<semaphore_mem>>
    tpu.enqueue_indirect_dma source(%dma_start3A_3499 : memref<1300000x16xf32, #tpu.memory_space<hbm>>) target(%dma_start3A_3493 : memref<128x16xf32, #tpu.memory_space<vmem>>) offsets(%dma_start3A_3496 : memref<128xi32, #tpu.memory_space<vmem>>) semaphore(%dma_start3A_3501 : memref<!tpu.dma_semaphore, #tpu.memory_space<semaphore_mem>>)
    %dma_wait3A_3502 = arith.constant 23 : i32
    %dma_wait3A_3503 = arith.constant 1 : i32
    %dma_wait3A_3504 = arith.constant 1 : i32
    %dma_wait3A_3505 = arith.constant 0 : i32
    %dma_wait3A_3506 = arith.constant 0 : i32
    %dma_wait3A_3507 = tpu.memref_slice %arg10[%dma_wait3A_3503, %dma_wait3A_3505, %dma_wait3A_3506] : memref<2x128x16xf32, #tpu.memory_space<vmem>> -> memref<1x128x16xf32, #tpu.memory_space<vmem>>
    %dma_wait3A_3508 = tpu.memref_squeeze %dma_wait3A_3507 : memref<1x128x16xf32, #tpu.memory_space<vmem>> -> memref<128x16xf32, #tpu.memory_space<vmem>>
    %dma_wait3A_3509 = arith.constant 0 : i32
    %dma_wait3A_3510 = tpu.memref_slice %arg7[%dma_wait3A_3502, %dma_wait3A_3509] : memref<26x128xi32, #tpu.memory_space<vmem>> -> memref<1x128xi32, #tpu.memory_space<vmem>>
    %dma_wait3A_3511 = tpu.memref_squeeze %dma_wait3A_3510 : memref<1x128xi32, #tpu.memory_space<vmem>> -> memref<128xi32, #tpu.memory_space<vmem>>
    %dma_wait3A_3512 = arith.constant 0 : i32
    %dma_wait3A_3513 = arith.constant 0 : i32
    %dma_wait3A_3514 = tpu.memref_slice %arg4[%dma_wait3A_3512, %dma_wait3A_3513] : memref<1300000x16xf32, #tpu.memory_space<hbm>> -> memref<1300000x16xf32, #tpu.memory_space<hbm>>
    %dma_wait3A_3515 = tpu.memref_slice %arg13[%dma_wait3A_3504] : memref<2x!tpu.dma_semaphore, #tpu.memory_space<semaphore_mem>> -> memref<1x!tpu.dma_semaphore, #tpu.memory_space<semaphore_mem>>
    %dma_wait3A_3516 = tpu.memref_squeeze %dma_wait3A_3515 : memref<1x!tpu.dma_semaphore, #tpu.memory_space<semaphore_mem>> -> memref<!tpu.dma_semaphore, #tpu.memory_space<semaphore_mem>>
    tpu.wait_indirect_dma semaphore(%dma_wait3A_3516 : memref<!tpu.dma_semaphore, #tpu.memory_space<semaphore_mem>>) src(%dma_wait3A_3514 : memref<1300000x16xf32, #tpu.memory_space<hbm>>) dst(%dma_wait3A_3508 : memref<128x16xf32, #tpu.memory_space<vmem>>)
    %run_scoped3A_3517 = arith.constant 1 : i32
    "tpu.region"() ({
      %run_scoped3A_3565 = tpu.sem_alloc : memref<!tpu.dma_semaphore, #tpu.memory_space<semaphore_mem>>
      %dma_start3A_3566 = arith.constant 0 : i32
      %dma_start3A_3567 = arith.constant 0 : i32
      %dma_start3A_3568 = tpu.memref_slice %arg10[%run_scoped3A_3517, %dma_start3A_3566, %dma_start3A_3567] : memref<2x128x16xf32, #tpu.memory_space<vmem>> -> memref<1x128x16xf32, #tpu.memory_space<vmem>>
      %dma_start3A_3569 = tpu.memref_squeeze %dma_start3A_3568 : memref<1x128x16xf32, #tpu.memory_space<vmem>> -> memref<128x16xf32, #tpu.memory_space<vmem>>
      %dma_start3A_3570 = arith.constant 0 : i32
      %dma_start3A_3571 = arith.constant 0 : i32
      %dma_start3A_3572 = tpu.memref_slice %arg12[%dma_start3A_3570, %dma_start3A_3571] : memref<2048x16xf32, #tpu.memory_space<vmem_shared>> -> memref<2048x16xf32, #tpu.memory_space<vmem_shared>>
      tpu.enqueue_indirect_dma source(%dma_start3A_3569 : memref<128x16xf32, #tpu.memory_space<vmem>>) target(%dma_start3A_3572 : memref<2048x16xf32, #tpu.memory_space<vmem_shared>>) offsets(%arg8 : memref<128xi32, #tpu.memory_space<vmem>>) semaphore(%run_scoped3A_3565 : memref<!tpu.dma_semaphore, #tpu.memory_space<semaphore_mem>>) {add = true}
      %dma_wait3A_3573 = arith.constant 0 : i32
      %dma_wait3A_3574 = arith.constant 0 : i32
      %dma_wait3A_3575 = tpu.memref_slice %arg10[%run_scoped3A_3517, %dma_wait3A_3573, %dma_wait3A_3574] : memref<2x128x16xf32, #tpu.memory_space<vmem>> -> memref<1x128x16xf32, #tpu.memory_space<vmem>>
      %dma_wait3A_3576 = tpu.memref_squeeze %dma_wait3A_3575 : memref<1x128x16xf32, #tpu.memory_space<vmem>> -> memref<128x16xf32, #tpu.memory_space<vmem>>
      %dma_wait3A_3577 = arith.constant 0 : i32
      %dma_wait3A_3578 = arith.constant 0 : i32
      %dma_wait3A_3579 = tpu.memref_slice %arg12[%dma_wait3A_3577, %dma_wait3A_3578] : memref<2048x16xf32, #tpu.memory_space<vmem_shared>> -> memref<2048x16xf32, #tpu.memory_space<vmem_shared>>
      tpu.wait_indirect_dma semaphore(%run_scoped3A_3565 : memref<!tpu.dma_semaphore, #tpu.memory_space<semaphore_mem>>) src(%dma_wait3A_3576 : memref<128x16xf32, #tpu.memory_space<vmem>>) dst(%dma_wait3A_3579 : memref<2048x16xf32, #tpu.memory_space<vmem_shared>>)
      tpu.yield
    }) : () -> ()
    %dma_start3A_3518 = arith.constant 25 : i32
    %dma_start3A_3519 = arith.constant 1 : i32
    %dma_start3A_3520 = arith.constant 1 : i32
    %dma_start3A_3521 = arith.constant 0 : i32
    %dma_start3A_3522 = arith.constant 0 : i32
    %dma_start3A_3523 = tpu.memref_slice %arg10[%dma_start3A_3519, %dma_start3A_3521, %dma_start3A_3522] : memref<2x128x16xf32, #tpu.memory_space<vmem>> -> memref<1x128x16xf32, #tpu.memory_space<vmem>>
    %dma_start3A_3524 = tpu.memref_squeeze %dma_start3A_3523 : memref<1x128x16xf32, #tpu.memory_space<vmem>> -> memref<128x16xf32, #tpu.memory_space<vmem>>
    %dma_start3A_3525 = arith.constant 0 : i32
    %dma_start3A_3526 = tpu.memref_slice %arg7[%dma_start3A_3518, %dma_start3A_3525] : memref<26x128xi32, #tpu.memory_space<vmem>> -> memref<1x128xi32, #tpu.memory_space<vmem>>
    %dma_start3A_3527 = tpu.memref_squeeze %dma_start3A_3526 : memref<1x128xi32, #tpu.memory_space<vmem>> -> memref<128xi32, #tpu.memory_space<vmem>>
    %dma_start3A_3528 = arith.constant 0 : i32
    %dma_start3A_3529 = arith.constant 0 : i32
    %dma_start3A_3530 = tpu.memref_slice %arg4[%dma_start3A_3528, %dma_start3A_3529] : memref<1300000x16xf32, #tpu.memory_space<hbm>> -> memref<1300000x16xf32, #tpu.memory_space<hbm>>
    %dma_start3A_3531 = tpu.memref_slice %arg13[%dma_start3A_3520] : memref<2x!tpu.dma_semaphore, #tpu.memory_space<semaphore_mem>> -> memref<1x!tpu.dma_semaphore, #tpu.memory_space<semaphore_mem>>
    %dma_start3A_3532 = tpu.memref_squeeze %dma_start3A_3531 : memref<1x!tpu.dma_semaphore, #tpu.memory_space<semaphore_mem>> -> memref<!tpu.dma_semaphore, #tpu.memory_space<semaphore_mem>>
    tpu.enqueue_indirect_dma source(%dma_start3A_3530 : memref<1300000x16xf32, #tpu.memory_space<hbm>>) target(%dma_start3A_3524 : memref<128x16xf32, #tpu.memory_space<vmem>>) offsets(%dma_start3A_3527 : memref<128xi32, #tpu.memory_space<vmem>>) semaphore(%dma_start3A_3532 : memref<!tpu.dma_semaphore, #tpu.memory_space<semaphore_mem>>)
    %dma_wait3A_3533 = arith.constant 24 : i32
    %dma_wait3A_3534 = arith.constant 0 : i32
    %dma_wait3A_3535 = arith.constant 0 : i32
    %dma_wait3A_3536 = arith.constant 0 : i32
    %dma_wait3A_3537 = arith.constant 0 : i32
    %dma_wait3A_3538 = tpu.memref_slice %arg10[%dma_wait3A_3534, %dma_wait3A_3536, %dma_wait3A_3537] : memref<2x128x16xf32, #tpu.memory_space<vmem>> -> memref<1x128x16xf32, #tpu.memory_space<vmem>>
    %dma_wait3A_3539 = tpu.memref_squeeze %dma_wait3A_3538 : memref<1x128x16xf32, #tpu.memory_space<vmem>> -> memref<128x16xf32, #tpu.memory_space<vmem>>
    %dma_wait3A_3540 = arith.constant 0 : i32
    %dma_wait3A_3541 = tpu.memref_slice %arg7[%dma_wait3A_3533, %dma_wait3A_3540] : memref<26x128xi32, #tpu.memory_space<vmem>> -> memref<1x128xi32, #tpu.memory_space<vmem>>
    %dma_wait3A_3542 = tpu.memref_squeeze %dma_wait3A_3541 : memref<1x128xi32, #tpu.memory_space<vmem>> -> memref<128xi32, #tpu.memory_space<vmem>>
    %dma_wait3A_3543 = arith.constant 0 : i32
    %dma_wait3A_3544 = arith.constant 0 : i32
    %dma_wait3A_3545 = tpu.memref_slice %arg4[%dma_wait3A_3543, %dma_wait3A_3544] : memref<1300000x16xf32, #tpu.memory_space<hbm>> -> memref<1300000x16xf32, #tpu.memory_space<hbm>>
    %dma_wait3A_3546 = tpu.memref_slice %arg13[%dma_wait3A_3535] : memref<2x!tpu.dma_semaphore, #tpu.memory_space<semaphore_mem>> -> memref<1x!tpu.dma_semaphore, #tpu.memory_space<semaphore_mem>>
    %dma_wait3A_3547 = tpu.memref_squeeze %dma_wait3A_3546 : memref<1x!tpu.dma_semaphore, #tpu.memory_space<semaphore_mem>> -> memref<!tpu.dma_semaphore, #tpu.memory_space<semaphore_mem>>
    tpu.wait_indirect_dma semaphore(%dma_wait3A_3547 : memref<!tpu.dma_semaphore, #tpu.memory_space<semaphore_mem>>) src(%dma_wait3A_3545 : memref<1300000x16xf32, #tpu.memory_space<hbm>>) dst(%dma_wait3A_3539 : memref<128x16xf32, #tpu.memory_space<vmem>>)
    %run_scoped3A_3548 = arith.constant 0 : i32
    "tpu.region"() ({
      %run_scoped3A_3565 = tpu.sem_alloc : memref<!tpu.dma_semaphore, #tpu.memory_space<semaphore_mem>>
      %dma_start3A_3566 = arith.constant 0 : i32
      %dma_start3A_3567 = arith.constant 0 : i32
      %dma_start3A_3568 = tpu.memref_slice %arg10[%run_scoped3A_3548, %dma_start3A_3566, %dma_start3A_3567] : memref<2x128x16xf32, #tpu.memory_space<vmem>> -> memref<1x128x16xf32, #tpu.memory_space<vmem>>
      %dma_start3A_3569 = tpu.memref_squeeze %dma_start3A_3568 : memref<1x128x16xf32, #tpu.memory_space<vmem>> -> memref<128x16xf32, #tpu.memory_space<vmem>>
      %dma_start3A_3570 = arith.constant 0 : i32
      %dma_start3A_3571 = arith.constant 0 : i32
      %dma_start3A_3572 = tpu.memref_slice %arg12[%dma_start3A_3570, %dma_start3A_3571] : memref<2048x16xf32, #tpu.memory_space<vmem_shared>> -> memref<2048x16xf32, #tpu.memory_space<vmem_shared>>
      tpu.enqueue_indirect_dma source(%dma_start3A_3569 : memref<128x16xf32, #tpu.memory_space<vmem>>) target(%dma_start3A_3572 : memref<2048x16xf32, #tpu.memory_space<vmem_shared>>) offsets(%arg8 : memref<128xi32, #tpu.memory_space<vmem>>) semaphore(%run_scoped3A_3565 : memref<!tpu.dma_semaphore, #tpu.memory_space<semaphore_mem>>) {add = true}
      %dma_wait3A_3573 = arith.constant 0 : i32
      %dma_wait3A_3574 = arith.constant 0 : i32
      %dma_wait3A_3575 = tpu.memref_slice %arg10[%run_scoped3A_3548, %dma_wait3A_3573, %dma_wait3A_3574] : memref<2x128x16xf32, #tpu.memory_space<vmem>> -> memref<1x128x16xf32, #tpu.memory_space<vmem>>
      %dma_wait3A_3576 = tpu.memref_squeeze %dma_wait3A_3575 : memref<1x128x16xf32, #tpu.memory_space<vmem>> -> memref<128x16xf32, #tpu.memory_space<vmem>>
      %dma_wait3A_3577 = arith.constant 0 : i32
      %dma_wait3A_3578 = arith.constant 0 : i32
      %dma_wait3A_3579 = tpu.memref_slice %arg12[%dma_wait3A_3577, %dma_wait3A_3578] : memref<2048x16xf32, #tpu.memory_space<vmem_shared>> -> memref<2048x16xf32, #tpu.memory_space<vmem_shared>>
      tpu.wait_indirect_dma semaphore(%run_scoped3A_3565 : memref<!tpu.dma_semaphore, #tpu.memory_space<semaphore_mem>>) src(%dma_wait3A_3576 : memref<128x16xf32, #tpu.memory_space<vmem>>) dst(%dma_wait3A_3579 : memref<2048x16xf32, #tpu.memory_space<vmem_shared>>)
      tpu.yield
    }) : () -> ()
    %dma_wait3A_3549 = arith.constant 25 : i32
    %dma_wait3A_3550 = arith.constant 1 : i32
    %dma_wait3A_3551 = arith.constant 1 : i32
    %dma_wait3A_3552 = arith.constant 0 : i32
    %dma_wait3A_3553 = arith.constant 0 : i32
    %dma_wait3A_3554 = tpu.memref_slice %arg10[%dma_wait3A_3550, %dma_wait3A_3552, %dma_wait3A_3553] : memref<2x128x16xf32, #tpu.memory_space<vmem>> -> memref<1x128x16xf32, #tpu.memory_space<vmem>>
    %dma_wait3A_3555 = tpu.memref_squeeze %dma_wait3A_3554 : memref<1x128x16xf32, #tpu.memory_space<vmem>> -> memref<128x16xf32, #tpu.memory_space<vmem>>
    %dma_wait3A_3556 = arith.constant 0 : i32
    %dma_wait3A_3557 = tpu.memref_slice %arg7[%dma_wait3A_3549, %dma_wait3A_3556] : memref<26x128xi32, #tpu.memory_space<vmem>> -> memref<1x128xi32, #tpu.memory_space<vmem>>
    %dma_wait3A_3558 = tpu.memref_squeeze %dma_wait3A_3557 : memref<1x128xi32, #tpu.memory_space<vmem>> -> memref<128xi32, #tpu.memory_space<vmem>>
    %dma_wait3A_3559 = arith.constant 0 : i32
    %dma_wait3A_3560 = arith.constant 0 : i32
    %dma_wait3A_3561 = tpu.memref_slice %arg4[%dma_wait3A_3559, %dma_wait3A_3560] : memref<1300000x16xf32, #tpu.memory_space<hbm>> -> memref<1300000x16xf32, #tpu.memory_space<hbm>>
    %dma_wait3A_3562 = tpu.memref_slice %arg13[%dma_wait3A_3551] : memref<2x!tpu.dma_semaphore, #tpu.memory_space<semaphore_mem>> -> memref<1x!tpu.dma_semaphore, #tpu.memory_space<semaphore_mem>>
    %dma_wait3A_3563 = tpu.memref_squeeze %dma_wait3A_3562 : memref<1x!tpu.dma_semaphore, #tpu.memory_space<semaphore_mem>> -> memref<!tpu.dma_semaphore, #tpu.memory_space<semaphore_mem>>
    tpu.wait_indirect_dma semaphore(%dma_wait3A_3563 : memref<!tpu.dma_semaphore, #tpu.memory_space<semaphore_mem>>) src(%dma_wait3A_3561 : memref<1300000x16xf32, #tpu.memory_space<hbm>>) dst(%dma_wait3A_3555 : memref<128x16xf32, #tpu.memory_space<vmem>>)
    %run_scoped3A_3564 = arith.constant 1 : i32
    "tpu.region"() ({
      %run_scoped3A_3565 = tpu.sem_alloc : memref<!tpu.dma_semaphore, #tpu.memory_space<semaphore_mem>>
      %dma_start3A_3566 = arith.constant 0 : i32
      %dma_start3A_3567 = arith.constant 0 : i32
      %dma_start3A_3568 = tpu.memref_slice %arg10[%run_scoped3A_3564, %dma_start3A_3566, %dma_start3A_3567] : memref<2x128x16xf32, #tpu.memory_space<vmem>> -> memref<1x128x16xf32, #tpu.memory_space<vmem>>
      %dma_start3A_3569 = tpu.memref_squeeze %dma_start3A_3568 : memref<1x128x16xf32, #tpu.memory_space<vmem>> -> memref<128x16xf32, #tpu.memory_space<vmem>>
      %dma_start3A_3570 = arith.constant 0 : i32
      %dma_start3A_3571 = arith.constant 0 : i32
      %dma_start3A_3572 = tpu.memref_slice %arg12[%dma_start3A_3570, %dma_start3A_3571] : memref<2048x16xf32, #tpu.memory_space<vmem_shared>> -> memref<2048x16xf32, #tpu.memory_space<vmem_shared>>
      tpu.enqueue_indirect_dma source(%dma_start3A_3569 : memref<128x16xf32, #tpu.memory_space<vmem>>) target(%dma_start3A_3572 : memref<2048x16xf32, #tpu.memory_space<vmem_shared>>) offsets(%arg8 : memref<128xi32, #tpu.memory_space<vmem>>) semaphore(%run_scoped3A_3565 : memref<!tpu.dma_semaphore, #tpu.memory_space<semaphore_mem>>) {add = true}
      %dma_wait3A_3573 = arith.constant 0 : i32
      %dma_wait3A_3574 = arith.constant 0 : i32
      %dma_wait3A_3575 = tpu.memref_slice %arg10[%run_scoped3A_3564, %dma_wait3A_3573, %dma_wait3A_3574] : memref<2x128x16xf32, #tpu.memory_space<vmem>> -> memref<1x128x16xf32, #tpu.memory_space<vmem>>
      %dma_wait3A_3576 = tpu.memref_squeeze %dma_wait3A_3575 : memref<1x128x16xf32, #tpu.memory_space<vmem>> -> memref<128x16xf32, #tpu.memory_space<vmem>>
      %dma_wait3A_3577 = arith.constant 0 : i32
      %dma_wait3A_3578 = arith.constant 0 : i32
      %dma_wait3A_3579 = tpu.memref_slice %arg12[%dma_wait3A_3577, %dma_wait3A_3578] : memref<2048x16xf32, #tpu.memory_space<vmem_shared>> -> memref<2048x16xf32, #tpu.memory_space<vmem_shared>>
      tpu.wait_indirect_dma semaphore(%run_scoped3A_3565 : memref<!tpu.dma_semaphore, #tpu.memory_space<semaphore_mem>>) src(%dma_wait3A_3576 : memref<128x16xf32, #tpu.memory_space<vmem>>) dst(%dma_wait3A_3579 : memref<2048x16xf32, #tpu.memory_space<vmem_shared>>)
      tpu.yield
    }) : () -> ()
    "tpu.region"() ({
      %run_scoped3A_3565 = tpu.sem_alloc : memref<!tpu.dma_semaphore, #tpu.memory_space<semaphore_mem>>
      %dma_start3A_3566 = arith.constant 0 : i32
      %dma_start3A_3567 = tpu.memref_slice %arg5[%mul3A_2, %dma_start3A_3566] : memref<4096x64xf32, #tpu.memory_space<hbm>> -> memref<128x64xf32, #tpu.memory_space<hbm>>
      %dma_start3A_3568 = arith.constant 0 : i32
      %dma_start3A_3569 = tpu.memref_slice %arg11[%mul3A_4, %dma_start3A_3568] : memref<2048x64xf32, #tpu.memory_space<vmem_shared>> -> memref<128x64xf32, #tpu.memory_space<vmem_shared>>
      tpu.enqueue_dma source(%dma_start3A_3569 : memref<128x64xf32, #tpu.memory_space<vmem_shared>>) target(%dma_start3A_3567 : memref<128x64xf32, #tpu.memory_space<hbm>>) target_semaphore(%run_scoped3A_3565 : memref<!tpu.dma_semaphore, #tpu.memory_space<semaphore_mem>>)
      %dma_wait3A_3570 = arith.constant 0 : i32
      %dma_wait3A_3571 = tpu.memref_slice %arg5[%mul3A_2, %dma_wait3A_3570] : memref<4096x64xf32, #tpu.memory_space<hbm>> -> memref<128x64xf32, #tpu.memory_space<hbm>>
      %dma_wait3A_3572 = arith.constant 0 : i32
      %dma_wait3A_3573 = tpu.memref_slice %arg11[%mul3A_4, %dma_wait3A_3572] : memref<2048x64xf32, #tpu.memory_space<vmem_shared>> -> memref<128x64xf32, #tpu.memory_space<vmem_shared>>
      tpu.wait_dma2 semaphore(%run_scoped3A_3565 : memref<!tpu.dma_semaphore, #tpu.memory_space<semaphore_mem>>) src(%dma_wait3A_3573 : memref<128x64xf32, #tpu.memory_space<vmem_shared>>) dst(%dma_wait3A_3571 : memref<128x64xf32, #tpu.memory_space<hbm>>)
      tpu.yield
    }) : () -> ()
    "tpu.region"() ({
      %run_scoped3A_3565 = tpu.sem_alloc : memref<!tpu.dma_semaphore, #tpu.memory_space<semaphore_mem>>
      %dma_start3A_3566 = arith.constant 0 : i32
      %dma_start3A_3567 = tpu.memref_slice %arg6[%mul3A_2, %dma_start3A_3566] : memref<4096x16xf32, #tpu.memory_space<hbm>> -> memref<128x16xf32, #tpu.memory_space<hbm>>
      %dma_start3A_3568 = arith.constant 0 : i32
      %dma_start3A_3569 = tpu.memref_slice %arg12[%mul3A_4, %dma_start3A_3568] : memref<2048x16xf32, #tpu.memory_space<vmem_shared>> -> memref<128x16xf32, #tpu.memory_space<vmem_shared>>
      tpu.enqueue_dma source(%dma_start3A_3569 : memref<128x16xf32, #tpu.memory_space<vmem_shared>>) target(%dma_start3A_3567 : memref<128x16xf32, #tpu.memory_space<hbm>>) target_semaphore(%run_scoped3A_3565 : memref<!tpu.dma_semaphore, #tpu.memory_space<semaphore_mem>>)
      %dma_wait3A_3570 = arith.constant 0 : i32
      %dma_wait3A_3571 = tpu.memref_slice %arg6[%mul3A_2, %dma_wait3A_3570] : memref<4096x16xf32, #tpu.memory_space<hbm>> -> memref<128x16xf32, #tpu.memory_space<hbm>>
      %dma_wait3A_3572 = arith.constant 0 : i32
      %dma_wait3A_3573 = tpu.memref_slice %arg12[%mul3A_4, %dma_wait3A_3572] : memref<2048x16xf32, #tpu.memory_space<vmem_shared>> -> memref<128x16xf32, #tpu.memory_space<vmem_shared>>
      tpu.wait_dma2 semaphore(%run_scoped3A_3565 : memref<!tpu.dma_semaphore, #tpu.memory_space<semaphore_mem>>) src(%dma_wait3A_3573 : memref<128x16xf32, #tpu.memory_space<vmem_shared>>) dst(%dma_wait3A_3571 : memref<128x16xf32, #tpu.memory_space<hbm>>)
      tpu.yield
    }) : () -> ()
    return
  }
}

module attributes {stable_mosaic.version = 14 : i64} {
  func.func @_proj_body(%arg0: i32, %arg1: memref<512x64xf32, #tpu.memory_space<vmem>>, %arg2: memref<512x16xf32, #tpu.memory_space<vmem>>, %arg3: memref<64x16xf32, #tpu.memory_space<vmem>>, %arg4: memref<1x64xf32, #tpu.memory_space<vmem>>, %arg5: memref<512x64xf32, #tpu.memory_space<vmem>>) attributes {dimension_semantics = [#tpu.dimension_semantics<arbitrary>], iteration_bounds = array<i64: 8>, scalar_prefetch = 0 : i64, scratch_operands = 0 : i64, tpu.core_type = #tpu.core_type<tc>, window_params = [{transform_indices = @transform_0, window_bounds = array<i64: 512, 64>}, {transform_indices = @transform_1, window_bounds = array<i64: 512, 16>}, {pipeline_mode = #tpu.pipeline_mode<synchronous>, transform_indices = @transform_2, window_bounds = array<i64: 64, 16>}, {pipeline_mode = #tpu.pipeline_mode<synchronous>, transform_indices = @transform_3, window_bounds = array<i64: 1, 64>}, {transform_indices = @transform_4, window_bounds = array<i64: 512, 64>}]} {
    %get3A = arith.constant 0 : index
    %get3A_0 = arith.constant 0 : index
    %get3A_1 = vector.load %arg2[%get3A, %get3A_0] : memref<512x16xf32, #tpu.memory_space<vmem>>, vector<512x16xf32>
    %get3A_2 = arith.constant 0 : index
    %get3A_3 = arith.constant 0 : index
    %get3A_4 = vector.load %arg3[%get3A_2, %get3A_3] : memref<64x16xf32, #tpu.memory_space<vmem>>, vector<64x16xf32>
    %dot_general3A = arith.constant dense<0.000000e+00> : vector<512x64xf32>
    %dot_general3A_5 = tpu.matmul %get3A_1, %get3A_4, %dot_general3A {dimension_numbers = #tpu.dot_dimension_numbers<[1], [1], [0], [0], [0, 0, 1, 0], [], []>, transpose_lhs_hint = false} : vector<512x16xf32>, vector<64x16xf32>, vector<512x64xf32> -> vector<512x64xf32>
    %get3A_6 = arith.constant 0 : index
    %get3A_7 = arith.constant 0 : index
    %get3A_8 = vector.load %arg1[%get3A_6, %get3A_7] : memref<512x64xf32, #tpu.memory_space<vmem>>, vector<512x64xf32>
    %add3A = arith.addf %get3A_8, %dot_general3A_5 : vector<512x64xf32>
    %get3A_9 = arith.constant 0 : index
    %get3A_10 = arith.constant 0 : index
    %get3A_11 = vector.load %arg4[%get3A_9, %get3A_10] : memref<1x64xf32, #tpu.memory_space<vmem>>, vector<1x64xf32>
    %mul3A = arith.constant 1.300000e+01 : f32
    %mul3A_12 = vector.broadcast %mul3A : f32 to vector<1x64xf32>
    %mul3A_13 = arith.mulf %mul3A_12, %get3A_11 : vector<1x64xf32>
    %add3A_14 = vector.broadcast %mul3A_13 : vector<1x64xf32> to vector<512x64xf32>
    %add3A_15 = arith.addf %add3A, %add3A_14 : vector<512x64xf32>
    %swap3A = arith.constant 0 : index
    %swap3A_16 = arith.constant 0 : index
    %swap3A_17 = vector.load %arg5[%swap3A, %swap3A_16] : memref<512x64xf32, #tpu.memory_space<vmem>>, vector<512x64xf32>
    tpu.vector_store %arg5[%swap3A, %swap3A_16], %add3A_15 {strides = array<i32>} : memref<512x64xf32, #tpu.memory_space<vmem>>, vector<512x64xf32>,
    return
  }
  func.func @transform_0(%arg0: i32) -> (i32, i32) {
    %c0_i32 = arith.constant 0 : i32
    %c0_i32_0 = arith.constant 0 : i32
    return %arg0, %c0_i32 : i32, i32
  }
  func.func @transform_1(%arg0: i32) -> (i32, i32) {
    %c0_i32 = arith.constant 0 : i32
    %c0_i32_0 = arith.constant 0 : i32
    return %arg0, %c0_i32 : i32, i32
  }
  func.func @transform_2(%arg0: i32) -> (i32, i32) {
    %c0_i32 = arith.constant 0 : i32
    %c0_i32_0 = arith.constant 0 : i32
    %c0_i32_1 = arith.constant 0 : i32
    return %c0_i32, %c0_i32_0 : i32, i32
  }
  func.func @transform_3(%arg0: i32) -> (i32, i32) {
    %c0_i32 = arith.constant 0 : i32
    %c0_i32_0 = arith.constant 0 : i32
    %c0_i32_1 = arith.constant 0 : i32
    return %c0_i32, %c0_i32_0 : i32, i32
  }
  func.func @transform_4(%arg0: i32) -> (i32, i32) {
    %c0_i32 = arith.constant 0 : i32
    %c0_i32_0 = arith.constant 0 : i32
    return %arg0, %c0_i32 : i32, i32
  }
}

</mosaic_0001>

<sc_bundles>
// kernel: kernel.4.cloned.1.call-start
scs
__scs_entry_jumppad:
0x0: {  	(pc) =	sbr.rel $0x88, $3  }
0x1: {  	(tag) =	ssettag $0x0;
	lr =	simm.s32 $0x1  }
0x2: {  	[smem:$0x3F9C] =	sst lr;
	_ =	strace $0xD0000000  }
0x3: {  	_ = 	snop  }
0x4: {  	_ = 	snop  }
0x5: {  	_ = 	snop  }
0x6: {  	_ = 	snop  }
0x7: {  	_ = 	snop  }
__scs_overlays_trampoline_lowered:
0x8: {  	[smem:$0x3FAB] =	sst s0  }
0x9: {  	[smem:$0x3FAC] =	sst s1  }
0xa: {  	[smem:$0x3FAD] =	sst s2  }
0xb: {  	[smem:$0x3FAE] =	sst s3  }
0xc: {  	[smem:$0x3FAF] =	sst s4  }
0xd: {  	[smem:$0x3FB0] =	sst s5  }
0xe: {  	[smem:$0x3FB1] =	sst s6  }
0xf: {  	[smem:$0x3FB2] =	sst s7  }
0x10: {  	[smem:$0x3FB3] =	sst s8  }
0x11: {  	[smem:$0x3FB4] =	sst s9;
	s0 =	simm.s32 @!p0 $0x0  }
0x12: {  	s1 =	sld [smem:$0x3F9A];
	s0 =	simm.s32 @p0 $0x1  }
0x13: {  	[smem:$0x3FB5] =	sst s0;
	s0 =	simm.s32 @!p1 $0x0  }
0x14: {  	s2 =	sld [smem:$0x3F99];
	s0 =	simm.s32 @p1 $0x1  }
0x15: {  	[smem:$0x3FB6] =	sst s0;
	s0 =	simm.s32 @!p2 $0x0  }
0x16: {  	s3 =	sld [smem:$0x3FDB];
	s0 =	simm.s32 @p2 $0x1  }
0x17: {  	s4 =	simm.s32 $0x1BF5;
	[smem:$0x3FB8] =	sst s0  }
0x18: {  	s0 =	sld [smem:$0x3F9B];
	_ =	swait.ge [sflag:s4], $0x0  }
0x19: {  	s7 =	sld [smem:$0x3F9C]  }
0x1a: {  	s8 =	sadd.s32 $0xFFFFE003, lr  }
0x1b: {  	s9 =	sadd.s32 $0xFFFFFEF7, lr;
	s5 =	simm.s32 $0xFFFFFFFF;
	p2 =	slt.u32 s8, $0xFFFFF086  }
0x1c: {  	p1 =	slt.u32 s9, $0xF7A;
	s5 =	simm.s32 @!p2 $0x0  }
0x1d: {  	s5 =	simm.s32 @p1 $0x1;
	p0 =	seq.s32 s7, s2  }
0x1e: {  	s7 =	smul.u32 @!p0 $0xF7A, s2;
	p2 =	seq.s32 @!p0 s5, $0x0  }
0x1f: {  	s9 =	smul.u32 $0xF7A, s1;
	s8 =	simm.s32 @!p0 $0x1BF5;
	p2 =	por !p2, p0  }
0x20: {  	[sflag:s8] =	ssyncset.s32 @!p0 $0xFFFFF086;
	s6 =	sadd.s32 @!p0 s3, s7;
	s7 =	simm.s32 @!p0 $0x108  }
0x21: {  	s3 =	sadd.s32 s3, s9;
	s6 =	sadd.s32 @!p0 $0x88, s6;
	s7 =	simm.s32 @p2 $0x1082  }
0x22: {  	[simem:s7], [sflag:s8] =	dma.local @!p0 [hbm:s6], $0xF7A  }
0x23: {  	s9 =	sor.u32 $0xD0000000, s2;
	s6 =	simm.s32 $0x108;
	_ =	swait.ge @!p0 [sflag:s8], $0x0  }
0x24: {  	s3 =	sadd.s32 $0x88, s3;
	s6 =	simm.s32 @!p1 $0x1082;
	[sflag:s4] =	ssyncset.s32 $0xFFFFF086  }
0x25: {  	[simem:s6], [sflag:s4] =	dma.local [hbm:s3], $0xF7A  }
0x26: {  	[smem:$0x3F9C] =	sst s1;
	(tag) =	ssettag s2;
	_ =	strace s9  }
0x27: {  	s1 =	sld [smem:$0x3FAC]  }
0x28: {  	s2 =	sld [smem:$0x3FAD]  }
0x29: {  	s4 =	sld [smem:$0x3FAF]  }
0x2a: {  	p0 =	seq.s32 s5, $0x0;
	s5 =	sld [smem:$0x3FB0]  }
0x2b: {  	s6 =	sld [smem:$0x3FB1]  }
0x2c: {  	s7 =	sld [smem:$0x3FB2]  }
0x2d: {  	s3 =	simm.s32 $0x108;
	s8 =	sld [smem:$0x3FB3]  }
0x2e: {  	s3 =	simm.s32 @!p0 $0x1082;
	s9 =	sld [smem:$0x3FB4]  }
0x2f: {  	lr =	sadd.s32 s0, s3;
	s0 =	sld [smem:$0x3FAB]  }
0x30: {  	s3 =	sld [smem:$0x3FAE]  }
0x31: {  	[smem:$0x3FB7] =	sst s10  }
0x32: {  	s10 =	sld [smem:$0x3FB5];
	_ =	sdelay $0x3  }
0x33: {  	p0 =	seq.s32 s10, $0x1;
	s10 =	sld [smem:$0x3FB7];
	_ =	sdelay $0x3  }
0x34: {  	[smem:$0x3FB7] =	sst s10  }
0x35: {  	s10 =	sld [smem:$0x3FB6];
	_ =	sdelay $0x3  }
0x36: {  	p1 =	seq.s32 s10, $0x1;
	s10 =	sld [smem:$0x3FB7];
	_ =	sdelay $0x3  }
0x37: {  	[smem:$0x3FB7] =	sst s10  }
0x38: {  	s10 =	sld [smem:$0x3FB8]  }
0x39: {  	_ = 	snop;
	(pc) =	sbr.ind lr, $3  }
0x3a: {  	_ = 	snop  }
0x3b: {  	_ = 	snop  }
0x3c: {  	p2 =	seq.s32 s10, $0x1;
	s10 =	sld [smem:$0x3FB7]  }
0x3d: {  	_ =	shalt  }
0x3e: {  	_ =	shalt  }
0x3f: {  	_ =	shalt  }
0x40: {  	_ =	shalt  }
0x41: {  	_ =	shalt  }
0x42: {  	_ =	shalt  }
0x43: {  	_ =	shalt  }
0x44: {  	_ =	shalt  }
0x45: {  	_ =	shalt  }
0x46: {  	_ =	shalt  }
0x47: {  	_ =	shalt  }
0x48: {  	_ =	shalt  }
0x49: {  	_ =	shalt  }
0x4a: {  	_ =	shalt  }
0x4b: {  	_ =	shalt  }
0x4c: {  	_ =	shalt  }
0x4d: {  	_ =	shalt  }
0x4e: {  	_ =	shalt  }
0x4f: {  	_ =	shalt  }
0x50: {  	_ =	shalt  }
0x51: {  	_ =	shalt  }
0x52: {  	_ =	shalt  }
0x53: {  	_ =	shalt  }
0x54: {  	_ =	shalt  }
0x55: {  	_ =	shalt  }
0x56: {  	_ =	shalt  }
0x57: {  	_ =	shalt  }
0x58: {  	_ =	shalt  }
0x59: {  	_ =	shalt  }
0x5a: {  	_ =	shalt  }
0x5b: {  	_ =	shalt  }
0x5c: {  	_ =	shalt  }
0x5d: {  	_ =	shalt  }
0x5e: {  	_ =	shalt  }
0x5f: {  	_ =	shalt  }
0x60: {  	_ =	shalt  }
0x61: {  	_ =	shalt  }
0x62: {  	_ =	shalt  }
0x63: {  	_ =	shalt  }
0x64: {  	_ =	shalt  }
0x65: {  	_ =	shalt  }
0x66: {  	_ =	shalt  }
0x67: {  	_ =	shalt  }
0x68: {  	_ =	shalt  }
0x69: {  	_ =	shalt  }
0x6a: {  	_ =	shalt  }
0x6b: {  	_ =	shalt  }
0x6c: {  	_ =	shalt  }
0x6d: {  	_ =	shalt  }
0x6e: {  	_ =	shalt  }
0x6f: {  	_ =	shalt  }
0x70: {  	_ =	shalt  }
0x71: {  	_ =	shalt  }
0x72: {  	_ =	shalt  }
0x73: {  	_ =	shalt  }
0x74: {  	_ =	shalt  }
0x75: {  	_ =	shalt  }
0x76: {  	_ =	shalt  }
0x77: {  	_ =	shalt  }
0x78: {  	_ =	shalt  }
0x79: {  	_ =	shalt  }
0x7a: {  	_ =	shalt  }
0x7b: {  	_ =	shalt  }
0x7c: {  	_ =	shalt  }
0x7d: {  	_ =	shalt  }
0x7e: {  	_ =	shalt  }
0x7f: {  	_ =	shalt  }
0x80: {  	_ =	shalt  }
0x81: {  	_ =	shalt  }
0x82: {  	_ =	shalt  }
0x83: {  	_ =	shalt  }
0x84: {  	_ =	shalt  }
0x85: {  	_ =	shalt  }
0x86: {  	_ =	shalt  }
0x87: {  	_ =	shalt  }
.Lfunc_end0:
.L_simem_size_0:
called_computation_lowered:
.L_overlay_start_0:
0x88: {  	s2 =	sld [smem:$0x3FD9]  }
0x89: {  	s3 =	sld [smem:$0x3FFE];
	_ =	sdelay $0x1  }
0x8a: {  	s1 =	srdreg.scid  }
0x8b: {  	s0 =	sand.u32 $0x1, s1  }
0x8c: {  	s17 =	sshll.u32 s0, $0xA;
	s2 =	sadd.s32 s3, s2  }
0x8d: {  	s2 =	sadd.s32 s2, s17  }
0x8e: {  	[smem:$0x3FC3] =	sst s2  }
0x8f: {  	_ = 	snop  }
0x90: {  	s2 =	sld [smem:$0x3FD0];
	(tm) =	ssettm $0x1  }
0x91: {  	s18 =	sld [smem:$0x3FFB];
	_ =	sdelay $0x3  }
0x92: {  	_ =	strace s18  }
0x93: {  	s3 =	sld [smem:$0x3FFC];
	_ =	sdelay $0x3  }
0x94: {  	_ =	strace s3  }
0x95: {  	s3 =	sld [smem:$0x3FFD];
	_ =	sdelay $0x3  }
0x96: {  	_ =	strace s3  }
0x97: {  	_ =	strace $0x8FFFFFFF  }
0x98: {  	s19 =	sld [smem:$0x3FDB];
	_ =	sdelay $0x1  }
0x99: {  	s4 =	simm.s32 $_scs_section_size  }
0x9a: {  	s5 =	simm.s32 $_size__tile_overlayer_lowered;
	s6 =	simm.s32 $_tile_overlayer_lowered  }
0x9b: {  	s22 =	simm.s32 $0x1BFF;
	s21 =	sshll.u32 s6, $0x1;
	s3 =	sadd.s32 s4, s19  }
0x9c: {  	s7 =	simm.s32 $0x0;
	s20 =	sshll.u32 s5, $0x1;
	s5 =	sadd.s32 s21, s3  }
0x9d: {  	[timem:s7], [sflag:s22] =	dma.local [hbm:s5], s20  }
0x9e: {  	_ =	swait.ge [sflag:s22], s20  }
0x9f: {  	s4 =	ssub.s32 $0x0, s20;
	[sflag:s22] =	ssyncset.done $0x0  }
0xa0: {  	[sflag:s22] =	ssyncadd.s32 s4;
	_ =	sdelay $0x1  }
0xa1: {  	s23 =	simm.s32 $0x1B8B  }
0xa2: {  	_ =	swait.ge [sflag:s23], $0x1  }
0xa3: {  	[sflag:s23] =	ssyncset.done $0x0  }
0xa4: {  	s25 =	simm.s32 $0x1B8E;
	s24 =	sld [smem:$0x3FFE];
	[sflag:s23] =	ssyncadd.s32 $0xFFFFFFFF  }
0xa5: {  	s26 =	simm.s32 $execute0_lowered;
	[smem:$0x3FD2] =	sst s25  }
0xa6: {  	s5 =	sshll.u32 s26, $0x1;
	_ =	strace $0x80000046;
	[dreg:$0x1] =	wrdreg $0xFFFFFFFF  }
0xa7: {  	s28 =	simm.s32 $_size_execute0_lowered;
	s3 =	sadd.s32 s3, s5;
	[dreg:$0x0] =	wrdreg $0x0  }
0xa8: {  	s5 =	sshll.u32 s28, $0x1;
	[dreg:$0x2] =	wrdreg s3  }
0xa9: {  	[dreg:$0x3] =	wrdreg s5  }
0xaa: {  	[dreg:$0x4] =	wrdreg $0xC0  }
0xab: {  	_ =	task [dreg:s7], $0x5FFFF  }
0xac: {  	[dreg:$0x1] =	wrdreg $0xFFFFFFFF  }
0xad: {  	[dreg:$0x0] =	wrdreg $0x60  }
0xae: {  	[dreg:$0x2] =	wrdreg s24  }
0xaf: {  	[dreg:$0x3] =	wrdreg s2  }
0xb0: {  	[dreg:$0x4] =	wrdreg $0x5D800  }
0xb1: {  	[dreg:$0x5] =	wrdreg $0x7D800  }
0xb2: {  	[dreg:$0x6] =	wrdreg $0x9  }
0xb3: {  	_ =	task.clear_ibuf [dreg:s7], $0x7FFFF;
	_ =	strace $0x90000046  }
0xb4: {  	s29 =	simm.s32 $0x9;
	_ =	strace $0x80000048  }
0xb5: {  	_ =	swait.ge [sflag:s29], $0x1  }
0xb6: {  	[sflag:s29] =	ssyncadd.s32 $0xFFFFFFFF  }
0xb7: {  	_ =	strace $0x90000048  }
0xb8: {  	_ =	sfence  }
0xb9: {  	s30 =	sld [smem:$0x0];
	_ =	sdelay $0x2  }
0xba: {  	s31 =	sshll.u32 s1, $0xD;
	s1 =	sshrl.u32 s1, $0x2  }
0xbb: {  	s3 =	sand.u32 $0x4000, s31;
	s1 =	sadd.s32 s1, s30  }
0xbc: {  	s0 =	sor.u32 s3, s0;
	s1 =	sshll.u32 s1, $0x11  }
0xbd: {  	s0 =	sor.u32 s1, s0  }
0xbe: {  	s0 =	sadd.s32 $0x8F2B, s0  }
0xbf: {  	[sflag:s0] =	ssyncadd.remote.s32 $0x1  }
0xc0: {  	_ =	sfence.sel $0xFFFF  }
0xc1: {  	[dreg:$0x0] =	wrdreg $0xFFFFFFFF;
	(pc) =	sbr.abs _section_cstart, $3  }
0xc2: {  	[dreg:$0x1] =	wrdreg $0xFFFFFFFF  }
0xc3: {  	_ =	task.clear_ibuf [dreg:s7], $0x2FFFF;
	_ =	strace $0x9FFFFFFF  }
0xc4: {  	(tm) =	ssettm $0x7FFFFFFF  }
0xc5: {  	_ =	shalt  }
tec
execute0_lowered:
.L_overlay_start_1:
0x0: {  	(tag) =	ssettag $0x1  }
0x1: {  	s7 =	rddreg [dreg:$0x0]  }
0x2: {  	s8 =	rddreg [dreg:$0x1]  }
0x3: {  	s2 =	rddreg [dreg:$0x2]  }
0x4: {  	s3 =	rddreg [dreg:$0x3]  }
0x5: {  	s4 =	srdreg.scid;
	s0 =	rddreg [dreg:$0x4]  }
0x6: {  	s1 =	stileid.u32;
	s13 =	simm.s32 $0x280;
	s14 =	simm.s32 $0x300  }
0x7: {  	s16 =	simm.s32 $0x380;
	s17 =	simm.s32 $0x400;
	s28 =	simm.s32 $0x480  }
0x8: {  	s29 =	simm.s32 $0x500;
	s30 =	simm.s32 $0x580;
	s9 =	sand.u32 $0x1, s4  }
0x9: {  	s4 =	simm.s32 $0x0;
	s19 =	sshll.u32 s1, $0x7;
	s6 =	sadd.s32 $0x1DC2200, s7  }
0xa: {  	s15 =	sshll.u32 s1, $0xD;
	s18 =	sshll.u32 s1, $0xB;
	[smem:$0x7FF] =	sst s4  }
0xb: {  	s5 =	sshll.u32 s9, $0xB;
	_ =	strace $0x80000047;
	[dreg:$0xc] =	wrdreg s13  }
0xc: {  	s9 =	ssub.s32 $0x2, s9;
	s20 =	sor.u32 $0x10, s19;
	[dreg:$0xd] =	wrdreg s14  }
0xd: {  	s21 =	sor.u32 $0x20, s19;
	s22 =	sor.u32 $0x30, s19;
	[dreg:$0xe] =	wrdreg s16  }
0xe: {  	s23 =	sor.u32 $0x40, s19;
	s24 =	sor.u32 $0x50, s19;
	[dreg:$0xf] =	wrdreg s17  }
0xf: {  	s25 =	sor.u32 $0x60, s19;
	s26 =	sor.u32 $0x70, s19;
	[dreg:$0x10] =	wrdreg s28  }
0x10: {  	s10 =	sor.u32 s19, s5;
	s31 =	sshrl.u32 s9, $0x1;
	[dreg:$0x11] =	wrdreg s29  }
0x11: {  	[dreg:$0x12] =	wrdreg s30;
	s13 =	simm.s32 $0x680;
	s14 =	simm.s32 $0x700  }
0x12: {  	v7 =	vlaneseq.u32;
	s17 =	simm.s32 $0x800;
	s16 =	simm.s32 $0xD00;
	s28 =	simm.s32 $0x880  }
0x13: {  	v0 =	vor.u32 s19, v7;
	v1 =	vor.u32 s20, v7;
	s19 =	simm.s32 $0x900;
	s20 =	simm.s32 $0x980;
	v2 =	vor.u32 s21, v7;
	s21 =	simm.s32 $0xA00  }
0x14: {  	v3 =	vor.u32 s22, v7;
	v4 =	vor.u32 s23, v7;
	s22 =	simm.s32 $0xA80;
	s23 =	simm.s32 $0xB00;
	v5 =	vor.u32 s24, v7;
	s24 =	simm.s32 $0xB80  }
0x15: {  	v6 =	vor.u32 s25, v7;
	v7 =	vor.u32 s26, v7;
	s25 =	simm.s32 $0xC00;
	s26 =	simm.s32 $0xC80;
	[dreg:$0x14] =	wrdreg s13  }
0x16: {  	s5 =	sshrl.u32 s10, $0x3;
	s12 =	sshll.u32 s10, $0x1;
	[dreg:$0x15] =	wrdreg s14  }
0x17: {  	s10 =	sshll.u32 s10, $0x3;
	s9 =	ssub.s32 s9, s31;
	[dreg:$0x17] =	wrdreg s17  }
0x18: {  	s31 =	simm.s32 $0x600;
	s13 =	simm.s32 $0x2D80;
	[dreg:$0x18] =	wrdreg s28  }
0x19: {  	s11 =	sadd.s32 s5, s7;
	s8 =	sadd.s32 s8, s10;
	[dreg:$0x13] =	wrdreg s31  }
0x1a: {  	s5 =	sadd.s32 $0x13D7000, s7;
	s10 =	simm.s32 $0x100;
	[dreg:$0x6] =	wrdreg s8  }
0x1b: {  	s7 =	sadd.s32 s12, s7;
	s12 =	simm.s32 $0x200;
	[dreg:$0x9] =	wrdreg s10  }
0x1c: {  	s14 =	simm.s32 $0x1;
	s11 =	sadd.s32 $0xE00, s11;
	[dreg:$0xb] =	wrdreg s12  }
0x1d: {  	s17 =	simm.s32 $0x5580;
	s7 =	sadd.s32 $0x4200, s7;
	[dreg:$0x5] =	wrdreg s11  }
0x1e: {  	s9 =	smax.u32 s9, $0x1;
	s8 =	simm.s32 $0x1000;
	[dreg:$0x7] =	wrdreg s7  }
0x1f: {  	s10 =	simm.s32 $0x80;
	s12 =	simm.s32 $0xD80;
	[dreg:$0x8] =	wrdreg s8  }
0x20: {  	s11 =	simm.s32 $0x180;
	s7 =	sadd.s32 s15, s2;
	s8 =	sadd.s32 s18, s3  }
0x21: {  	s15 =	simm.s32 $0x780;
	s18 =	simm.s32 $0x4D80;
	[dreg:$0xa] =	wrdreg s11  }
0x22: {  	s11 =	simm.s32 $0x3;
	[dreg:$0x16] =	wrdreg s15;
	s15 =	simm.s32 $0x2  }
.LBB2_1:
0x23: {  	s28 =	rddreg [dreg:$0x5]  }
0x24: {  	s29 =	rddreg [dreg:$0x8]  }
0x25: {  	[tilespmem:s4], [sflag:$0x3] =	stream.strided.gather [hbm4b:s28+s10], $0xD00, s29, s10, $0x38;
	[tilespmem:$0x8580] =	vst v63  }
0x26: {  	_ =	swait.ge [sflag:s11], $0xD00  }
0x27: {  	[sflag:s11] =	ssyncset.done $0x0  }
0x28: {  	[sflag:s11] =	ssyncadd.s32 $0xFFFFF300  }
0x29: {  	v8 =	vld [tilespmem:$0x80]  }
0x2a: {  	v9 =	vld [tilespmem:$0x100]  }
0x2b: {  	v10 =	vld [tilespmem:$0x180]  }
0x2c: {  	v11 =	vld [tilespmem:$0x200]  }
0x2d: {  	v12 =	vld [tilespmem:$0x280]  }
0x2e: {  	[tilespmem:$0xD00] =	vst v0;
	v13 =	vld [tilespmem:$0x300];
	v8 =	vadd.s32 $0x186A0, v8  }
0x2f: {  	v23 =	vld [tilespmem:$0x380];
	[tilespmem:$0x80] =	vst v8;
	v8 =	vadd.s32 $0x30D40, v9  }
0x30: {  	v24 =	vld [tilespmem:$0x400];
	[tilespmem:$0x100] =	vst v8;
	v8 =	vadd.s32 $0x493E0, v10  }
0x31: {  	v25 =	vld [tilespmem:$0x480];
	[tilespmem:$0x180] =	vst v8;
	v8 =	vadd.s32 $0x61A80, v11  }
0x32: {  	v26 =	vld [tilespmem:$0x500];
	[tilespmem:$0x200] =	vst v8;
	v8 =	vadd.s32 $0x7A120, v12  }
0x33: {  	v27 =	vld [tilespmem:$0x580];
	[tilespmem:$0x280] =	vst v8;
	v8 =	vadd.s32 $0x927C0, v13  }
0x34: {  	v28 =	vld [tilespmem:$0x600];
	[tilespmem:$0x300] =	vst v8;
	v8 =	vadd.s32 $0xAAE60, v23  }
0x35: {  	v29 =	vld [tilespmem:$0x700];
	[tilespmem:$0x380] =	vst v8;
	v8 =	vadd.s32 $0xC3500, v24  }
0x36: {  	v30 =	vld [tilespmem:$0x780];
	[tilespmem:$0x400] =	vst v8;
	v8 =	vadd.s32 $0xDBBA0, v25  }
0x37: {  	v31 =	vld [tilespmem:$0x800];
	[tilespmem:$0x480] =	vst v8;
	v8 =	vadd.s32 $0xF4240, v26  }
0x38: {  	v32 =	vld [tilespmem:$0x880];
	[tilespmem:$0x500] =	vst v8;
	v8 =	vadd.s32 $0x10C8E0, v27  }
0x39: {  	v33 =	vld [tilespmem:$0x900];
	[tilespmem:$0x580] =	vst v8;
	v8 =	vadd.s32 $0x124F80, v28  }
0x3a: {  	v34 =	vld [tilespmem:$0x980];
	[tilespmem:$0x600] =	vst v8;
	v8 =	vadd.s32 $0x186A0, v29  }
0x3b: {  	v35 =	vld [tilespmem:$0xA00];
	[tilespmem:$0x700] =	vst v8;
	v8 =	vadd.s32 $0x30D40, v30  }
0x3c: {  	v36 =	vld [tilespmem:$0xA80];
	[tilespmem:$0x780] =	vst v8;
	v8 =	vadd.s32 $0x493E0, v31  }
0x3d: {  	v37 =	vld [tilespmem:$0xB00];
	[tilespmem:$0x800] =	vst v8;
	v8 =	vadd.s32 $0x61A80, v32  }
0x3e: {  	v38 =	vld [tilespmem:$0xB80];
	[tilespmem:$0x880] =	vst v8;
	v8 =	vadd.s32 $0x7A120, v33  }
0x3f: {  	v39 =	vld [tilespmem:$0xC00];
	[tilespmem:$0x900] =	vst v8;
	v8 =	vadd.s32 $0x927C0, v34  }
0x40: {  	v40 =	vld [tilespmem:$0xC80];
	[tilespmem:$0x980] =	vst v8;
	v8 =	vadd.s32 $0xAAE60, v35  }
0x41: {  	[tilespmem:$0xA00] =	vst v8;
	v8 =	vadd.s32 $0xC3500, v36  }
0x42: {  	v43 =	vld [tilespmem:$0x190];
	[tilespmem:$0xA80] =	vst v8;
	v8 =	vadd.s32 $0xDBBA0, v37  }
0x43: {  	v44 =	vld [tilespmem:$0x210];
	[tilespmem:$0xB00] =	vst v8;
	v8 =	vadd.s32 $0xF4240, v38  }
0x44: {  	v42 =	vld [tilespmem:$0x110];
	[tilespmem:$0xB80] =	vst v8;
	v8 =	vadd.s32 $0x10C8E0, v39  }
0x45: {  	v41 =	vld [tilespmem:$0x90];
	[tilespmem:$0xC00] =	vst v8;
	v8 =	vadd.s32 $0x124F80, v40  }
0x46: {  	[tilespmem:$0xC80] =	vst v8;
	v8 =	vld [tilespmem:$0x290]  }
0x47: {  	[tilespmem:$0xD10] =	vst v1;
	v45 =	vld [tilespmem:$0x310];
	v47 =	vadd.s32 $0x493E0, v43  }
0x48: {  	v46 =	vld [tilespmem:$0x390];
	v49 =	vadd.s32 $0x61A80, v44;
	[tilespmem:$0x190] =	vst v47  }
0x49: {  	v48 =	vld [tilespmem:$0x410];
	v9 =	vadd.s32 $0x30D40, v42;
	[tilespmem:$0x210] =	vst v49  }
0x4a: {  	v50 =	vld [tilespmem:$0x490];
	[tilespmem:$0x110] =	vst v9;
	v12 =	vadd.s32 $0x186A0, v41  }
0x4b: {  	v51 =	vld [tilespmem:$0x510];
	[tilespmem:$0x90] =	vst v12;
	v8 =	vadd.s32 $0x7A120, v8  }
0x4c: {  	[tilespmem:$0x290] =	vst v8;
	v8 =	vadd.s32 $0x927C0, v45  }
0x4d: {  	[tilespmem:$0x310] =	vst v8;
	v8 =	vadd.s32 $0xAAE60, v46  }
0x4e: {  	[tilespmem:$0x390] =	vst v8;
	v8 =	vadd.s32 $0xC3500, v48  }
0x4f: {  	[tilespmem:$0x410] =	vst v8;
	v8 =	vadd.s32 $0xDBBA0, v50  }
0x50: {  	[tilespmem:$0x490] =	vst v8;
	v8 =	vadd.s32 $0xF4240, v51  }
0x51: {  	[tilespmem:$0x510] =	vst v8  }
0x52: {  	v8 =	vld [tilespmem:$0x590]  }
0x53: {  	v52 =	vld [tilespmem:$0x610]  }
0x54: {  	v53 =	vld [tilespmem:$0x710]  }
0x55: {  	v54 =	vld [tilespmem:$0x790]  }
0x56: {  	v55 =	vld [tilespmem:$0x810]  }
0x57: {  	v56 =	vld [tilespmem:$0x890];
	[tilespmem:$0xD20] =	vst v2;
	v8 =	vadd.s32 $0x10C8E0, v8  }
0x58: {  	v57 =	vld [tilespmem:$0x910];
	[tilespmem:$0x590] =	vst v8;
	v8 =	vadd.s32 $0x124F80, v52  }
0x59: {  	v58 =	vld [tilespmem:$0x990];
	[tilespmem:$0x610] =	vst v8;
	v8 =	vadd.s32 $0x186A0, v53  }
0x5a: {  	v59 =	vld [tilespmem:$0xA10];
	[tilespmem:$0x710] =	vst v8;
	v8 =	vadd.s32 $0x30D40, v54  }
0x5b: {  	v60 =	vld [tilespmem:$0xA90];
	[tilespmem:$0x790] =	vst v8;
	v8 =	vadd.s32 $0x493E0, v55  }
0x5c: {  	v61 =	vld [tilespmem:$0xB10];
	[tilespmem:$0x810] =	vst v8;
	v8 =	vadd.s32 $0x61A80, v56  }
0x5d: {  	v62 =	vld [tilespmem:$0xB90];
	[tilespmem:$0x890] =	vst v8;
	v8 =	vadd.s32 $0x7A120, v57  }
0x5e: {  	v63 =	vld [tilespmem:$0xC10];
	[tilespmem:$0x910] =	vst v8;
	v8 =	vadd.s32 $0x927C0, v58  }
0x5f: {  	v16 =	vld [tilespmem:$0xC90];
	[tilespmem:$0x990] =	vst v8;
	v8 =	vadd.s32 $0xAAE60, v59  }
0x60: {  	v17 =	vld [tilespmem:$0xA0];
	[tilespmem:$0xA10] =	vst v8;
	v8 =	vadd.s32 $0xC3500, v60  }
0x61: {  	v18 =	vld [tilespmem:$0x120];
	[tilespmem:$0xA90] =	vst v8;
	v8 =	vadd.s32 $0xDBBA0, v61  }
0x62: {  	v19 =	vld [tilespmem:$0x1A0];
	[tilespmem:$0xB10] =	vst v8;
	v8 =	vadd.s32 $0xF4240, v62  }
0x63: {  	v20 =	vld [tilespmem:$0x220];
	[tilespmem:$0xB90] =	vst v8;
	v8 =	vadd.s32 $0x10C8E0, v63  }
0x64: {  	v21 =	vld [tilespmem:$0x2A0];
	[tilespmem:$0xC10] =	vst v8;
	v8 =	vadd.s32 $0x124F80, v16  }
0x65: {  	v22 =	vld [tilespmem:$0x320];
	[tilespmem:$0xC90] =	vst v8;
	v8 =	vadd.s32 $0x186A0, v17  }
0x66: {  	v23 =	vld [tilespmem:$0x3A0];
	[tilespmem:$0xA0] =	vst v8;
	v8 =	vadd.s32 $0x30D40, v18  }
0x67: {  	v24 =	vld [tilespmem:$0x420];
	[tilespmem:$0x120] =	vst v8;
	v8 =	vadd.s32 $0x493E0, v19  }
0x68: {  	v25 =	vld [tilespmem:$0x4A0];
	[tilespmem:$0x1A0] =	vst v8;
	v8 =	vadd.s32 $0x61A80, v20  }
0x69: {  	v26 =	vld [tilespmem:$0x520];
	[tilespmem:$0x220] =	vst v8;
	v8 =	vadd.s32 $0x7A120, v21  }
0x6a: {  	v27 =	vld [tilespmem:$0x5A0];
	[tilespmem:$0x2A0] =	vst v8;
	v8 =	vadd.s32 $0x927C0, v22  }
0x6b: {  	v28 =	vld [tilespmem:$0x620];
	[tilespmem:$0x320] =	vst v8;
	v8 =	vadd.s32 $0xAAE60, v23  }
0x6c: {  	v29 =	vld [tilespmem:$0x720];
	[tilespmem:$0x3A0] =	vst v8;
	v8 =	vadd.s32 $0xC3500, v24  }
0x6d: {  	v30 =	vld [tilespmem:$0x7A0];
	[tilespmem:$0x420] =	vst v8;
	v8 =	vadd.s32 $0xDBBA0, v25  }
0x6e: {  	v31 =	vld [tilespmem:$0x820];
	[tilespmem:$0x4A0] =	vst v8;
	v8 =	vadd.s32 $0xF4240, v26  }
0x6f: {  	v32 =	vld [tilespmem:$0x8A0];
	[tilespmem:$0x520] =	vst v8;
	v8 =	vadd.s32 $0x10C8E0, v27  }
0x70: {  	v33 =	vld [tilespmem:$0x920];
	[tilespmem:$0x5A0] =	vst v8;
	v8 =	vadd.s32 $0x124F80, v28  }
0x71: {  	v34 =	vld [tilespmem:$0x9A0];
	[tilespmem:$0x620] =	vst v8;
	v8 =	vadd.s32 $0x186A0, v29  }
0x72: {  	v35 =	vld [tilespmem:$0xA20];
	[tilespmem:$0x720] =	vst v8;
	v8 =	vadd.s32 $0x30D40, v30  }
0x73: {  	v36 =	vld [tilespmem:$0xAA0];
	[tilespmem:$0x7A0] =	vst v8;
	v8 =	vadd.s32 $0x493E0, v31  }
0x74: {  	v37 =	vld [tilespmem:$0xB20];
	[tilespmem:$0x820] =	vst v8;
	v8 =	vadd.s32 $0x61A80, v32  }
0x75: {  	v38 =	vld [tilespmem:$0xBA0];
	[tilespmem:$0x8A0] =	vst v8;
	v8 =	vadd.s32 $0x7A120, v33  }
0x76: {  	v39 =	vld [tilespmem:$0xC20];
	[tilespmem:$0x920] =	vst v8;
	v8 =	vadd.s32 $0x927C0, v34  }
0x77: {  	v40 =	vld [tilespmem:$0xCA0];
	[tilespmem:$0x9A0] =	vst v8;
	v8 =	vadd.s32 $0xAAE60, v35  }
0x78: {  	v41 =	vld [tilespmem:$0xB0];
	[tilespmem:$0xA20] =	vst v8;
	v8 =	vadd.s32 $0xC3500, v36  }
0x79: {  	v42 =	vld [tilespmem:$0x130];
	[tilespmem:$0xAA0] =	vst v8;
	v8 =	vadd.s32 $0xDBBA0, v37  }
0x7a: {  	v43 =	vld [tilespmem:$0x1B0];
	[tilespmem:$0xB20] =	vst v8;
	v8 =	vadd.s32 $0xF4240, v38  }
0x7b: {  	v44 =	vld [tilespmem:$0x230];
	[tilespmem:$0xBA0] =	vst v8;
	v8 =	vadd.s32 $0x10C8E0, v39  }
0x7c: {  	v45 =	vld [tilespmem:$0x2B0];
	[tilespmem:$0xC20] =	vst v8;
	v8 =	vadd.s32 $0x124F80, v40  }
0x7d: {  	v46 =	vld [tilespmem:$0x330];
	[tilespmem:$0xCA0] =	vst v8;
	v8 =	vadd.s32 $0x186A0, v41  }
0x7e: {  	v47 =	vld [tilespmem:$0x3B0];
	[tilespmem:$0xB0] =	vst v8;
	v8 =	vadd.s32 $0x30D40, v42  }
0x7f: {  	v48 =	vld [tilespmem:$0x430];
	[tilespmem:$0x130] =	vst v8;
	v8 =	vadd.s32 $0x493E0, v43  }
0x80: {  	v49 =	vld [tilespmem:$0x4B0];
	[tilespmem:$0x1B0] =	vst v8;
	v8 =	vadd.s32 $0x61A80, v44  }
0x81: {  	v50 =	vld [tilespmem:$0x530];
	[tilespmem:$0x230] =	vst v8;
	v8 =	vadd.s32 $0x7A120, v45  }
0x82: {  	v51 =	vld [tilespmem:$0x5B0];
	[tilespmem:$0x2B0] =	vst v8;
	v8 =	vadd.s32 $0x927C0, v46  }
0x83: {  	v52 =	vld [tilespmem:$0x630];
	[tilespmem:$0x330] =	vst v8;
	v8 =	vadd.s32 $0xAAE60, v47  }
0x84: {  	v53 =	vld [tilespmem:$0x730];
	[tilespmem:$0x3B0] =	vst v8;
	v8 =	vadd.s32 $0xC3500, v48  }
0x85: {  	v54 =	vld [tilespmem:$0x7B0];
	[tilespmem:$0x430] =	vst v8;
	v8 =	vadd.s32 $0xDBBA0, v49  }
0x86: {  	v55 =	vld [tilespmem:$0x830];
	[tilespmem:$0x4B0] =	vst v8;
	v8 =	vadd.s32 $0xF4240, v50  }
0x87: {  	v56 =	vld [tilespmem:$0x8B0];
	[tilespmem:$0x530] =	vst v8;
	v8 =	vadd.s32 $0x10C8E0, v51  }
0x88: {  	v57 =	vld [tilespmem:$0x930];
	[tilespmem:$0x5B0] =	vst v8;
	v8 =	vadd.s32 $0x124F80, v52  }
0x89: {  	v58 =	vld [tilespmem:$0x9B0];
	[tilespmem:$0x630] =	vst v8;
	v8 =	vadd.s32 $0x186A0, v53  }
0x8a: {  	v59 =	vld [tilespmem:$0xA30];
	[tilespmem:$0x730] =	vst v8;
	v8 =	vadd.s32 $0x30D40, v54  }
0x8b: {  	v60 =	vld [tilespmem:$0xAB0];
	[tilespmem:$0x7B0] =	vst v8;
	v8 =	vadd.s32 $0x493E0, v55  }
0x8c: {  	v61 =	vld [tilespmem:$0xB30];
	[tilespmem:$0x830] =	vst v8;
	v8 =	vadd.s32 $0x61A80, v56  }
0x8d: {  	v62 =	vld [tilespmem:$0xBB0];
	[tilespmem:$0x8B0] =	vst v8;
	v8 =	vadd.s32 $0x7A120, v57  }
0x8e: {  	v63 =	vld [tilespmem:$0xC30];
	[tilespmem:$0x930] =	vst v8;
	v8 =	vadd.s32 $0x927C0, v58  }
0x8f: {  	v16 =	vld [tilespmem:$0xCB0];
	[tilespmem:$0x9B0] =	vst v8;
	v8 =	vadd.s32 $0xAAE60, v59  }
0x90: {  	v17 =	vld [tilespmem:$0xC0];
	[tilespmem:$0xA30] =	vst v8;
	v8 =	vadd.s32 $0xC3500, v60  }
0x91: {  	v18 =	vld [tilespmem:$0x140];
	[tilespmem:$0xAB0] =	vst v8;
	v8 =	vadd.s32 $0xDBBA0, v61  }
0x92: {  	v19 =	vld [tilespmem:$0x1C0];
	[tilespmem:$0xB30] =	vst v8;
	v8 =	vadd.s32 $0xF4240, v62  }
0x93: {  	v20 =	vld [tilespmem:$0x240];
	[tilespmem:$0xBB0] =	vst v8;
	v8 =	vadd.s32 $0x10C8E0, v63  }
0x94: {  	v21 =	vld [tilespmem:$0x2C0];
	[tilespmem:$0xC30] =	vst v8;
	v8 =	vadd.s32 $0x124F80, v16  }
0x95: {  	v22 =	vld [tilespmem:$0x340];
	[tilespmem:$0xCB0] =	vst v8;
	v8 =	vadd.s32 $0x186A0, v17  }
0x96: {  	v23 =	vld [tilespmem:$0x3C0];
	[tilespmem:$0xC0] =	vst v8;
	v8 =	vadd.s32 $0x30D40, v18  }
0x97: {  	v24 =	vld [tilespmem:$0x440];
	[tilespmem:$0x140] =	vst v8;
	v8 =	vadd.s32 $0x493E0, v19  }
0x98: {  	v25 =	vld [tilespmem:$0x4C0];
	[tilespmem:$0x1C0] =	vst v8;
	v8 =	vadd.s32 $0x61A80, v20  }
0x99: {  	v26 =	vld [tilespmem:$0x540];
	[tilespmem:$0x240] =	vst v8;
	v8 =	vadd.s32 $0x7A120, v21  }
0x9a: {  	v27 =	vld [tilespmem:$0x5C0];
	[tilespmem:$0x2C0] =	vst v8;
	v8 =	vadd.s32 $0x927C0, v22  }
0x9b: {  	v28 =	vld [tilespmem:$0x640];
	[tilespmem:$0x340] =	vst v8;
	v8 =	vadd.s32 $0xAAE60, v23  }
0x9c: {  	v29 =	vld [tilespmem:$0x740];
	[tilespmem:$0x3C0] =	vst v8;
	v8 =	vadd.s32 $0xC3500, v24  }
0x9d: {  	v30 =	vld [tilespmem:$0x7C0];
	[tilespmem:$0x440] =	vst v8;
	v8 =	vadd.s32 $0xDBBA0, v25  }
0x9e: {  	v31 =	vld [tilespmem:$0x840];
	[tilespmem:$0x4C0] =	vst v8;
	v8 =	vadd.s32 $0xF4240, v26  }
0x9f: {  	v32 =	vld [tilespmem:$0x8C0];
	[tilespmem:$0x540] =	vst v8;
	v8 =	vadd.s32 $0x10C8E0, v27  }
0xa0: {  	v33 =	vld [tilespmem:$0x940];
	[tilespmem:$0x5C0] =	vst v8;
	v8 =	vadd.s32 $0x124F80, v28  }
0xa1: {  	v34 =	vld [tilespmem:$0x9C0];
	[tilespmem:$0x640] =	vst v8;
	v8 =	vadd.s32 $0x186A0, v29  }
0xa2: {  	v35 =	vld [tilespmem:$0xA40];
	[tilespmem:$0x740] =	vst v8;
	v8 =	vadd.s32 $0x30D40, v30  }
0xa3: {  	v36 =	vld [tilespmem:$0xAC0];
	[tilespmem:$0x7C0] =	vst v8;
	v8 =	vadd.s32 $0x493E0, v31  }
0xa4: {  	v37 =	vld [tilespmem:$0xB40];
	[tilespmem:$0x840] =	vst v8;
	v8 =	vadd.s32 $0x61A80, v32  }
0xa5: {  	v38 =	vld [tilespmem:$0xBC0];
	[tilespmem:$0x8C0] =	vst v8;
	v8 =	vadd.s32 $0x7A120, v33  }
0xa6: {  	v39 =	vld [tilespmem:$0xC40];
	[tilespmem:$0x940] =	vst v8;
	v8 =	vadd.s32 $0x927C0, v34  }
0xa7: {  	v40 =	vld [tilespmem:$0xCC0];
	[tilespmem:$0x9C0] =	vst v8;
	v8 =	vadd.s32 $0xAAE60, v35  }
0xa8: {  	v41 =	vld [tilespmem:$0xD0];
	[tilespmem:$0xA40] =	vst v8;
	v8 =	vadd.s32 $0xC3500, v36  }
0xa9: {  	v42 =	vld [tilespmem:$0x150];
	[tilespmem:$0xAC0] =	vst v8;
	v8 =	vadd.s32 $0xDBBA0, v37  }
0xaa: {  	v43 =	vld [tilespmem:$0x1D0];
	[tilespmem:$0xB40] =	vst v8;
	v8 =	vadd.s32 $0xF4240, v38  }
0xab: {  	v44 =	vld [tilespmem:$0x250];
	[tilespmem:$0xBC0] =	vst v8;
	v8 =	vadd.s32 $0x10C8E0, v39  }
0xac: {  	v45 =	vld [tilespmem:$0x2D0];
	[tilespmem:$0xC40] =	vst v8;
	v8 =	vadd.s32 $0x124F80, v40  }
0xad: {  	v46 =	vld [tilespmem:$0x350];
	[tilespmem:$0xCC0] =	vst v8;
	v8 =	vadd.s32 $0x186A0, v41  }
0xae: {  	v47 =	vld [tilespmem:$0x3D0];
	[tilespmem:$0xD0] =	vst v8;
	v8 =	vadd.s32 $0x30D40, v42  }
0xaf: {  	v48 =	vld [tilespmem:$0x450];
	[tilespmem:$0x150] =	vst v8;
	v8 =	vadd.s32 $0x493E0, v43  }
0xb0: {  	v49 =	vld [tilespmem:$0x4D0];
	[tilespmem:$0x1D0] =	vst v8;
	v8 =	vadd.s32 $0x61A80, v44  }
0xb1: {  	v50 =	vld [tilespmem:$0x550];
	[tilespmem:$0x250] =	vst v8;
	v8 =	vadd.s32 $0x7A120, v45  }
0xb2: {  	v51 =	vld [tilespmem:$0x5D0];
	[tilespmem:$0x2D0] =	vst v8;
	v8 =	vadd.s32 $0x927C0, v46  }
0xb3: {  	v52 =	vld [tilespmem:$0x650];
	[tilespmem:$0x350] =	vst v8;
	v8 =	vadd.s32 $0xAAE60, v47  }
0xb4: {  	v53 =	vld [tilespmem:$0x750];
	[tilespmem:$0x3D0] =	vst v8;
	v8 =	vadd.s32 $0xC3500, v48  }
0xb5: {  	v54 =	vld [tilespmem:$0x7D0];
	[tilespmem:$0x450] =	vst v8;
	v8 =	vadd.s32 $0xDBBA0, v49  }
0xb6: {  	v55 =	vld [tilespmem:$0x850];
	[tilespmem:$0x4D0] =	vst v8;
	v8 =	vadd.s32 $0xF4240, v50  }
0xb7: {  	v56 =	vld [tilespmem:$0x8D0];
	[tilespmem:$0x550] =	vst v8;
	v8 =	vadd.s32 $0x10C8E0, v51  }
0xb8: {  	v57 =	vld [tilespmem:$0x950];
	[tilespmem:$0x5D0] =	vst v8;
	v8 =	vadd.s32 $0x124F80, v52  }
0xb9: {  	v58 =	vld [tilespmem:$0x9D0];
	[tilespmem:$0x650] =	vst v8;
	v8 =	vadd.s32 $0x186A0, v53  }
0xba: {  	v59 =	vld [tilespmem:$0xA50];
	[tilespmem:$0x750] =	vst v8;
	v8 =	vadd.s32 $0x30D40, v54  }
0xbb: {  	v60 =	vld [tilespmem:$0xAD0];
	[tilespmem:$0x7D0] =	vst v8;
	v8 =	vadd.s32 $0x493E0, v55  }
0xbc: {  	v61 =	vld [tilespmem:$0xB50];
	[tilespmem:$0x850] =	vst v8;
	v8 =	vadd.s32 $0x61A80, v56  }
0xbd: {  	v62 =	vld [tilespmem:$0xBD0];
	[tilespmem:$0x8D0] =	vst v8;
	v8 =	vadd.s32 $0x7A120, v57  }
0xbe: {  	v63 =	vld [tilespmem:$0xC50];
	[tilespmem:$0x950] =	vst v8;
	v8 =	vadd.s32 $0x927C0, v58  }
0xbf: {  	v16 =	vld [tilespmem:$0xCD0];
	[tilespmem:$0x9D0] =	vst v8;
	v8 =	vadd.s32 $0xAAE60, v59  }
0xc0: {  	v17 =	vld [tilespmem:$0xE0];
	[tilespmem:$0xA50] =	vst v8;
	v8 =	vadd.s32 $0xC3500, v60  }
0xc1: {  	v18 =	vld [tilespmem:$0x160];
	[tilespmem:$0xAD0] =	vst v8;
	v8 =	vadd.s32 $0xDBBA0, v61  }
0xc2: {  	v19 =	vld [tilespmem:$0x1E0];
	[tilespmem:$0xB50] =	vst v8;
	v8 =	vadd.s32 $0xF4240, v62  }
0xc3: {  	v20 =	vld [tilespmem:$0x260];
	[tilespmem:$0xBD0] =	vst v8;
	v8 =	vadd.s32 $0x10C8E0, v63  }
0xc4: {  	v21 =	vld [tilespmem:$0x2E0];
	[tilespmem:$0xC50] =	vst v8;
	v8 =	vadd.s32 $0x124F80, v16  }
0xc5: {  	v22 =	vld [tilespmem:$0x360];
	[tilespmem:$0xCD0] =	vst v8;
	v8 =	vadd.s32 $0x186A0, v17  }
0xc6: {  	v23 =	vld [tilespmem:$0x3E0];
	[tilespmem:$0xE0] =	vst v8;
	v8 =	vadd.s32 $0x30D40, v18  }
0xc7: {  	v24 =	vld [tilespmem:$0x460];
	[tilespmem:$0x160] =	vst v8;
	v8 =	vadd.s32 $0x493E0, v19  }
0xc8: {  	v25 =	vld [tilespmem:$0x4E0];
	[tilespmem:$0x1E0] =	vst v8;
	v8 =	vadd.s32 $0x61A80, v20  }
0xc9: {  	v26 =	vld [tilespmem:$0x560];
	[tilespmem:$0x260] =	vst v8;
	v8 =	vadd.s32 $0x7A120, v21  }
0xca: {  	v27 =	vld [tilespmem:$0x5E0];
	[tilespmem:$0x2E0] =	vst v8;
	v8 =	vadd.s32 $0x927C0, v22  }
0xcb: {  	v28 =	vld [tilespmem:$0x660];
	[tilespmem:$0x360] =	vst v8;
	v8 =	vadd.s32 $0xAAE60, v23  }
0xcc: {  	v29 =	vld [tilespmem:$0x760];
	[tilespmem:$0x3E0] =	vst v8;
	v8 =	vadd.s32 $0xC3500, v24  }
0xcd: {  	v30 =	vld [tilespmem:$0x7E0];
	[tilespmem:$0x460] =	vst v8;
	v8 =	vadd.s32 $0xDBBA0, v25  }
0xce: {  	v31 =	vld [tilespmem:$0x860];
	[tilespmem:$0x4E0] =	vst v8;
	v8 =	vadd.s32 $0xF4240, v26  }
0xcf: {  	v32 =	vld [tilespmem:$0x8E0];
	[tilespmem:$0x560] =	vst v8;
	v8 =	vadd.s32 $0x10C8E0, v27  }
0xd0: {  	v33 =	vld [tilespmem:$0x960];
	[tilespmem:$0x5E0] =	vst v8;
	v8 =	vadd.s32 $0x124F80, v28  }
0xd1: {  	v34 =	vld [tilespmem:$0x9E0];
	[tilespmem:$0x660] =	vst v8;
	v8 =	vadd.s32 $0x186A0, v29  }
0xd2: {  	v35 =	vld [tilespmem:$0xA60];
	[tilespmem:$0x760] =	vst v8;
	v8 =	vadd.s32 $0x30D40, v30  }
0xd3: {  	v36 =	vld [tilespmem:$0xAE0];
	[tilespmem:$0x7E0] =	vst v8;
	v8 =	vadd.s32 $0x493E0, v31  }
0xd4: {  	v37 =	vld [tilespmem:$0xB60];
	[tilespmem:$0x860] =	vst v8;
	v8 =	vadd.s32 $0x61A80, v32  }
0xd5: {  	v38 =	vld [tilespmem:$0xBE0];
	[tilespmem:$0x8E0] =	vst v8;
	v8 =	vadd.s32 $0x7A120, v33  }
0xd6: {  	v39 =	vld [tilespmem:$0xC60];
	[tilespmem:$0x960] =	vst v8;
	v8 =	vadd.s32 $0x927C0, v34  }
0xd7: {  	v40 =	vld [tilespmem:$0xCE0];
	[tilespmem:$0x9E0] =	vst v8;
	v8 =	vadd.s32 $0xAAE60, v35  }
0xd8: {  	v41 =	vld [tilespmem:$0xF0];
	[tilespmem:$0xA60] =	vst v8;
	v8 =	vadd.s32 $0xC3500, v36  }
0xd9: {  	v42 =	vld [tilespmem:$0x170];
	[tilespmem:$0xAE0] =	vst v8;
	v8 =	vadd.s32 $0xDBBA0, v37  }
0xda: {  	v43 =	vld [tilespmem:$0x1F0];
	[tilespmem:$0xB60] =	vst v8;
	v8 =	vadd.s32 $0xF4240, v38  }
0xdb: {  	v44 =	vld [tilespmem:$0x270];
	[tilespmem:$0xBE0] =	vst v8;
	v8 =	vadd.s32 $0x10C8E0, v39  }
0xdc: {  	v45 =	vld [tilespmem:$0x2F0];
	[tilespmem:$0xC60] =	vst v8;
	v8 =	vadd.s32 $0x124F80, v40  }
0xdd: {  	v46 =	vld [tilespmem:$0x370];
	[tilespmem:$0xCE0] =	vst v8;
	v8 =	vadd.s32 $0x186A0, v41  }
0xde: {  	v47 =	vld [tilespmem:$0x3F0];
	[tilespmem:$0xF0] =	vst v8;
	v8 =	vadd.s32 $0x30D40, v42  }
0xdf: {  	v48 =	vld [tilespmem:$0x470];
	[tilespmem:$0x170] =	vst v8;
	v8 =	vadd.s32 $0x493E0, v43  }
0xe0: {  	v49 =	vld [tilespmem:$0x4F0];
	[tilespmem:$0x1F0] =	vst v8;
	v8 =	vadd.s32 $0x61A80, v44  }
0xe1: {  	v50 =	vld [tilespmem:$0x570];
	[tilespmem:$0x270] =	vst v8;
	v8 =	vadd.s32 $0x7A120, v45  }
0xe2: {  	v51 =	vld [tilespmem:$0x5F0];
	[tilespmem:$0x2F0] =	vst v8;
	v8 =	vadd.s32 $0x927C0, v46  }
0xe3: {  	v52 =	vld [tilespmem:$0x670];
	[tilespmem:$0x370] =	vst v8;
	v8 =	vadd.s32 $0xAAE60, v47  }
0xe4: {  	v53 =	vld [tilespmem:$0x770];
	[tilespmem:$0x3F0] =	vst v8;
	v8 =	vadd.s32 $0xC3500, v48  }
0xe5: {  	v54 =	vld [tilespmem:$0x7F0];
	[tilespmem:$0x470] =	vst v8;
	v8 =	vadd.s32 $0xDBBA0, v49  }
0xe6: {  	v55 =	vld [tilespmem:$0x870];
	[tilespmem:$0x4F0] =	vst v8;
	v8 =	vadd.s32 $0xF4240, v50  }
0xe7: {  	v56 =	vld [tilespmem:$0x8F0];
	[tilespmem:$0x570] =	vst v8;
	v8 =	vadd.s32 $0x10C8E0, v51  }
0xe8: {  	v57 =	vld [tilespmem:$0x970];
	[tilespmem:$0x5F0] =	vst v8;
	v8 =	vadd.s32 $0x124F80, v52  }
0xe9: {  	v58 =	vld [tilespmem:$0x9F0];
	[tilespmem:$0x670] =	vst v8;
	v8 =	vadd.s32 $0x186A0, v53  }
0xea: {  	v59 =	vld [tilespmem:$0xA70];
	[tilespmem:$0x770] =	vst v8;
	v8 =	vadd.s32 $0x30D40, v54  }
0xeb: {  	v60 =	vld [tilespmem:$0xAF0];
	[tilespmem:$0x7F0] =	vst v8;
	v8 =	vadd.s32 $0x493E0, v55  }
0xec: {  	v61 =	vld [tilespmem:$0xB70];
	[tilespmem:$0x870] =	vst v8;
	v8 =	vadd.s32 $0x61A80, v56  }
0xed: {  	v62 =	vld [tilespmem:$0xBF0];
	[tilespmem:$0x8F0] =	vst v8;
	v8 =	vadd.s32 $0x7A120, v57  }
0xee: {  	v63 =	vld [tilespmem:$0xC70];
	[tilespmem:$0x970] =	vst v8;
	v8 =	vadd.s32 $0x927C0, v58  }
0xef: {  	[tilespmem:$0x9F0] =	vst v8;
	v8 =	vadd.s32 $0xAAE60, v59  }
0xf0: {  	[tilespmem:$0xA70] =	vst v8;
	v8 =	vadd.s32 $0xC3500, v60  }
0xf1: {  	[tilespmem:$0xAF0] =	vst v8;
	v8 =	vadd.s32 $0xDBBA0, v61  }
0xf2: {  	[tilespmem:$0xB70] =	vst v8;
	v8 =	vadd.s32 $0xF4240, v62  }
0xf3: {  	[tilespmem:$0xBF0] =	vst v8;
	v8 =	vadd.s32 $0x10C8E0, v63  }
0xf4: {  	[tilespmem:$0xC70] =	vst v8;
	v8 =	vld [tilespmem:$0xCF0]  }
0xf5: {  	[tilespmem:$0xD30] =	vst v3  }
0xf6: {  	[tilespmem:$0xD40] =	vst v4  }
0xf7: {  	[tilespmem:$0xD50] =	vst v5  }
0xf8: {  	[tilespmem:$0xD60] =	vst v6  }
0xf9: {  	[tilespmem:$0xD70] =	vst v7;
	v8 =	vadd.s32 $0x124F80, v8  }
0xfa: {  	[tilespmem:$0xCF0] =	vst v8  }
0xfb: {  	[tilespmem:s12], [sflag:$0x1] =	stream.indirect.gather [hbm4b:s5+s10], $0x40, s4, s10, $0xb8;
	[tilespmem:$0x8580] =	vst v63  }
0xfc: {  	_ = 	snop  }
0xfd: {  	[tilespmem:s13], [sflag:$0x2] =	stream.indirect.gather [hbm4b:s5+s10], $0x40, s10, s10, $0xb8;
	[tilespmem:$0x8580] =	vst v63  }
0xfe: {  	_ =	swait.ge [sflag:s14], $0x2000  }
0xff: {  	[sflag:s14] =	ssyncset.done $0x0  }
0x100: {  	[sflag:s14] =	ssyncadd.s32 $0xFFFFE000  }
0x101: {  	[spmem:s7] =	stream.linear.scatter [tilespmem:s12], [sflag:$0x3], $0x2000, $0x38;
	[tilespmem:$0x8580] =	vst v63  }
0x102: {  	_ =	swait.ge [sflag:s11], $0x2000  }
0x103: {  	[sflag:s11] =	ssyncset.done $0x0  }
0x104: {  	s30 =	rddreg [dreg:$0x9];
	[sflag:s11] =	ssyncadd.s32 $0xFFFFE000  }
0x105: {  	[tilespmem:s12], [sflag:$0x1] =	stream.indirect.gather [hbm4b:s5+s10], $0x40, s30, s10, $0xb8;
	[tilespmem:$0x8580] =	vst v63  }
0x106: {  	_ =	swait.ge [sflag:s15], $0x2000  }
0x107: {  	[sflag:s15] =	ssyncset.done $0x0  }
0x108: {  	[sflag:s15] =	ssyncadd.s32 $0xFFFFE000  }
0x109: {  	[spmem:s2] =	stream.indirect.scatter.add.f32 [tilespmem:s13], [sflag:$0x3], $0x40, s16, s10, $0xb8;
	[tilespmem:$0x8580] =	vst v63  }
0x10a: {  	_ =	swait.ge [sflag:s11], $0x2000  }
0x10b: {  	[sflag:s11] =	ssyncset.done $0x0  }
0x10c: {  	s31 =	rddreg [dreg:$0xa];
	[sflag:s11] =	ssyncadd.s32 $0xFFFFE000  }
0x10d: {  	[tilespmem:s13], [sflag:$0x2] =	stream.indirect.gather [hbm4b:s5+s10], $0x40, s31, s10, $0xb8;
	[tilespmem:$0x8580] =	vst v63  }
0x10e: {  	_ =	swait.ge [sflag:s14], $0x2000  }
0x10f: {  	[sflag:s14] =	ssyncset.done $0x0  }
0x110: {  	[sflag:s14] =	ssyncadd.s32 $0xFFFFE000  }
0x111: {  	[spmem:s2] =	stream.indirect.scatter.add.f32 [tilespmem:s12], [sflag:$0x3], $0x40, s16, s10, $0xb8;
	[tilespmem:$0x8580] =	vst v63  }
0x112: {  	_ =	swait.ge [sflag:s11], $0x2000  }
0x113: {  	[sflag:s11] =	ssyncset.done $0x0  }
0x114: {  	s29 =	rddreg [dreg:$0xb];
	[sflag:s11] =	ssyncadd.s32 $0xFFFFE000  }
0x115: {  	[tilespmem:s12], [sflag:$0x1] =	stream.indirect.gather [hbm4b:s5+s10], $0x40, s29, s10, $0xb8;
	[tilespmem:$0x8580] =	vst v63  }
0x116: {  	_ =	swait.ge [sflag:s15], $0x2000  }
0x117: {  	[sflag:s15] =	ssyncset.done $0x0  }
0x118: {  	[sflag:s15] =	ssyncadd.s32 $0xFFFFE000  }
0x119: {  	[spmem:s2] =	stream.indirect.scatter.add.f32 [tilespmem:s13], [sflag:$0x3], $0x40, s16, s10, $0xb8;
	[tilespmem:$0x8580] =	vst v63  }
0x11a: {  	_ =	swait.ge [sflag:s11], $0x2000  }
0x11b: {  	[sflag:s11] =	ssyncset.done $0x0  }
0x11c: {  	s30 =	rddreg [dreg:$0xc];
	[sflag:s11] =	ssyncadd.s32 $0xFFFFE000  }
0x11d: {  	[tilespmem:s13], [sflag:$0x2] =	stream.indirect.gather [hbm4b:s5+s10], $0x40, s30, s10, $0xb8;
	[tilespmem:$0x8580] =	vst v63  }
0x11e: {  	_ =	swait.ge [sflag:s14], $0x2000  }
0x11f: {  	[sflag:s14] =	ssyncset.done $0x0  }
0x120: {  	[sflag:s14] =	ssyncadd.s32 $0xFFFFE000  }
0x121: {  	[spmem:s2] =	stream.indirect.scatter.add.f32 [tilespmem:s12], [sflag:$0x3], $0x40, s16, s10, $0xb8;
	[tilespmem:$0x8580] =	vst v63  }
0x122: {  	_ =	swait.ge [sflag:s11], $0x2000  }
0x123: {  	[sflag:s11] =	ssyncset.done $0x0  }
0x124: {  	s31 =	rddreg [dreg:$0xd];
	[sflag:s11] =	ssyncadd.s32 $0xFFFFE000  }
0x125: {  	[tilespmem:s12], [sflag:$0x1] =	stream.indirect.gather [hbm4b:s5+s10], $0x40, s31, s10, $0xb8;
	[tilespmem:$0x8580] =	vst v63  }
0x126: {  	_ =	swait.ge [sflag:s15], $0x2000  }
0x127: {  	[sflag:s15] =	ssyncset.done $0x0  }
0x128: {  	[sflag:s15] =	ssyncadd.s32 $0xFFFFE000  }
0x129: {  	[spmem:s2] =	stream.indirect.scatter.add.f32 [tilespmem:s13], [sflag:$0x3], $0x40, s16, s10, $0xb8;
	[tilespmem:$0x8580] =	vst v63  }
0x12a: {  	_ =	swait.ge [sflag:s11], $0x2000  }
0x12b: {  	[sflag:s11] =	ssyncset.done $0x0  }
0x12c: {  	s29 =	rddreg [dreg:$0xe];
	[sflag:s11] =	ssyncadd.s32 $0xFFFFE000  }
0x12d: {  	[tilespmem:s13], [sflag:$0x2] =	stream.indirect.gather [hbm4b:s5+s10], $0x40, s29, s10, $0xb8;
	[tilespmem:$0x8580] =	vst v63  }
0x12e: {  	_ =	swait.ge [sflag:s14], $0x2000  }
0x12f: {  	[sflag:s14] =	ssyncset.done $0x0  }
0x130: {  	[sflag:s14] =	ssyncadd.s32 $0xFFFFE000  }
0x131: {  	[spmem:s2] =	stream.indirect.scatter.add.f32 [tilespmem:s12], [sflag:$0x3], $0x40, s16, s10, $0xb8;
	[tilespmem:$0x8580] =	vst v63  }
0x132: {  	_ =	swait.ge [sflag:s11], $0x2000  }
0x133: {  	[sflag:s11] =	ssyncset.done $0x0  }
0x134: {  	s30 =	rddreg [dreg:$0xf];
	[sflag:s11] =	ssyncadd.s32 $0xFFFFE000  }
0x135: {  	[tilespmem:s12], [sflag:$0x1] =	stream.indirect.gather [hbm4b:s5+s10], $0x40, s30, s10, $0xb8;
	[tilespmem:$0x8580] =	vst v63  }
0x136: {  	_ =	swait.ge [sflag:s15], $0x2000  }
0x137: {  	[sflag:s15] =	ssyncset.done $0x0  }
0x138: {  	[sflag:s15] =	ssyncadd.s32 $0xFFFFE000  }
0x139: {  	[spmem:s2] =	stream.indirect.scatter.add.f32 [tilespmem:s13], [sflag:$0x3], $0x40, s16, s10, $0xb8;
	[tilespmem:$0x8580] =	vst v63  }
0x13a: {  	_ =	swait.ge [sflag:s11], $0x2000  }
0x13b: {  	[sflag:s11] =	ssyncset.done $0x0  }
0x13c: {  	s31 =	rddreg [dreg:$0x10];
	[sflag:s11] =	ssyncadd.s32 $0xFFFFE000  }
0x13d: {  	[tilespmem:s13], [sflag:$0x2] =	stream.indirect.gather [hbm4b:s5+s10], $0x40, s31, s10, $0xb8;
	[tilespmem:$0x8580] =	vst v63  }
0x13e: {  	_ =	swait.ge [sflag:s14], $0x2000  }
0x13f: {  	[sflag:s14] =	ssyncset.done $0x0  }
0x140: {  	[sflag:s14] =	ssyncadd.s32 $0xFFFFE000  }
0x141: {  	[spmem:s2] =	stream.indirect.scatter.add.f32 [tilespmem:s12], [sflag:$0x3], $0x40, s16, s10, $0xb8;
	[tilespmem:$0x8580] =	vst v63  }
0x142: {  	_ =	swait.ge [sflag:s11], $0x2000  }
0x143: {  	[sflag:s11] =	ssyncset.done $0x0  }
0x144: {  	s29 =	rddreg [dreg:$0x11];
	[sflag:s11] =	ssyncadd.s32 $0xFFFFE000  }
0x145: {  	[tilespmem:s12], [sflag:$0x1] =	stream.indirect.gather [hbm4b:s5+s10], $0x40, s29, s10, $0xb8;
	[tilespmem:$0x8580] =	vst v63  }
0x146: {  	_ =	swait.ge [sflag:s15], $0x2000  }
0x147: {  	[sflag:s15] =	ssyncset.done $0x0  }
0x148: {  	[sflag:s15] =	ssyncadd.s32 $0xFFFFE000  }
0x149: {  	[spmem:s2] =	stream.indirect.scatter.add.f32 [tilespmem:s13], [sflag:$0x3], $0x40, s16, s10, $0xb8;
	[tilespmem:$0x8580] =	vst v63  }
0x14a: {  	_ =	swait.ge [sflag:s11], $0x2000  }
0x14b: {  	[sflag:s11] =	ssyncset.done $0x0  }
0x14c: {  	s30 =	rddreg [dreg:$0x12];
	[sflag:s11] =	ssyncadd.s32 $0xFFFFE000  }
0x14d: {  	[tilespmem:s13], [sflag:$0x2] =	stream.indirect.gather [hbm4b:s5+s10], $0x40, s30, s10, $0xb8;
	[tilespmem:$0x8580] =	vst v63  }
0x14e: {  	_ =	swait.ge [sflag:s14], $0x2000  }
0x14f: {  	[sflag:s14] =	ssyncset.done $0x0  }
0x150: {  	[sflag:s14] =	ssyncadd.s32 $0xFFFFE000  }
0x151: {  	[spmem:s2] =	stream.indirect.scatter.add.f32 [tilespmem:s12], [sflag:$0x3], $0x40, s16, s10, $0xb8;
	[tilespmem:$0x8580] =	vst v63  }
0x152: {  	_ =	swait.ge [sflag:s11], $0x2000  }
0x153: {  	[sflag:s11] =	ssyncset.done $0x0  }
0x154: {  	s31 =	rddreg [dreg:$0x13];
	[sflag:s11] =	ssyncadd.s32 $0xFFFFE000  }
0x155: {  	[tilespmem:s12], [sflag:$0x1] =	stream.indirect.gather [hbm4b:s5+s10], $0x40, s31, s10, $0xb8;
	[tilespmem:$0x8580] =	vst v63  }
0x156: {  	_ =	swait.ge [sflag:s15], $0x2000  }
0x157: {  	[sflag:s15] =	ssyncset.done $0x0  }
0x158: {  	[sflag:s15] =	ssyncadd.s32 $0xFFFFE000  }
0x159: {  	[spmem:s2] =	stream.indirect.scatter.add.f32 [tilespmem:s13], [sflag:$0x3], $0x40, s16, s10, $0xb8;
	[tilespmem:$0x8580] =	vst v63  }
0x15a: {  	_ =	swait.ge [sflag:s11], $0x2000  }
0x15b: {  	[sflag:s11] =	ssyncset.done $0x0  }
0x15c: {  	s29 =	rddreg [dreg:$0x14];
	[sflag:s11] =	ssyncadd.s32 $0xFFFFE000  }
0x15d: {  	[tilespmem:s17], [sflag:$0x2] =	stream.indirect.gather [hbm4b:s6+s10], $0x10, s29, s10, $0xb8;
	[tilespmem:$0x8580] =	vst v63  }
0x15e: {  	_ =	swait.ge [sflag:s14], $0x2000  }
0x15f: {  	[sflag:s14] =	ssyncset.done $0x0  }
0x160: {  	[sflag:s14] =	ssyncadd.s32 $0xFFFFE000  }
0x161: {  	[spmem:s2] =	stream.indirect.scatter.add.f32 [tilespmem:s12], [sflag:$0x3], $0x40, s16, s10, $0xb8;
	[tilespmem:$0x8580] =	vst v63  }
0x162: {  	_ =	swait.ge [sflag:s11], $0x2000  }
0x163: {  	[sflag:s11] =	ssyncset.done $0x0  }
0x164: {  	s30 =	rddreg [dreg:$0x15];
	[sflag:s11] =	ssyncadd.s32 $0xFFFFE000  }
0x165: {  	[tilespmem:s18], [sflag:$0x1] =	stream.indirect.gather [hbm4b:s6+s10], $0x10, s30, s10, $0xb8;
	[tilespmem:$0x8580] =	vst v63  }
0x166: {  	_ =	swait.ge [sflag:s15], $0x800  }
0x167: {  	[sflag:s15] =	ssyncset.done $0x0  }
0x168: {  	[sflag:s15] =	ssyncadd.s32 $0xFFFFF800  }
0x169: {  	[spmem:s8] =	stream.linear.scatter [tilespmem:s17], [sflag:$0x3], $0x800, $0x38;
	[tilespmem:$0x8580] =	vst v63  }
0x16a: {  	_ =	swait.ge [sflag:s11], $0x800  }
0x16b: {  	[sflag:s11] =	ssyncset.done $0x0  }
0x16c: {  	s31 =	rddreg [dreg:$0x16];
	[sflag:s11] =	ssyncadd.s32 $0xFFFFF800  }
0x16d: {  	[tilespmem:s17], [sflag:$0x2] =	stream.indirect.gather [hbm4b:s6+s10], $0x10, s31, s10, $0xb8;
	[tilespmem:$0x8580] =	vst v63  }
0x16e: {  	_ =	swait.ge [sflag:s14], $0x800  }
0x16f: {  	[sflag:s14] =	ssyncset.done $0x0  }
0x170: {  	[sflag:s14] =	ssyncadd.s32 $0xFFFFF800  }
0x171: {  	[spmem:s3] =	stream.indirect.scatter.add.f32 [tilespmem:s18], [sflag:$0x3], $0x10, s16, s10, $0xb8;
	[tilespmem:$0x8580] =	vst v63  }
0x172: {  	_ =	swait.ge [sflag:s11], $0x800  }
0x173: {  	[sflag:s11] =	ssyncset.done $0x0  }
0x174: {  	s29 =	rddreg [dreg:$0x17];
	[sflag:s11] =	ssyncadd.s32 $0xFFFFF800  }
0x175: {  	[tilespmem:s18], [sflag:$0x1] =	stream.indirect.gather [hbm4b:s6+s10], $0x10, s29, s10, $0xb8;
	[tilespmem:$0x8580] =	vst v63  }
0x176: {  	_ =	swait.ge [sflag:s15], $0x800  }
0x177: {  	[sflag:s15] =	ssyncset.done $0x0  }
0x178: {  	[sflag:s15] =	ssyncadd.s32 $0xFFFFF800  }
0x179: {  	[spmem:s3] =	stream.indirect.scatter.add.f32 [tilespmem:s17], [sflag:$0x3], $0x10, s16, s10, $0xb8;
	[tilespmem:$0x8580] =	vst v63  }
0x17a: {  	_ =	swait.ge [sflag:s11], $0x800  }
0x17b: {  	[sflag:s11] =	ssyncset.done $0x0  }
0x17c: {  	s30 =	rddreg [dreg:$0x18];
	[sflag:s11] =	ssyncadd.s32 $0xFFFFF800  }
0x17d: {  	[tilespmem:s17], [sflag:$0x2] =	stream.indirect.gather [hbm4b:s6+s10], $0x10, s30, s10, $0xb8;
	[tilespmem:$0x8580] =	vst v63  }
0x17e: {  	_ =	swait.ge [sflag:s14], $0x800  }
0x17f: {  	[sflag:s14] =	ssyncset.done $0x0  }
0x180: {  	[sflag:s14] =	ssyncadd.s32 $0xFFFFF800  }
0x181: {  	[spmem:s3] =	stream.indirect.scatter.add.f32 [tilespmem:s18], [sflag:$0x3], $0x10, s16, s10, $0xb8;
	[tilespmem:$0x8580] =	vst v63  }
0x182: {  	_ =	swait.ge [sflag:s11], $0x800  }
0x183: {  	[sflag:s11] =	ssyncset.done $0x0  }
0x184: {  	[sflag:s11] =	ssyncadd.s32 $0xFFFFF800  }
0x185: {  	[tilespmem:s18], [sflag:$0x1] =	stream.indirect.gather [hbm4b:s6+s10], $0x10, s19, s10, $0xb8;
	[tilespmem:$0x8580] =	vst v63  }
0x186: {  	_ =	swait.ge [sflag:s15], $0x800  }
0x187: {  	[sflag:s15] =	ssyncset.done $0x0  }
0x188: {  	[sflag:s15] =	ssyncadd.s32 $0xFFFFF800  }
0x189: {  	[spmem:s3] =	stream.indirect.scatter.add.f32 [tilespmem:s17], [sflag:$0x3], $0x10, s16, s10, $0xb8;
	[tilespmem:$0x8580] =	vst v63  }
0x18a: {  	_ =	swait.ge [sflag:s11], $0x800  }
0x18b: {  	[sflag:s11] =	ssyncset.done $0x0  }
0x18c: {  	[sflag:s11] =	ssyncadd.s32 $0xFFFFF800  }
0x18d: {  	[tilespmem:s17], [sflag:$0x2] =	stream.indirect.gather [hbm4b:s6+s10], $0x10, s20, s10, $0xb8;
	[tilespmem:$0x8580] =	vst v63  }
0x18e: {  	_ =	swait.ge [sflag:s14], $0x800  }
0x18f: {  	[sflag:s14] =	ssyncset.done $0x0  }
0x190: {  	[sflag:s14] =	ssyncadd.s32 $0xFFFFF800  }
0x191: {  	[spmem:s3] =	stream.indirect.scatter.add.f32 [tilespmem:s18], [sflag:$0x3], $0x10, s16, s10, $0xb8;
	[tilespmem:$0x8580] =	vst v63  }
0x192: {  	_ =	swait.ge [sflag:s11], $0x800  }
0x193: {  	[sflag:s11] =	ssyncset.done $0x0  }
0x194: {  	[sflag:s11] =	ssyncadd.s32 $0xFFFFF800  }
0x195: {  	[tilespmem:s18], [sflag:$0x1] =	stream.indirect.gather [hbm4b:s6+s10], $0x10, s21, s10, $0xb8;
	[tilespmem:$0x8580] =	vst v63  }
0x196: {  	_ =	swait.ge [sflag:s15], $0x800  }
0x197: {  	[sflag:s15] =	ssyncset.done $0x0  }
0x198: {  	[sflag:s15] =	ssyncadd.s32 $0xFFFFF800  }
0x199: {  	[spmem:s3] =	stream.indirect.scatter.add.f32 [tilespmem:s17], [sflag:$0x3], $0x10, s16, s10, $0xb8;
	[tilespmem:$0x8580] =	vst v63  }
0x19a: {  	_ =	swait.ge [sflag:s11], $0x800  }
0x19b: {  	[sflag:s11] =	ssyncset.done $0x0  }
0x19c: {  	[sflag:s11] =	ssyncadd.s32 $0xFFFFF800  }
0x19d: {  	[tilespmem:s17], [sflag:$0x2] =	stream.indirect.gather [hbm4b:s6+s10], $0x10, s22, s10, $0xb8;
	[tilespmem:$0x8580] =	vst v63  }
0x19e: {  	_ =	swait.ge [sflag:s14], $0x800  }
0x19f: {  	[sflag:s14] =	ssyncset.done $0x0  }
0x1a0: {  	[sflag:s14] =	ssyncadd.s32 $0xFFFFF800  }
0x1a1: {  	[spmem:s3] =	stream.indirect.scatter.add.f32 [tilespmem:s18], [sflag:$0x3], $0x10, s16, s10, $0xb8;
	[tilespmem:$0x8580] =	vst v63  }
0x1a2: {  	_ =	swait.ge [sflag:s11], $0x800  }
0x1a3: {  	[sflag:s11] =	ssyncset.done $0x0  }
0x1a4: {  	[sflag:s11] =	ssyncadd.s32 $0xFFFFF800  }
0x1a5: {  	[tilespmem:s18], [sflag:$0x1] =	stream.indirect.gather [hbm4b:s6+s10], $0x10, s23, s10, $0xb8;
	[tilespmem:$0x8580] =	vst v63  }
0x1a6: {  	_ =	swait.ge [sflag:s15], $0x800  }
0x1a7: {  	[sflag:s15] =	ssyncset.done $0x0  }
0x1a8: {  	[sflag:s15] =	ssyncadd.s32 $0xFFFFF800  }
0x1a9: {  	[spmem:s3] =	stream.indirect.scatter.add.f32 [tilespmem:s17], [sflag:$0x3], $0x10, s16, s10, $0xb8;
	[tilespmem:$0x8580] =	vst v63  }
0x1aa: {  	_ =	swait.ge [sflag:s11], $0x800  }
0x1ab: {  	[sflag:s11] =	ssyncset.done $0x0  }
0x1ac: {  	[sflag:s11] =	ssyncadd.s32 $0xFFFFF800  }
0x1ad: {  	[tilespmem:s17], [sflag:$0x2] =	stream.indirect.gather [hbm4b:s6+s10], $0x10, s24, s10, $0xb8;
	[tilespmem:$0x8580] =	vst v63  }
0x1ae: {  	_ =	swait.ge [sflag:s14], $0x800  }
0x1af: {  	[sflag:s14] =	ssyncset.done $0x0  }
0x1b0: {  	[sflag:s14] =	ssyncadd.s32 $0xFFFFF800  }
0x1b1: {  	[spmem:s3] =	stream.indirect.scatter.add.f32 [tilespmem:s18], [sflag:$0x3], $0x10, s16, s10, $0xb8;
	[tilespmem:$0x8580] =	vst v63  }
0x1b2: {  	_ =	swait.ge [sflag:s11], $0x800  }
0x1b3: {  	[sflag:s11] =	ssyncset.done $0x0  }
0x1b4: {  	[sflag:s11] =	ssyncadd.s32 $0xFFFFF800  }
0x1b5: {  	[tilespmem:s18], [sflag:$0x1] =	stream.indirect.gather [hbm4b:s6+s10], $0x10, s25, s10, $0xb8;
	[tilespmem:$0x8580] =	vst v63  }
0x1b6: {  	_ =	swait.ge [sflag:s15], $0x800  }
0x1b7: {  	[sflag:s15] =	ssyncset.done $0x0  }
0x1b8: {  	[sflag:s15] =	ssyncadd.s32 $0xFFFFF800  }
0x1b9: {  	[spmem:s3] =	stream.indirect.scatter.add.f32 [tilespmem:s17], [sflag:$0x3], $0x10, s16, s10, $0xb8;
	[tilespmem:$0x8580] =	vst v63  }
0x1ba: {  	_ =	swait.ge [sflag:s11], $0x800  }
0x1bb: {  	[sflag:s11] =	ssyncset.done $0x0  }
0x1bc: {  	[sflag:s11] =	ssyncadd.s32 $0xFFFFF800  }
0x1bd: {  	[tilespmem:s17], [sflag:$0x2] =	stream.indirect.gather [hbm4b:s6+s10], $0x10, s26, s10, $0xb8;
	[tilespmem:$0x8580] =	vst v63  }
0x1be: {  	_ =	swait.ge [sflag:s14], $0x800  }
0x1bf: {  	[sflag:s14] =	ssyncset.done $0x0  }
0x1c0: {  	[sflag:s14] =	ssyncadd.s32 $0xFFFFF800  }
0x1c1: {  	[spmem:s3] =	stream.indirect.scatter.add.f32 [tilespmem:s18], [sflag:$0x3], $0x10, s16, s10, $0xb8;
	[tilespmem:$0x8580] =	vst v63  }
0x1c2: {  	_ =	swait.ge [sflag:s11], $0x800  }
0x1c3: {  	[sflag:s11] =	ssyncset.done $0x0  }
0x1c4: {  	[sflag:s11] =	ssyncadd.s32 $0xFFFFF800  }
0x1c5: {  	_ =	swait.ge [sflag:s15], $0x800  }
0x1c6: {  	[sflag:s15] =	ssyncset.done $0x0  }
0x1c7: {  	[sflag:s15] =	ssyncadd.s32 $0xFFFFF800  }
0x1c8: {  	[spmem:s3] =	stream.indirect.scatter.add.f32 [tilespmem:s17], [sflag:$0x3], $0x10, s16, s10, $0xb8;
	[tilespmem:$0x8580] =	vst v63  }
0x1c9: {  	s30 =	sshll.u32 s1, $0x6;
	_ =	swait.ge [sflag:s11], $0x800  }
0x1ca: {  	s29 =	sor.u32 $0x1C03, s30;
	[sflag:s11] =	ssyncset.done $0x0  }
0x1cb: {  	s30 =	sshrl.u32 s7, $0x3;
	s31 =	rddreg [dreg:$0x6];
	[sflag:s11] =	ssyncadd.s32 $0xFFFFF800  }
0x1cc: {  	[hbm:s31], [sflag:s29] =	dma.local [spmem:s30], $0x400  }
0x1cd: {  	_ =	swait.ge [sflag:s11], $0x400  }
0x1ce: {  	p0 =	sne.s32 s9, $0x1;
	s31 =	sshrl.u32 s8, $0x3;
	[sflag:s11] =	ssyncset.done $0x0  }
.Ltmp0:
0x1cf: {  	s28 =	rddreg [dreg:$0x7];
	[sflag:s11] =	ssyncadd.s32 $0xFFFFFC00;
	(pc) =	sbr.rel @p0 .LBB2_1-.Ltmp0, $4  }
0x1d0: {  	[hbm:s28], [sflag:s29] =	dma.local [spmem:s31], $0x100  }
0x1d1: {  	_ =	swait.ge [sflag:s11], $0x100  }
0x1d2: {  	[sflag:s11] =	ssyncset.done $0x0  }
0x1d3: {  	s9 =	sadd.s32 $0xFFFFFFFF, s9;
	[sflag:s11] =	ssyncadd.s32 $0xFFFFFF00  }
0x1d4: {  	_ =	sfence.sel $0x180000  }
0x1d5: {  	[bflag:$0x0] =	sbarrier.arrive $0xFFFF  }
0x1d6: {  	p0 =	sne.s32 s1, $0x0;
	_ =	strace $0x90000047  }
0x1d7: {  	s0 =	sadd.s32 @!p0 $0x100000, s0;
	[bflag:$0x2] =	sbarrier.arrive $0xFFFF  }
0x1d8: {  	[sflag:s0] =	ssyncadd.tile.s32 @!p0 $0x1;
	_ =	shalt  }
.Lfunc_end2:
_tile_overlayer_lowered:
.L_overlay_start_2:
0x1d9: {  	(tag) =	ssettag $0x2  }
0x1da: {  	s0 =	rddreg [dreg:$0x0];
	s2 =	stileid.u32  }
0x1db: {  	s1 =	rddreg [dreg:$0x1];
	p0 =	sne.s32 s2, $0x0  }
0x1dc: {  	s3 =	rddreg [dreg:$0x2];
	[bflag:$0x3] =	sbarrier.arrive $0xFFFF;
	s2 =	simm.s32 @!p0 $0x1C03  }
0x1dd: {  	[timem:s3], [sflag:s2] =	dma.local @!p0 [hbm:s0], s1  }
0x1de: {  	s0 =	simm.s32 @!p0 $0x3  }
0x1df: {  	_ =	swait.ge @!p0 [sflag:s0], s1  }
0x1e0: {  	s1 =	ssub.s32 @!p0 $0x0, s1;
	[sflag:s0] =	ssyncset.done @!p0 $0x0  }
0x1e1: {  	[sflag:s0] =	ssyncadd.s32 @!p0 s1  }
0x1e2: {  	[bflag:$0x3] =	sbarrier.arrive $0xFFFF  }
0x1e3: {  	_ =	shalt  }

</sc_bundles>
